<compile_context>
chip_gen: v7x
topology: tpu7x:2x2x1
jax: 0.10.2.dev20260603
libtpu: 0.0.44.dev20260713+nightly
codegen_flags: <defaults>
</compile_context>

<pallas_src>
import functools

import jax
import jax.numpy as jnp
from jax import lax
from jax.experimental import pallas as pl
from jax.experimental.pallas import tpu as pltpu
from jax.experimental.pallas import tpu_sc as plsc

_L = 16
_IDX = 512
_CHUNK = 2048
_W = _CHUNK * 3
_NIDX = _W // _IDX
_NC, _NS = 2, 16
_NW = _NC * _NS


def _rsqrt(x):
    i = plsc.bitcast(x, jnp.int32)
    y = plsc.bitcast(jnp.int32(0x5F3759DF) - lax.shift_right_logical(i, 1),
                     jnp.float32)
    y = y * (1.5 - 0.5 * x * y * y)
    y = y * (1.5 - 0.5 * x * y * y)
    y = y * (1.5 - 0.5 * x * y * y)
    return y


@functools.partial(jax.jit, static_argnums=(0, 1, 2))
def _sc_edges(n, n_pad, e, dipf, ii, jj, vx, vy, vz):
    n_chunks = e // _CHUNK
    max_my = -(-n_chunks // _NW)
    n_pairs = -(-max_my // 2)
    words_per_sub = 3 * n_pad // _NS
    n_wb = words_per_sub // _W
    mesh = plsc.VectorSubcoreMesh(core_axis_name="c", subcore_axis_name="s")

    @functools.partial(
        pl.kernel,
        out_type=jax.ShapeDtypeStruct((_NC, 3 * n_pad), jnp.float32),
        mesh=mesh,
        compiler_params=pltpu.CompilerParams(
            use_tc_tiling_on_sc=False, needs_layout_passes=False),
        scratch_types=[
            pltpu.VMEM((_W,), jnp.float32),
            pltpu.VMEM((_CHUNK,), jnp.int32),
            pltpu.VMEM((_CHUNK,), jnp.int32),
            pltpu.VMEM((_W,), jnp.int32),
            pltpu.VMEM((_W,), jnp.int32),
            pltpu.VMEM((_W,), jnp.int32),
            pltpu.VMEM((_W,), jnp.int32),
            pltpu.VMEM((_W,), jnp.float32),
            pltpu.VMEM((_W,), jnp.float32),
            pltpu.VMEM((_W,), jnp.float32),
            pltpu.VMEM((_W,), jnp.float32),
            pltpu.VMEM((_W,), jnp.float32),
            pltpu.VMEM((_W,), jnp.float32),
            pltpu.VMEM_SHARED((3 * n_pad,), jnp.float32),
            pltpu.VMEM_SHARED((3 * n_pad,), jnp.float32),
            pltpu.SemaphoreType.DMA,
            pltpu.SemaphoreType.DMA,
            pltpu.SemaphoreType.DMA,
            pltpu.SemaphoreType.DMA,
        ],
    )
    def sc_kernel(dip_hbm, ii_hbm, jj_hbm, vx_hbm, vy_hbm, vz_hbm, out_hbm,
                  vecb, ib, jb, eib0, eib1, ejb0, ejb1, dib, djb,
                  cib0, cib1, cjb0, cjb1, acc, dipm,
                  sem_in, sem_g, sem_s0, sem_s1):
        c = lax.axis_index("c")
        s = lax.axis_index("s")
        wid = s * _NC + c
        zf = jnp.zeros((_L,), jnp.float32)
        eibs, ejbs = (eib0, eib1), (ejb0, ejb1)
        cibs, cjbs = (cib0, cib1), (cjb0, cjb1)
        sems = (sem_s0, sem_s1)
        n_my = (n_chunks - wid + _NW - 1) // _NW

        def zbuf_body(v, carry):
            cib0[pl.ds(v * _L, _L)] = zf
            return carry
        lax.fori_loop(0, _W // _L, zbuf_body, 0)
        w0_sub = s * words_per_sub

        def zacc_body(p, carry):
            pltpu.sync_copy(cib0, acc.at[pl.ds(w0_sub + p * _W, _W)])
            return carry
        lax.fori_loop(0, n_wb, zacc_body, 0)

        def stage_body(p, carry):
            off = w0_sub + p * _W
            pltpu.sync_copy(dip_hbm.at[pl.ds(off, _W)], cib0)
            pltpu.sync_copy(cib0, dipm.at[pl.ds(off, _W)])
            return carry
        lax.fori_loop(0, n_wb, stage_body, 0)
        plsc.subcore_barrier()

        def scatter_descs(h, issue):
            ds_list = []
            for k in range(_NIDX):
                sl = pl.ds(k * _IDX, _IDX)
                fn = pltpu.async_copy if issue else pltpu.make_async_copy
                kw = {"add": True} if issue else {}
                ds_list.append(fn(
                    cibs[h].at[sl], acc.at[eibs[h].at[sl]], sems[h], **kw))
                ds_list.append(fn(
                    cjbs[h].at[sl], acc.at[ejbs[h].at[sl]], sems[h], **kw))
            return ds_list

        def do_chunk(t, h):
            ch = wid + t * _NW
            base = ch * _CHUNK
            cps = [
                pltpu.async_copy(
                    vx_hbm.at[pl.ds(base, _CHUNK)],
                    vecb.at[pl.ds(0, _CHUNK)], sem_in),
                pltpu.async_copy(
                    vy_hbm.at[pl.ds(base, _CHUNK)],
                    vecb.at[pl.ds(_CHUNK, _CHUNK)], sem_in),
                pltpu.async_copy(
                    vz_hbm.at[pl.ds(base, _CHUNK)],
                    vecb.at[pl.ds(2 * _CHUNK, _CHUNK)], sem_in),
                pltpu.async_copy(
                    ii_hbm.at[pl.ds(base, _CHUNK)], ib, sem_in),
                pltpu.async_copy(
                    jj_hbm.at[pl.ds(base, _CHUNK)], jb, sem_in),
            ]
            for cp in cps:
                cp.wait()
            eib, ejb = eibs[h], ejbs[h]
            cib, cjb = cibs[h], cjbs[h]

            def exp_body(v, carry2):
                sl = pl.ds(v * _L, _L)
                iv = ib[sl]
                jv = jb[sl]
                eib[sl] = iv
                eib[pl.ds(_CHUNK + v * _L, _L)] = iv + n_pad
                eib[pl.ds(2 * _CHUNK + v * _L, _L)] = iv + 2 * n_pad
                ejb[sl] = jv
                ejb[pl.ds(_CHUNK + v * _L, _L)] = jv + n_pad
                ejb[pl.ds(2 * _CHUNK + v * _L, _L)] = jv + 2 * n_pad
                return carry2
            lax.fori_loop(0, _CHUNK // _L, exp_body, 0)

            gathers = []
            for k in range(_NIDX):
                sl = pl.ds(k * _IDX, _IDX)
                gathers.append(pltpu.async_copy(
                    dipm.at[eib.at[sl]], dib.at[sl], sem_g))
                gathers.append(pltpu.async_copy(
                    dipm.at[ejb.at[sl]], djb.at[sl], sem_g))
            for g in gathers:
                g.wait()

            def vec_body(v, carry2):
                s0 = pl.ds(v * _L, _L)
                s1 = pl.ds(_CHUNK + v * _L, _L)
                s2 = pl.ds(2 * _CHUNK + v * _L, _L)
                rx = vecb[s0]
                ry = vecb[s1]
                rz = vecb[s2]
                dix = dib[s0]
                diy = dib[s1]
                diz = dib[s2]
                djx = djb[s0]
                djy = djb[s1]
                djz = djb[s2]
                d2 = rx * rx + ry * ry + rz * rz
                y = _rsqrt(d2)
                y2 = y * y
                a3 = 0.5 * (y2 * y)
                a5 = 3.0 * (a3 * y2)
                sj = a5 * (rx * djx + ry * djy + rz * djz)
                cib[s0] = sj * rx - a3 * djx
                cib[s1] = sj * ry - a3 * djy
                cib[s2] = sj * rz - a3 * djz
                si = a5 * (rx * dix + ry * diy + rz * diz)
                cjb[s0] = si * rx - a3 * dix
                cjb[s1] = si * ry - a3 * diy
                cjb[s2] = si * rz - a3 * diz
                return carry2
            lax.fori_loop(0, _CHUNK // _L, vec_body, 0)

            scatter_descs(h, issue=True)

        def pair_body(t2, carry):
            for h in (0, 1):
                t = 2 * t2 + h

                @pl.when((t - 2 >= 0) & (t - 2 < n_my))
                def _drain():
                    for d in scatter_descs(h, issue=False):
                        d.wait()

                @pl.when(t < n_my)
                def _work():
                    do_chunk(t, h)
            return carry
        lax.fori_loop(0, n_pairs, pair_body, 0)

        for h in (0, 1):
            last_t = n_my - 1 - ((n_my - 1 - h) % 2)

            @pl.when((last_t >= 0) & (last_t + 2 >= (2 * n_pairs)))
            def _tail_drain():
                for d in scatter_descs(h, issue=False):
                    d.wait()
        plsc.subcore_barrier()

        def wb_body(p, carry):
            off = w0_sub + p * _W
            pltpu.sync_copy(acc.at[pl.ds(off, _W)], cib0)
            pltpu.sync_copy(cib0, out_hbm.at[c].at[pl.ds(off, _W)])
            return carry
        lax.fori_loop(0, n_wb, wb_body, 0)

    return sc_kernel(dipf, ii, jj, vx, vy, vz)


def _combine(partials):
    def body(i_ref, o_ref):
        o_ref[...] = i_ref[0] + i_ref[1]
    return pl.pallas_call(
        body,
        out_shape=jax.ShapeDtypeStruct(partials.shape[1:], jnp.float32),
    )(partials)


def kernel(dipoles, cell, positions, neighbor_indices, neighbor_vectors):
    n = dipoles.shape[0]
    e = neighbor_vectors.shape[0]
    assert e % _CHUNK == 0
    blk = _NS * _CHUNK
    n_pad = -(-n // blk) * blk
    idx_t = neighbor_indices.T
    ii = idx_t[0]
    jj = idx_t[1]
    vx = neighbor_vectors[:, 0]
    vy = neighbor_vectors[:, 1]
    vz = neighbor_vectors[:, 2]
    dip_t = dipoles.T
    dipf = jnp.zeros((3, n_pad), dipoles.dtype).at[:, :n].set(dip_t).reshape(-1)
    partials = _sc_edges(n, n_pad, e, dipf, ii, jj, vx, vy, vz)
    summed = _combine(partials.reshape(_NC, 3 * n_pad // 128, 128))
    return summed.reshape(3, n_pad)[:, :n].T

# --- scband reference (transcript-rebuilt; emitter-appended) ---
"""Pipeline reference for scband-calculator-dipole-2585570312371 (READ-ONLY COPY).

The authoritative reference and input builder live on the scoring server;
editing this copy changes nothing except your own understanding.
"""

import jax, jax.numpy as jnp
import numpy as np

N = 100000
E = 6400000

def setup_inputs(seed: int = 0) -> dict:
    key = jax.random.key(seed)
    k1, k2, k3, k4 = jax.random.split(key, 4)
    dipoles = jax.random.normal(k1, (N, 3), dtype=jnp.float32)
    cell = 50.0 * jnp.eye(3, dtype=jnp.float32)
    positions = 50.0 * jax.random.uniform(k2, (N, 3), dtype=jnp.float32)
    neighbor_indices = jax.random.randint(k3, (E, 2), 0, N, dtype=jnp.int32)
    neighbor_vectors = jax.random.normal(k4, (E, 3), dtype=jnp.float32)
    return {
        'dipoles': dipoles,
        'cell': cell,
        'positions': positions,
        'neighbor_indices': neighbor_indices,
        'neighbor_vectors': neighbor_vectors,
    }


def _dipole_kernel(neighbor_vectors):
    # PotentialDipole.from_dist (smearing=None): bare dipole-dipole interaction
    # tensor T = 3 r\otimes r / |r|^5 - I / |r|^3, shape [E, 3, 3]
    dist = jnp.linalg.norm(neighbor_vectors, axis=-1)
    inv_d3 = 1.0 / (dist ** 3)
    inv_d5 = 1.0 / (dist ** 5)
    rr = neighbor_vectors[:, :, None] * neighbor_vectors[:, None, :]
    eye3 = jnp.eye(3, dtype=neighbor_vectors.dtype)
    return 3.0 * rr * inv_d5[:, None, None] - eye3[None, :, :] * inv_d3[:, None, None]


def reference(dipoles, cell, positions, neighbor_indices, neighbor_vectors):
    prefactor = 1.0
    # smearing is None and lr_wavelength is None -> only the real-space part runs;
    # cell and positions are validated but not used in the energy.
    potentials_bare = _dipole_kernel(neighbor_vectors)  # [E, 3, 3]
    atom_is = neighbor_indices[:, 0]
    atom_js = neighbor_indices[:, 1]
    # torch.bmm(potentials_bare, dipoles[atom_js].unsqueeze(-1)).squeeze(-1)
    contributions_is = jnp.einsum('eab,eb->ea', potentials_bare, jnp.take(dipoles, atom_js, axis=0))
    potential = jnp.zeros_like(dipoles).at[atom_is].add(contributions_is)
    # half neighbor list (full_neighbor_list=False): symmetric contribution to j
    contributions_js = jnp.einsum('eab,eb->ea', potentials_bare, jnp.take(dipoles, atom_is, axis=0))
    potential = potential.at[atom_js].add(contributions_js)
    potential_sr = potential / 2.0
    return prefactor * potential_sr

if __name__ == "__main__":
    import jax
    _d = setup_inputs()
    print(jax.jit(kernel)(*tuple(_d.values())))

</pallas_src>

<mosaic_0001>
#map = affine_map<(d0, d1) -> (0)>
#map1 = affine_map<(d0, d1) -> (0, 0)>
module attributes {stable_mosaic.version = 14 : i64} {
  func.func @sc_kernel(%arg0: i32, %arg1: i32, %arg2: memref<393216xf32, #tpu.memory_space<hbm>>, %arg3: memref<6400000xi32, #tpu.memory_space<hbm>>, %arg4: memref<6400000xi32, #tpu.memory_space<hbm>>, %arg5: memref<6400000xf32, #tpu.memory_space<hbm>>, %arg6: memref<6400000xf32, #tpu.memory_space<hbm>>, %arg7: memref<6400000xf32, #tpu.memory_space<hbm>>, %arg8: memref<2x393216xf32, #tpu.memory_space<hbm>>, %arg9: memref<6144xf32, #tpu.memory_space<vmem>>, %arg10: memref<2048xi32, #tpu.memory_space<vmem>>, %arg11: memref<2048xi32, #tpu.memory_space<vmem>>, %arg12: memref<6144xi32, #tpu.memory_space<vmem>>, %arg13: memref<6144xi32, #tpu.memory_space<vmem>>, %arg14: memref<6144xi32, #tpu.memory_space<vmem>>, %arg15: memref<6144xi32, #tpu.memory_space<vmem>>, %arg16: memref<6144xf32, #tpu.memory_space<vmem>>, %arg17: memref<6144xf32, #tpu.memory_space<vmem>>, %arg18: memref<6144xf32, #tpu.memory_space<vmem>>, %arg19: memref<6144xf32, #tpu.memory_space<vmem>>, %arg20: memref<6144xf32, #tpu.memory_space<vmem>>, %arg21: memref<6144xf32, #tpu.memory_space<vmem>>, %arg22: memref<393216xf32, #tpu.memory_space<vmem_shared>>, %arg23: memref<393216xf32, #tpu.memory_space<vmem_shared>>, %arg24: memref<!tpu.dma_semaphore, #tpu.memory_space<semaphore_mem>>, %arg25: memref<!tpu.dma_semaphore, #tpu.memory_space<semaphore_mem>>, %arg26: memref<!tpu.dma_semaphore, #tpu.memory_space<semaphore_mem>>, %arg27: memref<!tpu.dma_semaphore, #tpu.memory_space<semaphore_mem>>) attributes {dimension_semantics = [#tpu.dimension_semantics<core_parallel>, #tpu.dimension_semantics<subcore_parallel>], iteration_bounds = array<i64: 2, 16>, scalar_prefetch = 0 : i64, scratch_operands = 19 : i64, tpu.core_type = #tpu.core_type<sc_vector_subcore>, window_params = [{transform_indices = #map}, {transform_indices = #map}, {transform_indices = #map}, {transform_indices = #map}, {transform_indices = #map}, {transform_indices = #map}, {transform_indices = #map1}]} {
    %mul3A = arith.constant 2 : i32
    %mul3A_0 = arith.muli %arg1, %mul3A : i32
    %add3A = arith.addi %mul3A_0, %arg0 : i32
    %broadcast_in_dim3A = arith.constant 0.000000e+00 : f32
    %broadcast_in_dim3A_1 = vector.broadcast %broadcast_in_dim3A : f32 to vector<16xf32>
    %sub3A = arith.constant 3125 : i32
    %sub3A_2 = arith.subi %sub3A, %add3A : i32
    %add3A_3 = arith.constant 32 : i32
    %add3A_4 = arith.addi %sub3A_2, %add3A_3 : i32
    %sub3A_5 = arith.constant 1 : i32
    %sub3A_6 = arith.subi %add3A_4, %sub3A_5 : i32
    %jit3A = arith.constant 32 : i32
    %div3A = arith.divsi %sub3A_6, %jit3A : i32
    %sign3A = arith.constant 0 : i32
    %sign3A_7 = arith.cmpi sgt, %sub3A_6, %sign3A : i32
    %sign3A_8 = arith.extui %sign3A_7 : i1 to i32
    %sign3A_9 = arith.constant 0 : i32
    %sign3A_10 = arith.cmpi slt, %sub3A_6, %sign3A_9 : i32
    %sign3A_11 = arith.extui %sign3A_10 : i1 to i32
    %sign3A_12 = arith.subi %sign3A_8, %sign3A_11 : i32
    %sign3A_13 = arith.constant 0 : i32
    %sign3A_14 = arith.cmpi sgt, %jit3A, %sign3A_13 : i32
    %sign3A_15 = arith.extui %sign3A_14 : i1 to i32
    %sign3A_16 = arith.constant 0 : i32
    %sign3A_17 = arith.cmpi slt, %jit3A, %sign3A_16 : i32
    %sign3A_18 = arith.extui %sign3A_17 : i1 to i32
    %sign3A_19 = arith.subi %sign3A_15, %sign3A_18 : i32
    %ne3A = arith.cmpi ne, %sign3A_12, %sign3A_19 : i32
    %rem3A = arith.remsi %sub3A_6, %jit3A : i32
    %ne3A_20 = arith.constant 0 : i32
    %ne3A_21 = arith.cmpi ne, %rem3A, %ne3A_20 : i32
    %and3A = arith.andi %ne3A, %ne3A_21 : i1
    %sub3A_22 = arith.constant 1 : i32
    %sub3A_23 = arith.subi %div3A, %sub3A_22 : i32
    %select_n3A = arith.select %and3A, %sub3A_23, %div3A : i32
    %scan3A = arith.constant 0 : i32
    %scan3A_24 = arith.constant 0 : i32
    %scan3A_25 = arith.constant 384 : i32
    %scan3A_26 = arith.addi %scan3A_24, %scan3A_25 : i32
    %scan3A_27 = arith.constant 1 : i32
    scf.for %scan3A_117 = %scan3A_24 to %scan3A_26 step %scan3A_27  : i32 {
      %mul3A_118 = arith.constant 16 : i32
      %mul3A_119 = arith.muli %scan3A_117, %mul3A_118 : i32
      %swap3A = arith.index_cast %mul3A_119 : i32 to index
      %swap3A_120 = tpu.vector_load %arg18[%swap3A] {strides = array<i32>} : memref<6144xf32, #tpu.memory_space<vmem>>, vector<16xf32>,
      tpu.vector_store %arg18[%swap3A], %broadcast_in_dim3A_1 {strides = array<i32>} : memref<6144xf32, #tpu.memory_space<vmem>>, vector<16xf32>,
    }
    %scan3A_28 = arith.constant 384 : i32
    %mul3A_29 = arith.constant 24576 : i32
    %mul3A_30 = arith.muli %arg1, %mul3A_29 : i32
    %scan3A_31 = arith.constant 0 : i32
    %scan3A_32 = arith.constant 0 : i32
    %scan3A_33 = arith.constant 4 : i32
    %scan3A_34 = arith.addi %scan3A_32, %scan3A_33 : i32
    %scan3A_35 = arith.constant 1 : i32
    scf.for %scan3A_117 = %scan3A_32 to %scan3A_34 step %scan3A_35  : i32 {
      %mul3A_118 = arith.constant 6144 : i32
      %mul3A_119 = arith.muli %scan3A_117, %mul3A_118 : i32
      %add3A_120 = arith.addi %mul3A_30, %mul3A_119 : i32
      "tpu.region"() ({
        %run_scoped3A = tpu.sem_alloc : memref<!tpu.dma_semaphore, #tpu.memory_space<semaphore_mem>>
        %dma_start3A = tpu.memref_slice %arg22[%add3A_120] : memref<393216xf32, #tpu.memory_space<vmem_shared>> -> memref<6144xf32, #tpu.memory_space<vmem_shared>>
        %dma_start3A_121 = tpu.memref_slice %arg22[%add3A_120] : memref<393216xf32, #tpu.memory_space<vmem_shared>> -> memref<6144xf32, #tpu.memory_space<vmem_shared>>
        tpu.enqueue_dma source(%arg18 : memref<6144xf32, #tpu.memory_space<vmem>>) target(%dma_start3A_121 : memref<6144xf32, #tpu.memory_space<vmem_shared>>) target_semaphore(%run_scoped3A : memref<!tpu.dma_semaphore, #tpu.memory_space<semaphore_mem>>)
        %dma_wait3A = tpu.memref_slice %arg22[%add3A_120] : memref<393216xf32, #tpu.memory_space<vmem_shared>> -> memref<6144xf32, #tpu.memory_space<vmem_shared>>
        %dma_wait3A_122 = tpu.memref_slice %arg22[%add3A_120] : memref<393216xf32, #tpu.memory_space<vmem_shared>> -> memref<6144xf32, #tpu.memory_space<vmem_shared>>
        tpu.wait_dma2 semaphore(%run_scoped3A : memref<!tpu.dma_semaphore, #tpu.memory_space<semaphore_mem>>) src(%arg18 : memref<6144xf32, #tpu.memory_space<vmem>>) dst(%dma_wait3A_122 : memref<6144xf32, #tpu.memory_space<vmem_shared>>)
        tpu.yield
      }) : () -> ()
    }
    %scan3A_36 = arith.constant 4 : i32
    %scan3A_37 = arith.constant 0 : i32
    %scan3A_38 = arith.constant 0 : i32
    %scan3A_39 = arith.constant 4 : i32
    %scan3A_40 = arith.addi %scan3A_38, %scan3A_39 : i32
    %scan3A_41 = arith.constant 1 : i32
    scf.for %scan3A_117 = %scan3A_38 to %scan3A_40 step %scan3A_41  : i32 {
      %mul3A_118 = arith.constant 6144 : i32
      %mul3A_119 = arith.muli %scan3A_117, %mul3A_118 : i32
      %add3A_120 = arith.addi %mul3A_30, %mul3A_119 : i32
      "tpu.region"() ({
        %run_scoped3A = tpu.sem_alloc : memref<!tpu.dma_semaphore, #tpu.memory_space<semaphore_mem>>
        %dma_start3A = tpu.memref_slice %arg2[%add3A_120] : memref<393216xf32, #tpu.memory_space<hbm>> -> memref<6144xf32, #tpu.memory_space<hbm>>
        %dma_start3A_121 = tpu.memref_slice %arg2[%add3A_120] : memref<393216xf32, #tpu.memory_space<hbm>> -> memref<6144xf32, #tpu.memory_space<hbm>>
        tpu.enqueue_dma source(%dma_start3A_121 : memref<6144xf32, #tpu.memory_space<hbm>>) target(%arg18 : memref<6144xf32, #tpu.memory_space<vmem>>) target_semaphore(%run_scoped3A : memref<!tpu.dma_semaphore, #tpu.memory_space<semaphore_mem>>)
        %dma_wait3A = tpu.memref_slice %arg2[%add3A_120] : memref<393216xf32, #tpu.memory_space<hbm>> -> memref<6144xf32, #tpu.memory_space<hbm>>
        %dma_wait3A_122 = tpu.memref_slice %arg2[%add3A_120] : memref<393216xf32, #tpu.memory_space<hbm>> -> memref<6144xf32, #tpu.memory_space<hbm>>
        tpu.wait_dma2 semaphore(%run_scoped3A : memref<!tpu.dma_semaphore, #tpu.memory_space<semaphore_mem>>) src(%dma_wait3A_122 : memref<6144xf32, #tpu.memory_space<hbm>>) dst(%arg18 : memref<6144xf32, #tpu.memory_space<vmem>>)
        tpu.yield
      }) : () -> ()
      "tpu.region"() ({
        %run_scoped3A = tpu.sem_alloc : memref<!tpu.dma_semaphore, #tpu.memory_space<semaphore_mem>>
        %dma_start3A = tpu.memref_slice %arg23[%add3A_120] : memref<393216xf32, #tpu.memory_space<vmem_shared>> -> memref<6144xf32, #tpu.memory_space<vmem_shared>>
        %dma_start3A_121 = tpu.memref_slice %arg23[%add3A_120] : memref<393216xf32, #tpu.memory_space<vmem_shared>> -> memref<6144xf32, #tpu.memory_space<vmem_shared>>
        tpu.enqueue_dma source(%arg18 : memref<6144xf32, #tpu.memory_space<vmem>>) target(%dma_start3A_121 : memref<6144xf32, #tpu.memory_space<vmem_shared>>) target_semaphore(%run_scoped3A : memref<!tpu.dma_semaphore, #tpu.memory_space<semaphore_mem>>)
        %dma_wait3A = tpu.memref_slice %arg23[%add3A_120] : memref<393216xf32, #tpu.memory_space<vmem_shared>> -> memref<6144xf32, #tpu.memory_space<vmem_shared>>
        %dma_wait3A_122 = tpu.memref_slice %arg23[%add3A_120] : memref<393216xf32, #tpu.memory_space<vmem_shared>> -> memref<6144xf32, #tpu.memory_space<vmem_shared>>
        tpu.wait_dma2 semaphore(%run_scoped3A : memref<!tpu.dma_semaphore, #tpu.memory_space<semaphore_mem>>) src(%arg18 : memref<6144xf32, #tpu.memory_space<vmem>>) dst(%dma_wait3A_122 : memref<6144xf32, #tpu.memory_space<vmem_shared>>)
        tpu.yield
      }) : () -> ()
    }
    %scan3A_42 = arith.constant 4 : i32
    %barrier3A = arith.constant 0 : index
    tpu.barrier barrier_id(%barrier3A)
    %scan3A_43 = arith.constant 0 : i32
    %scan3A_44 = arith.constant 0 : i32
    %scan3A_45 = arith.constant 49 : i32
    %scan3A_46 = arith.addi %scan3A_44, %scan3A_45 : i32
    %scan3A_47 = arith.constant 1 : i32
    scf.for %scan3A_117 = %scan3A_44 to %scan3A_46 step %scan3A_47  : i32 {
      %mul3A_118 = arith.constant 2 : i32
      %mul3A_119 = arith.muli %mul3A_118, %scan3A_117 : i32
      %add3A_120 = arith.constant 0 : i32
      %add3A_121 = arith.addi %mul3A_119, %add3A_120 : i32
      %sub3A_122 = arith.constant 2 : i32
      %sub3A_123 = arith.subi %add3A_121, %sub3A_122 : i32
      %ge3A_124 = arith.constant 0 : i32
      %ge3A_125 = arith.cmpi sge, %sub3A_123, %ge3A_124 : i32
      %sub3A_126 = arith.constant 2 : i32
      %sub3A_127 = arith.subi %add3A_121, %sub3A_126 : i32
      %lt3A_128 = arith.cmpi slt, %sub3A_127, %select_n3A : i32
      %and3A_129 = arith.andi %ge3A_125, %lt3A_128 : i1
      %convert_element_type3A_130 = arith.extui %and3A_129 : i1 to i32
      %cond3A_131 = arith.constant 0 : i32
      %cond3A_132 = arith.cmpi ne, %convert_element_type3A_130, %cond3A_131 : i32
      scf.if %cond3A_132 {
        %dma_wait3A = arith.constant 0 : i32
        %dma_wait3A_156 = tpu.memref_slice %arg18[%dma_wait3A] : memref<6144xf32, #tpu.memory_space<vmem>> -> memref<512xf32, #tpu.memory_space<vmem>>
        %dma_wait3A_157 = arith.constant 0 : i32
        %dma_wait3A_158 = tpu.memref_slice %arg12[%dma_wait3A_157] : memref<6144xi32, #tpu.memory_space<vmem>> -> memref<512xi32, #tpu.memory_space<vmem>>
        %dma_wait3A_159 = arith.constant 0 : i32
        %dma_wait3A_160 = tpu.memref_slice %arg22[%dma_wait3A_159] : memref<393216xf32, #tpu.memory_space<vmem_shared>> -> memref<393216xf32, #tpu.memory_space<vmem_shared>>
        tpu.wait_indirect_dma semaphore(%arg26 : memref<!tpu.dma_semaphore, #tpu.memory_space<semaphore_mem>>) src(%dma_wait3A_156 : memref<512xf32, #tpu.memory_space<vmem>>) dst(%dma_wait3A_160 : memref<393216xf32, #tpu.memory_space<vmem_shared>>)
        %dma_wait3A_161 = arith.constant 0 : i32
        %dma_wait3A_162 = tpu.memref_slice %arg20[%dma_wait3A_161] : memref<6144xf32, #tpu.memory_space<vmem>> -> memref<512xf32, #tpu.memory_space<vmem>>
        %dma_wait3A_163 = arith.constant 0 : i32
        %dma_wait3A_164 = tpu.memref_slice %arg14[%dma_wait3A_163] : memref<6144xi32, #tpu.memory_space<vmem>> -> memref<512xi32, #tpu.memory_space<vmem>>
        %dma_wait3A_165 = arith.constant 0 : i32
        %dma_wait3A_166 = tpu.memref_slice %arg22[%dma_wait3A_165] : memref<393216xf32, #tpu.memory_space<vmem_shared>> -> memref<393216xf32, #tpu.memory_space<vmem_shared>>
        tpu.wait_indirect_dma semaphore(%arg26 : memref<!tpu.dma_semaphore, #tpu.memory_space<semaphore_mem>>) src(%dma_wait3A_162 : memref<512xf32, #tpu.memory_space<vmem>>) dst(%dma_wait3A_166 : memref<393216xf32, #tpu.memory_space<vmem_shared>>)
        %dma_wait3A_167 = arith.constant 512 : i32
        %dma_wait3A_168 = tpu.memref_slice %arg18[%dma_wait3A_167] : memref<6144xf32, #tpu.memory_space<vmem>> -> memref<512xf32, #tpu.memory_space<vmem>>
        %dma_wait3A_169 = arith.constant 512 : i32
        %dma_wait3A_170 = tpu.memref_slice %arg12[%dma_wait3A_169] : memref<6144xi32, #tpu.memory_space<vmem>> -> memref<512xi32, #tpu.memory_space<vmem>>
        %dma_wait3A_171 = arith.constant 0 : i32
        %dma_wait3A_172 = tpu.memref_slice %arg22[%dma_wait3A_171] : memref<393216xf32, #tpu.memory_space<vmem_shared>> -> memref<393216xf32, #tpu.memory_space<vmem_shared>>
        tpu.wait_indirect_dma semaphore(%arg26 : memref<!tpu.dma_semaphore, #tpu.memory_space<semaphore_mem>>) src(%dma_wait3A_168 : memref<512xf32, #tpu.memory_space<vmem>>) dst(%dma_wait3A_172 : memref<393216xf32, #tpu.memory_space<vmem_shared>>)
        %dma_wait3A_173 = arith.constant 512 : i32
        %dma_wait3A_174 = tpu.memref_slice %arg20[%dma_wait3A_173] : memref<6144xf32, #tpu.memory_space<vmem>> -> memref<512xf32, #tpu.memory_space<vmem>>
        %dma_wait3A_175 = arith.constant 512 : i32
        %dma_wait3A_176 = tpu.memref_slice %arg14[%dma_wait3A_175] : memref<6144xi32, #tpu.memory_space<vmem>> -> memref<512xi32, #tpu.memory_space<vmem>>
        %dma_wait3A_177 = arith.constant 0 : i32
        %dma_wait3A_178 = tpu.memref_slice %arg22[%dma_wait3A_177] : memref<393216xf32, #tpu.memory_space<vmem_shared>> -> memref<393216xf32, #tpu.memory_space<vmem_shared>>
        tpu.wait_indirect_dma semaphore(%arg26 : memref<!tpu.dma_semaphore, #tpu.memory_space<semaphore_mem>>) src(%dma_wait3A_174 : memref<512xf32, #tpu.memory_space<vmem>>) dst(%dma_wait3A_178 : memref<393216xf32, #tpu.memory_space<vmem_shared>>)
        %dma_wait3A_179 = arith.constant 1024 : i32
        %dma_wait3A_180 = tpu.memref_slice %arg18[%dma_wait3A_179] : memref<6144xf32, #tpu.memory_space<vmem>> -> memref<512xf32, #tpu.memory_space<vmem>>
        %dma_wait3A_181 = arith.constant 1024 : i32
        %dma_wait3A_182 = tpu.memref_slice %arg12[%dma_wait3A_181] : memref<6144xi32, #tpu.memory_space<vmem>> -> memref<512xi32, #tpu.memory_space<vmem>>
        %dma_wait3A_183 = arith.constant 0 : i32
        %dma_wait3A_184 = tpu.memref_slice %arg22[%dma_wait3A_183] : memref<393216xf32, #tpu.memory_space<vmem_shared>> -> memref<393216xf32, #tpu.memory_space<vmem_shared>>
        tpu.wait_indirect_dma semaphore(%arg26 : memref<!tpu.dma_semaphore, #tpu.memory_space<semaphore_mem>>) src(%dma_wait3A_180 : memref<512xf32, #tpu.memory_space<vmem>>) dst(%dma_wait3A_184 : memref<393216xf32, #tpu.memory_space<vmem_shared>>)
        %dma_wait3A_185 = arith.constant 1024 : i32
        %dma_wait3A_186 = tpu.memref_slice %arg20[%dma_wait3A_185] : memref<6144xf32, #tpu.memory_space<vmem>> -> memref<512xf32, #tpu.memory_space<vmem>>
        %dma_wait3A_187 = arith.constant 1024 : i32
        %dma_wait3A_188 = tpu.memref_slice %arg14[%dma_wait3A_187] : memref<6144xi32, #tpu.memory_space<vmem>> -> memref<512xi32, #tpu.memory_space<vmem>>
        %dma_wait3A_189 = arith.constant 0 : i32
        %dma_wait3A_190 = tpu.memref_slice %arg22[%dma_wait3A_189] : memref<393216xf32, #tpu.memory_space<vmem_shared>> -> memref<393216xf32, #tpu.memory_space<vmem_shared>>
        tpu.wait_indirect_dma semaphore(%arg26 : memref<!tpu.dma_semaphore, #tpu.memory_space<semaphore_mem>>) src(%dma_wait3A_186 : memref<512xf32, #tpu.memory_space<vmem>>) dst(%dma_wait3A_190 : memref<393216xf32, #tpu.memory_space<vmem_shared>>)
        %dma_wait3A_191 = arith.constant 1536 : i32
        %dma_wait3A_192 = tpu.memref_slice %arg18[%dma_wait3A_191] : memref<6144xf32, #tpu.memory_space<vmem>> -> memref<512xf32, #tpu.memory_space<vmem>>
        %dma_wait3A_193 = arith.constant 1536 : i32
        %dma_wait3A_194 = tpu.memref_slice %arg12[%dma_wait3A_193] : memref<6144xi32, #tpu.memory_space<vmem>> -> memref<512xi32, #tpu.memory_space<vmem>>
        %dma_wait3A_195 = arith.constant 0 : i32
        %dma_wait3A_196 = tpu.memref_slice %arg22[%dma_wait3A_195] : memref<393216xf32, #tpu.memory_space<vmem_shared>> -> memref<393216xf32, #tpu.memory_space<vmem_shared>>
        tpu.wait_indirect_dma semaphore(%arg26 : memref<!tpu.dma_semaphore, #tpu.memory_space<semaphore_mem>>) src(%dma_wait3A_192 : memref<512xf32, #tpu.memory_space<vmem>>) dst(%dma_wait3A_196 : memref<393216xf32, #tpu.memory_space<vmem_shared>>)
        %dma_wait3A_197 = arith.constant 1536 : i32
        %dma_wait3A_198 = tpu.memref_slice %arg20[%dma_wait3A_197] : memref<6144xf32, #tpu.memory_space<vmem>> -> memref<512xf32, #tpu.memory_space<vmem>>
        %dma_wait3A_199 = arith.constant 1536 : i32
        %dma_wait3A_200 = tpu.memref_slice %arg14[%dma_wait3A_199] : memref<6144xi32, #tpu.memory_space<vmem>> -> memref<512xi32, #tpu.memory_space<vmem>>
        %dma_wait3A_201 = arith.constant 0 : i32
        %dma_wait3A_202 = tpu.memref_slice %arg22[%dma_wait3A_201] : memref<393216xf32, #tpu.memory_space<vmem_shared>> -> memref<393216xf32, #tpu.memory_space<vmem_shared>>
        tpu.wait_indirect_dma semaphore(%arg26 : memref<!tpu.dma_semaphore, #tpu.memory_space<semaphore_mem>>) src(%dma_wait3A_198 : memref<512xf32, #tpu.memory_space<vmem>>) dst(%dma_wait3A_202 : memref<393216xf32, #tpu.memory_space<vmem_shared>>)
        %dma_wait3A_203 = arith.constant 2048 : i32
        %dma_wait3A_204 = tpu.memref_slice %arg18[%dma_wait3A_203] : memref<6144xf32, #tpu.memory_space<vmem>> -> memref<512xf32, #tpu.memory_space<vmem>>
        %dma_wait3A_205 = arith.constant 2048 : i32
        %dma_wait3A_206 = tpu.memref_slice %arg12[%dma_wait3A_205] : memref<6144xi32, #tpu.memory_space<vmem>> -> memref<512xi32, #tpu.memory_space<vmem>>
        %dma_wait3A_207 = arith.constant 0 : i32
        %dma_wait3A_208 = tpu.memref_slice %arg22[%dma_wait3A_207] : memref<393216xf32, #tpu.memory_space<vmem_shared>> -> memref<393216xf32, #tpu.memory_space<vmem_shared>>
        tpu.wait_indirect_dma semaphore(%arg26 : memref<!tpu.dma_semaphore, #tpu.memory_space<semaphore_mem>>) src(%dma_wait3A_204 : memref<512xf32, #tpu.memory_space<vmem>>) dst(%dma_wait3A_208 : memref<393216xf32, #tpu.memory_space<vmem_shared>>)
        %dma_wait3A_209 = arith.constant 2048 : i32
        %dma_wait3A_210 = tpu.memref_slice %arg20[%dma_wait3A_209] : memref<6144xf32, #tpu.memory_space<vmem>> -> memref<512xf32, #tpu.memory_space<vmem>>
        %dma_wait3A_211 = arith.constant 2048 : i32
        %dma_wait3A_212 = tpu.memref_slice %arg14[%dma_wait3A_211] : memref<6144xi32, #tpu.memory_space<vmem>> -> memref<512xi32, #tpu.memory_space<vmem>>
        %dma_wait3A_213 = arith.constant 0 : i32
        %dma_wait3A_214 = tpu.memref_slice %arg22[%dma_wait3A_213] : memref<393216xf32, #tpu.memory_space<vmem_shared>> -> memref<393216xf32, #tpu.memory_space<vmem_shared>>
        tpu.wait_indirect_dma semaphore(%arg26 : memref<!tpu.dma_semaphore, #tpu.memory_space<semaphore_mem>>) src(%dma_wait3A_210 : memref<512xf32, #tpu.memory_space<vmem>>) dst(%dma_wait3A_214 : memref<393216xf32, #tpu.memory_space<vmem_shared>>)
        %dma_wait3A_215 = arith.constant 2560 : i32
        %dma_wait3A_216 = tpu.memref_slice %arg18[%dma_wait3A_215] : memref<6144xf32, #tpu.memory_space<vmem>> -> memref<512xf32, #tpu.memory_space<vmem>>
        %dma_wait3A_217 = arith.constant 2560 : i32
        %dma_wait3A_218 = tpu.memref_slice %arg12[%dma_wait3A_217] : memref<6144xi32, #tpu.memory_space<vmem>> -> memref<512xi32, #tpu.memory_space<vmem>>
        %dma_wait3A_219 = arith.constant 0 : i32
        %dma_wait3A_220 = tpu.memref_slice %arg22[%dma_wait3A_219] : memref<393216xf32, #tpu.memory_space<vmem_shared>> -> memref<393216xf32, #tpu.memory_space<vmem_shared>>
        tpu.wait_indirect_dma semaphore(%arg26 : memref<!tpu.dma_semaphore, #tpu.memory_space<semaphore_mem>>) src(%dma_wait3A_216 : memref<512xf32, #tpu.memory_space<vmem>>) dst(%dma_wait3A_220 : memref<393216xf32, #tpu.memory_space<vmem_shared>>)
        %dma_wait3A_221 = arith.constant 2560 : i32
        %dma_wait3A_222 = tpu.memref_slice %arg20[%dma_wait3A_221] : memref<6144xf32, #tpu.memory_space<vmem>> -> memref<512xf32, #tpu.memory_space<vmem>>
        %dma_wait3A_223 = arith.constant 2560 : i32
        %dma_wait3A_224 = tpu.memref_slice %arg14[%dma_wait3A_223] : memref<6144xi32, #tpu.memory_space<vmem>> -> memref<512xi32, #tpu.memory_space<vmem>>
        %dma_wait3A_225 = arith.constant 0 : i32
        %dma_wait3A_226 = tpu.memref_slice %arg22[%dma_wait3A_225] : memref<393216xf32, #tpu.memory_space<vmem_shared>> -> memref<393216xf32, #tpu.memory_space<vmem_shared>>
        tpu.wait_indirect_dma semaphore(%arg26 : memref<!tpu.dma_semaphore, #tpu.memory_space<semaphore_mem>>) src(%dma_wait3A_222 : memref<512xf32, #tpu.memory_space<vmem>>) dst(%dma_wait3A_226 : memref<393216xf32, #tpu.memory_space<vmem_shared>>)
        %dma_wait3A_227 = arith.constant 3072 : i32
        %dma_wait3A_228 = tpu.memref_slice %arg18[%dma_wait3A_227] : memref<6144xf32, #tpu.memory_space<vmem>> -> memref<512xf32, #tpu.memory_space<vmem>>
        %dma_wait3A_229 = arith.constant 3072 : i32
        %dma_wait3A_230 = tpu.memref_slice %arg12[%dma_wait3A_229] : memref<6144xi32, #tpu.memory_space<vmem>> -> memref<512xi32, #tpu.memory_space<vmem>>
        %dma_wait3A_231 = arith.constant 0 : i32
        %dma_wait3A_232 = tpu.memref_slice %arg22[%dma_wait3A_231] : memref<393216xf32, #tpu.memory_space<vmem_shared>> -> memref<393216xf32, #tpu.memory_space<vmem_shared>>
        tpu.wait_indirect_dma semaphore(%arg26 : memref<!tpu.dma_semaphore, #tpu.memory_space<semaphore_mem>>) src(%dma_wait3A_228 : memref<512xf32, #tpu.memory_space<vmem>>) dst(%dma_wait3A_232 : memref<393216xf32, #tpu.memory_space<vmem_shared>>)
        %dma_wait3A_233 = arith.constant 3072 : i32
        %dma_wait3A_234 = tpu.memref_slice %arg20[%dma_wait3A_233] : memref<6144xf32, #tpu.memory_space<vmem>> -> memref<512xf32, #tpu.memory_space<vmem>>
        %dma_wait3A_235 = arith.constant 3072 : i32
        %dma_wait3A_236 = tpu.memref_slice %arg14[%dma_wait3A_235] : memref<6144xi32, #tpu.memory_space<vmem>> -> memref<512xi32, #tpu.memory_space<vmem>>
        %dma_wait3A_237 = arith.constant 0 : i32
        %dma_wait3A_238 = tpu.memref_slice %arg22[%dma_wait3A_237] : memref<393216xf32, #tpu.memory_space<vmem_shared>> -> memref<393216xf32, #tpu.memory_space<vmem_shared>>
        tpu.wait_indirect_dma semaphore(%arg26 : memref<!tpu.dma_semaphore, #tpu.memory_space<semaphore_mem>>) src(%dma_wait3A_234 : memref<512xf32, #tpu.memory_space<vmem>>) dst(%dma_wait3A_238 : memref<393216xf32, #tpu.memory_space<vmem_shared>>)
        %dma_wait3A_239 = arith.constant 3584 : i32
        %dma_wait3A_240 = tpu.memref_slice %arg18[%dma_wait3A_239] : memref<6144xf32, #tpu.memory_space<vmem>> -> memref<512xf32, #tpu.memory_space<vmem>>
        %dma_wait3A_241 = arith.constant 3584 : i32
        %dma_wait3A_242 = tpu.memref_slice %arg12[%dma_wait3A_241] : memref<6144xi32, #tpu.memory_space<vmem>> -> memref<512xi32, #tpu.memory_space<vmem>>
        %dma_wait3A_243 = arith.constant 0 : i32
        %dma_wait3A_244 = tpu.memref_slice %arg22[%dma_wait3A_243] : memref<393216xf32, #tpu.memory_space<vmem_shared>> -> memref<393216xf32, #tpu.memory_space<vmem_shared>>
        tpu.wait_indirect_dma semaphore(%arg26 : memref<!tpu.dma_semaphore, #tpu.memory_space<semaphore_mem>>) src(%dma_wait3A_240 : memref<512xf32, #tpu.memory_space<vmem>>) dst(%dma_wait3A_244 : memref<393216xf32, #tpu.memory_space<vmem_shared>>)
        %dma_wait3A_245 = arith.constant 3584 : i32
        %dma_wait3A_246 = tpu.memref_slice %arg20[%dma_wait3A_245] : memref<6144xf32, #tpu.memory_space<vmem>> -> memref<512xf32, #tpu.memory_space<vmem>>
        %dma_wait3A_247 = arith.constant 3584 : i32
        %dma_wait3A_248 = tpu.memref_slice %arg14[%dma_wait3A_247] : memref<6144xi32, #tpu.memory_space<vmem>> -> memref<512xi32, #tpu.memory_space<vmem>>
        %dma_wait3A_249 = arith.constant 0 : i32
        %dma_wait3A_250 = tpu.memref_slice %arg22[%dma_wait3A_249] : memref<393216xf32, #tpu.memory_space<vmem_shared>> -> memref<393216xf32, #tpu.memory_space<vmem_shared>>
        tpu.wait_indirect_dma semaphore(%arg26 : memref<!tpu.dma_semaphore, #tpu.memory_space<semaphore_mem>>) src(%dma_wait3A_246 : memref<512xf32, #tpu.memory_space<vmem>>) dst(%dma_wait3A_250 : memref<393216xf32, #tpu.memory_space<vmem_shared>>)
        %dma_wait3A_251 = arith.constant 4096 : i32
        %dma_wait3A_252 = tpu.memref_slice %arg18[%dma_wait3A_251] : memref<6144xf32, #tpu.memory_space<vmem>> -> memref<512xf32, #tpu.memory_space<vmem>>
        %dma_wait3A_253 = arith.constant 4096 : i32
        %dma_wait3A_254 = tpu.memref_slice %arg12[%dma_wait3A_253] : memref<6144xi32, #tpu.memory_space<vmem>> -> memref<512xi32, #tpu.memory_space<vmem>>
        %dma_wait3A_255 = arith.constant 0 : i32
        %dma_wait3A_256 = tpu.memref_slice %arg22[%dma_wait3A_255] : memref<393216xf32, #tpu.memory_space<vmem_shared>> -> memref<393216xf32, #tpu.memory_space<vmem_shared>>
        tpu.wait_indirect_dma semaphore(%arg26 : memref<!tpu.dma_semaphore, #tpu.memory_space<semaphore_mem>>) src(%dma_wait3A_252 : memref<512xf32, #tpu.memory_space<vmem>>) dst(%dma_wait3A_256 : memref<393216xf32, #tpu.memory_space<vmem_shared>>)
        %dma_wait3A_257 = arith.constant 4096 : i32
        %dma_wait3A_258 = tpu.memref_slice %arg20[%dma_wait3A_257] : memref<6144xf32, #tpu.memory_space<vmem>> -> memref<512xf32, #tpu.memory_space<vmem>>
        %dma_wait3A_259 = arith.constant 4096 : i32
        %dma_wait3A_260 = tpu.memref_slice %arg14[%dma_wait3A_259] : memref<6144xi32, #tpu.memory_space<vmem>> -> memref<512xi32, #tpu.memory_space<vmem>>
        %dma_wait3A_261 = arith.constant 0 : i32
        %dma_wait3A_262 = tpu.memref_slice %arg22[%dma_wait3A_261] : memref<393216xf32, #tpu.memory_space<vmem_shared>> -> memref<393216xf32, #tpu.memory_space<vmem_shared>>
        tpu.wait_indirect_dma semaphore(%arg26 : memref<!tpu.dma_semaphore, #tpu.memory_space<semaphore_mem>>) src(%dma_wait3A_258 : memref<512xf32, #tpu.memory_space<vmem>>) dst(%dma_wait3A_262 : memref<393216xf32, #tpu.memory_space<vmem_shared>>)
        %dma_wait3A_263 = arith.constant 4608 : i32
        %dma_wait3A_264 = tpu.memref_slice %arg18[%dma_wait3A_263] : memref<6144xf32, #tpu.memory_space<vmem>> -> memref<512xf32, #tpu.memory_space<vmem>>
        %dma_wait3A_265 = arith.constant 4608 : i32
        %dma_wait3A_266 = tpu.memref_slice %arg12[%dma_wait3A_265] : memref<6144xi32, #tpu.memory_space<vmem>> -> memref<512xi32, #tpu.memory_space<vmem>>
        %dma_wait3A_267 = arith.constant 0 : i32
        %dma_wait3A_268 = tpu.memref_slice %arg22[%dma_wait3A_267] : memref<393216xf32, #tpu.memory_space<vmem_shared>> -> memref<393216xf32, #tpu.memory_space<vmem_shared>>
        tpu.wait_indirect_dma semaphore(%arg26 : memref<!tpu.dma_semaphore, #tpu.memory_space<semaphore_mem>>) src(%dma_wait3A_264 : memref<512xf32, #tpu.memory_space<vmem>>) dst(%dma_wait3A_268 : memref<393216xf32, #tpu.memory_space<vmem_shared>>)
        %dma_wait3A_269 = arith.constant 4608 : i32
        %dma_wait3A_270 = tpu.memref_slice %arg20[%dma_wait3A_269] : memref<6144xf32, #tpu.memory_space<vmem>> -> memref<512xf32, #tpu.memory_space<vmem>>
        %dma_wait3A_271 = arith.constant 4608 : i32
        %dma_wait3A_272 = tpu.memref_slice %arg14[%dma_wait3A_271] : memref<6144xi32, #tpu.memory_space<vmem>> -> memref<512xi32, #tpu.memory_space<vmem>>
        %dma_wait3A_273 = arith.constant 0 : i32
        %dma_wait3A_274 = tpu.memref_slice %arg22[%dma_wait3A_273] : memref<393216xf32, #tpu.memory_space<vmem_shared>> -> memref<393216xf32, #tpu.memory_space<vmem_shared>>
        tpu.wait_indirect_dma semaphore(%arg26 : memref<!tpu.dma_semaphore, #tpu.memory_space<semaphore_mem>>) src(%dma_wait3A_270 : memref<512xf32, #tpu.memory_space<vmem>>) dst(%dma_wait3A_274 : memref<393216xf32, #tpu.memory_space<vmem_shared>>)
        %dma_wait3A_275 = arith.constant 5120 : i32
        %dma_wait3A_276 = tpu.memref_slice %arg18[%dma_wait3A_275] : memref<6144xf32, #tpu.memory_space<vmem>> -> memref<512xf32, #tpu.memory_space<vmem>>
        %dma_wait3A_277 = arith.constant 5120 : i32
        %dma_wait3A_278 = tpu.memref_slice %arg12[%dma_wait3A_277] : memref<6144xi32, #tpu.memory_space<vmem>> -> memref<512xi32, #tpu.memory_space<vmem>>
        %dma_wait3A_279 = arith.constant 0 : i32
        %dma_wait3A_280 = tpu.memref_slice %arg22[%dma_wait3A_279] : memref<393216xf32, #tpu.memory_space<vmem_shared>> -> memref<393216xf32, #tpu.memory_space<vmem_shared>>
        tpu.wait_indirect_dma semaphore(%arg26 : memref<!tpu.dma_semaphore, #tpu.memory_space<semaphore_mem>>) src(%dma_wait3A_276 : memref<512xf32, #tpu.memory_space<vmem>>) dst(%dma_wait3A_280 : memref<393216xf32, #tpu.memory_space<vmem_shared>>)
        %dma_wait3A_281 = arith.constant 5120 : i32
        %dma_wait3A_282 = tpu.memref_slice %arg20[%dma_wait3A_281] : memref<6144xf32, #tpu.memory_space<vmem>> -> memref<512xf32, #tpu.memory_space<vmem>>
        %dma_wait3A_283 = arith.constant 5120 : i32
        %dma_wait3A_284 = tpu.memref_slice %arg14[%dma_wait3A_283] : memref<6144xi32, #tpu.memory_space<vmem>> -> memref<512xi32, #tpu.memory_space<vmem>>
        %dma_wait3A_285 = arith.constant 0 : i32
        %dma_wait3A_286 = tpu.memref_slice %arg22[%dma_wait3A_285] : memref<393216xf32, #tpu.memory_space<vmem_shared>> -> memref<393216xf32, #tpu.memory_space<vmem_shared>>
        tpu.wait_indirect_dma semaphore(%arg26 : memref<!tpu.dma_semaphore, #tpu.memory_space<semaphore_mem>>) src(%dma_wait3A_282 : memref<512xf32, #tpu.memory_space<vmem>>) dst(%dma_wait3A_286 : memref<393216xf32, #tpu.memory_space<vmem_shared>>)
        %dma_wait3A_287 = arith.constant 5632 : i32
        %dma_wait3A_288 = tpu.memref_slice %arg18[%dma_wait3A_287] : memref<6144xf32, #tpu.memory_space<vmem>> -> memref<512xf32, #tpu.memory_space<vmem>>
        %dma_wait3A_289 = arith.constant 5632 : i32
        %dma_wait3A_290 = tpu.memref_slice %arg12[%dma_wait3A_289] : memref<6144xi32, #tpu.memory_space<vmem>> -> memref<512xi32, #tpu.memory_space<vmem>>
        %dma_wait3A_291 = arith.constant 0 : i32
        %dma_wait3A_292 = tpu.memref_slice %arg22[%dma_wait3A_291] : memref<393216xf32, #tpu.memory_space<vmem_shared>> -> memref<393216xf32, #tpu.memory_space<vmem_shared>>
        tpu.wait_indirect_dma semaphore(%arg26 : memref<!tpu.dma_semaphore, #tpu.memory_space<semaphore_mem>>) src(%dma_wait3A_288 : memref<512xf32, #tpu.memory_space<vmem>>) dst(%dma_wait3A_292 : memref<393216xf32, #tpu.memory_space<vmem_shared>>)
        %dma_wait3A_293 = arith.constant 5632 : i32
        %dma_wait3A_294 = tpu.memref_slice %arg20[%dma_wait3A_293] : memref<6144xf32, #tpu.memory_space<vmem>> -> memref<512xf32, #tpu.memory_space<vmem>>
        %dma_wait3A_295 = arith.constant 5632 : i32
        %dma_wait3A_296 = tpu.memref_slice %arg14[%dma_wait3A_295] : memref<6144xi32, #tpu.memory_space<vmem>> -> memref<512xi32, #tpu.memory_space<vmem>>
        %dma_wait3A_297 = arith.constant 0 : i32
        %dma_wait3A_298 = tpu.memref_slice %arg22[%dma_wait3A_297] : memref<393216xf32, #tpu.memory_space<vmem_shared>> -> memref<393216xf32, #tpu.memory_space<vmem_shared>>
        tpu.wait_indirect_dma semaphore(%arg26 : memref<!tpu.dma_semaphore, #tpu.memory_space<semaphore_mem>>) src(%dma_wait3A_294 : memref<512xf32, #tpu.memory_space<vmem>>) dst(%dma_wait3A_298 : memref<393216xf32, #tpu.memory_space<vmem_shared>>)
      } else {
      }
      %lt3A_133 = arith.cmpi slt, %add3A_121, %select_n3A : i32
      %convert_element_type3A_134 = arith.extui %lt3A_133 : i1 to i32
      %cond3A_135 = arith.constant 0 : i32
      %cond3A_136 = arith.cmpi ne, %convert_element_type3A_134, %cond3A_135 : i32
      scf.if %cond3A_136 {
        %mul3A_156 = arith.constant 32 : i32
        %mul3A_157 = arith.muli %add3A_121, %mul3A_156 : i32
        %add3A_158 = arith.addi %add3A, %mul3A_157 : i32
        %mul3A_159 = arith.constant 2048 : i32
        %mul3A_160 = arith.muli %add3A_158, %mul3A_159 : i32
        %dma_start3A = arith.constant 0 : i32
        %dma_start3A_161 = tpu.memref_slice %arg9[%dma_start3A] : memref<6144xf32, #tpu.memory_space<vmem>> -> memref<2048xf32, #tpu.memory_space<vmem>>
        %dma_start3A_162 = tpu.memref_slice %arg5[%mul3A_160] : memref<6400000xf32, #tpu.memory_space<hbm>> -> memref<2048xf32, #tpu.memory_space<hbm>>
        %dma_start3A_163 = arith.constant 0 : i32
        %dma_start3A_164 = tpu.memref_slice %arg9[%dma_start3A_163] : memref<6144xf32, #tpu.memory_space<vmem>> -> memref<2048xf32, #tpu.memory_space<vmem>>
        %dma_start3A_165 = tpu.memref_slice %arg5[%mul3A_160] : memref<6400000xf32, #tpu.memory_space<hbm>> -> memref<2048xf32, #tpu.memory_space<hbm>>
        tpu.enqueue_dma source(%dma_start3A_165 : memref<2048xf32, #tpu.memory_space<hbm>>) target(%dma_start3A_164 : memref<2048xf32, #tpu.memory_space<vmem>>) target_semaphore(%arg24 : memref<!tpu.dma_semaphore, #tpu.memory_space<semaphore_mem>>)
        %dma_start3A_166 = arith.constant 2048 : i32
        %dma_start3A_167 = tpu.memref_slice %arg9[%dma_start3A_166] : memref<6144xf32, #tpu.memory_space<vmem>> -> memref<2048xf32, #tpu.memory_space<vmem>>
        %dma_start3A_168 = tpu.memref_slice %arg6[%mul3A_160] : memref<6400000xf32, #tpu.memory_space<hbm>> -> memref<2048xf32, #tpu.memory_space<hbm>>
        %dma_start3A_169 = arith.constant 2048 : i32
        %dma_start3A_170 = tpu.memref_slice %arg9[%dma_start3A_169] : memref<6144xf32, #tpu.memory_space<vmem>> -> memref<2048xf32, #tpu.memory_space<vmem>>
        %dma_start3A_171 = tpu.memref_slice %arg6[%mul3A_160] : memref<6400000xf32, #tpu.memory_space<hbm>> -> memref<2048xf32, #tpu.memory_space<hbm>>
        tpu.enqueue_dma source(%dma_start3A_171 : memref<2048xf32, #tpu.memory_space<hbm>>) target(%dma_start3A_170 : memref<2048xf32, #tpu.memory_space<vmem>>) target_semaphore(%arg24 : memref<!tpu.dma_semaphore, #tpu.memory_space<semaphore_mem>>)
        %dma_start3A_172 = arith.constant 4096 : i32
        %dma_start3A_173 = tpu.memref_slice %arg9[%dma_start3A_172] : memref<6144xf32, #tpu.memory_space<vmem>> -> memref<2048xf32, #tpu.memory_space<vmem>>
        %dma_start3A_174 = tpu.memref_slice %arg7[%mul3A_160] : memref<6400000xf32, #tpu.memory_space<hbm>> -> memref<2048xf32, #tpu.memory_space<hbm>>
        %dma_start3A_175 = arith.constant 4096 : i32
        %dma_start3A_176 = tpu.memref_slice %arg9[%dma_start3A_175] : memref<6144xf32, #tpu.memory_space<vmem>> -> memref<2048xf32, #tpu.memory_space<vmem>>
        %dma_start3A_177 = tpu.memref_slice %arg7[%mul3A_160] : memref<6400000xf32, #tpu.memory_space<hbm>> -> memref<2048xf32, #tpu.memory_space<hbm>>
        tpu.enqueue_dma source(%dma_start3A_177 : memref<2048xf32, #tpu.memory_space<hbm>>) target(%dma_start3A_176 : memref<2048xf32, #tpu.memory_space<vmem>>) target_semaphore(%arg24 : memref<!tpu.dma_semaphore, #tpu.memory_space<semaphore_mem>>)
        %dma_start3A_178 = tpu.memref_slice %arg3[%mul3A_160] : memref<6400000xi32, #tpu.memory_space<hbm>> -> memref<2048xi32, #tpu.memory_space<hbm>>
        %dma_start3A_179 = tpu.memref_slice %arg3[%mul3A_160] : memref<6400000xi32, #tpu.memory_space<hbm>> -> memref<2048xi32, #tpu.memory_space<hbm>>
        tpu.enqueue_dma source(%dma_start3A_179 : memref<2048xi32, #tpu.memory_space<hbm>>) target(%arg10 : memref<2048xi32, #tpu.memory_space<vmem>>) target_semaphore(%arg24 : memref<!tpu.dma_semaphore, #tpu.memory_space<semaphore_mem>>)
        %dma_start3A_180 = tpu.memref_slice %arg4[%mul3A_160] : memref<6400000xi32, #tpu.memory_space<hbm>> -> memref<2048xi32, #tpu.memory_space<hbm>>
        %dma_start3A_181 = tpu.memref_slice %arg4[%mul3A_160] : memref<6400000xi32, #tpu.memory_space<hbm>> -> memref<2048xi32, #tpu.memory_space<hbm>>
        tpu.enqueue_dma source(%dma_start3A_181 : memref<2048xi32, #tpu.memory_space<hbm>>) target(%arg11 : memref<2048xi32, #tpu.memory_space<vmem>>) target_semaphore(%arg24 : memref<!tpu.dma_semaphore, #tpu.memory_space<semaphore_mem>>)
        %dma_wait3A = arith.constant 0 : i32
        %dma_wait3A_182 = tpu.memref_slice %arg9[%dma_wait3A] : memref<6144xf32, #tpu.memory_space<vmem>> -> memref<2048xf32, #tpu.memory_space<vmem>>
        %dma_wait3A_183 = tpu.memref_slice %arg5[%mul3A_160] : memref<6400000xf32, #tpu.memory_space<hbm>> -> memref<2048xf32, #tpu.memory_space<hbm>>
        %dma_wait3A_184 = arith.constant 0 : i32
        %dma_wait3A_185 = tpu.memref_slice %arg9[%dma_wait3A_184] : memref<6144xf32, #tpu.memory_space<vmem>> -> memref<2048xf32, #tpu.memory_space<vmem>>
        %dma_wait3A_186 = tpu.memref_slice %arg5[%mul3A_160] : memref<6400000xf32, #tpu.memory_space<hbm>> -> memref<2048xf32, #tpu.memory_space<hbm>>
        tpu.wait_dma2 semaphore(%arg24 : memref<!tpu.dma_semaphore, #tpu.memory_space<semaphore_mem>>) src(%dma_wait3A_186 : memref<2048xf32, #tpu.memory_space<hbm>>) dst(%dma_wait3A_185 : memref<2048xf32, #tpu.memory_space<vmem>>)
        %dma_wait3A_187 = arith.constant 2048 : i32
        %dma_wait3A_188 = tpu.memref_slice %arg9[%dma_wait3A_187] : memref<6144xf32, #tpu.memory_space<vmem>> -> memref<2048xf32, #tpu.memory_space<vmem>>
        %dma_wait3A_189 = tpu.memref_slice %arg6[%mul3A_160] : memref<6400000xf32, #tpu.memory_space<hbm>> -> memref<2048xf32, #tpu.memory_space<hbm>>
        %dma_wait3A_190 = arith.constant 2048 : i32
        %dma_wait3A_191 = tpu.memref_slice %arg9[%dma_wait3A_190] : memref<6144xf32, #tpu.memory_space<vmem>> -> memref<2048xf32, #tpu.memory_space<vmem>>
        %dma_wait3A_192 = tpu.memref_slice %arg6[%mul3A_160] : memref<6400000xf32, #tpu.memory_space<hbm>> -> memref<2048xf32, #tpu.memory_space<hbm>>
        tpu.wait_dma2 semaphore(%arg24 : memref<!tpu.dma_semaphore, #tpu.memory_space<semaphore_mem>>) src(%dma_wait3A_192 : memref<2048xf32, #tpu.memory_space<hbm>>) dst(%dma_wait3A_191 : memref<2048xf32, #tpu.memory_space<vmem>>)
        %dma_wait3A_193 = arith.constant 4096 : i32
        %dma_wait3A_194 = tpu.memref_slice %arg9[%dma_wait3A_193] : memref<6144xf32, #tpu.memory_space<vmem>> -> memref<2048xf32, #tpu.memory_space<vmem>>
        %dma_wait3A_195 = tpu.memref_slice %arg7[%mul3A_160] : memref<6400000xf32, #tpu.memory_space<hbm>> -> memref<2048xf32, #tpu.memory_space<hbm>>
        %dma_wait3A_196 = arith.constant 4096 : i32
        %dma_wait3A_197 = tpu.memref_slice %arg9[%dma_wait3A_196] : memref<6144xf32, #tpu.memory_space<vmem>> -> memref<2048xf32, #tpu.memory_space<vmem>>
        %dma_wait3A_198 = tpu.memref_slice %arg7[%mul3A_160] : memref<6400000xf32, #tpu.memory_space<hbm>> -> memref<2048xf32, #tpu.memory_space<hbm>>
        tpu.wait_dma2 semaphore(%arg24 : memref<!tpu.dma_semaphore, #tpu.memory_space<semaphore_mem>>) src(%dma_wait3A_198 : memref<2048xf32, #tpu.memory_space<hbm>>) dst(%dma_wait3A_197 : memref<2048xf32, #tpu.memory_space<vmem>>)
        %dma_wait3A_199 = tpu.memref_slice %arg3[%mul3A_160] : memref<6400000xi32, #tpu.memory_space<hbm>> -> memref<2048xi32, #tpu.memory_space<hbm>>
        %dma_wait3A_200 = tpu.memref_slice %arg3[%mul3A_160] : memref<6400000xi32, #tpu.memory_space<hbm>> -> memref<2048xi32, #tpu.memory_space<hbm>>
        tpu.wait_dma2 semaphore(%arg24 : memref<!tpu.dma_semaphore, #tpu.memory_space<semaphore_mem>>) src(%dma_wait3A_200 : memref<2048xi32, #tpu.memory_space<hbm>>) dst(%arg10 : memref<2048xi32, #tpu.memory_space<vmem>>)
        %dma_wait3A_201 = tpu.memref_slice %arg4[%mul3A_160] : memref<6400000xi32, #tpu.memory_space<hbm>> -> memref<2048xi32, #tpu.memory_space<hbm>>
        %dma_wait3A_202 = tpu.memref_slice %arg4[%mul3A_160] : memref<6400000xi32, #tpu.memory_space<hbm>> -> memref<2048xi32, #tpu.memory_space<hbm>>
        tpu.wait_dma2 semaphore(%arg24 : memref<!tpu.dma_semaphore, #tpu.memory_space<semaphore_mem>>) src(%dma_wait3A_202 : memref<2048xi32, #tpu.memory_space<hbm>>) dst(%arg11 : memref<2048xi32, #tpu.memory_space<vmem>>)
        %scan3A_203 = arith.constant 0 : i32
        %scan3A_204 = arith.constant 0 : i32
        %scan3A_205 = arith.constant 128 : i32
        %scan3A_206 = arith.addi %scan3A_204, %scan3A_205 : i32
        %scan3A_207 = arith.constant 1 : i32
        scf.for %scan3A_647 = %scan3A_204 to %scan3A_206 step %scan3A_207  : i32 {
          %mul3A_648 = arith.constant 16 : i32
          %mul3A_649 = arith.muli %scan3A_647, %mul3A_648 : i32
          %get3A = arith.index_cast %mul3A_649 : i32 to index
          %get3A_650 = tpu.vector_load %arg10[%get3A] {strides = array<i32>} : memref<2048xi32, #tpu.memory_space<vmem>>, vector<16xi32>,
          %get3A_651 = arith.index_cast %mul3A_649 : i32 to index
          %get3A_652 = tpu.vector_load %arg11[%get3A_651] {strides = array<i32>} : memref<2048xi32, #tpu.memory_space<vmem>>, vector<16xi32>,
          %swap3A = arith.index_cast %mul3A_649 : i32 to index
          %swap3A_653 = tpu.vector_load %arg12[%swap3A] {strides = array<i32>} : memref<6144xi32, #tpu.memory_space<vmem>>, vector<16xi32>,
          tpu.vector_store %arg12[%swap3A], %get3A_650 {strides = array<i32>} : memref<6144xi32, #tpu.memory_space<vmem>>, vector<16xi32>,
          %add3A_654 = arith.constant 131072 : i32
          %add3A_655 = vector.broadcast %add3A_654 : i32 to vector<16xi32>
          %add3A_656 = arith.addi %get3A_650, %add3A_655 : vector<16xi32>
          %mul3A_657 = arith.constant 16 : i32
          %mul3A_658 = arith.muli %scan3A_647, %mul3A_657 : i32
          %add3A_659 = arith.constant 2048 : i32
          %add3A_660 = arith.addi %add3A_659, %mul3A_658 : i32
          %swap3A_661 = arith.index_cast %add3A_660 : i32 to index
          %swap3A_662 = tpu.vector_load %arg12[%swap3A_661] {strides = array<i32>} : memref<6144xi32, #tpu.memory_space<vmem>>, vector<16xi32>,
          tpu.vector_store %arg12[%swap3A_661], %add3A_656 {strides = array<i32>} : memref<6144xi32, #tpu.memory_space<vmem>>, vector<16xi32>,
          %add3A_663 = arith.constant 262144 : i32
          %add3A_664 = vector.broadcast %add3A_663 : i32 to vector<16xi32>
          %add3A_665 = arith.addi %get3A_650, %add3A_664 : vector<16xi32>
          %mul3A_666 = arith.constant 16 : i32
          %mul3A_667 = arith.muli %scan3A_647, %mul3A_666 : i32
          %add3A_668 = arith.constant 4096 : i32
          %add3A_669 = arith.addi %add3A_668, %mul3A_667 : i32
          %swap3A_670 = arith.index_cast %add3A_669 : i32 to index
          %swap3A_671 = tpu.vector_load %arg12[%swap3A_670] {strides = array<i32>} : memref<6144xi32, #tpu.memory_space<vmem>>, vector<16xi32>,
          tpu.vector_store %arg12[%swap3A_670], %add3A_665 {strides = array<i32>} : memref<6144xi32, #tpu.memory_space<vmem>>, vector<16xi32>,
          %swap3A_672 = arith.index_cast %mul3A_649 : i32 to index
          %swap3A_673 = tpu.vector_load %arg14[%swap3A_672] {strides = array<i32>} : memref<6144xi32, #tpu.memory_space<vmem>>, vector<16xi32>,
          tpu.vector_store %arg14[%swap3A_672], %get3A_652 {strides = array<i32>} : memref<6144xi32, #tpu.memory_space<vmem>>, vector<16xi32>,
          %add3A_674 = arith.constant 131072 : i32
          %add3A_675 = vector.broadcast %add3A_674 : i32 to vector<16xi32>
          %add3A_676 = arith.addi %get3A_652, %add3A_675 : vector<16xi32>
          %mul3A_677 = arith.constant 16 : i32
          %mul3A_678 = arith.muli %scan3A_647, %mul3A_677 : i32
          %add3A_679 = arith.constant 2048 : i32
          %add3A_680 = arith.addi %add3A_679, %mul3A_678 : i32
          %swap3A_681 = arith.index_cast %add3A_680 : i32 to index
          %swap3A_682 = tpu.vector_load %arg14[%swap3A_681] {strides = array<i32>} : memref<6144xi32, #tpu.memory_space<vmem>>, vector<16xi32>,
          tpu.vector_store %arg14[%swap3A_681], %add3A_676 {strides = array<i32>} : memref<6144xi32, #tpu.memory_space<vmem>>, vector<16xi32>,
          %add3A_683 = arith.constant 262144 : i32
          %add3A_684 = vector.broadcast %add3A_683 : i32 to vector<16xi32>
          %add3A_685 = arith.addi %get3A_652, %add3A_684 : vector<16xi32>
          %mul3A_686 = arith.constant 16 : i32
          %mul3A_687 = arith.muli %scan3A_647, %mul3A_686 : i32
          %add3A_688 = arith.constant 4096 : i32
          %add3A_689 = arith.addi %add3A_688, %mul3A_687 : i32
          %swap3A_690 = arith.index_cast %add3A_689 : i32 to index
          %swap3A_691 = tpu.vector_load %arg14[%swap3A_690] {strides = array<i32>} : memref<6144xi32, #tpu.memory_space<vmem>>, vector<16xi32>,
          tpu.vector_store %arg14[%swap3A_690], %add3A_685 {strides = array<i32>} : memref<6144xi32, #tpu.memory_space<vmem>>, vector<16xi32>,
        }
        %scan3A_208 = arith.constant 128 : i32
        %dma_start3A_209 = arith.constant 0 : i32
        %dma_start3A_210 = tpu.memref_slice %arg16[%dma_start3A_209] : memref<6144xf32, #tpu.memory_space<vmem>> -> memref<512xf32, #tpu.memory_space<vmem>>
        %dma_start3A_211 = arith.constant 0 : i32
        %dma_start3A_212 = tpu.memref_slice %arg12[%dma_start3A_211] : memref<6144xi32, #tpu.memory_space<vmem>> -> memref<512xi32, #tpu.memory_space<vmem>>
        %dma_start3A_213 = arith.constant 0 : i32
        %dma_start3A_214 = tpu.memref_slice %arg23[%dma_start3A_213] : memref<393216xf32, #tpu.memory_space<vmem_shared>> -> memref<393216xf32, #tpu.memory_space<vmem_shared>>
        tpu.enqueue_indirect_dma source(%dma_start3A_214 : memref<393216xf32, #tpu.memory_space<vmem_shared>>) target(%dma_start3A_210 : memref<512xf32, #tpu.memory_space<vmem>>) offsets(%dma_start3A_212 : memref<512xi32, #tpu.memory_space<vmem>>) semaphore(%arg25 : memref<!tpu.dma_semaphore, #tpu.memory_space<semaphore_mem>>)
        %dma_start3A_215 = arith.constant 0 : i32
        %dma_start3A_216 = tpu.memref_slice %arg17[%dma_start3A_215] : memref<6144xf32, #tpu.memory_space<vmem>> -> memref<512xf32, #tpu.memory_space<vmem>>
        %dma_start3A_217 = arith.constant 0 : i32
        %dma_start3A_218 = tpu.memref_slice %arg14[%dma_start3A_217] : memref<6144xi32, #tpu.memory_space<vmem>> -> memref<512xi32, #tpu.memory_space<vmem>>
        %dma_start3A_219 = arith.constant 0 : i32
        %dma_start3A_220 = tpu.memref_slice %arg23[%dma_start3A_219] : memref<393216xf32, #tpu.memory_space<vmem_shared>> -> memref<393216xf32, #tpu.memory_space<vmem_shared>>
        tpu.enqueue_indirect_dma source(%dma_start3A_220 : memref<393216xf32, #tpu.memory_space<vmem_shared>>) target(%dma_start3A_216 : memref<512xf32, #tpu.memory_space<vmem>>) offsets(%dma_start3A_218 : memref<512xi32, #tpu.memory_space<vmem>>) semaphore(%arg25 : memref<!tpu.dma_semaphore, #tpu.memory_space<semaphore_mem>>)
        %dma_start3A_221 = arith.constant 512 : i32
        %dma_start3A_222 = tpu.memref_slice %arg16[%dma_start3A_221] : memref<6144xf32, #tpu.memory_space<vmem>> -> memref<512xf32, #tpu.memory_space<vmem>>
        %dma_start3A_223 = arith.constant 512 : i32
        %dma_start3A_224 = tpu.memref_slice %arg12[%dma_start3A_223] : memref<6144xi32, #tpu.memory_space<vmem>> -> memref<512xi32, #tpu.memory_space<vmem>>
        %dma_start3A_225 = arith.constant 0 : i32
        %dma_start3A_226 = tpu.memref_slice %arg23[%dma_start3A_225] : memref<393216xf32, #tpu.memory_space<vmem_shared>> -> memref<393216xf32, #tpu.memory_space<vmem_shared>>
        tpu.enqueue_indirect_dma source(%dma_start3A_226 : memref<393216xf32, #tpu.memory_space<vmem_shared>>) target(%dma_start3A_222 : memref<512xf32, #tpu.memory_space<vmem>>) offsets(%dma_start3A_224 : memref<512xi32, #tpu.memory_space<vmem>>) semaphore(%arg25 : memref<!tpu.dma_semaphore, #tpu.memory_space<semaphore_mem>>)
        %dma_start3A_227 = arith.constant 512 : i32
        %dma_start3A_228 = tpu.memref_slice %arg17[%dma_start3A_227] : memref<6144xf32, #tpu.memory_space<vmem>> -> memref<512xf32, #tpu.memory_space<vmem>>
        %dma_start3A_229 = arith.constant 512 : i32
        %dma_start3A_230 = tpu.memref_slice %arg14[%dma_start3A_229] : memref<6144xi32, #tpu.memory_space<vmem>> -> memref<512xi32, #tpu.memory_space<vmem>>
        %dma_start3A_231 = arith.constant 0 : i32
        %dma_start3A_232 = tpu.memref_slice %arg23[%dma_start3A_231] : memref<393216xf32, #tpu.memory_space<vmem_shared>> -> memref<393216xf32, #tpu.memory_space<vmem_shared>>
        tpu.enqueue_indirect_dma source(%dma_start3A_232 : memref<393216xf32, #tpu.memory_space<vmem_shared>>) target(%dma_start3A_228 : memref<512xf32, #tpu.memory_space<vmem>>) offsets(%dma_start3A_230 : memref<512xi32, #tpu.memory_space<vmem>>) semaphore(%arg25 : memref<!tpu.dma_semaphore, #tpu.memory_space<semaphore_mem>>)
        %dma_start3A_233 = arith.constant 1024 : i32
        %dma_start3A_234 = tpu.memref_slice %arg16[%dma_start3A_233] : memref<6144xf32, #tpu.memory_space<vmem>> -> memref<512xf32, #tpu.memory_space<vmem>>
        %dma_start3A_235 = arith.constant 1024 : i32
        %dma_start3A_236 = tpu.memref_slice %arg12[%dma_start3A_235] : memref<6144xi32, #tpu.memory_space<vmem>> -> memref<512xi32, #tpu.memory_space<vmem>>
        %dma_start3A_237 = arith.constant 0 : i32
        %dma_start3A_238 = tpu.memref_slice %arg23[%dma_start3A_237] : memref<393216xf32, #tpu.memory_space<vmem_shared>> -> memref<393216xf32, #tpu.memory_space<vmem_shared>>
        tpu.enqueue_indirect_dma source(%dma_start3A_238 : memref<393216xf32, #tpu.memory_space<vmem_shared>>) target(%dma_start3A_234 : memref<512xf32, #tpu.memory_space<vmem>>) offsets(%dma_start3A_236 : memref<512xi32, #tpu.memory_space<vmem>>) semaphore(%arg25 : memref<!tpu.dma_semaphore, #tpu.memory_space<semaphore_mem>>)
        %dma_start3A_239 = arith.constant 1024 : i32
        %dma_start3A_240 = tpu.memref_slice %arg17[%dma_start3A_239] : memref<6144xf32, #tpu.memory_space<vmem>> -> memref<512xf32, #tpu.memory_space<vmem>>
        %dma_start3A_241 = arith.constant 1024 : i32
        %dma_start3A_242 = tpu.memref_slice %arg14[%dma_start3A_241] : memref<6144xi32, #tpu.memory_space<vmem>> -> memref<512xi32, #tpu.memory_space<vmem>>
        %dma_start3A_243 = arith.constant 0 : i32
        %dma_start3A_244 = tpu.memref_slice %arg23[%dma_start3A_243] : memref<393216xf32, #tpu.memory_space<vmem_shared>> -> memref<393216xf32, #tpu.memory_space<vmem_shared>>
        tpu.enqueue_indirect_dma source(%dma_start3A_244 : memref<393216xf32, #tpu.memory_space<vmem_shared>>) target(%dma_start3A_240 : memref<512xf32, #tpu.memory_space<vmem>>) offsets(%dma_start3A_242 : memref<512xi32, #tpu.memory_space<vmem>>) semaphore(%arg25 : memref<!tpu.dma_semaphore, #tpu.memory_space<semaphore_mem>>)
        %dma_start3A_245 = arith.constant 1536 : i32
        %dma_start3A_246 = tpu.memref_slice %arg16[%dma_start3A_245] : memref<6144xf32, #tpu.memory_space<vmem>> -> memref<512xf32, #tpu.memory_space<vmem>>
        %dma_start3A_247 = arith.constant 1536 : i32
        %dma_start3A_248 = tpu.memref_slice %arg12[%dma_start3A_247] : memref<6144xi32, #tpu.memory_space<vmem>> -> memref<512xi32, #tpu.memory_space<vmem>>
        %dma_start3A_249 = arith.constant 0 : i32
        %dma_start3A_250 = tpu.memref_slice %arg23[%dma_start3A_249] : memref<393216xf32, #tpu.memory_space<vmem_shared>> -> memref<393216xf32, #tpu.memory_space<vmem_shared>>
        tpu.enqueue_indirect_dma source(%dma_start3A_250 : memref<393216xf32, #tpu.memory_space<vmem_shared>>) target(%dma_start3A_246 : memref<512xf32, #tpu.memory_space<vmem>>) offsets(%dma_start3A_248 : memref<512xi32, #tpu.memory_space<vmem>>) semaphore(%arg25 : memref<!tpu.dma_semaphore, #tpu.memory_space<semaphore_mem>>)
        %dma_start3A_251 = arith.constant 1536 : i32
        %dma_start3A_252 = tpu.memref_slice %arg17[%dma_start3A_251] : memref<6144xf32, #tpu.memory_space<vmem>> -> memref<512xf32, #tpu.memory_space<vmem>>
        %dma_start3A_253 = arith.constant 1536 : i32
        %dma_start3A_254 = tpu.memref_slice %arg14[%dma_start3A_253] : memref<6144xi32, #tpu.memory_space<vmem>> -> memref<512xi32, #tpu.memory_space<vmem>>
        %dma_start3A_255 = arith.constant 0 : i32
        %dma_start3A_256 = tpu.memref_slice %arg23[%dma_start3A_255] : memref<393216xf32, #tpu.memory_space<vmem_shared>> -> memref<393216xf32, #tpu.memory_space<vmem_shared>>
        tpu.enqueue_indirect_dma source(%dma_start3A_256 : memref<393216xf32, #tpu.memory_space<vmem_shared>>) target(%dma_start3A_252 : memref<512xf32, #tpu.memory_space<vmem>>) offsets(%dma_start3A_254 : memref<512xi32, #tpu.memory_space<vmem>>) semaphore(%arg25 : memref<!tpu.dma_semaphore, #tpu.memory_space<semaphore_mem>>)
        %dma_start3A_257 = arith.constant 2048 : i32
        %dma_start3A_258 = tpu.memref_slice %arg16[%dma_start3A_257] : memref<6144xf32, #tpu.memory_space<vmem>> -> memref<512xf32, #tpu.memory_space<vmem>>
        %dma_start3A_259 = arith.constant 2048 : i32
        %dma_start3A_260 = tpu.memref_slice %arg12[%dma_start3A_259] : memref<6144xi32, #tpu.memory_space<vmem>> -> memref<512xi32, #tpu.memory_space<vmem>>
        %dma_start3A_261 = arith.constant 0 : i32
        %dma_start3A_262 = tpu.memref_slice %arg23[%dma_start3A_261] : memref<393216xf32, #tpu.memory_space<vmem_shared>> -> memref<393216xf32, #tpu.memory_space<vmem_shared>>
        tpu.enqueue_indirect_dma source(%dma_start3A_262 : memref<393216xf32, #tpu.memory_space<vmem_shared>>) target(%dma_start3A_258 : memref<512xf32, #tpu.memory_space<vmem>>) offsets(%dma_start3A_260 : memref<512xi32, #tpu.memory_space<vmem>>) semaphore(%arg25 : memref<!tpu.dma_semaphore, #tpu.memory_space<semaphore_mem>>)
        %dma_start3A_263 = arith.constant 2048 : i32
        %dma_start3A_264 = tpu.memref_slice %arg17[%dma_start3A_263] : memref<6144xf32, #tpu.memory_space<vmem>> -> memref<512xf32, #tpu.memory_space<vmem>>
        %dma_start3A_265 = arith.constant 2048 : i32
        %dma_start3A_266 = tpu.memref_slice %arg14[%dma_start3A_265] : memref<6144xi32, #tpu.memory_space<vmem>> -> memref<512xi32, #tpu.memory_space<vmem>>
        %dma_start3A_267 = arith.constant 0 : i32
        %dma_start3A_268 = tpu.memref_slice %arg23[%dma_start3A_267] : memref<393216xf32, #tpu.memory_space<vmem_shared>> -> memref<393216xf32, #tpu.memory_space<vmem_shared>>
        tpu.enqueue_indirect_dma source(%dma_start3A_268 : memref<393216xf32, #tpu.memory_space<vmem_shared>>) target(%dma_start3A_264 : memref<512xf32, #tpu.memory_space<vmem>>) offsets(%dma_start3A_266 : memref<512xi32, #tpu.memory_space<vmem>>) semaphore(%arg25 : memref<!tpu.dma_semaphore, #tpu.memory_space<semaphore_mem>>)
        %dma_start3A_269 = arith.constant 2560 : i32
        %dma_start3A_270 = tpu.memref_slice %arg16[%dma_start3A_269] : memref<6144xf32, #tpu.memory_space<vmem>> -> memref<512xf32, #tpu.memory_space<vmem>>
        %dma_start3A_271 = arith.constant 2560 : i32
        %dma_start3A_272 = tpu.memref_slice %arg12[%dma_start3A_271] : memref<6144xi32, #tpu.memory_space<vmem>> -> memref<512xi32, #tpu.memory_space<vmem>>
        %dma_start3A_273 = arith.constant 0 : i32
        %dma_start3A_274 = tpu.memref_slice %arg23[%dma_start3A_273] : memref<393216xf32, #tpu.memory_space<vmem_shared>> -> memref<393216xf32, #tpu.memory_space<vmem_shared>>
        tpu.enqueue_indirect_dma source(%dma_start3A_274 : memref<393216xf32, #tpu.memory_space<vmem_shared>>) target(%dma_start3A_270 : memref<512xf32, #tpu.memory_space<vmem>>) offsets(%dma_start3A_272 : memref<512xi32, #tpu.memory_space<vmem>>) semaphore(%arg25 : memref<!tpu.dma_semaphore, #tpu.memory_space<semaphore_mem>>)
        %dma_start3A_275 = arith.constant 2560 : i32
        %dma_start3A_276 = tpu.memref_slice %arg17[%dma_start3A_275] : memref<6144xf32, #tpu.memory_space<vmem>> -> memref<512xf32, #tpu.memory_space<vmem>>
        %dma_start3A_277 = arith.constant 2560 : i32
        %dma_start3A_278 = tpu.memref_slice %arg14[%dma_start3A_277] : memref<6144xi32, #tpu.memory_space<vmem>> -> memref<512xi32, #tpu.memory_space<vmem>>
        %dma_start3A_279 = arith.constant 0 : i32
        %dma_start3A_280 = tpu.memref_slice %arg23[%dma_start3A_279] : memref<393216xf32, #tpu.memory_space<vmem_shared>> -> memref<393216xf32, #tpu.memory_space<vmem_shared>>
        tpu.enqueue_indirect_dma source(%dma_start3A_280 : memref<393216xf32, #tpu.memory_space<vmem_shared>>) target(%dma_start3A_276 : memref<512xf32, #tpu.memory_space<vmem>>) offsets(%dma_start3A_278 : memref<512xi32, #tpu.memory_space<vmem>>) semaphore(%arg25 : memref<!tpu.dma_semaphore, #tpu.memory_space<semaphore_mem>>)
        %dma_start3A_281 = arith.constant 3072 : i32
        %dma_start3A_282 = tpu.memref_slice %arg16[%dma_start3A_281] : memref<6144xf32, #tpu.memory_space<vmem>> -> memref<512xf32, #tpu.memory_space<vmem>>
        %dma_start3A_283 = arith.constant 3072 : i32
        %dma_start3A_284 = tpu.memref_slice %arg12[%dma_start3A_283] : memref<6144xi32, #tpu.memory_space<vmem>> -> memref<512xi32, #tpu.memory_space<vmem>>
        %dma_start3A_285 = arith.constant 0 : i32
        %dma_start3A_286 = tpu.memref_slice %arg23[%dma_start3A_285] : memref<393216xf32, #tpu.memory_space<vmem_shared>> -> memref<393216xf32, #tpu.memory_space<vmem_shared>>
        tpu.enqueue_indirect_dma source(%dma_start3A_286 : memref<393216xf32, #tpu.memory_space<vmem_shared>>) target(%dma_start3A_282 : memref<512xf32, #tpu.memory_space<vmem>>) offsets(%dma_start3A_284 : memref<512xi32, #tpu.memory_space<vmem>>) semaphore(%arg25 : memref<!tpu.dma_semaphore, #tpu.memory_space<semaphore_mem>>)
        %dma_start3A_287 = arith.constant 3072 : i32
        %dma_start3A_288 = tpu.memref_slice %arg17[%dma_start3A_287] : memref<6144xf32, #tpu.memory_space<vmem>> -> memref<512xf32, #tpu.memory_space<vmem>>
        %dma_start3A_289 = arith.constant 3072 : i32
        %dma_start3A_290 = tpu.memref_slice %arg14[%dma_start3A_289] : memref<6144xi32, #tpu.memory_space<vmem>> -> memref<512xi32, #tpu.memory_space<vmem>>
        %dma_start3A_291 = arith.constant 0 : i32
        %dma_start3A_292 = tpu.memref_slice %arg23[%dma_start3A_291] : memref<393216xf32, #tpu.memory_space<vmem_shared>> -> memref<393216xf32, #tpu.memory_space<vmem_shared>>
        tpu.enqueue_indirect_dma source(%dma_start3A_292 : memref<393216xf32, #tpu.memory_space<vmem_shared>>) target(%dma_start3A_288 : memref<512xf32, #tpu.memory_space<vmem>>) offsets(%dma_start3A_290 : memref<512xi32, #tpu.memory_space<vmem>>) semaphore(%arg25 : memref<!tpu.dma_semaphore, #tpu.memory_space<semaphore_mem>>)
        %dma_start3A_293 = arith.constant 3584 : i32
        %dma_start3A_294 = tpu.memref_slice %arg16[%dma_start3A_293] : memref<6144xf32, #tpu.memory_space<vmem>> -> memref<512xf32, #tpu.memory_space<vmem>>
        %dma_start3A_295 = arith.constant 3584 : i32
        %dma_start3A_296 = tpu.memref_slice %arg12[%dma_start3A_295] : memref<6144xi32, #tpu.memory_space<vmem>> -> memref<512xi32, #tpu.memory_space<vmem>>
        %dma_start3A_297 = arith.constant 0 : i32
        %dma_start3A_298 = tpu.memref_slice %arg23[%dma_start3A_297] : memref<393216xf32, #tpu.memory_space<vmem_shared>> -> memref<393216xf32, #tpu.memory_space<vmem_shared>>
        tpu.enqueue_indirect_dma source(%dma_start3A_298 : memref<393216xf32, #tpu.memory_space<vmem_shared>>) target(%dma_start3A_294 : memref<512xf32, #tpu.memory_space<vmem>>) offsets(%dma_start3A_296 : memref<512xi32, #tpu.memory_space<vmem>>) semaphore(%arg25 : memref<!tpu.dma_semaphore, #tpu.memory_space<semaphore_mem>>)
        %dma_start3A_299 = arith.constant 3584 : i32
        %dma_start3A_300 = tpu.memref_slice %arg17[%dma_start3A_299] : memref<6144xf32, #tpu.memory_space<vmem>> -> memref<512xf32, #tpu.memory_space<vmem>>
        %dma_start3A_301 = arith.constant 3584 : i32
        %dma_start3A_302 = tpu.memref_slice %arg14[%dma_start3A_301] : memref<6144xi32, #tpu.memory_space<vmem>> -> memref<512xi32, #tpu.memory_space<vmem>>
        %dma_start3A_303 = arith.constant 0 : i32
        %dma_start3A_304 = tpu.memref_slice %arg23[%dma_start3A_303] : memref<393216xf32, #tpu.memory_space<vmem_shared>> -> memref<393216xf32, #tpu.memory_space<vmem_shared>>
        tpu.enqueue_indirect_dma source(%dma_start3A_304 : memref<393216xf32, #tpu.memory_space<vmem_shared>>) target(%dma_start3A_300 : memref<512xf32, #tpu.memory_space<vmem>>) offsets(%dma_start3A_302 : memref<512xi32, #tpu.memory_space<vmem>>) semaphore(%arg25 : memref<!tpu.dma_semaphore, #tpu.memory_space<semaphore_mem>>)
        %dma_start3A_305 = arith.constant 4096 : i32
        %dma_start3A_306 = tpu.memref_slice %arg16[%dma_start3A_305] : memref<6144xf32, #tpu.memory_space<vmem>> -> memref<512xf32, #tpu.memory_space<vmem>>
        %dma_start3A_307 = arith.constant 4096 : i32
        %dma_start3A_308 = tpu.memref_slice %arg12[%dma_start3A_307] : memref<6144xi32, #tpu.memory_space<vmem>> -> memref<512xi32, #tpu.memory_space<vmem>>
        %dma_start3A_309 = arith.constant 0 : i32
        %dma_start3A_310 = tpu.memref_slice %arg23[%dma_start3A_309] : memref<393216xf32, #tpu.memory_space<vmem_shared>> -> memref<393216xf32, #tpu.memory_space<vmem_shared>>
        tpu.enqueue_indirect_dma source(%dma_start3A_310 : memref<393216xf32, #tpu.memory_space<vmem_shared>>) target(%dma_start3A_306 : memref<512xf32, #tpu.memory_space<vmem>>) offsets(%dma_start3A_308 : memref<512xi32, #tpu.memory_space<vmem>>) semaphore(%arg25 : memref<!tpu.dma_semaphore, #tpu.memory_space<semaphore_mem>>)
        %dma_start3A_311 = arith.constant 4096 : i32
        %dma_start3A_312 = tpu.memref_slice %arg17[%dma_start3A_311] : memref<6144xf32, #tpu.memory_space<vmem>> -> memref<512xf32, #tpu.memory_space<vmem>>
        %dma_start3A_313 = arith.constant 4096 : i32
        %dma_start3A_314 = tpu.memref_slice %arg14[%dma_start3A_313] : memref<6144xi32, #tpu.memory_space<vmem>> -> memref<512xi32, #tpu.memory_space<vmem>>
        %dma_start3A_315 = arith.constant 0 : i32
        %dma_start3A_316 = tpu.memref_slice %arg23[%dma_start3A_315] : memref<393216xf32, #tpu.memory_space<vmem_shared>> -> memref<393216xf32, #tpu.memory_space<vmem_shared>>
        tpu.enqueue_indirect_dma source(%dma_start3A_316 : memref<393216xf32, #tpu.memory_space<vmem_shared>>) target(%dma_start3A_312 : memref<512xf32, #tpu.memory_space<vmem>>) offsets(%dma_start3A_314 : memref<512xi32, #tpu.memory_space<vmem>>) semaphore(%arg25 : memref<!tpu.dma_semaphore, #tpu.memory_space<semaphore_mem>>)
        %dma_start3A_317 = arith.constant 4608 : i32
        %dma_start3A_318 = tpu.memref_slice %arg16[%dma_start3A_317] : memref<6144xf32, #tpu.memory_space<vmem>> -> memref<512xf32, #tpu.memory_space<vmem>>
        %dma_start3A_319 = arith.constant 4608 : i32
        %dma_start3A_320 = tpu.memref_slice %arg12[%dma_start3A_319] : memref<6144xi32, #tpu.memory_space<vmem>> -> memref<512xi32, #tpu.memory_space<vmem>>
        %dma_start3A_321 = arith.constant 0 : i32
        %dma_start3A_322 = tpu.memref_slice %arg23[%dma_start3A_321] : memref<393216xf32, #tpu.memory_space<vmem_shared>> -> memref<393216xf32, #tpu.memory_space<vmem_shared>>
        tpu.enqueue_indirect_dma source(%dma_start3A_322 : memref<393216xf32, #tpu.memory_space<vmem_shared>>) target(%dma_start3A_318 : memref<512xf32, #tpu.memory_space<vmem>>) offsets(%dma_start3A_320 : memref<512xi32, #tpu.memory_space<vmem>>) semaphore(%arg25 : memref<!tpu.dma_semaphore, #tpu.memory_space<semaphore_mem>>)
        %dma_start3A_323 = arith.constant 4608 : i32
        %dma_start3A_324 = tpu.memref_slice %arg17[%dma_start3A_323] : memref<6144xf32, #tpu.memory_space<vmem>> -> memref<512xf32, #tpu.memory_space<vmem>>
        %dma_start3A_325 = arith.constant 4608 : i32
        %dma_start3A_326 = tpu.memref_slice %arg14[%dma_start3A_325] : memref<6144xi32, #tpu.memory_space<vmem>> -> memref<512xi32, #tpu.memory_space<vmem>>
        %dma_start3A_327 = arith.constant 0 : i32
        %dma_start3A_328 = tpu.memref_slice %arg23[%dma_start3A_327] : memref<393216xf32, #tpu.memory_space<vmem_shared>> -> memref<393216xf32, #tpu.memory_space<vmem_shared>>
        tpu.enqueue_indirect_dma source(%dma_start3A_328 : memref<393216xf32, #tpu.memory_space<vmem_shared>>) target(%dma_start3A_324 : memref<512xf32, #tpu.memory_space<vmem>>) offsets(%dma_start3A_326 : memref<512xi32, #tpu.memory_space<vmem>>) semaphore(%arg25 : memref<!tpu.dma_semaphore, #tpu.memory_space<semaphore_mem>>)
        %dma_start3A_329 = arith.constant 5120 : i32
        %dma_start3A_330 = tpu.memref_slice %arg16[%dma_start3A_329] : memref<6144xf32, #tpu.memory_space<vmem>> -> memref<512xf32, #tpu.memory_space<vmem>>
        %dma_start3A_331 = arith.constant 5120 : i32
        %dma_start3A_332 = tpu.memref_slice %arg12[%dma_start3A_331] : memref<6144xi32, #tpu.memory_space<vmem>> -> memref<512xi32, #tpu.memory_space<vmem>>
        %dma_start3A_333 = arith.constant 0 : i32
        %dma_start3A_334 = tpu.memref_slice %arg23[%dma_start3A_333] : memref<393216xf32, #tpu.memory_space<vmem_shared>> -> memref<393216xf32, #tpu.memory_space<vmem_shared>>
        tpu.enqueue_indirect_dma source(%dma_start3A_334 : memref<393216xf32, #tpu.memory_space<vmem_shared>>) target(%dma_start3A_330 : memref<512xf32, #tpu.memory_space<vmem>>) offsets(%dma_start3A_332 : memref<512xi32, #tpu.memory_space<vmem>>) semaphore(%arg25 : memref<!tpu.dma_semaphore, #tpu.memory_space<semaphore_mem>>)
        %dma_start3A_335 = arith.constant 5120 : i32
        %dma_start3A_336 = tpu.memref_slice %arg17[%dma_start3A_335] : memref<6144xf32, #tpu.memory_space<vmem>> -> memref<512xf32, #tpu.memory_space<vmem>>
        %dma_start3A_337 = arith.constant 5120 : i32
        %dma_start3A_338 = tpu.memref_slice %arg14[%dma_start3A_337] : memref<6144xi32, #tpu.memory_space<vmem>> -> memref<512xi32, #tpu.memory_space<vmem>>
        %dma_start3A_339 = arith.constant 0 : i32
        %dma_start3A_340 = tpu.memref_slice %arg23[%dma_start3A_339] : memref<393216xf32, #tpu.memory_space<vmem_shared>> -> memref<393216xf32, #tpu.memory_space<vmem_shared>>
        tpu.enqueue_indirect_dma source(%dma_start3A_340 : memref<393216xf32, #tpu.memory_space<vmem_shared>>) target(%dma_start3A_336 : memref<512xf32, #tpu.memory_space<vmem>>) offsets(%dma_start3A_338 : memref<512xi32, #tpu.memory_space<vmem>>) semaphore(%arg25 : memref<!tpu.dma_semaphore, #tpu.memory_space<semaphore_mem>>)
        %dma_start3A_341 = arith.constant 5632 : i32
        %dma_start3A_342 = tpu.memref_slice %arg16[%dma_start3A_341] : memref<6144xf32, #tpu.memory_space<vmem>> -> memref<512xf32, #tpu.memory_space<vmem>>
        %dma_start3A_343 = arith.constant 5632 : i32
        %dma_start3A_344 = tpu.memref_slice %arg12[%dma_start3A_343] : memref<6144xi32, #tpu.memory_space<vmem>> -> memref<512xi32, #tpu.memory_space<vmem>>
        %dma_start3A_345 = arith.constant 0 : i32
        %dma_start3A_346 = tpu.memref_slice %arg23[%dma_start3A_345] : memref<393216xf32, #tpu.memory_space<vmem_shared>> -> memref<393216xf32, #tpu.memory_space<vmem_shared>>
        tpu.enqueue_indirect_dma source(%dma_start3A_346 : memref<393216xf32, #tpu.memory_space<vmem_shared>>) target(%dma_start3A_342 : memref<512xf32, #tpu.memory_space<vmem>>) offsets(%dma_start3A_344 : memref<512xi32, #tpu.memory_space<vmem>>) semaphore(%arg25 : memref<!tpu.dma_semaphore, #tpu.memory_space<semaphore_mem>>)
        %dma_start3A_347 = arith.constant 5632 : i32
        %dma_start3A_348 = tpu.memref_slice %arg17[%dma_start3A_347] : memref<6144xf32, #tpu.memory_space<vmem>> -> memref<512xf32, #tpu.memory_space<vmem>>
        %dma_start3A_349 = arith.constant 5632 : i32
        %dma_start3A_350 = tpu.memref_slice %arg14[%dma_start3A_349] : memref<6144xi32, #tpu.memory_space<vmem>> -> memref<512xi32, #tpu.memory_space<vmem>>
        %dma_start3A_351 = arith.constant 0 : i32
        %dma_start3A_352 = tpu.memref_slice %arg23[%dma_start3A_351] : memref<393216xf32, #tpu.memory_space<vmem_shared>> -> memref<393216xf32, #tpu.memory_space<vmem_shared>>
        tpu.enqueue_indirect_dma source(%dma_start3A_352 : memref<393216xf32, #tpu.memory_space<vmem_shared>>) target(%dma_start3A_348 : memref<512xf32, #tpu.memory_space<vmem>>) offsets(%dma_start3A_350 : memref<512xi32, #tpu.memory_space<vmem>>) semaphore(%arg25 : memref<!tpu.dma_semaphore, #tpu.memory_space<semaphore_mem>>)
        %dma_wait3A_353 = arith.constant 0 : i32
        %dma_wait3A_354 = tpu.memref_slice %arg16[%dma_wait3A_353] : memref<6144xf32, #tpu.memory_space<vmem>> -> memref<512xf32, #tpu.memory_space<vmem>>
        %dma_wait3A_355 = arith.constant 0 : i32
        %dma_wait3A_356 = tpu.memref_slice %arg12[%dma_wait3A_355] : memref<6144xi32, #tpu.memory_space<vmem>> -> memref<512xi32, #tpu.memory_space<vmem>>
        %dma_wait3A_357 = arith.constant 0 : i32
        %dma_wait3A_358 = tpu.memref_slice %arg23[%dma_wait3A_357] : memref<393216xf32, #tpu.memory_space<vmem_shared>> -> memref<393216xf32, #tpu.memory_space<vmem_shared>>
        tpu.wait_indirect_dma semaphore(%arg25 : memref<!tpu.dma_semaphore, #tpu.memory_space<semaphore_mem>>) src(%dma_wait3A_358 : memref<393216xf32, #tpu.memory_space<vmem_shared>>) dst(%dma_wait3A_354 : memref<512xf32, #tpu.memory_space<vmem>>)
        %dma_wait3A_359 = arith.constant 0 : i32
        %dma_wait3A_360 = tpu.memref_slice %arg17[%dma_wait3A_359] : memref<6144xf32, #tpu.memory_space<vmem>> -> memref<512xf32, #tpu.memory_space<vmem>>
        %dma_wait3A_361 = arith.constant 0 : i32
        %dma_wait3A_362 = tpu.memref_slice %arg14[%dma_wait3A_361] : memref<6144xi32, #tpu.memory_space<vmem>> -> memref<512xi32, #tpu.memory_space<vmem>>
        %dma_wait3A_363 = arith.constant 0 : i32
        %dma_wait3A_364 = tpu.memref_slice %arg23[%dma_wait3A_363] : memref<393216xf32, #tpu.memory_space<vmem_shared>> -> memref<393216xf32, #tpu.memory_space<vmem_shared>>
        tpu.wait_indirect_dma semaphore(%arg25 : memref<!tpu.dma_semaphore, #tpu.memory_space<semaphore_mem>>) src(%dma_wait3A_364 : memref<393216xf32, #tpu.memory_space<vmem_shared>>) dst(%dma_wait3A_360 : memref<512xf32, #tpu.memory_space<vmem>>)
        %dma_wait3A_365 = arith.constant 512 : i32
        %dma_wait3A_366 = tpu.memref_slice %arg16[%dma_wait3A_365] : memref<6144xf32, #tpu.memory_space<vmem>> -> memref<512xf32, #tpu.memory_space<vmem>>
        %dma_wait3A_367 = arith.constant 512 : i32
        %dma_wait3A_368 = tpu.memref_slice %arg12[%dma_wait3A_367] : memref<6144xi32, #tpu.memory_space<vmem>> -> memref<512xi32, #tpu.memory_space<vmem>>
        %dma_wait3A_369 = arith.constant 0 : i32
        %dma_wait3A_370 = tpu.memref_slice %arg23[%dma_wait3A_369] : memref<393216xf32, #tpu.memory_space<vmem_shared>> -> memref<393216xf32, #tpu.memory_space<vmem_shared>>
        tpu.wait_indirect_dma semaphore(%arg25 : memref<!tpu.dma_semaphore, #tpu.memory_space<semaphore_mem>>) src(%dma_wait3A_370 : memref<393216xf32, #tpu.memory_space<vmem_shared>>) dst(%dma_wait3A_366 : memref<512xf32, #tpu.memory_space<vmem>>)
        %dma_wait3A_371 = arith.constant 512 : i32
        %dma_wait3A_372 = tpu.memref_slice %arg17[%dma_wait3A_371] : memref<6144xf32, #tpu.memory_space<vmem>> -> memref<512xf32, #tpu.memory_space<vmem>>
        %dma_wait3A_373 = arith.constant 512 : i32
        %dma_wait3A_374 = tpu.memref_slice %arg14[%dma_wait3A_373] : memref<6144xi32, #tpu.memory_space<vmem>> -> memref<512xi32, #tpu.memory_space<vmem>>
        %dma_wait3A_375 = arith.constant 0 : i32
        %dma_wait3A_376 = tpu.memref_slice %arg23[%dma_wait3A_375] : memref<393216xf32, #tpu.memory_space<vmem_shared>> -> memref<393216xf32, #tpu.memory_space<vmem_shared>>
        tpu.wait_indirect_dma semaphore(%arg25 : memref<!tpu.dma_semaphore, #tpu.memory_space<semaphore_mem>>) src(%dma_wait3A_376 : memref<393216xf32, #tpu.memory_space<vmem_shared>>) dst(%dma_wait3A_372 : memref<512xf32, #tpu.memory_space<vmem>>)
        %dma_wait3A_377 = arith.constant 1024 : i32
        %dma_wait3A_378 = tpu.memref_slice %arg16[%dma_wait3A_377] : memref<6144xf32, #tpu.memory_space<vmem>> -> memref<512xf32, #tpu.memory_space<vmem>>
        %dma_wait3A_379 = arith.constant 1024 : i32
        %dma_wait3A_380 = tpu.memref_slice %arg12[%dma_wait3A_379] : memref<6144xi32, #tpu.memory_space<vmem>> -> memref<512xi32, #tpu.memory_space<vmem>>
        %dma_wait3A_381 = arith.constant 0 : i32
        %dma_wait3A_382 = tpu.memref_slice %arg23[%dma_wait3A_381] : memref<393216xf32, #tpu.memory_space<vmem_shared>> -> memref<393216xf32, #tpu.memory_space<vmem_shared>>
        tpu.wait_indirect_dma semaphore(%arg25 : memref<!tpu.dma_semaphore, #tpu.memory_space<semaphore_mem>>) src(%dma_wait3A_382 : memref<393216xf32, #tpu.memory_space<vmem_shared>>) dst(%dma_wait3A_378 : memref<512xf32, #tpu.memory_space<vmem>>)
        %dma_wait3A_383 = arith.constant 1024 : i32
        %dma_wait3A_384 = tpu.memref_slice %arg17[%dma_wait3A_383] : memref<6144xf32, #tpu.memory_space<vmem>> -> memref<512xf32, #tpu.memory_space<vmem>>
        %dma_wait3A_385 = arith.constant 1024 : i32
        %dma_wait3A_386 = tpu.memref_slice %arg14[%dma_wait3A_385] : memref<6144xi32, #tpu.memory_space<vmem>> -> memref<512xi32, #tpu.memory_space<vmem>>
        %dma_wait3A_387 = arith.constant 0 : i32
        %dma_wait3A_388 = tpu.memref_slice %arg23[%dma_wait3A_387] : memref<393216xf32, #tpu.memory_space<vmem_shared>> -> memref<393216xf32, #tpu.memory_space<vmem_shared>>
        tpu.wait_indirect_dma semaphore(%arg25 : memref<!tpu.dma_semaphore, #tpu.memory_space<semaphore_mem>>) src(%dma_wait3A_388 : memref<393216xf32, #tpu.memory_space<vmem_shared>>) dst(%dma_wait3A_384 : memref<512xf32, #tpu.memory_space<vmem>>)
        %dma_wait3A_389 = arith.constant 1536 : i32
        %dma_wait3A_390 = tpu.memref_slice %arg16[%dma_wait3A_389] : memref<6144xf32, #tpu.memory_space<vmem>> -> memref<512xf32, #tpu.memory_space<vmem>>
        %dma_wait3A_391 = arith.constant 1536 : i32
        %dma_wait3A_392 = tpu.memref_slice %arg12[%dma_wait3A_391] : memref<6144xi32, #tpu.memory_space<vmem>> -> memref<512xi32, #tpu.memory_space<vmem>>
        %dma_wait3A_393 = arith.constant 0 : i32
        %dma_wait3A_394 = tpu.memref_slice %arg23[%dma_wait3A_393] : memref<393216xf32, #tpu.memory_space<vmem_shared>> -> memref<393216xf32, #tpu.memory_space<vmem_shared>>
        tpu.wait_indirect_dma semaphore(%arg25 : memref<!tpu.dma_semaphore, #tpu.memory_space<semaphore_mem>>) src(%dma_wait3A_394 : memref<393216xf32, #tpu.memory_space<vmem_shared>>) dst(%dma_wait3A_390 : memref<512xf32, #tpu.memory_space<vmem>>)
        %dma_wait3A_395 = arith.constant 1536 : i32
        %dma_wait3A_396 = tpu.memref_slice %arg17[%dma_wait3A_395] : memref<6144xf32, #tpu.memory_space<vmem>> -> memref<512xf32, #tpu.memory_space<vmem>>
        %dma_wait3A_397 = arith.constant 1536 : i32
        %dma_wait3A_398 = tpu.memref_slice %arg14[%dma_wait3A_397] : memref<6144xi32, #tpu.memory_space<vmem>> -> memref<512xi32, #tpu.memory_space<vmem>>
        %dma_wait3A_399 = arith.constant 0 : i32
        %dma_wait3A_400 = tpu.memref_slice %arg23[%dma_wait3A_399] : memref<393216xf32, #tpu.memory_space<vmem_shared>> -> memref<393216xf32, #tpu.memory_space<vmem_shared>>
        tpu.wait_indirect_dma semaphore(%arg25 : memref<!tpu.dma_semaphore, #tpu.memory_space<semaphore_mem>>) src(%dma_wait3A_400 : memref<393216xf32, #tpu.memory_space<vmem_shared>>) dst(%dma_wait3A_396 : memref<512xf32, #tpu.memory_space<vmem>>)
        %dma_wait3A_401 = arith.constant 2048 : i32
        %dma_wait3A_402 = tpu.memref_slice %arg16[%dma_wait3A_401] : memref<6144xf32, #tpu.memory_space<vmem>> -> memref<512xf32, #tpu.memory_space<vmem>>
        %dma_wait3A_403 = arith.constant 2048 : i32
        %dma_wait3A_404 = tpu.memref_slice %arg12[%dma_wait3A_403] : memref<6144xi32, #tpu.memory_space<vmem>> -> memref<512xi32, #tpu.memory_space<vmem>>
        %dma_wait3A_405 = arith.constant 0 : i32
        %dma_wait3A_406 = tpu.memref_slice %arg23[%dma_wait3A_405] : memref<393216xf32, #tpu.memory_space<vmem_shared>> -> memref<393216xf32, #tpu.memory_space<vmem_shared>>
        tpu.wait_indirect_dma semaphore(%arg25 : memref<!tpu.dma_semaphore, #tpu.memory_space<semaphore_mem>>) src(%dma_wait3A_406 : memref<393216xf32, #tpu.memory_space<vmem_shared>>) dst(%dma_wait3A_402 : memref<512xf32, #tpu.memory_space<vmem>>)
        %dma_wait3A_407 = arith.constant 2048 : i32
        %dma_wait3A_408 = tpu.memref_slice %arg17[%dma_wait3A_407] : memref<6144xf32, #tpu.memory_space<vmem>> -> memref<512xf32, #tpu.memory_space<vmem>>
        %dma_wait3A_409 = arith.constant 2048 : i32
        %dma_wait3A_410 = tpu.memref_slice %arg14[%dma_wait3A_409] : memref<6144xi32, #tpu.memory_space<vmem>> -> memref<512xi32, #tpu.memory_space<vmem>>
        %dma_wait3A_411 = arith.constant 0 : i32
        %dma_wait3A_412 = tpu.memref_slice %arg23[%dma_wait3A_411] : memref<393216xf32, #tpu.memory_space<vmem_shared>> -> memref<393216xf32, #tpu.memory_space<vmem_shared>>
        tpu.wait_indirect_dma semaphore(%arg25 : memref<!tpu.dma_semaphore, #tpu.memory_space<semaphore_mem>>) src(%dma_wait3A_412 : memref<393216xf32, #tpu.memory_space<vmem_shared>>) dst(%dma_wait3A_408 : memref<512xf32, #tpu.memory_space<vmem>>)
        %dma_wait3A_413 = arith.constant 2560 : i32
        %dma_wait3A_414 = tpu.memref_slice %arg16[%dma_wait3A_413] : memref<6144xf32, #tpu.memory_space<vmem>> -> memref<512xf32, #tpu.memory_space<vmem>>
        %dma_wait3A_415 = arith.constant 2560 : i32
        %dma_wait3A_416 = tpu.memref_slice %arg12[%dma_wait3A_415] : memref<6144xi32, #tpu.memory_space<vmem>> -> memref<512xi32, #tpu.memory_space<vmem>>
        %dma_wait3A_417 = arith.constant 0 : i32
        %dma_wait3A_418 = tpu.memref_slice %arg23[%dma_wait3A_417] : memref<393216xf32, #tpu.memory_space<vmem_shared>> -> memref<393216xf32, #tpu.memory_space<vmem_shared>>
        tpu.wait_indirect_dma semaphore(%arg25 : memref<!tpu.dma_semaphore, #tpu.memory_space<semaphore_mem>>) src(%dma_wait3A_418 : memref<393216xf32, #tpu.memory_space<vmem_shared>>) dst(%dma_wait3A_414 : memref<512xf32, #tpu.memory_space<vmem>>)
        %dma_wait3A_419 = arith.constant 2560 : i32
        %dma_wait3A_420 = tpu.memref_slice %arg17[%dma_wait3A_419] : memref<6144xf32, #tpu.memory_space<vmem>> -> memref<512xf32, #tpu.memory_space<vmem>>
        %dma_wait3A_421 = arith.constant 2560 : i32
        %dma_wait3A_422 = tpu.memref_slice %arg14[%dma_wait3A_421] : memref<6144xi32, #tpu.memory_space<vmem>> -> memref<512xi32, #tpu.memory_space<vmem>>
        %dma_wait3A_423 = arith.constant 0 : i32
        %dma_wait3A_424 = tpu.memref_slice %arg23[%dma_wait3A_423] : memref<393216xf32, #tpu.memory_space<vmem_shared>> -> memref<393216xf32, #tpu.memory_space<vmem_shared>>
        tpu.wait_indirect_dma semaphore(%arg25 : memref<!tpu.dma_semaphore, #tpu.memory_space<semaphore_mem>>) src(%dma_wait3A_424 : memref<393216xf32, #tpu.memory_space<vmem_shared>>) dst(%dma_wait3A_420 : memref<512xf32, #tpu.memory_space<vmem>>)
        %dma_wait3A_425 = arith.constant 3072 : i32
        %dma_wait3A_426 = tpu.memref_slice %arg16[%dma_wait3A_425] : memref<6144xf32, #tpu.memory_space<vmem>> -> memref<512xf32, #tpu.memory_space<vmem>>
        %dma_wait3A_427 = arith.constant 3072 : i32
        %dma_wait3A_428 = tpu.memref_slice %arg12[%dma_wait3A_427] : memref<6144xi32, #tpu.memory_space<vmem>> -> memref<512xi32, #tpu.memory_space<vmem>>
        %dma_wait3A_429 = arith.constant 0 : i32
        %dma_wait3A_430 = tpu.memref_slice %arg23[%dma_wait3A_429] : memref<393216xf32, #tpu.memory_space<vmem_shared>> -> memref<393216xf32, #tpu.memory_space<vmem_shared>>
        tpu.wait_indirect_dma semaphore(%arg25 : memref<!tpu.dma_semaphore, #tpu.memory_space<semaphore_mem>>) src(%dma_wait3A_430 : memref<393216xf32, #tpu.memory_space<vmem_shared>>) dst(%dma_wait3A_426 : memref<512xf32, #tpu.memory_space<vmem>>)
        %dma_wait3A_431 = arith.constant 3072 : i32
        %dma_wait3A_432 = tpu.memref_slice %arg17[%dma_wait3A_431] : memref<6144xf32, #tpu.memory_space<vmem>> -> memref<512xf32, #tpu.memory_space<vmem>>
        %dma_wait3A_433 = arith.constant 3072 : i32
        %dma_wait3A_434 = tpu.memref_slice %arg14[%dma_wait3A_433] : memref<6144xi32, #tpu.memory_space<vmem>> -> memref<512xi32, #tpu.memory_space<vmem>>
        %dma_wait3A_435 = arith.constant 0 : i32
        %dma_wait3A_436 = tpu.memref_slice %arg23[%dma_wait3A_435] : memref<393216xf32, #tpu.memory_space<vmem_shared>> -> memref<393216xf32, #tpu.memory_space<vmem_shared>>
        tpu.wait_indirect_dma semaphore(%arg25 : memref<!tpu.dma_semaphore, #tpu.memory_space<semaphore_mem>>) src(%dma_wait3A_436 : memref<393216xf32, #tpu.memory_space<vmem_shared>>) dst(%dma_wait3A_432 : memref<512xf32, #tpu.memory_space<vmem>>)
        %dma_wait3A_437 = arith.constant 3584 : i32
        %dma_wait3A_438 = tpu.memref_slice %arg16[%dma_wait3A_437] : memref<6144xf32, #tpu.memory_space<vmem>> -> memref<512xf32, #tpu.memory_space<vmem>>
        %dma_wait3A_439 = arith.constant 3584 : i32
        %dma_wait3A_440 = tpu.memref_slice %arg12[%dma_wait3A_439] : memref<6144xi32, #tpu.memory_space<vmem>> -> memref<512xi32, #tpu.memory_space<vmem>>
        %dma_wait3A_441 = arith.constant 0 : i32
        %dma_wait3A_442 = tpu.memref_slice %arg23[%dma_wait3A_441] : memref<393216xf32, #tpu.memory_space<vmem_shared>> -> memref<393216xf32, #tpu.memory_space<vmem_shared>>
        tpu.wait_indirect_dma semaphore(%arg25 : memref<!tpu.dma_semaphore, #tpu.memory_space<semaphore_mem>>) src(%dma_wait3A_442 : memref<393216xf32, #tpu.memory_space<vmem_shared>>) dst(%dma_wait3A_438 : memref<512xf32, #tpu.memory_space<vmem>>)
        %dma_wait3A_443 = arith.constant 3584 : i32
        %dma_wait3A_444 = tpu.memref_slice %arg17[%dma_wait3A_443] : memref<6144xf32, #tpu.memory_space<vmem>> -> memref<512xf32, #tpu.memory_space<vmem>>
        %dma_wait3A_445 = arith.constant 3584 : i32
        %dma_wait3A_446 = tpu.memref_slice %arg14[%dma_wait3A_445] : memref<6144xi32, #tpu.memory_space<vmem>> -> memref<512xi32, #tpu.memory_space<vmem>>
        %dma_wait3A_447 = arith.constant 0 : i32
        %dma_wait3A_448 = tpu.memref_slice %arg23[%dma_wait3A_447] : memref<393216xf32, #tpu.memory_space<vmem_shared>> -> memref<393216xf32, #tpu.memory_space<vmem_shared>>
        tpu.wait_indirect_dma semaphore(%arg25 : memref<!tpu.dma_semaphore, #tpu.memory_space<semaphore_mem>>) src(%dma_wait3A_448 : memref<393216xf32, #tpu.memory_space<vmem_shared>>) dst(%dma_wait3A_444 : memref<512xf32, #tpu.memory_space<vmem>>)
        %dma_wait3A_449 = arith.constant 4096 : i32
        %dma_wait3A_450 = tpu.memref_slice %arg16[%dma_wait3A_449] : memref<6144xf32, #tpu.memory_space<vmem>> -> memref<512xf32, #tpu.memory_space<vmem>>
        %dma_wait3A_451 = arith.constant 4096 : i32
        %dma_wait3A_452 = tpu.memref_slice %arg12[%dma_wait3A_451] : memref<6144xi32, #tpu.memory_space<vmem>> -> memref<512xi32, #tpu.memory_space<vmem>>
        %dma_wait3A_453 = arith.constant 0 : i32
        %dma_wait3A_454 = tpu.memref_slice %arg23[%dma_wait3A_453] : memref<393216xf32, #tpu.memory_space<vmem_shared>> -> memref<393216xf32, #tpu.memory_space<vmem_shared>>
        tpu.wait_indirect_dma semaphore(%arg25 : memref<!tpu.dma_semaphore, #tpu.memory_space<semaphore_mem>>) src(%dma_wait3A_454 : memref<393216xf32, #tpu.memory_space<vmem_shared>>) dst(%dma_wait3A_450 : memref<512xf32, #tpu.memory_space<vmem>>)
        %dma_wait3A_455 = arith.constant 4096 : i32
        %dma_wait3A_456 = tpu.memref_slice %arg17[%dma_wait3A_455] : memref<6144xf32, #tpu.memory_space<vmem>> -> memref<512xf32, #tpu.memory_space<vmem>>
        %dma_wait3A_457 = arith.constant 4096 : i32
        %dma_wait3A_458 = tpu.memref_slice %arg14[%dma_wait3A_457] : memref<6144xi32, #tpu.memory_space<vmem>> -> memref<512xi32, #tpu.memory_space<vmem>>
        %dma_wait3A_459 = arith.constant 0 : i32
        %dma_wait3A_460 = tpu.memref_slice %arg23[%dma_wait3A_459] : memref<393216xf32, #tpu.memory_space<vmem_shared>> -> memref<393216xf32, #tpu.memory_space<vmem_shared>>
        tpu.wait_indirect_dma semaphore(%arg25 : memref<!tpu.dma_semaphore, #tpu.memory_space<semaphore_mem>>) src(%dma_wait3A_460 : memref<393216xf32, #tpu.memory_space<vmem_shared>>) dst(%dma_wait3A_456 : memref<512xf32, #tpu.memory_space<vmem>>)
        %dma_wait3A_461 = arith.constant 4608 : i32
        %dma_wait3A_462 = tpu.memref_slice %arg16[%dma_wait3A_461] : memref<6144xf32, #tpu.memory_space<vmem>> -> memref<512xf32, #tpu.memory_space<vmem>>
        %dma_wait3A_463 = arith.constant 4608 : i32
        %dma_wait3A_464 = tpu.memref_slice %arg12[%dma_wait3A_463] : memref<6144xi32, #tpu.memory_space<vmem>> -> memref<512xi32, #tpu.memory_space<vmem>>
        %dma_wait3A_465 = arith.constant 0 : i32
        %dma_wait3A_466 = tpu.memref_slice %arg23[%dma_wait3A_465] : memref<393216xf32, #tpu.memory_space<vmem_shared>> -> memref<393216xf32, #tpu.memory_space<vmem_shared>>
        tpu.wait_indirect_dma semaphore(%arg25 : memref<!tpu.dma_semaphore, #tpu.memory_space<semaphore_mem>>) src(%dma_wait3A_466 : memref<393216xf32, #tpu.memory_space<vmem_shared>>) dst(%dma_wait3A_462 : memref<512xf32, #tpu.memory_space<vmem>>)
        %dma_wait3A_467 = arith.constant 4608 : i32
        %dma_wait3A_468 = tpu.memref_slice %arg17[%dma_wait3A_467] : memref<6144xf32, #tpu.memory_space<vmem>> -> memref<512xf32, #tpu.memory_space<vmem>>
        %dma_wait3A_469 = arith.constant 4608 : i32
        %dma_wait3A_470 = tpu.memref_slice %arg14[%dma_wait3A_469] : memref<6144xi32, #tpu.memory_space<vmem>> -> memref<512xi32, #tpu.memory_space<vmem>>
        %dma_wait3A_471 = arith.constant 0 : i32
        %dma_wait3A_472 = tpu.memref_slice %arg23[%dma_wait3A_471] : memref<393216xf32, #tpu.memory_space<vmem_shared>> -> memref<393216xf32, #tpu.memory_space<vmem_shared>>
        tpu.wait_indirect_dma semaphore(%arg25 : memref<!tpu.dma_semaphore, #tpu.memory_space<semaphore_mem>>) src(%dma_wait3A_472 : memref<393216xf32, #tpu.memory_space<vmem_shared>>) dst(%dma_wait3A_468 : memref<512xf32, #tpu.memory_space<vmem>>)
        %dma_wait3A_473 = arith.constant 5120 : i32
        %dma_wait3A_474 = tpu.memref_slice %arg16[%dma_wait3A_473] : memref<6144xf32, #tpu.memory_space<vmem>> -> memref<512xf32, #tpu.memory_space<vmem>>
        %dma_wait3A_475 = arith.constant 5120 : i32
        %dma_wait3A_476 = tpu.memref_slice %arg12[%dma_wait3A_475] : memref<6144xi32, #tpu.memory_space<vmem>> -> memref<512xi32, #tpu.memory_space<vmem>>
        %dma_wait3A_477 = arith.constant 0 : i32
        %dma_wait3A_478 = tpu.memref_slice %arg23[%dma_wait3A_477] : memref<393216xf32, #tpu.memory_space<vmem_shared>> -> memref<393216xf32, #tpu.memory_space<vmem_shared>>
        tpu.wait_indirect_dma semaphore(%arg25 : memref<!tpu.dma_semaphore, #tpu.memory_space<semaphore_mem>>) src(%dma_wait3A_478 : memref<393216xf32, #tpu.memory_space<vmem_shared>>) dst(%dma_wait3A_474 : memref<512xf32, #tpu.memory_space<vmem>>)
        %dma_wait3A_479 = arith.constant 5120 : i32
        %dma_wait3A_480 = tpu.memref_slice %arg17[%dma_wait3A_479] : memref<6144xf32, #tpu.memory_space<vmem>> -> memref<512xf32, #tpu.memory_space<vmem>>
        %dma_wait3A_481 = arith.constant 5120 : i32
        %dma_wait3A_482 = tpu.memref_slice %arg14[%dma_wait3A_481] : memref<6144xi32, #tpu.memory_space<vmem>> -> memref<512xi32, #tpu.memory_space<vmem>>
        %dma_wait3A_483 = arith.constant 0 : i32
        %dma_wait3A_484 = tpu.memref_slice %arg23[%dma_wait3A_483] : memref<393216xf32, #tpu.memory_space<vmem_shared>> -> memref<393216xf32, #tpu.memory_space<vmem_shared>>
        tpu.wait_indirect_dma semaphore(%arg25 : memref<!tpu.dma_semaphore, #tpu.memory_space<semaphore_mem>>) src(%dma_wait3A_484 : memref<393216xf32, #tpu.memory_space<vmem_shared>>) dst(%dma_wait3A_480 : memref<512xf32, #tpu.memory_space<vmem>>)
        %dma_wait3A_485 = arith.constant 5632 : i32
        %dma_wait3A_486 = tpu.memref_slice %arg16[%dma_wait3A_485] : memref<6144xf32, #tpu.memory_space<vmem>> -> memref<512xf32, #tpu.memory_space<vmem>>
        %dma_wait3A_487 = arith.constant 5632 : i32
        %dma_wait3A_488 = tpu.memref_slice %arg12[%dma_wait3A_487] : memref<6144xi32, #tpu.memory_space<vmem>> -> memref<512xi32, #tpu.memory_space<vmem>>
        %dma_wait3A_489 = arith.constant 0 : i32
        %dma_wait3A_490 = tpu.memref_slice %arg23[%dma_wait3A_489] : memref<393216xf32, #tpu.memory_space<vmem_shared>> -> memref<393216xf32, #tpu.memory_space<vmem_shared>>
        tpu.wait_indirect_dma semaphore(%arg25 : memref<!tpu.dma_semaphore, #tpu.memory_space<semaphore_mem>>) src(%dma_wait3A_490 : memref<393216xf32, #tpu.memory_space<vmem_shared>>) dst(%dma_wait3A_486 : memref<512xf32, #tpu.memory_space<vmem>>)
        %dma_wait3A_491 = arith.constant 5632 : i32
        %dma_wait3A_492 = tpu.memref_slice %arg17[%dma_wait3A_491] : memref<6144xf32, #tpu.memory_space<vmem>> -> memref<512xf32, #tpu.memory_space<vmem>>
        %dma_wait3A_493 = arith.constant 5632 : i32
        %dma_wait3A_494 = tpu.memref_slice %arg14[%dma_wait3A_493] : memref<6144xi32, #tpu.memory_space<vmem>> -> memref<512xi32, #tpu.memory_space<vmem>>
        %dma_wait3A_495 = arith.constant 0 : i32
        %dma_wait3A_496 = tpu.memref_slice %arg23[%dma_wait3A_495] : memref<393216xf32, #tpu.memory_space<vmem_shared>> -> memref<393216xf32, #tpu.memory_space<vmem_shared>>
        tpu.wait_indirect_dma semaphore(%arg25 : memref<!tpu.dma_semaphore, #tpu.memory_space<semaphore_mem>>) src(%dma_wait3A_496 : memref<393216xf32, #tpu.memory_space<vmem_shared>>) dst(%dma_wait3A_492 : memref<512xf32, #tpu.memory_space<vmem>>)
        %scan3A_497 = arith.constant 0 : i32
        %scan3A_498 = arith.constant 0 : i32
        %scan3A_499 = arith.constant 128 : i32
        %scan3A_500 = arith.addi %scan3A_498, %scan3A_499 : i32
        %scan3A_501 = arith.constant 1 : i32
        scf.for %scan3A_647 = %scan3A_498 to %scan3A_500 step %scan3A_501  : i32 {
          %mul3A_648 = arith.constant 16 : i32
          %mul3A_649 = arith.muli %scan3A_647, %mul3A_648 : i32
          %mul3A_650 = arith.constant 16 : i32
          %mul3A_651 = arith.muli %scan3A_647, %mul3A_650 : i32
          %add3A_652 = arith.constant 2048 : i32
          %add3A_653 = arith.addi %add3A_652, %mul3A_651 : i32
          %mul3A_654 = arith.constant 16 : i32
          %mul3A_655 = arith.muli %scan3A_647, %mul3A_654 : i32
          %add3A_656 = arith.constant 4096 : i32
          %add3A_657 = arith.addi %add3A_656, %mul3A_655 : i32
          %get3A = arith.index_cast %mul3A_649 : i32 to index
          %get3A_658 = tpu.vector_load %arg9[%get3A] {strides = array<i32>} : memref<6144xf32, #tpu.memory_space<vmem>>, vector<16xf32>,
          %get3A_659 = arith.index_cast %add3A_653 : i32 to index
          %get3A_660 = tpu.vector_load %arg9[%get3A_659] {strides = array<i32>} : memref<6144xf32, #tpu.memory_space<vmem>>, vector<16xf32>,
          %get3A_661 = arith.index_cast %add3A_657 : i32 to index
          %get3A_662 = tpu.vector_load %arg9[%get3A_661] {strides = array<i32>} : memref<6144xf32, #tpu.memory_space<vmem>>, vector<16xf32>,
          %get3A_663 = arith.index_cast %mul3A_649 : i32 to index
          %get3A_664 = tpu.vector_load %arg16[%get3A_663] {strides = array<i32>} : memref<6144xf32, #tpu.memory_space<vmem>>, vector<16xf32>,
          %get3A_665 = arith.index_cast %add3A_653 : i32 to index
          %get3A_666 = tpu.vector_load %arg16[%get3A_665] {strides = array<i32>} : memref<6144xf32, #tpu.memory_space<vmem>>, vector<16xf32>,
          %get3A_667 = arith.index_cast %add3A_657 : i32 to index
          %get3A_668 = tpu.vector_load %arg16[%get3A_667] {strides = array<i32>} : memref<6144xf32, #tpu.memory_space<vmem>>, vector<16xf32>,
          %get3A_669 = arith.index_cast %mul3A_649 : i32 to index
          %get3A_670 = tpu.vector_load %arg17[%get3A_669] {strides = array<i32>} : memref<6144xf32, #tpu.memory_space<vmem>>, vector<16xf32>,
          %get3A_671 = arith.index_cast %add3A_653 : i32 to index
          %get3A_672 = tpu.vector_load %arg17[%get3A_671] {strides = array<i32>} : memref<6144xf32, #tpu.memory_space<vmem>>, vector<16xf32>,
          %get3A_673 = arith.index_cast %add3A_657 : i32 to index
          %get3A_674 = tpu.vector_load %arg17[%get3A_673] {strides = array<i32>} : memref<6144xf32, #tpu.memory_space<vmem>>, vector<16xf32>,
          %mul3A_675 = arith.mulf %get3A_658, %get3A_658 : vector<16xf32>
          %mul3A_676 = arith.mulf %get3A_660, %get3A_660 : vector<16xf32>
          %add3A_677 = arith.addf %mul3A_675, %mul3A_676 : vector<16xf32>
          %mul3A_678 = arith.mulf %get3A_662, %get3A_662 : vector<16xf32>
          %add3A_679 = arith.addf %add3A_677, %mul3A_678 : vector<16xf32>
          %bitcast3A = vector.bitcast %add3A_679 : vector<16xf32> to vector<16xi32>
          %shift_right_logical3A = arith.constant 1 : i32
          %shift_right_logical3A_680 = vector.broadcast %shift_right_logical3A : i32 to vector<16xi32>
          %shift_right_logical3A_681 = arith.shrui %bitcast3A, %shift_right_logical3A_680 : vector<16xi32>
          %sub3A_682 = arith.constant 1597463007 : i32
          %sub3A_683 = vector.broadcast %sub3A_682 : i32 to vector<16xi32>
          %sub3A_684 = arith.subi %sub3A_683, %shift_right_logical3A_681 : vector<16xi32>
          %bitcast3A_685 = vector.bitcast %sub3A_684 : vector<16xi32> to vector<16xf32>
          %mul3A_686 = arith.constant 5.000000e-01 : f32
          %mul3A_687 = vector.broadcast %mul3A_686 : f32 to vector<16xf32>
          %mul3A_688 = arith.mulf %mul3A_687, %add3A_679 : vector<16xf32>
          %mul3A_689 = arith.mulf %mul3A_688, %bitcast3A_685 : vector<16xf32>
          %mul3A_690 = arith.mulf %mul3A_689, %bitcast3A_685 : vector<16xf32>
          %sub3A_691 = arith.constant 1.500000e+00 : f32
          %sub3A_692 = vector.broadcast %sub3A_691 : f32 to vector<16xf32>
          %sub3A_693 = arith.subf %sub3A_692, %mul3A_690 : vector<16xf32>
          %mul3A_694 = arith.mulf %bitcast3A_685, %sub3A_693 : vector<16xf32>
          %mul3A_695 = arith.constant 5.000000e-01 : f32
          %mul3A_696 = vector.broadcast %mul3A_695 : f32 to vector<16xf32>
          %mul3A_697 = arith.mulf %mul3A_696, %add3A_679 : vector<16xf32>
          %mul3A_698 = arith.mulf %mul3A_697, %mul3A_694 : vector<16xf32>
          %mul3A_699 = arith.mulf %mul3A_698, %mul3A_694 : vector<16xf32>
          %sub3A_700 = arith.constant 1.500000e+00 : f32
          %sub3A_701 = vector.broadcast %sub3A_700 : f32 to vector<16xf32>
          %sub3A_702 = arith.subf %sub3A_701, %mul3A_699 : vector<16xf32>
          %mul3A_703 = arith.mulf %mul3A_694, %sub3A_702 : vector<16xf32>
          %mul3A_704 = arith.constant 5.000000e-01 : f32
          %mul3A_705 = vector.broadcast %mul3A_704 : f32 to vector<16xf32>
          %mul3A_706 = arith.mulf %mul3A_705, %add3A_679 : vector<16xf32>
          %mul3A_707 = arith.mulf %mul3A_706, %mul3A_703 : vector<16xf32>
          %mul3A_708 = arith.mulf %mul3A_707, %mul3A_703 : vector<16xf32>
          %sub3A_709 = arith.constant 1.500000e+00 : f32
          %sub3A_710 = vector.broadcast %sub3A_709 : f32 to vector<16xf32>
          %sub3A_711 = arith.subf %sub3A_710, %mul3A_708 : vector<16xf32>
          %mul3A_712 = arith.mulf %mul3A_703, %sub3A_711 : vector<16xf32>
          %mul3A_713 = arith.mulf %mul3A_712, %mul3A_712 : vector<16xf32>
          %mul3A_714 = arith.mulf %mul3A_713, %mul3A_712 : vector<16xf32>
          %mul3A_715 = arith.constant 5.000000e-01 : f32
          %mul3A_716 = vector.broadcast %mul3A_715 : f32 to vector<16xf32>
          %mul3A_717 = arith.mulf %mul3A_716, %mul3A_714 : vector<16xf32>
          %mul3A_718 = arith.mulf %mul3A_717, %mul3A_713 : vector<16xf32>
          %mul3A_719 = arith.constant 3.000000e+00 : f32
          %mul3A_720 = vector.broadcast %mul3A_719 : f32 to vector<16xf32>
          %mul3A_721 = arith.mulf %mul3A_720, %mul3A_718 : vector<16xf32>
          %mul3A_722 = arith.mulf %get3A_658, %get3A_670 : vector<16xf32>
          %mul3A_723 = arith.mulf %get3A_660, %get3A_672 : vector<16xf32>
          %add3A_724 = arith.addf %mul3A_722, %mul3A_723 : vector<16xf32>
          %mul3A_725 = arith.mulf %get3A_662, %get3A_674 : vector<16xf32>
          %add3A_726 = arith.addf %add3A_724, %mul3A_725 : vector<16xf32>
          %mul3A_727 = arith.mulf %mul3A_721, %add3A_726 : vector<16xf32>
          %mul3A_728 = arith.mulf %mul3A_727, %get3A_658 : vector<16xf32>
          %mul3A_729 = arith.mulf %mul3A_717, %get3A_670 : vector<16xf32>
          %sub3A_730 = arith.subf %mul3A_728, %mul3A_729 : vector<16xf32>
          %swap3A = arith.index_cast %mul3A_649 : i32 to index
          %swap3A_731 = tpu.vector_load %arg18[%swap3A] {strides = array<i32>} : memref<6144xf32, #tpu.memory_space<vmem>>, vector<16xf32>,
          tpu.vector_store %arg18[%swap3A], %sub3A_730 {strides = array<i32>} : memref<6144xf32, #tpu.memory_space<vmem>>, vector<16xf32>,
          %mul3A_732 = arith.mulf %mul3A_727, %get3A_660 : vector<16xf32>
          %mul3A_733 = arith.mulf %mul3A_717, %get3A_672 : vector<16xf32>
          %sub3A_734 = arith.subf %mul3A_732, %mul3A_733 : vector<16xf32>
          %swap3A_735 = arith.index_cast %add3A_653 : i32 to index
          %swap3A_736 = tpu.vector_load %arg18[%swap3A_735] {strides = array<i32>} : memref<6144xf32, #tpu.memory_space<vmem>>, vector<16xf32>,
          tpu.vector_store %arg18[%swap3A_735], %sub3A_734 {strides = array<i32>} : memref<6144xf32, #tpu.memory_space<vmem>>, vector<16xf32>,
          %mul3A_737 = arith.mulf %mul3A_727, %get3A_662 : vector<16xf32>
          %mul3A_738 = arith.mulf %mul3A_717, %get3A_674 : vector<16xf32>
          %sub3A_739 = arith.subf %mul3A_737, %mul3A_738 : vector<16xf32>
          %swap3A_740 = arith.index_cast %add3A_657 : i32 to index
          %swap3A_741 = tpu.vector_load %arg18[%swap3A_740] {strides = array<i32>} : memref<6144xf32, #tpu.memory_space<vmem>>, vector<16xf32>,
          tpu.vector_store %arg18[%swap3A_740], %sub3A_739 {strides = array<i32>} : memref<6144xf32, #tpu.memory_space<vmem>>, vector<16xf32>,
          %mul3A_742 = arith.mulf %get3A_658, %get3A_664 : vector<16xf32>
          %mul3A_743 = arith.mulf %get3A_660, %get3A_666 : vector<16xf32>
          %add3A_744 = arith.addf %mul3A_742, %mul3A_743 : vector<16xf32>
          %mul3A_745 = arith.mulf %get3A_662, %get3A_668 : vector<16xf32>
          %add3A_746 = arith.addf %add3A_744, %mul3A_745 : vector<16xf32>
          %mul3A_747 = arith.mulf %mul3A_721, %add3A_746 : vector<16xf32>
          %mul3A_748 = arith.mulf %mul3A_747, %get3A_658 : vector<16xf32>
          %mul3A_749 = arith.mulf %mul3A_717, %get3A_664 : vector<16xf32>
          %sub3A_750 = arith.subf %mul3A_748, %mul3A_749 : vector<16xf32>
          %swap3A_751 = arith.index_cast %mul3A_649 : i32 to index
          %swap3A_752 = tpu.vector_load %arg20[%swap3A_751] {strides = array<i32>} : memref<6144xf32, #tpu.memory_space<vmem>>, vector<16xf32>,
          tpu.vector_store %arg20[%swap3A_751], %sub3A_750 {strides = array<i32>} : memref<6144xf32, #tpu.memory_space<vmem>>, vector<16xf32>,
          %mul3A_753 = arith.mulf %mul3A_747, %get3A_660 : vector<16xf32>
          %mul3A_754 = arith.mulf %mul3A_717, %get3A_666 : vector<16xf32>
          %sub3A_755 = arith.subf %mul3A_753, %mul3A_754 : vector<16xf32>
          %swap3A_756 = arith.index_cast %add3A_653 : i32 to index
          %swap3A_757 = tpu.vector_load %arg20[%swap3A_756] {strides = array<i32>} : memref<6144xf32, #tpu.memory_space<vmem>>, vector<16xf32>,
          tpu.vector_store %arg20[%swap3A_756], %sub3A_755 {strides = array<i32>} : memref<6144xf32, #tpu.memory_space<vmem>>, vector<16xf32>,
          %mul3A_758 = arith.mulf %mul3A_747, %get3A_662 : vector<16xf32>
          %mul3A_759 = arith.mulf %mul3A_717, %get3A_668 : vector<16xf32>
          %sub3A_760 = arith.subf %mul3A_758, %mul3A_759 : vector<16xf32>
          %swap3A_761 = arith.index_cast %add3A_657 : i32 to index
          %swap3A_762 = tpu.vector_load %arg20[%swap3A_761] {strides = array<i32>} : memref<6144xf32, #tpu.memory_space<vmem>>, vector<16xf32>,
          tpu.vector_store %arg20[%swap3A_761], %sub3A_760 {strides = array<i32>} : memref<6144xf32, #tpu.memory_space<vmem>>, vector<16xf32>,
        }
        %scan3A_502 = arith.constant 128 : i32
        %dma_start3A_503 = arith.constant 0 : i32
        %dma_start3A_504 = tpu.memref_slice %arg18[%dma_start3A_503] : memref<6144xf32, #tpu.memory_space<vmem>> -> memref<512xf32, #tpu.memory_space<vmem>>
        %dma_start3A_505 = arith.constant 0 : i32
        %dma_start3A_506 = tpu.memref_slice %arg12[%dma_start3A_505] : memref<6144xi32, #tpu.memory_space<vmem>> -> memref<512xi32, #tpu.memory_space<vmem>>
        %dma_start3A_507 = arith.constant 0 : i32
        %dma_start3A_508 = tpu.memref_slice %arg22[%dma_start3A_507] : memref<393216xf32, #tpu.memory_space<vmem_shared>> -> memref<393216xf32, #tpu.memory_space<vmem_shared>>
        tpu.enqueue_indirect_dma source(%dma_start3A_504 : memref<512xf32, #tpu.memory_space<vmem>>) target(%dma_start3A_508 : memref<393216xf32, #tpu.memory_space<vmem_shared>>) offsets(%dma_start3A_506 : memref<512xi32, #tpu.memory_space<vmem>>) semaphore(%arg26 : memref<!tpu.dma_semaphore, #tpu.memory_space<semaphore_mem>>) {add = true}
        %dma_start3A_509 = arith.constant 0 : i32
        %dma_start3A_510 = tpu.memref_slice %arg20[%dma_start3A_509] : memref<6144xf32, #tpu.memory_space<vmem>> -> memref<512xf32, #tpu.memory_space<vmem>>
        %dma_start3A_511 = arith.constant 0 : i32
        %dma_start3A_512 = tpu.memref_slice %arg14[%dma_start3A_511] : memref<6144xi32, #tpu.memory_space<vmem>> -> memref<512xi32, #tpu.memory_space<vmem>>
        %dma_start3A_513 = arith.constant 0 : i32
        %dma_start3A_514 = tpu.memref_slice %arg22[%dma_start3A_513] : memref<393216xf32, #tpu.memory_space<vmem_shared>> -> memref<393216xf32, #tpu.memory_space<vmem_shared>>
        tpu.enqueue_indirect_dma source(%dma_start3A_510 : memref<512xf32, #tpu.memory_space<vmem>>) target(%dma_start3A_514 : memref<393216xf32, #tpu.memory_space<vmem_shared>>) offsets(%dma_start3A_512 : memref<512xi32, #tpu.memory_space<vmem>>) semaphore(%arg26 : memref<!tpu.dma_semaphore, #tpu.memory_space<semaphore_mem>>) {add = true}
        %dma_start3A_515 = arith.constant 512 : i32
        %dma_start3A_516 = tpu.memref_slice %arg18[%dma_start3A_515] : memref<6144xf32, #tpu.memory_space<vmem>> -> memref<512xf32, #tpu.memory_space<vmem>>
        %dma_start3A_517 = arith.constant 512 : i32
        %dma_start3A_518 = tpu.memref_slice %arg12[%dma_start3A_517] : memref<6144xi32, #tpu.memory_space<vmem>> -> memref<512xi32, #tpu.memory_space<vmem>>
        %dma_start3A_519 = arith.constant 0 : i32
        %dma_start3A_520 = tpu.memref_slice %arg22[%dma_start3A_519] : memref<393216xf32, #tpu.memory_space<vmem_shared>> -> memref<393216xf32, #tpu.memory_space<vmem_shared>>
        tpu.enqueue_indirect_dma source(%dma_start3A_516 : memref<512xf32, #tpu.memory_space<vmem>>) target(%dma_start3A_520 : memref<393216xf32, #tpu.memory_space<vmem_shared>>) offsets(%dma_start3A_518 : memref<512xi32, #tpu.memory_space<vmem>>) semaphore(%arg26 : memref<!tpu.dma_semaphore, #tpu.memory_space<semaphore_mem>>) {add = true}
        %dma_start3A_521 = arith.constant 512 : i32
        %dma_start3A_522 = tpu.memref_slice %arg20[%dma_start3A_521] : memref<6144xf32, #tpu.memory_space<vmem>> -> memref<512xf32, #tpu.memory_space<vmem>>
        %dma_start3A_523 = arith.constant 512 : i32
        %dma_start3A_524 = tpu.memref_slice %arg14[%dma_start3A_523] : memref<6144xi32, #tpu.memory_space<vmem>> -> memref<512xi32, #tpu.memory_space<vmem>>
        %dma_start3A_525 = arith.constant 0 : i32
        %dma_start3A_526 = tpu.memref_slice %arg22[%dma_start3A_525] : memref<393216xf32, #tpu.memory_space<vmem_shared>> -> memref<393216xf32, #tpu.memory_space<vmem_shared>>
        tpu.enqueue_indirect_dma source(%dma_start3A_522 : memref<512xf32, #tpu.memory_space<vmem>>) target(%dma_start3A_526 : memref<393216xf32, #tpu.memory_space<vmem_shared>>) offsets(%dma_start3A_524 : memref<512xi32, #tpu.memory_space<vmem>>) semaphore(%arg26 : memref<!tpu.dma_semaphore, #tpu.memory_space<semaphore_mem>>) {add = true}
        %dma_start3A_527 = arith.constant 1024 : i32
        %dma_start3A_528 = tpu.memref_slice %arg18[%dma_start3A_527] : memref<6144xf32, #tpu.memory_space<vmem>> -> memref<512xf32, #tpu.memory_space<vmem>>
        %dma_start3A_529 = arith.constant 1024 : i32
        %dma_start3A_530 = tpu.memref_slice %arg12[%dma_start3A_529] : memref<6144xi32, #tpu.memory_space<vmem>> -> memref<512xi32, #tpu.memory_space<vmem>>
        %dma_start3A_531 = arith.constant 0 : i32
        %dma_start3A_532 = tpu.memref_slice %arg22[%dma_start3A_531] : memref<393216xf32, #tpu.memory_space<vmem_shared>> -> memref<393216xf32, #tpu.memory_space<vmem_shared>>
        tpu.enqueue_indirect_dma source(%dma_start3A_528 : memref<512xf32, #tpu.memory_space<vmem>>) target(%dma_start3A_532 : memref<393216xf32, #tpu.memory_space<vmem_shared>>) offsets(%dma_start3A_530 : memref<512xi32, #tpu.memory_space<vmem>>) semaphore(%arg26 : memref<!tpu.dma_semaphore, #tpu.memory_space<semaphore_mem>>) {add = true}
        %dma_start3A_533 = arith.constant 1024 : i32
        %dma_start3A_534 = tpu.memref_slice %arg20[%dma_start3A_533] : memref<6144xf32, #tpu.memory_space<vmem>> -> memref<512xf32, #tpu.memory_space<vmem>>
        %dma_start3A_535 = arith.constant 1024 : i32
        %dma_start3A_536 = tpu.memref_slice %arg14[%dma_start3A_535] : memref<6144xi32, #tpu.memory_space<vmem>> -> memref<512xi32, #tpu.memory_space<vmem>>
        %dma_start3A_537 = arith.constant 0 : i32
        %dma_start3A_538 = tpu.memref_slice %arg22[%dma_start3A_537] : memref<393216xf32, #tpu.memory_space<vmem_shared>> -> memref<393216xf32, #tpu.memory_space<vmem_shared>>
        tpu.enqueue_indirect_dma source(%dma_start3A_534 : memref<512xf32, #tpu.memory_space<vmem>>) target(%dma_start3A_538 : memref<393216xf32, #tpu.memory_space<vmem_shared>>) offsets(%dma_start3A_536 : memref<512xi32, #tpu.memory_space<vmem>>) semaphore(%arg26 : memref<!tpu.dma_semaphore, #tpu.memory_space<semaphore_mem>>) {add = true}
        %dma_start3A_539 = arith.constant 1536 : i32
        %dma_start3A_540 = tpu.memref_slice %arg18[%dma_start3A_539] : memref<6144xf32, #tpu.memory_space<vmem>> -> memref<512xf32, #tpu.memory_space<vmem>>
        %dma_start3A_541 = arith.constant 1536 : i32
        %dma_start3A_542 = tpu.memref_slice %arg12[%dma_start3A_541] : memref<6144xi32, #tpu.memory_space<vmem>> -> memref<512xi32, #tpu.memory_space<vmem>>
        %dma_start3A_543 = arith.constant 0 : i32
        %dma_start3A_544 = tpu.memref_slice %arg22[%dma_start3A_543] : memref<393216xf32, #tpu.memory_space<vmem_shared>> -> memref<393216xf32, #tpu.memory_space<vmem_shared>>
        tpu.enqueue_indirect_dma source(%dma_start3A_540 : memref<512xf32, #tpu.memory_space<vmem>>) target(%dma_start3A_544 : memref<393216xf32, #tpu.memory_space<vmem_shared>>) offsets(%dma_start3A_542 : memref<512xi32, #tpu.memory_space<vmem>>) semaphore(%arg26 : memref<!tpu.dma_semaphore, #tpu.memory_space<semaphore_mem>>) {add = true}
        %dma_start3A_545 = arith.constant 1536 : i32
        %dma_start3A_546 = tpu.memref_slice %arg20[%dma_start3A_545] : memref<6144xf32, #tpu.memory_space<vmem>> -> memref<512xf32, #tpu.memory_space<vmem>>
        %dma_start3A_547 = arith.constant 1536 : i32
        %dma_start3A_548 = tpu.memref_slice %arg14[%dma_start3A_547] : memref<6144xi32, #tpu.memory_space<vmem>> -> memref<512xi32, #tpu.memory_space<vmem>>
        %dma_start3A_549 = arith.constant 0 : i32
        %dma_start3A_550 = tpu.memref_slice %arg22[%dma_start3A_549] : memref<393216xf32, #tpu.memory_space<vmem_shared>> -> memref<393216xf32, #tpu.memory_space<vmem_shared>>
        tpu.enqueue_indirect_dma source(%dma_start3A_546 : memref<512xf32, #tpu.memory_space<vmem>>) target(%dma_start3A_550 : memref<393216xf32, #tpu.memory_space<vmem_shared>>) offsets(%dma_start3A_548 : memref<512xi32, #tpu.memory_space<vmem>>) semaphore(%arg26 : memref<!tpu.dma_semaphore, #tpu.memory_space<semaphore_mem>>) {add = true}
        %dma_start3A_551 = arith.constant 2048 : i32
        %dma_start3A_552 = tpu.memref_slice %arg18[%dma_start3A_551] : memref<6144xf32, #tpu.memory_space<vmem>> -> memref<512xf32, #tpu.memory_space<vmem>>
        %dma_start3A_553 = arith.constant 2048 : i32
        %dma_start3A_554 = tpu.memref_slice %arg12[%dma_start3A_553] : memref<6144xi32, #tpu.memory_space<vmem>> -> memref<512xi32, #tpu.memory_space<vmem>>
        %dma_start3A_555 = arith.constant 0 : i32
        %dma_start3A_556 = tpu.memref_slice %arg22[%dma_start3A_555] : memref<393216xf32, #tpu.memory_space<vmem_shared>> -> memref<393216xf32, #tpu.memory_space<vmem_shared>>
        tpu.enqueue_indirect_dma source(%dma_start3A_552 : memref<512xf32, #tpu.memory_space<vmem>>) target(%dma_start3A_556 : memref<393216xf32, #tpu.memory_space<vmem_shared>>) offsets(%dma_start3A_554 : memref<512xi32, #tpu.memory_space<vmem>>) semaphore(%arg26 : memref<!tpu.dma_semaphore, #tpu.memory_space<semaphore_mem>>) {add = true}
        %dma_start3A_557 = arith.constant 2048 : i32
        %dma_start3A_558 = tpu.memref_slice %arg20[%dma_start3A_557] : memref<6144xf32, #tpu.memory_space<vmem>> -> memref<512xf32, #tpu.memory_space<vmem>>
        %dma_start3A_559 = arith.constant 2048 : i32
        %dma_start3A_560 = tpu.memref_slice %arg14[%dma_start3A_559] : memref<6144xi32, #tpu.memory_space<vmem>> -> memref<512xi32, #tpu.memory_space<vmem>>
        %dma_start3A_561 = arith.constant 0 : i32
        %dma_start3A_562 = tpu.memref_slice %arg22[%dma_start3A_561] : memref<393216xf32, #tpu.memory_space<vmem_shared>> -> memref<393216xf32, #tpu.memory_space<vmem_shared>>
        tpu.enqueue_indirect_dma source(%dma_start3A_558 : memref<512xf32, #tpu.memory_space<vmem>>) target(%dma_start3A_562 : memref<393216xf32, #tpu.memory_space<vmem_shared>>) offsets(%dma_start3A_560 : memref<512xi32, #tpu.memory_space<vmem>>) semaphore(%arg26 : memref<!tpu.dma_semaphore, #tpu.memory_space<semaphore_mem>>) {add = true}
        %dma_start3A_563 = arith.constant 2560 : i32
        %dma_start3A_564 = tpu.memref_slice %arg18[%dma_start3A_563] : memref<6144xf32, #tpu.memory_space<vmem>> -> memref<512xf32, #tpu.memory_space<vmem>>
        %dma_start3A_565 = arith.constant 2560 : i32
        %dma_start3A_566 = tpu.memref_slice %arg12[%dma_start3A_565] : memref<6144xi32, #tpu.memory_space<vmem>> -> memref<512xi32, #tpu.memory_space<vmem>>
        %dma_start3A_567 = arith.constant 0 : i32
        %dma_start3A_568 = tpu.memref_slice %arg22[%dma_start3A_567] : memref<393216xf32, #tpu.memory_space<vmem_shared>> -> memref<393216xf32, #tpu.memory_space<vmem_shared>>
        tpu.enqueue_indirect_dma source(%dma_start3A_564 : memref<512xf32, #tpu.memory_space<vmem>>) target(%dma_start3A_568 : memref<393216xf32, #tpu.memory_space<vmem_shared>>) offsets(%dma_start3A_566 : memref<512xi32, #tpu.memory_space<vmem>>) semaphore(%arg26 : memref<!tpu.dma_semaphore, #tpu.memory_space<semaphore_mem>>) {add = true}
        %dma_start3A_569 = arith.constant 2560 : i32
        %dma_start3A_570 = tpu.memref_slice %arg20[%dma_start3A_569] : memref<6144xf32, #tpu.memory_space<vmem>> -> memref<512xf32, #tpu.memory_space<vmem>>
        %dma_start3A_571 = arith.constant 2560 : i32
        %dma_start3A_572 = tpu.memref_slice %arg14[%dma_start3A_571] : memref<6144xi32, #tpu.memory_space<vmem>> -> memref<512xi32, #tpu.memory_space<vmem>>
        %dma_start3A_573 = arith.constant 0 : i32
        %dma_start3A_574 = tpu.memref_slice %arg22[%dma_start3A_573] : memref<393216xf32, #tpu.memory_space<vmem_shared>> -> memref<393216xf32, #tpu.memory_space<vmem_shared>>
        tpu.enqueue_indirect_dma source(%dma_start3A_570 : memref<512xf32, #tpu.memory_space<vmem>>) target(%dma_start3A_574 : memref<393216xf32, #tpu.memory_space<vmem_shared>>) offsets(%dma_start3A_572 : memref<512xi32, #tpu.memory_space<vmem>>) semaphore(%arg26 : memref<!tpu.dma_semaphore, #tpu.memory_space<semaphore_mem>>) {add = true}
        %dma_start3A_575 = arith.constant 3072 : i32
        %dma_start3A_576 = tpu.memref_slice %arg18[%dma_start3A_575] : memref<6144xf32, #tpu.memory_space<vmem>> -> memref<512xf32, #tpu.memory_space<vmem>>
        %dma_start3A_577 = arith.constant 3072 : i32
        %dma_start3A_578 = tpu.memref_slice %arg12[%dma_start3A_577] : memref<6144xi32, #tpu.memory_space<vmem>> -> memref<512xi32, #tpu.memory_space<vmem>>
        %dma_start3A_579 = arith.constant 0 : i32
        %dma_start3A_580 = tpu.memref_slice %arg22[%dma_start3A_579] : memref<393216xf32, #tpu.memory_space<vmem_shared>> -> memref<393216xf32, #tpu.memory_space<vmem_shared>>
        tpu.enqueue_indirect_dma source(%dma_start3A_576 : memref<512xf32, #tpu.memory_space<vmem>>) target(%dma_start3A_580 : memref<393216xf32, #tpu.memory_space<vmem_shared>>) offsets(%dma_start3A_578 : memref<512xi32, #tpu.memory_space<vmem>>) semaphore(%arg26 : memref<!tpu.dma_semaphore, #tpu.memory_space<semaphore_mem>>) {add = true}
        %dma_start3A_581 = arith.constant 3072 : i32
        %dma_start3A_582 = tpu.memref_slice %arg20[%dma_start3A_581] : memref<6144xf32, #tpu.memory_space<vmem>> -> memref<512xf32, #tpu.memory_space<vmem>>
        %dma_start3A_583 = arith.constant 3072 : i32
        %dma_start3A_584 = tpu.memref_slice %arg14[%dma_start3A_583] : memref<6144xi32, #tpu.memory_space<vmem>> -> memref<512xi32, #tpu.memory_space<vmem>>
        %dma_start3A_585 = arith.constant 0 : i32
        %dma_start3A_586 = tpu.memref_slice %arg22[%dma_start3A_585] : memref<393216xf32, #tpu.memory_space<vmem_shared>> -> memref<393216xf32, #tpu.memory_space<vmem_shared>>
        tpu.enqueue_indirect_dma source(%dma_start3A_582 : memref<512xf32, #tpu.memory_space<vmem>>) target(%dma_start3A_586 : memref<393216xf32, #tpu.memory_space<vmem_shared>>) offsets(%dma_start3A_584 : memref<512xi32, #tpu.memory_space<vmem>>) semaphore(%arg26 : memref<!tpu.dma_semaphore, #tpu.memory_space<semaphore_mem>>) {add = true}
        %dma_start3A_587 = arith.constant 3584 : i32
        %dma_start3A_588 = tpu.memref_slice %arg18[%dma_start3A_587] : memref<6144xf32, #tpu.memory_space<vmem>> -> memref<512xf32, #tpu.memory_space<vmem>>
        %dma_start3A_589 = arith.constant 3584 : i32
        %dma_start3A_590 = tpu.memref_slice %arg12[%dma_start3A_589] : memref<6144xi32, #tpu.memory_space<vmem>> -> memref<512xi32, #tpu.memory_space<vmem>>
        %dma_start3A_591 = arith.constant 0 : i32
        %dma_start3A_592 = tpu.memref_slice %arg22[%dma_start3A_591] : memref<393216xf32, #tpu.memory_space<vmem_shared>> -> memref<393216xf32, #tpu.memory_space<vmem_shared>>
        tpu.enqueue_indirect_dma source(%dma_start3A_588 : memref<512xf32, #tpu.memory_space<vmem>>) target(%dma_start3A_592 : memref<393216xf32, #tpu.memory_space<vmem_shared>>) offsets(%dma_start3A_590 : memref<512xi32, #tpu.memory_space<vmem>>) semaphore(%arg26 : memref<!tpu.dma_semaphore, #tpu.memory_space<semaphore_mem>>) {add = true}
        %dma_start3A_593 = arith.constant 3584 : i32
        %dma_start3A_594 = tpu.memref_slice %arg20[%dma_start3A_593] : memref<6144xf32, #tpu.memory_space<vmem>> -> memref<512xf32, #tpu.memory_space<vmem>>
        %dma_start3A_595 = arith.constant 3584 : i32
        %dma_start3A_596 = tpu.memref_slice %arg14[%dma_start3A_595] : memref<6144xi32, #tpu.memory_space<vmem>> -> memref<512xi32, #tpu.memory_space<vmem>>
        %dma_start3A_597 = arith.constant 0 : i32
        %dma_start3A_598 = tpu.memref_slice %arg22[%dma_start3A_597] : memref<393216xf32, #tpu.memory_space<vmem_shared>> -> memref<393216xf32, #tpu.memory_space<vmem_shared>>
        tpu.enqueue_indirect_dma source(%dma_start3A_594 : memref<512xf32, #tpu.memory_space<vmem>>) target(%dma_start3A_598 : memref<393216xf32, #tpu.memory_space<vmem_shared>>) offsets(%dma_start3A_596 : memref<512xi32, #tpu.memory_space<vmem>>) semaphore(%arg26 : memref<!tpu.dma_semaphore, #tpu.memory_space<semaphore_mem>>) {add = true}
        %dma_start3A_599 = arith.constant 4096 : i32
        %dma_start3A_600 = tpu.memref_slice %arg18[%dma_start3A_599] : memref<6144xf32, #tpu.memory_space<vmem>> -> memref<512xf32, #tpu.memory_space<vmem>>
        %dma_start3A_601 = arith.constant 4096 : i32
        %dma_start3A_602 = tpu.memref_slice %arg12[%dma_start3A_601] : memref<6144xi32, #tpu.memory_space<vmem>> -> memref<512xi32, #tpu.memory_space<vmem>>
        %dma_start3A_603 = arith.constant 0 : i32
        %dma_start3A_604 = tpu.memref_slice %arg22[%dma_start3A_603] : memref<393216xf32, #tpu.memory_space<vmem_shared>> -> memref<393216xf32, #tpu.memory_space<vmem_shared>>
        tpu.enqueue_indirect_dma source(%dma_start3A_600 : memref<512xf32, #tpu.memory_space<vmem>>) target(%dma_start3A_604 : memref<393216xf32, #tpu.memory_space<vmem_shared>>) offsets(%dma_start3A_602 : memref<512xi32, #tpu.memory_space<vmem>>) semaphore(%arg26 : memref<!tpu.dma_semaphore, #tpu.memory_space<semaphore_mem>>) {add = true}
        %dma_start3A_605 = arith.constant 4096 : i32
        %dma_start3A_606 = tpu.memref_slice %arg20[%dma_start3A_605] : memref<6144xf32, #tpu.memory_space<vmem>> -> memref<512xf32, #tpu.memory_space<vmem>>
        %dma_start3A_607 = arith.constant 4096 : i32
        %dma_start3A_608 = tpu.memref_slice %arg14[%dma_start3A_607] : memref<6144xi32, #tpu.memory_space<vmem>> -> memref<512xi32, #tpu.memory_space<vmem>>
        %dma_start3A_609 = arith.constant 0 : i32
        %dma_start3A_610 = tpu.memref_slice %arg22[%dma_start3A_609] : memref<393216xf32, #tpu.memory_space<vmem_shared>> -> memref<393216xf32, #tpu.memory_space<vmem_shared>>
        tpu.enqueue_indirect_dma source(%dma_start3A_606 : memref<512xf32, #tpu.memory_space<vmem>>) target(%dma_start3A_610 : memref<393216xf32, #tpu.memory_space<vmem_shared>>) offsets(%dma_start3A_608 : memref<512xi32, #tpu.memory_space<vmem>>) semaphore(%arg26 : memref<!tpu.dma_semaphore, #tpu.memory_space<semaphore_mem>>) {add = true}
        %dma_start3A_611 = arith.constant 4608 : i32
        %dma_start3A_612 = tpu.memref_slice %arg18[%dma_start3A_611] : memref<6144xf32, #tpu.memory_space<vmem>> -> memref<512xf32, #tpu.memory_space<vmem>>
        %dma_start3A_613 = arith.constant 4608 : i32
        %dma_start3A_614 = tpu.memref_slice %arg12[%dma_start3A_613] : memref<6144xi32, #tpu.memory_space<vmem>> -> memref<512xi32, #tpu.memory_space<vmem>>
        %dma_start3A_615 = arith.constant 0 : i32
        %dma_start3A_616 = tpu.memref_slice %arg22[%dma_start3A_615] : memref<393216xf32, #tpu.memory_space<vmem_shared>> -> memref<393216xf32, #tpu.memory_space<vmem_shared>>
        tpu.enqueue_indirect_dma source(%dma_start3A_612 : memref<512xf32, #tpu.memory_space<vmem>>) target(%dma_start3A_616 : memref<393216xf32, #tpu.memory_space<vmem_shared>>) offsets(%dma_start3A_614 : memref<512xi32, #tpu.memory_space<vmem>>) semaphore(%arg26 : memref<!tpu.dma_semaphore, #tpu.memory_space<semaphore_mem>>) {add = true}
        %dma_start3A_617 = arith.constant 4608 : i32
        %dma_start3A_618 = tpu.memref_slice %arg20[%dma_start3A_617] : memref<6144xf32, #tpu.memory_space<vmem>> -> memref<512xf32, #tpu.memory_space<vmem>>
        %dma_start3A_619 = arith.constant 4608 : i32
        %dma_start3A_620 = tpu.memref_slice %arg14[%dma_start3A_619] : memref<6144xi32, #tpu.memory_space<vmem>> -> memref<512xi32, #tpu.memory_space<vmem>>
        %dma_start3A_621 = arith.constant 0 : i32
        %dma_start3A_622 = tpu.memref_slice %arg22[%dma_start3A_621] : memref<393216xf32, #tpu.memory_space<vmem_shared>> -> memref<393216xf32, #tpu.memory_space<vmem_shared>>
        tpu.enqueue_indirect_dma source(%dma_start3A_618 : memref<512xf32, #tpu.memory_space<vmem>>) target(%dma_start3A_622 : memref<393216xf32, #tpu.memory_space<vmem_shared>>) offsets(%dma_start3A_620 : memref<512xi32, #tpu.memory_space<vmem>>) semaphore(%arg26 : memref<!tpu.dma_semaphore, #tpu.memory_space<semaphore_mem>>) {add = true}
        %dma_start3A_623 = arith.constant 5120 : i32
        %dma_start3A_624 = tpu.memref_slice %arg18[%dma_start3A_623] : memref<6144xf32, #tpu.memory_space<vmem>> -> memref<512xf32, #tpu.memory_space<vmem>>
        %dma_start3A_625 = arith.constant 5120 : i32
        %dma_start3A_626 = tpu.memref_slice %arg12[%dma_start3A_625] : memref<6144xi32, #tpu.memory_space<vmem>> -> memref<512xi32, #tpu.memory_space<vmem>>
        %dma_start3A_627 = arith.constant 0 : i32
        %dma_start3A_628 = tpu.memref_slice %arg22[%dma_start3A_627] : memref<393216xf32, #tpu.memory_space<vmem_shared>> -> memref<393216xf32, #tpu.memory_space<vmem_shared>>
        tpu.enqueue_indirect_dma source(%dma_start3A_624 : memref<512xf32, #tpu.memory_space<vmem>>) target(%dma_start3A_628 : memref<393216xf32, #tpu.memory_space<vmem_shared>>) offsets(%dma_start3A_626 : memref<512xi32, #tpu.memory_space<vmem>>) semaphore(%arg26 : memref<!tpu.dma_semaphore, #tpu.memory_space<semaphore_mem>>) {add = true}
        %dma_start3A_629 = arith.constant 5120 : i32
        %dma_start3A_630 = tpu.memref_slice %arg20[%dma_start3A_629] : memref<6144xf32, #tpu.memory_space<vmem>> -> memref<512xf32, #tpu.memory_space<vmem>>
        %dma_start3A_631 = arith.constant 5120 : i32
        %dma_start3A_632 = tpu.memref_slice %arg14[%dma_start3A_631] : memref<6144xi32, #tpu.memory_space<vmem>> -> memref<512xi32, #tpu.memory_space<vmem>>
        %dma_start3A_633 = arith.constant 0 : i32
        %dma_start3A_634 = tpu.memref_slice %arg22[%dma_start3A_633] : memref<393216xf32, #tpu.memory_space<vmem_shared>> -> memref<393216xf32, #tpu.memory_space<vmem_shared>>
        tpu.enqueue_indirect_dma source(%dma_start3A_630 : memref<512xf32, #tpu.memory_space<vmem>>) target(%dma_start3A_634 : memref<393216xf32, #tpu.memory_space<vmem_shared>>) offsets(%dma_start3A_632 : memref<512xi32, #tpu.memory_space<vmem>>) semaphore(%arg26 : memref<!tpu.dma_semaphore, #tpu.memory_space<semaphore_mem>>) {add = true}
        %dma_start3A_635 = arith.constant 5632 : i32
        %dma_start3A_636 = tpu.memref_slice %arg18[%dma_start3A_635] : memref<6144xf32, #tpu.memory_space<vmem>> -> memref<512xf32, #tpu.memory_space<vmem>>
        %dma_start3A_637 = arith.constant 5632 : i32
        %dma_start3A_638 = tpu.memref_slice %arg12[%dma_start3A_637] : memref<6144xi32, #tpu.memory_space<vmem>> -> memref<512xi32, #tpu.memory_space<vmem>>
        %dma_start3A_639 = arith.constant 0 : i32
        %dma_start3A_640 = tpu.memref_slice %arg22[%dma_start3A_639] : memref<393216xf32, #tpu.memory_space<vmem_shared>> -> memref<393216xf32, #tpu.memory_space<vmem_shared>>
        tpu.enqueue_indirect_dma source(%dma_start3A_636 : memref<512xf32, #tpu.memory_space<vmem>>) target(%dma_start3A_640 : memref<393216xf32, #tpu.memory_space<vmem_shared>>) offsets(%dma_start3A_638 : memref<512xi32, #tpu.memory_space<vmem>>) semaphore(%arg26 : memref<!tpu.dma_semaphore, #tpu.memory_space<semaphore_mem>>) {add = true}
        %dma_start3A_641 = arith.constant 5632 : i32
        %dma_start3A_642 = tpu.memref_slice %arg20[%dma_start3A_641] : memref<6144xf32, #tpu.memory_space<vmem>> -> memref<512xf32, #tpu.memory_space<vmem>>
        %dma_start3A_643 = arith.constant 5632 : i32
        %dma_start3A_644 = tpu.memref_slice %arg14[%dma_start3A_643] : memref<6144xi32, #tpu.memory_space<vmem>> -> memref<512xi32, #tpu.memory_space<vmem>>
        %dma_start3A_645 = arith.constant 0 : i32
        %dma_start3A_646 = tpu.memref_slice %arg22[%dma_start3A_645] : memref<393216xf32, #tpu.memory_space<vmem_shared>> -> memref<393216xf32, #tpu.memory_space<vmem_shared>>
        tpu.enqueue_indirect_dma source(%dma_start3A_642 : memref<512xf32, #tpu.memory_space<vmem>>) target(%dma_start3A_646 : memref<393216xf32, #tpu.memory_space<vmem_shared>>) offsets(%dma_start3A_644 : memref<512xi32, #tpu.memory_space<vmem>>) semaphore(%arg26 : memref<!tpu.dma_semaphore, #tpu.memory_space<semaphore_mem>>) {add = true}
      } else {
      }
      %mul3A_137 = arith.constant 2 : i32
      %mul3A_138 = arith.muli %mul3A_137, %scan3A_117 : i32
      %add3A_139 = arith.constant 1 : i32
      %add3A_140 = arith.addi %mul3A_138, %add3A_139 : i32
      %sub3A_141 = arith.constant 2 : i32
      %sub3A_142 = arith.subi %add3A_140, %sub3A_141 : i32
      %ge3A_143 = arith.constant 0 : i32
      %ge3A_144 = arith.cmpi sge, %sub3A_142, %ge3A_143 : i32
      %sub3A_145 = arith.constant 2 : i32
      %sub3A_146 = arith.subi %add3A_140, %sub3A_145 : i32
      %lt3A_147 = arith.cmpi slt, %sub3A_146, %select_n3A : i32
      %and3A_148 = arith.andi %ge3A_144, %lt3A_147 : i1
      %convert_element_type3A_149 = arith.extui %and3A_148 : i1 to i32
      %cond3A_150 = arith.constant 0 : i32
      %cond3A_151 = arith.cmpi ne, %convert_element_type3A_149, %cond3A_150 : i32
      scf.if %cond3A_151 {
        %dma_wait3A = arith.constant 0 : i32
        %dma_wait3A_156 = tpu.memref_slice %arg19[%dma_wait3A] : memref<6144xf32, #tpu.memory_space<vmem>> -> memref<512xf32, #tpu.memory_space<vmem>>
        %dma_wait3A_157 = arith.constant 0 : i32
        %dma_wait3A_158 = tpu.memref_slice %arg13[%dma_wait3A_157] : memref<6144xi32, #tpu.memory_space<vmem>> -> memref<512xi32, #tpu.memory_space<vmem>>
        %dma_wait3A_159 = arith.constant 0 : i32
        %dma_wait3A_160 = tpu.memref_slice %arg22[%dma_wait3A_159] : memref<393216xf32, #tpu.memory_space<vmem_shared>> -> memref<393216xf32, #tpu.memory_space<vmem_shared>>
        tpu.wait_indirect_dma semaphore(%arg27 : memref<!tpu.dma_semaphore, #tpu.memory_space<semaphore_mem>>) src(%dma_wait3A_156 : memref<512xf32, #tpu.memory_space<vmem>>) dst(%dma_wait3A_160 : memref<393216xf32, #tpu.memory_space<vmem_shared>>)
        %dma_wait3A_161 = arith.constant 0 : i32
        %dma_wait3A_162 = tpu.memref_slice %arg21[%dma_wait3A_161] : memref<6144xf32, #tpu.memory_space<vmem>> -> memref<512xf32, #tpu.memory_space<vmem>>
        %dma_wait3A_163 = arith.constant 0 : i32
        %dma_wait3A_164 = tpu.memref_slice %arg15[%dma_wait3A_163] : memref<6144xi32, #tpu.memory_space<vmem>> -> memref<512xi32, #tpu.memory_space<vmem>>
        %dma_wait3A_165 = arith.constant 0 : i32
        %dma_wait3A_166 = tpu.memref_slice %arg22[%dma_wait3A_165] : memref<393216xf32, #tpu.memory_space<vmem_shared>> -> memref<393216xf32, #tpu.memory_space<vmem_shared>>
        tpu.wait_indirect_dma semaphore(%arg27 : memref<!tpu.dma_semaphore, #tpu.memory_space<semaphore_mem>>) src(%dma_wait3A_162 : memref<512xf32, #tpu.memory_space<vmem>>) dst(%dma_wait3A_166 : memref<393216xf32, #tpu.memory_space<vmem_shared>>)
        %dma_wait3A_167 = arith.constant 512 : i32
        %dma_wait3A_168 = tpu.memref_slice %arg19[%dma_wait3A_167] : memref<6144xf32, #tpu.memory_space<vmem>> -> memref<512xf32, #tpu.memory_space<vmem>>
        %dma_wait3A_169 = arith.constant 512 : i32
        %dma_wait3A_170 = tpu.memref_slice %arg13[%dma_wait3A_169] : memref<6144xi32, #tpu.memory_space<vmem>> -> memref<512xi32, #tpu.memory_space<vmem>>
        %dma_wait3A_171 = arith.constant 0 : i32
        %dma_wait3A_172 = tpu.memref_slice %arg22[%dma_wait3A_171] : memref<393216xf32, #tpu.memory_space<vmem_shared>> -> memref<393216xf32, #tpu.memory_space<vmem_shared>>
        tpu.wait_indirect_dma semaphore(%arg27 : memref<!tpu.dma_semaphore, #tpu.memory_space<semaphore_mem>>) src(%dma_wait3A_168 : memref<512xf32, #tpu.memory_space<vmem>>) dst(%dma_wait3A_172 : memref<393216xf32, #tpu.memory_space<vmem_shared>>)
        %dma_wait3A_173 = arith.constant 512 : i32
        %dma_wait3A_174 = tpu.memref_slice %arg21[%dma_wait3A_173] : memref<6144xf32, #tpu.memory_space<vmem>> -> memref<512xf32, #tpu.memory_space<vmem>>
        %dma_wait3A_175 = arith.constant 512 : i32
        %dma_wait3A_176 = tpu.memref_slice %arg15[%dma_wait3A_175] : memref<6144xi32, #tpu.memory_space<vmem>> -> memref<512xi32, #tpu.memory_space<vmem>>
        %dma_wait3A_177 = arith.constant 0 : i32
        %dma_wait3A_178 = tpu.memref_slice %arg22[%dma_wait3A_177] : memref<393216xf32, #tpu.memory_space<vmem_shared>> -> memref<393216xf32, #tpu.memory_space<vmem_shared>>
        tpu.wait_indirect_dma semaphore(%arg27 : memref<!tpu.dma_semaphore, #tpu.memory_space<semaphore_mem>>) src(%dma_wait3A_174 : memref<512xf32, #tpu.memory_space<vmem>>) dst(%dma_wait3A_178 : memref<393216xf32, #tpu.memory_space<vmem_shared>>)
        %dma_wait3A_179 = arith.constant 1024 : i32
        %dma_wait3A_180 = tpu.memref_slice %arg19[%dma_wait3A_179] : memref<6144xf32, #tpu.memory_space<vmem>> -> memref<512xf32, #tpu.memory_space<vmem>>
        %dma_wait3A_181 = arith.constant 1024 : i32
        %dma_wait3A_182 = tpu.memref_slice %arg13[%dma_wait3A_181] : memref<6144xi32, #tpu.memory_space<vmem>> -> memref<512xi32, #tpu.memory_space<vmem>>
        %dma_wait3A_183 = arith.constant 0 : i32
        %dma_wait3A_184 = tpu.memref_slice %arg22[%dma_wait3A_183] : memref<393216xf32, #tpu.memory_space<vmem_shared>> -> memref<393216xf32, #tpu.memory_space<vmem_shared>>
        tpu.wait_indirect_dma semaphore(%arg27 : memref<!tpu.dma_semaphore, #tpu.memory_space<semaphore_mem>>) src(%dma_wait3A_180 : memref<512xf32, #tpu.memory_space<vmem>>) dst(%dma_wait3A_184 : memref<393216xf32, #tpu.memory_space<vmem_shared>>)
        %dma_wait3A_185 = arith.constant 1024 : i32
        %dma_wait3A_186 = tpu.memref_slice %arg21[%dma_wait3A_185] : memref<6144xf32, #tpu.memory_space<vmem>> -> memref<512xf32, #tpu.memory_space<vmem>>
        %dma_wait3A_187 = arith.constant 1024 : i32
        %dma_wait3A_188 = tpu.memref_slice %arg15[%dma_wait3A_187] : memref<6144xi32, #tpu.memory_space<vmem>> -> memref<512xi32, #tpu.memory_space<vmem>>
        %dma_wait3A_189 = arith.constant 0 : i32
        %dma_wait3A_190 = tpu.memref_slice %arg22[%dma_wait3A_189] : memref<393216xf32, #tpu.memory_space<vmem_shared>> -> memref<393216xf32, #tpu.memory_space<vmem_shared>>
        tpu.wait_indirect_dma semaphore(%arg27 : memref<!tpu.dma_semaphore, #tpu.memory_space<semaphore_mem>>) src(%dma_wait3A_186 : memref<512xf32, #tpu.memory_space<vmem>>) dst(%dma_wait3A_190 : memref<393216xf32, #tpu.memory_space<vmem_shared>>)
        %dma_wait3A_191 = arith.constant 1536 : i32
        %dma_wait3A_192 = tpu.memref_slice %arg19[%dma_wait3A_191] : memref<6144xf32, #tpu.memory_space<vmem>> -> memref<512xf32, #tpu.memory_space<vmem>>
        %dma_wait3A_193 = arith.constant 1536 : i32
        %dma_wait3A_194 = tpu.memref_slice %arg13[%dma_wait3A_193] : memref<6144xi32, #tpu.memory_space<vmem>> -> memref<512xi32, #tpu.memory_space<vmem>>
        %dma_wait3A_195 = arith.constant 0 : i32
        %dma_wait3A_196 = tpu.memref_slice %arg22[%dma_wait3A_195] : memref<393216xf32, #tpu.memory_space<vmem_shared>> -> memref<393216xf32, #tpu.memory_space<vmem_shared>>
        tpu.wait_indirect_dma semaphore(%arg27 : memref<!tpu.dma_semaphore, #tpu.memory_space<semaphore_mem>>) src(%dma_wait3A_192 : memref<512xf32, #tpu.memory_space<vmem>>) dst(%dma_wait3A_196 : memref<393216xf32, #tpu.memory_space<vmem_shared>>)
        %dma_wait3A_197 = arith.constant 1536 : i32
        %dma_wait3A_198 = tpu.memref_slice %arg21[%dma_wait3A_197] : memref<6144xf32, #tpu.memory_space<vmem>> -> memref<512xf32, #tpu.memory_space<vmem>>
        %dma_wait3A_199 = arith.constant 1536 : i32
        %dma_wait3A_200 = tpu.memref_slice %arg15[%dma_wait3A_199] : memref<6144xi32, #tpu.memory_space<vmem>> -> memref<512xi32, #tpu.memory_space<vmem>>
        %dma_wait3A_201 = arith.constant 0 : i32
        %dma_wait3A_202 = tpu.memref_slice %arg22[%dma_wait3A_201] : memref<393216xf32, #tpu.memory_space<vmem_shared>> -> memref<393216xf32, #tpu.memory_space<vmem_shared>>
        tpu.wait_indirect_dma semaphore(%arg27 : memref<!tpu.dma_semaphore, #tpu.memory_space<semaphore_mem>>) src(%dma_wait3A_198 : memref<512xf32, #tpu.memory_space<vmem>>) dst(%dma_wait3A_202 : memref<393216xf32, #tpu.memory_space<vmem_shared>>)
        %dma_wait3A_203 = arith.constant 2048 : i32
        %dma_wait3A_204 = tpu.memref_slice %arg19[%dma_wait3A_203] : memref<6144xf32, #tpu.memory_space<vmem>> -> memref<512xf32, #tpu.memory_space<vmem>>
        %dma_wait3A_205 = arith.constant 2048 : i32
        %dma_wait3A_206 = tpu.memref_slice %arg13[%dma_wait3A_205] : memref<6144xi32, #tpu.memory_space<vmem>> -> memref<512xi32, #tpu.memory_space<vmem>>
        %dma_wait3A_207 = arith.constant 0 : i32
        %dma_wait3A_208 = tpu.memref_slice %arg22[%dma_wait3A_207] : memref<393216xf32, #tpu.memory_space<vmem_shared>> -> memref<393216xf32, #tpu.memory_space<vmem_shared>>
        tpu.wait_indirect_dma semaphore(%arg27 : memref<!tpu.dma_semaphore, #tpu.memory_space<semaphore_mem>>) src(%dma_wait3A_204 : memref<512xf32, #tpu.memory_space<vmem>>) dst(%dma_wait3A_208 : memref<393216xf32, #tpu.memory_space<vmem_shared>>)
        %dma_wait3A_209 = arith.constant 2048 : i32
        %dma_wait3A_210 = tpu.memref_slice %arg21[%dma_wait3A_209] : memref<6144xf32, #tpu.memory_space<vmem>> -> memref<512xf32, #tpu.memory_space<vmem>>
        %dma_wait3A_211 = arith.constant 2048 : i32
        %dma_wait3A_212 = tpu.memref_slice %arg15[%dma_wait3A_211] : memref<6144xi32, #tpu.memory_space<vmem>> -> memref<512xi32, #tpu.memory_space<vmem>>
        %dma_wait3A_213 = arith.constant 0 : i32
        %dma_wait3A_214 = tpu.memref_slice %arg22[%dma_wait3A_213] : memref<393216xf32, #tpu.memory_space<vmem_shared>> -> memref<393216xf32, #tpu.memory_space<vmem_shared>>
        tpu.wait_indirect_dma semaphore(%arg27 : memref<!tpu.dma_semaphore, #tpu.memory_space<semaphore_mem>>) src(%dma_wait3A_210 : memref<512xf32, #tpu.memory_space<vmem>>) dst(%dma_wait3A_214 : memref<393216xf32, #tpu.memory_space<vmem_shared>>)
        %dma_wait3A_215 = arith.constant 2560 : i32
        %dma_wait3A_216 = tpu.memref_slice %arg19[%dma_wait3A_215] : memref<6144xf32, #tpu.memory_space<vmem>> -> memref<512xf32, #tpu.memory_space<vmem>>
        %dma_wait3A_217 = arith.constant 2560 : i32
        %dma_wait3A_218 = tpu.memref_slice %arg13[%dma_wait3A_217] : memref<6144xi32, #tpu.memory_space<vmem>> -> memref<512xi32, #tpu.memory_space<vmem>>
        %dma_wait3A_219 = arith.constant 0 : i32
        %dma_wait3A_220 = tpu.memref_slice %arg22[%dma_wait3A_219] : memref<393216xf32, #tpu.memory_space<vmem_shared>> -> memref<393216xf32, #tpu.memory_space<vmem_shared>>
        tpu.wait_indirect_dma semaphore(%arg27 : memref<!tpu.dma_semaphore, #tpu.memory_space<semaphore_mem>>) src(%dma_wait3A_216 : memref<512xf32, #tpu.memory_space<vmem>>) dst(%dma_wait3A_220 : memref<393216xf32, #tpu.memory_space<vmem_shared>>)
        %dma_wait3A_221 = arith.constant 2560 : i32
        %dma_wait3A_222 = tpu.memref_slice %arg21[%dma_wait3A_221] : memref<6144xf32, #tpu.memory_space<vmem>> -> memref<512xf32, #tpu.memory_space<vmem>>
        %dma_wait3A_223 = arith.constant 2560 : i32
        %dma_wait3A_224 = tpu.memref_slice %arg15[%dma_wait3A_223] : memref<6144xi32, #tpu.memory_space<vmem>> -> memref<512xi32, #tpu.memory_space<vmem>>
        %dma_wait3A_225 = arith.constant 0 : i32
        %dma_wait3A_226 = tpu.memref_slice %arg22[%dma_wait3A_225] : memref<393216xf32, #tpu.memory_space<vmem_shared>> -> memref<393216xf32, #tpu.memory_space<vmem_shared>>
        tpu.wait_indirect_dma semaphore(%arg27 : memref<!tpu.dma_semaphore, #tpu.memory_space<semaphore_mem>>) src(%dma_wait3A_222 : memref<512xf32, #tpu.memory_space<vmem>>) dst(%dma_wait3A_226 : memref<393216xf32, #tpu.memory_space<vmem_shared>>)
        %dma_wait3A_227 = arith.constant 3072 : i32
        %dma_wait3A_228 = tpu.memref_slice %arg19[%dma_wait3A_227] : memref<6144xf32, #tpu.memory_space<vmem>> -> memref<512xf32, #tpu.memory_space<vmem>>
        %dma_wait3A_229 = arith.constant 3072 : i32
        %dma_wait3A_230 = tpu.memref_slice %arg13[%dma_wait3A_229] : memref<6144xi32, #tpu.memory_space<vmem>> -> memref<512xi32, #tpu.memory_space<vmem>>
        %dma_wait3A_231 = arith.constant 0 : i32
        %dma_wait3A_232 = tpu.memref_slice %arg22[%dma_wait3A_231] : memref<393216xf32, #tpu.memory_space<vmem_shared>> -> memref<393216xf32, #tpu.memory_space<vmem_shared>>
        tpu.wait_indirect_dma semaphore(%arg27 : memref<!tpu.dma_semaphore, #tpu.memory_space<semaphore_mem>>) src(%dma_wait3A_228 : memref<512xf32, #tpu.memory_space<vmem>>) dst(%dma_wait3A_232 : memref<393216xf32, #tpu.memory_space<vmem_shared>>)
        %dma_wait3A_233 = arith.constant 3072 : i32
        %dma_wait3A_234 = tpu.memref_slice %arg21[%dma_wait3A_233] : memref<6144xf32, #tpu.memory_space<vmem>> -> memref<512xf32, #tpu.memory_space<vmem>>
        %dma_wait3A_235 = arith.constant 3072 : i32
        %dma_wait3A_236 = tpu.memref_slice %arg15[%dma_wait3A_235] : memref<6144xi32, #tpu.memory_space<vmem>> -> memref<512xi32, #tpu.memory_space<vmem>>
        %dma_wait3A_237 = arith.constant 0 : i32
        %dma_wait3A_238 = tpu.memref_slice %arg22[%dma_wait3A_237] : memref<393216xf32, #tpu.memory_space<vmem_shared>> -> memref<393216xf32, #tpu.memory_space<vmem_shared>>
        tpu.wait_indirect_dma semaphore(%arg27 : memref<!tpu.dma_semaphore, #tpu.memory_space<semaphore_mem>>) src(%dma_wait3A_234 : memref<512xf32, #tpu.memory_space<vmem>>) dst(%dma_wait3A_238 : memref<393216xf32, #tpu.memory_space<vmem_shared>>)
        %dma_wait3A_239 = arith.constant 3584 : i32
        %dma_wait3A_240 = tpu.memref_slice %arg19[%dma_wait3A_239] : memref<6144xf32, #tpu.memory_space<vmem>> -> memref<512xf32, #tpu.memory_space<vmem>>
        %dma_wait3A_241 = arith.constant 3584 : i32
        %dma_wait3A_242 = tpu.memref_slice %arg13[%dma_wait3A_241] : memref<6144xi32, #tpu.memory_space<vmem>> -> memref<512xi32, #tpu.memory_space<vmem>>
        %dma_wait3A_243 = arith.constant 0 : i32
        %dma_wait3A_244 = tpu.memref_slice %arg22[%dma_wait3A_243] : memref<393216xf32, #tpu.memory_space<vmem_shared>> -> memref<393216xf32, #tpu.memory_space<vmem_shared>>
        tpu.wait_indirect_dma semaphore(%arg27 : memref<!tpu.dma_semaphore, #tpu.memory_space<semaphore_mem>>) src(%dma_wait3A_240 : memref<512xf32, #tpu.memory_space<vmem>>) dst(%dma_wait3A_244 : memref<393216xf32, #tpu.memory_space<vmem_shared>>)
        %dma_wait3A_245 = arith.constant 3584 : i32
        %dma_wait3A_246 = tpu.memref_slice %arg21[%dma_wait3A_245] : memref<6144xf32, #tpu.memory_space<vmem>> -> memref<512xf32, #tpu.memory_space<vmem>>
        %dma_wait3A_247 = arith.constant 3584 : i32
        %dma_wait3A_248 = tpu.memref_slice %arg15[%dma_wait3A_247] : memref<6144xi32, #tpu.memory_space<vmem>> -> memref<512xi32, #tpu.memory_space<vmem>>
        %dma_wait3A_249 = arith.constant 0 : i32
        %dma_wait3A_250 = tpu.memref_slice %arg22[%dma_wait3A_249] : memref<393216xf32, #tpu.memory_space<vmem_shared>> -> memref<393216xf32, #tpu.memory_space<vmem_shared>>
        tpu.wait_indirect_dma semaphore(%arg27 : memref<!tpu.dma_semaphore, #tpu.memory_space<semaphore_mem>>) src(%dma_wait3A_246 : memref<512xf32, #tpu.memory_space<vmem>>) dst(%dma_wait3A_250 : memref<393216xf32, #tpu.memory_space<vmem_shared>>)
        %dma_wait3A_251 = arith.constant 4096 : i32
        %dma_wait3A_252 = tpu.memref_slice %arg19[%dma_wait3A_251] : memref<6144xf32, #tpu.memory_space<vmem>> -> memref<512xf32, #tpu.memory_space<vmem>>
        %dma_wait3A_253 = arith.constant 4096 : i32
        %dma_wait3A_254 = tpu.memref_slice %arg13[%dma_wait3A_253] : memref<6144xi32, #tpu.memory_space<vmem>> -> memref<512xi32, #tpu.memory_space<vmem>>
        %dma_wait3A_255 = arith.constant 0 : i32
        %dma_wait3A_256 = tpu.memref_slice %arg22[%dma_wait3A_255] : memref<393216xf32, #tpu.memory_space<vmem_shared>> -> memref<393216xf32, #tpu.memory_space<vmem_shared>>
        tpu.wait_indirect_dma semaphore(%arg27 : memref<!tpu.dma_semaphore, #tpu.memory_space<semaphore_mem>>) src(%dma_wait3A_252 : memref<512xf32, #tpu.memory_space<vmem>>) dst(%dma_wait3A_256 : memref<393216xf32, #tpu.memory_space<vmem_shared>>)
        %dma_wait3A_257 = arith.constant 4096 : i32
        %dma_wait3A_258 = tpu.memref_slice %arg21[%dma_wait3A_257] : memref<6144xf32, #tpu.memory_space<vmem>> -> memref<512xf32, #tpu.memory_space<vmem>>
        %dma_wait3A_259 = arith.constant 4096 : i32
        %dma_wait3A_260 = tpu.memref_slice %arg15[%dma_wait3A_259] : memref<6144xi32, #tpu.memory_space<vmem>> -> memref<512xi32, #tpu.memory_space<vmem>>
        %dma_wait3A_261 = arith.constant 0 : i32
        %dma_wait3A_262 = tpu.memref_slice %arg22[%dma_wait3A_261] : memref<393216xf32, #tpu.memory_space<vmem_shared>> -> memref<393216xf32, #tpu.memory_space<vmem_shared>>
        tpu.wait_indirect_dma semaphore(%arg27 : memref<!tpu.dma_semaphore, #tpu.memory_space<semaphore_mem>>) src(%dma_wait3A_258 : memref<512xf32, #tpu.memory_space<vmem>>) dst(%dma_wait3A_262 : memref<393216xf32, #tpu.memory_space<vmem_shared>>)
        %dma_wait3A_263 = arith.constant 4608 : i32
        %dma_wait3A_264 = tpu.memref_slice %arg19[%dma_wait3A_263] : memref<6144xf32, #tpu.memory_space<vmem>> -> memref<512xf32, #tpu.memory_space<vmem>>
        %dma_wait3A_265 = arith.constant 4608 : i32
        %dma_wait3A_266 = tpu.memref_slice %arg13[%dma_wait3A_265] : memref<6144xi32, #tpu.memory_space<vmem>> -> memref<512xi32, #tpu.memory_space<vmem>>
        %dma_wait3A_267 = arith.constant 0 : i32
        %dma_wait3A_268 = tpu.memref_slice %arg22[%dma_wait3A_267] : memref<393216xf32, #tpu.memory_space<vmem_shared>> -> memref<393216xf32, #tpu.memory_space<vmem_shared>>
        tpu.wait_indirect_dma semaphore(%arg27 : memref<!tpu.dma_semaphore, #tpu.memory_space<semaphore_mem>>) src(%dma_wait3A_264 : memref<512xf32, #tpu.memory_space<vmem>>) dst(%dma_wait3A_268 : memref<393216xf32, #tpu.memory_space<vmem_shared>>)
        %dma_wait3A_269 = arith.constant 4608 : i32
        %dma_wait3A_270 = tpu.memref_slice %arg21[%dma_wait3A_269] : memref<6144xf32, #tpu.memory_space<vmem>> -> memref<512xf32, #tpu.memory_space<vmem>>
        %dma_wait3A_271 = arith.constant 4608 : i32
        %dma_wait3A_272 = tpu.memref_slice %arg15[%dma_wait3A_271] : memref<6144xi32, #tpu.memory_space<vmem>> -> memref<512xi32, #tpu.memory_space<vmem>>
        %dma_wait3A_273 = arith.constant 0 : i32
        %dma_wait3A_274 = tpu.memref_slice %arg22[%dma_wait3A_273] : memref<393216xf32, #tpu.memory_space<vmem_shared>> -> memref<393216xf32, #tpu.memory_space<vmem_shared>>
        tpu.wait_indirect_dma semaphore(%arg27 : memref<!tpu.dma_semaphore, #tpu.memory_space<semaphore_mem>>) src(%dma_wait3A_270 : memref<512xf32, #tpu.memory_space<vmem>>) dst(%dma_wait3A_274 : memref<393216xf32, #tpu.memory_space<vmem_shared>>)
        %dma_wait3A_275 = arith.constant 5120 : i32
        %dma_wait3A_276 = tpu.memref_slice %arg19[%dma_wait3A_275] : memref<6144xf32, #tpu.memory_space<vmem>> -> memref<512xf32, #tpu.memory_space<vmem>>
        %dma_wait3A_277 = arith.constant 5120 : i32
        %dma_wait3A_278 = tpu.memref_slice %arg13[%dma_wait3A_277] : memref<6144xi32, #tpu.memory_space<vmem>> -> memref<512xi32, #tpu.memory_space<vmem>>
        %dma_wait3A_279 = arith.constant 0 : i32
        %dma_wait3A_280 = tpu.memref_slice %arg22[%dma_wait3A_279] : memref<393216xf32, #tpu.memory_space<vmem_shared>> -> memref<393216xf32, #tpu.memory_space<vmem_shared>>
        tpu.wait_indirect_dma semaphore(%arg27 : memref<!tpu.dma_semaphore, #tpu.memory_space<semaphore_mem>>) src(%dma_wait3A_276 : memref<512xf32, #tpu.memory_space<vmem>>) dst(%dma_wait3A_280 : memref<393216xf32, #tpu.memory_space<vmem_shared>>)
        %dma_wait3A_281 = arith.constant 5120 : i32
        %dma_wait3A_282 = tpu.memref_slice %arg21[%dma_wait3A_281] : memref<6144xf32, #tpu.memory_space<vmem>> -> memref<512xf32, #tpu.memory_space<vmem>>
        %dma_wait3A_283 = arith.constant 5120 : i32
        %dma_wait3A_284 = tpu.memref_slice %arg15[%dma_wait3A_283] : memref<6144xi32, #tpu.memory_space<vmem>> -> memref<512xi32, #tpu.memory_space<vmem>>
        %dma_wait3A_285 = arith.constant 0 : i32
        %dma_wait3A_286 = tpu.memref_slice %arg22[%dma_wait3A_285] : memref<393216xf32, #tpu.memory_space<vmem_shared>> -> memref<393216xf32, #tpu.memory_space<vmem_shared>>
        tpu.wait_indirect_dma semaphore(%arg27 : memref<!tpu.dma_semaphore, #tpu.memory_space<semaphore_mem>>) src(%dma_wait3A_282 : memref<512xf32, #tpu.memory_space<vmem>>) dst(%dma_wait3A_286 : memref<393216xf32, #tpu.memory_space<vmem_shared>>)
        %dma_wait3A_287 = arith.constant 5632 : i32
        %dma_wait3A_288 = tpu.memref_slice %arg19[%dma_wait3A_287] : memref<6144xf32, #tpu.memory_space<vmem>> -> memref<512xf32, #tpu.memory_space<vmem>>
        %dma_wait3A_289 = arith.constant 5632 : i32
        %dma_wait3A_290 = tpu.memref_slice %arg13[%dma_wait3A_289] : memref<6144xi32, #tpu.memory_space<vmem>> -> memref<512xi32, #tpu.memory_space<vmem>>
        %dma_wait3A_291 = arith.constant 0 : i32
        %dma_wait3A_292 = tpu.memref_slice %arg22[%dma_wait3A_291] : memref<393216xf32, #tpu.memory_space<vmem_shared>> -> memref<393216xf32, #tpu.memory_space<vmem_shared>>
        tpu.wait_indirect_dma semaphore(%arg27 : memref<!tpu.dma_semaphore, #tpu.memory_space<semaphore_mem>>) src(%dma_wait3A_288 : memref<512xf32, #tpu.memory_space<vmem>>) dst(%dma_wait3A_292 : memref<393216xf32, #tpu.memory_space<vmem_shared>>)
        %dma_wait3A_293 = arith.constant 5632 : i32
        %dma_wait3A_294 = tpu.memref_slice %arg21[%dma_wait3A_293] : memref<6144xf32, #tpu.memory_space<vmem>> -> memref<512xf32, #tpu.memory_space<vmem>>
        %dma_wait3A_295 = arith.constant 5632 : i32
        %dma_wait3A_296 = tpu.memref_slice %arg15[%dma_wait3A_295] : memref<6144xi32, #tpu.memory_space<vmem>> -> memref<512xi32, #tpu.memory_space<vmem>>
        %dma_wait3A_297 = arith.constant 0 : i32
        %dma_wait3A_298 = tpu.memref_slice %arg22[%dma_wait3A_297] : memref<393216xf32, #tpu.memory_space<vmem_shared>> -> memref<393216xf32, #tpu.memory_space<vmem_shared>>
        tpu.wait_indirect_dma semaphore(%arg27 : memref<!tpu.dma_semaphore, #tpu.memory_space<semaphore_mem>>) src(%dma_wait3A_294 : memref<512xf32, #tpu.memory_space<vmem>>) dst(%dma_wait3A_298 : memref<393216xf32, #tpu.memory_space<vmem_shared>>)
      } else {
      }
      %lt3A_152 = arith.cmpi slt, %add3A_140, %select_n3A : i32
      %convert_element_type3A_153 = arith.extui %lt3A_152 : i1 to i32
      %cond3A_154 = arith.constant 0 : i32
      %cond3A_155 = arith.cmpi ne, %convert_element_type3A_153, %cond3A_154 : i32
      scf.if %cond3A_155 {
        %mul3A_156 = arith.constant 32 : i32
        %mul3A_157 = arith.muli %add3A_140, %mul3A_156 : i32
        %add3A_158 = arith.addi %add3A, %mul3A_157 : i32
        %mul3A_159 = arith.constant 2048 : i32
        %mul3A_160 = arith.muli %add3A_158, %mul3A_159 : i32
        %dma_start3A = arith.constant 0 : i32
        %dma_start3A_161 = tpu.memref_slice %arg9[%dma_start3A] : memref<6144xf32, #tpu.memory_space<vmem>> -> memref<2048xf32, #tpu.memory_space<vmem>>
        %dma_start3A_162 = tpu.memref_slice %arg5[%mul3A_160] : memref<6400000xf32, #tpu.memory_space<hbm>> -> memref<2048xf32, #tpu.memory_space<hbm>>
        %dma_start3A_163 = arith.constant 0 : i32
        %dma_start3A_164 = tpu.memref_slice %arg9[%dma_start3A_163] : memref<6144xf32, #tpu.memory_space<vmem>> -> memref<2048xf32, #tpu.memory_space<vmem>>
        %dma_start3A_165 = tpu.memref_slice %arg5[%mul3A_160] : memref<6400000xf32, #tpu.memory_space<hbm>> -> memref<2048xf32, #tpu.memory_space<hbm>>
        tpu.enqueue_dma source(%dma_start3A_165 : memref<2048xf32, #tpu.memory_space<hbm>>) target(%dma_start3A_164 : memref<2048xf32, #tpu.memory_space<vmem>>) target_semaphore(%arg24 : memref<!tpu.dma_semaphore, #tpu.memory_space<semaphore_mem>>)
        %dma_start3A_166 = arith.constant 2048 : i32
        %dma_start3A_167 = tpu.memref_slice %arg9[%dma_start3A_166] : memref<6144xf32, #tpu.memory_space<vmem>> -> memref<2048xf32, #tpu.memory_space<vmem>>
        %dma_start3A_168 = tpu.memref_slice %arg6[%mul3A_160] : memref<6400000xf32, #tpu.memory_space<hbm>> -> memref<2048xf32, #tpu.memory_space<hbm>>
        %dma_start3A_169 = arith.constant 2048 : i32
        %dma_start3A_170 = tpu.memref_slice %arg9[%dma_start3A_169] : memref<6144xf32, #tpu.memory_space<vmem>> -> memref<2048xf32, #tpu.memory_space<vmem>>
        %dma_start3A_171 = tpu.memref_slice %arg6[%mul3A_160] : memref<6400000xf32, #tpu.memory_space<hbm>> -> memref<2048xf32, #tpu.memory_space<hbm>>
        tpu.enqueue_dma source(%dma_start3A_171 : memref<2048xf32, #tpu.memory_space<hbm>>) target(%dma_start3A_170 : memref<2048xf32, #tpu.memory_space<vmem>>) target_semaphore(%arg24 : memref<!tpu.dma_semaphore, #tpu.memory_space<semaphore_mem>>)
        %dma_start3A_172 = arith.constant 4096 : i32
        %dma_start3A_173 = tpu.memref_slice %arg9[%dma_start3A_172] : memref<6144xf32, #tpu.memory_space<vmem>> -> memref<2048xf32, #tpu.memory_space<vmem>>
        %dma_start3A_174 = tpu.memref_slice %arg7[%mul3A_160] : memref<6400000xf32, #tpu.memory_space<hbm>> -> memref<2048xf32, #tpu.memory_space<hbm>>
        %dma_start3A_175 = arith.constant 4096 : i32
        %dma_start3A_176 = tpu.memref_slice %arg9[%dma_start3A_175] : memref<6144xf32, #tpu.memory_space<vmem>> -> memref<2048xf32, #tpu.memory_space<vmem>>
        %dma_start3A_177 = tpu.memref_slice %arg7[%mul3A_160] : memref<6400000xf32, #tpu.memory_space<hbm>> -> memref<2048xf32, #tpu.memory_space<hbm>>
        tpu.enqueue_dma source(%dma_start3A_177 : memref<2048xf32, #tpu.memory_space<hbm>>) target(%dma_start3A_176 : memref<2048xf32, #tpu.memory_space<vmem>>) target_semaphore(%arg24 : memref<!tpu.dma_semaphore, #tpu.memory_space<semaphore_mem>>)
        %dma_start3A_178 = tpu.memref_slice %arg3[%mul3A_160] : memref<6400000xi32, #tpu.memory_space<hbm>> -> memref<2048xi32, #tpu.memory_space<hbm>>
        %dma_start3A_179 = tpu.memref_slice %arg3[%mul3A_160] : memref<6400000xi32, #tpu.memory_space<hbm>> -> memref<2048xi32, #tpu.memory_space<hbm>>
        tpu.enqueue_dma source(%dma_start3A_179 : memref<2048xi32, #tpu.memory_space<hbm>>) target(%arg10 : memref<2048xi32, #tpu.memory_space<vmem>>) target_semaphore(%arg24 : memref<!tpu.dma_semaphore, #tpu.memory_space<semaphore_mem>>)
        %dma_start3A_180 = tpu.memref_slice %arg4[%mul3A_160] : memref<6400000xi32, #tpu.memory_space<hbm>> -> memref<2048xi32, #tpu.memory_space<hbm>>
        %dma_start3A_181 = tpu.memref_slice %arg4[%mul3A_160] : memref<6400000xi32, #tpu.memory_space<hbm>> -> memref<2048xi32, #tpu.memory_space<hbm>>
        tpu.enqueue_dma source(%dma_start3A_181 : memref<2048xi32, #tpu.memory_space<hbm>>) target(%arg11 : memref<2048xi32, #tpu.memory_space<vmem>>) target_semaphore(%arg24 : memref<!tpu.dma_semaphore, #tpu.memory_space<semaphore_mem>>)
        %dma_wait3A = arith.constant 0 : i32
        %dma_wait3A_182 = tpu.memref_slice %arg9[%dma_wait3A] : memref<6144xf32, #tpu.memory_space<vmem>> -> memref<2048xf32, #tpu.memory_space<vmem>>
        %dma_wait3A_183 = tpu.memref_slice %arg5[%mul3A_160] : memref<6400000xf32, #tpu.memory_space<hbm>> -> memref<2048xf32, #tpu.memory_space<hbm>>
        %dma_wait3A_184 = arith.constant 0 : i32
        %dma_wait3A_185 = tpu.memref_slice %arg9[%dma_wait3A_184] : memref<6144xf32, #tpu.memory_space<vmem>> -> memref<2048xf32, #tpu.memory_space<vmem>>
        %dma_wait3A_186 = tpu.memref_slice %arg5[%mul3A_160] : memref<6400000xf32, #tpu.memory_space<hbm>> -> memref<2048xf32, #tpu.memory_space<hbm>>
        tpu.wait_dma2 semaphore(%arg24 : memref<!tpu.dma_semaphore, #tpu.memory_space<semaphore_mem>>) src(%dma_wait3A_186 : memref<2048xf32, #tpu.memory_space<hbm>>) dst(%dma_wait3A_185 : memref<2048xf32, #tpu.memory_space<vmem>>)
        %dma_wait3A_187 = arith.constant 2048 : i32
        %dma_wait3A_188 = tpu.memref_slice %arg9[%dma_wait3A_187] : memref<6144xf32, #tpu.memory_space<vmem>> -> memref<2048xf32, #tpu.memory_space<vmem>>
        %dma_wait3A_189 = tpu.memref_slice %arg6[%mul3A_160] : memref<6400000xf32, #tpu.memory_space<hbm>> -> memref<2048xf32, #tpu.memory_space<hbm>>
        %dma_wait3A_190 = arith.constant 2048 : i32
        %dma_wait3A_191 = tpu.memref_slice %arg9[%dma_wait3A_190] : memref<6144xf32, #tpu.memory_space<vmem>> -> memref<2048xf32, #tpu.memory_space<vmem>>
        %dma_wait3A_192 = tpu.memref_slice %arg6[%mul3A_160] : memref<6400000xf32, #tpu.memory_space<hbm>> -> memref<2048xf32, #tpu.memory_space<hbm>>
        tpu.wait_dma2 semaphore(%arg24 : memref<!tpu.dma_semaphore, #tpu.memory_space<semaphore_mem>>) src(%dma_wait3A_192 : memref<2048xf32, #tpu.memory_space<hbm>>) dst(%dma_wait3A_191 : memref<2048xf32, #tpu.memory_space<vmem>>)
        %dma_wait3A_193 = arith.constant 4096 : i32
        %dma_wait3A_194 = tpu.memref_slice %arg9[%dma_wait3A_193] : memref<6144xf32, #tpu.memory_space<vmem>> -> memref<2048xf32, #tpu.memory_space<vmem>>
        %dma_wait3A_195 = tpu.memref_slice %arg7[%mul3A_160] : memref<6400000xf32, #tpu.memory_space<hbm>> -> memref<2048xf32, #tpu.memory_space<hbm>>
        %dma_wait3A_196 = arith.constant 4096 : i32
        %dma_wait3A_197 = tpu.memref_slice %arg9[%dma_wait3A_196] : memref<6144xf32, #tpu.memory_space<vmem>> -> memref<2048xf32, #tpu.memory_space<vmem>>
        %dma_wait3A_198 = tpu.memref_slice %arg7[%mul3A_160] : memref<6400000xf32, #tpu.memory_space<hbm>> -> memref<2048xf32, #tpu.memory_space<hbm>>
        tpu.wait_dma2 semaphore(%arg24 : memref<!tpu.dma_semaphore, #tpu.memory_space<semaphore_mem>>) src(%dma_wait3A_198 : memref<2048xf32, #tpu.memory_space<hbm>>) dst(%dma_wait3A_197 : memref<2048xf32, #tpu.memory_space<vmem>>)
        %dma_wait3A_199 = tpu.memref_slice %arg3[%mul3A_160] : memref<6400000xi32, #tpu.memory_space<hbm>> -> memref<2048xi32, #tpu.memory_space<hbm>>
        %dma_wait3A_200 = tpu.memref_slice %arg3[%mul3A_160] : memref<6400000xi32, #tpu.memory_space<hbm>> -> memref<2048xi32, #tpu.memory_space<hbm>>
        tpu.wait_dma2 semaphore(%arg24 : memref<!tpu.dma_semaphore, #tpu.memory_space<semaphore_mem>>) src(%dma_wait3A_200 : memref<2048xi32, #tpu.memory_space<hbm>>) dst(%arg10 : memref<2048xi32, #tpu.memory_space<vmem>>)
        %dma_wait3A_201 = tpu.memref_slice %arg4[%mul3A_160] : memref<6400000xi32, #tpu.memory_space<hbm>> -> memref<2048xi32, #tpu.memory_space<hbm>>
        %dma_wait3A_202 = tpu.memref_slice %arg4[%mul3A_160] : memref<6400000xi32, #tpu.memory_space<hbm>> -> memref<2048xi32, #tpu.memory_space<hbm>>
        tpu.wait_dma2 semaphore(%arg24 : memref<!tpu.dma_semaphore, #tpu.memory_space<semaphore_mem>>) src(%dma_wait3A_202 : memref<2048xi32, #tpu.memory_space<hbm>>) dst(%arg11 : memref<2048xi32, #tpu.memory_space<vmem>>)
        %scan3A_203 = arith.constant 0 : i32
        %scan3A_204 = arith.constant 0 : i32
        %scan3A_205 = arith.constant 128 : i32
        %scan3A_206 = arith.addi %scan3A_204, %scan3A_205 : i32
        %scan3A_207 = arith.constant 1 : i32
        scf.for %scan3A_647 = %scan3A_204 to %scan3A_206 step %scan3A_207  : i32 {
          %mul3A_648 = arith.constant 16 : i32
          %mul3A_649 = arith.muli %scan3A_647, %mul3A_648 : i32
          %get3A = arith.index_cast %mul3A_649 : i32 to index
          %get3A_650 = tpu.vector_load %arg10[%get3A] {strides = array<i32>} : memref<2048xi32, #tpu.memory_space<vmem>>, vector<16xi32>,
          %get3A_651 = arith.index_cast %mul3A_649 : i32 to index
          %get3A_652 = tpu.vector_load %arg11[%get3A_651] {strides = array<i32>} : memref<2048xi32, #tpu.memory_space<vmem>>, vector<16xi32>,
          %swap3A = arith.index_cast %mul3A_649 : i32 to index
          %swap3A_653 = tpu.vector_load %arg13[%swap3A] {strides = array<i32>} : memref<6144xi32, #tpu.memory_space<vmem>>, vector<16xi32>,
          tpu.vector_store %arg13[%swap3A], %get3A_650 {strides = array<i32>} : memref<6144xi32, #tpu.memory_space<vmem>>, vector<16xi32>,
          %add3A_654 = arith.constant 131072 : i32
          %add3A_655 = vector.broadcast %add3A_654 : i32 to vector<16xi32>
          %add3A_656 = arith.addi %get3A_650, %add3A_655 : vector<16xi32>
          %mul3A_657 = arith.constant 16 : i32
          %mul3A_658 = arith.muli %scan3A_647, %mul3A_657 : i32
          %add3A_659 = arith.constant 2048 : i32
          %add3A_660 = arith.addi %add3A_659, %mul3A_658 : i32
          %swap3A_661 = arith.index_cast %add3A_660 : i32 to index
          %swap3A_662 = tpu.vector_load %arg13[%swap3A_661] {strides = array<i32>} : memref<6144xi32, #tpu.memory_space<vmem>>, vector<16xi32>,
          tpu.vector_store %arg13[%swap3A_661], %add3A_656 {strides = array<i32>} : memref<6144xi32, #tpu.memory_space<vmem>>, vector<16xi32>,
          %add3A_663 = arith.constant 262144 : i32
          %add3A_664 = vector.broadcast %add3A_663 : i32 to vector<16xi32>
          %add3A_665 = arith.addi %get3A_650, %add3A_664 : vector<16xi32>
          %mul3A_666 = arith.constant 16 : i32
          %mul3A_667 = arith.muli %scan3A_647, %mul3A_666 : i32
          %add3A_668 = arith.constant 4096 : i32
          %add3A_669 = arith.addi %add3A_668, %mul3A_667 : i32
          %swap3A_670 = arith.index_cast %add3A_669 : i32 to index
          %swap3A_671 = tpu.vector_load %arg13[%swap3A_670] {strides = array<i32>} : memref<6144xi32, #tpu.memory_space<vmem>>, vector<16xi32>,
          tpu.vector_store %arg13[%swap3A_670], %add3A_665 {strides = array<i32>} : memref<6144xi32, #tpu.memory_space<vmem>>, vector<16xi32>,
          %swap3A_672 = arith.index_cast %mul3A_649 : i32 to index
          %swap3A_673 = tpu.vector_load %arg15[%swap3A_672] {strides = array<i32>} : memref<6144xi32, #tpu.memory_space<vmem>>, vector<16xi32>,
          tpu.vector_store %arg15[%swap3A_672], %get3A_652 {strides = array<i32>} : memref<6144xi32, #tpu.memory_space<vmem>>, vector<16xi32>,
          %add3A_674 = arith.constant 131072 : i32
          %add3A_675 = vector.broadcast %add3A_674 : i32 to vector<16xi32>
          %add3A_676 = arith.addi %get3A_652, %add3A_675 : vector<16xi32>
          %mul3A_677 = arith.constant 16 : i32
          %mul3A_678 = arith.muli %scan3A_647, %mul3A_677 : i32
          %add3A_679 = arith.constant 2048 : i32
          %add3A_680 = arith.addi %add3A_679, %mul3A_678 : i32
          %swap3A_681 = arith.index_cast %add3A_680 : i32 to index
          %swap3A_682 = tpu.vector_load %arg15[%swap3A_681] {strides = array<i32>} : memref<6144xi32, #tpu.memory_space<vmem>>, vector<16xi32>,
          tpu.vector_store %arg15[%swap3A_681], %add3A_676 {strides = array<i32>} : memref<6144xi32, #tpu.memory_space<vmem>>, vector<16xi32>,
          %add3A_683 = arith.constant 262144 : i32
          %add3A_684 = vector.broadcast %add3A_683 : i32 to vector<16xi32>
          %add3A_685 = arith.addi %get3A_652, %add3A_684 : vector<16xi32>
          %mul3A_686 = arith.constant 16 : i32
          %mul3A_687 = arith.muli %scan3A_647, %mul3A_686 : i32
          %add3A_688 = arith.constant 4096 : i32
          %add3A_689 = arith.addi %add3A_688, %mul3A_687 : i32
          %swap3A_690 = arith.index_cast %add3A_689 : i32 to index
          %swap3A_691 = tpu.vector_load %arg15[%swap3A_690] {strides = array<i32>} : memref<6144xi32, #tpu.memory_space<vmem>>, vector<16xi32>,
          tpu.vector_store %arg15[%swap3A_690], %add3A_685 {strides = array<i32>} : memref<6144xi32, #tpu.memory_space<vmem>>, vector<16xi32>,
        }
        %scan3A_208 = arith.constant 128 : i32
        %dma_start3A_209 = arith.constant 0 : i32
        %dma_start3A_210 = tpu.memref_slice %arg16[%dma_start3A_209] : memref<6144xf32, #tpu.memory_space<vmem>> -> memref<512xf32, #tpu.memory_space<vmem>>
        %dma_start3A_211 = arith.constant 0 : i32
        %dma_start3A_212 = tpu.memref_slice %arg13[%dma_start3A_211] : memref<6144xi32, #tpu.memory_space<vmem>> -> memref<512xi32, #tpu.memory_space<vmem>>
        %dma_start3A_213 = arith.constant 0 : i32
        %dma_start3A_214 = tpu.memref_slice %arg23[%dma_start3A_213] : memref<393216xf32, #tpu.memory_space<vmem_shared>> -> memref<393216xf32, #tpu.memory_space<vmem_shared>>
        tpu.enqueue_indirect_dma source(%dma_start3A_214 : memref<393216xf32, #tpu.memory_space<vmem_shared>>) target(%dma_start3A_210 : memref<512xf32, #tpu.memory_space<vmem>>) offsets(%dma_start3A_212 : memref<512xi32, #tpu.memory_space<vmem>>) semaphore(%arg25 : memref<!tpu.dma_semaphore, #tpu.memory_space<semaphore_mem>>)
        %dma_start3A_215 = arith.constant 0 : i32
        %dma_start3A_216 = tpu.memref_slice %arg17[%dma_start3A_215] : memref<6144xf32, #tpu.memory_space<vmem>> -> memref<512xf32, #tpu.memory_space<vmem>>
        %dma_start3A_217 = arith.constant 0 : i32
        %dma_start3A_218 = tpu.memref_slice %arg15[%dma_start3A_217] : memref<6144xi32, #tpu.memory_space<vmem>> -> memref<512xi32, #tpu.memory_space<vmem>>
        %dma_start3A_219 = arith.constant 0 : i32
        %dma_start3A_220 = tpu.memref_slice %arg23[%dma_start3A_219] : memref<393216xf32, #tpu.memory_space<vmem_shared>> -> memref<393216xf32, #tpu.memory_space<vmem_shared>>
        tpu.enqueue_indirect_dma source(%dma_start3A_220 : memref<393216xf32, #tpu.memory_space<vmem_shared>>) target(%dma_start3A_216 : memref<512xf32, #tpu.memory_space<vmem>>) offsets(%dma_start3A_218 : memref<512xi32, #tpu.memory_space<vmem>>) semaphore(%arg25 : memref<!tpu.dma_semaphore, #tpu.memory_space<semaphore_mem>>)
        %dma_start3A_221 = arith.constant 512 : i32
        %dma_start3A_222 = tpu.memref_slice %arg16[%dma_start3A_221] : memref<6144xf32, #tpu.memory_space<vmem>> -> memref<512xf32, #tpu.memory_space<vmem>>
        %dma_start3A_223 = arith.constant 512 : i32
        %dma_start3A_224 = tpu.memref_slice %arg13[%dma_start3A_223] : memref<6144xi32, #tpu.memory_space<vmem>> -> memref<512xi32, #tpu.memory_space<vmem>>
        %dma_start3A_225 = arith.constant 0 : i32
        %dma_start3A_226 = tpu.memref_slice %arg23[%dma_start3A_225] : memref<393216xf32, #tpu.memory_space<vmem_shared>> -> memref<393216xf32, #tpu.memory_space<vmem_shared>>
        tpu.enqueue_indirect_dma source(%dma_start3A_226 : memref<393216xf32, #tpu.memory_space<vmem_shared>>) target(%dma_start3A_222 : memref<512xf32, #tpu.memory_space<vmem>>) offsets(%dma_start3A_224 : memref<512xi32, #tpu.memory_space<vmem>>) semaphore(%arg25 : memref<!tpu.dma_semaphore, #tpu.memory_space<semaphore_mem>>)
        %dma_start3A_227 = arith.constant 512 : i32
        %dma_start3A_228 = tpu.memref_slice %arg17[%dma_start3A_227] : memref<6144xf32, #tpu.memory_space<vmem>> -> memref<512xf32, #tpu.memory_space<vmem>>
        %dma_start3A_229 = arith.constant 512 : i32
        %dma_start3A_230 = tpu.memref_slice %arg15[%dma_start3A_229] : memref<6144xi32, #tpu.memory_space<vmem>> -> memref<512xi32, #tpu.memory_space<vmem>>
        %dma_start3A_231 = arith.constant 0 : i32
        %dma_start3A_232 = tpu.memref_slice %arg23[%dma_start3A_231] : memref<393216xf32, #tpu.memory_space<vmem_shared>> -> memref<393216xf32, #tpu.memory_space<vmem_shared>>
        tpu.enqueue_indirect_dma source(%dma_start3A_232 : memref<393216xf32, #tpu.memory_space<vmem_shared>>) target(%dma_start3A_228 : memref<512xf32, #tpu.memory_space<vmem>>) offsets(%dma_start3A_230 : memref<512xi32, #tpu.memory_space<vmem>>) semaphore(%arg25 : memref<!tpu.dma_semaphore, #tpu.memory_space<semaphore_mem>>)
        %dma_start3A_233 = arith.constant 1024 : i32
        %dma_start3A_234 = tpu.memref_slice %arg16[%dma_start3A_233] : memref<6144xf32, #tpu.memory_space<vmem>> -> memref<512xf32, #tpu.memory_space<vmem>>
        %dma_start3A_235 = arith.constant 1024 : i32
        %dma_start3A_236 = tpu.memref_slice %arg13[%dma_start3A_235] : memref<6144xi32, #tpu.memory_space<vmem>> -> memref<512xi32, #tpu.memory_space<vmem>>
        %dma_start3A_237 = arith.constant 0 : i32
        %dma_start3A_238 = tpu.memref_slice %arg23[%dma_start3A_237] : memref<393216xf32, #tpu.memory_space<vmem_shared>> -> memref<393216xf32, #tpu.memory_space<vmem_shared>>
        tpu.enqueue_indirect_dma source(%dma_start3A_238 : memref<393216xf32, #tpu.memory_space<vmem_shared>>) target(%dma_start3A_234 : memref<512xf32, #tpu.memory_space<vmem>>) offsets(%dma_start3A_236 : memref<512xi32, #tpu.memory_space<vmem>>) semaphore(%arg25 : memref<!tpu.dma_semaphore, #tpu.memory_space<semaphore_mem>>)
        %dma_start3A_239 = arith.constant 1024 : i32
        %dma_start3A_240 = tpu.memref_slice %arg17[%dma_start3A_239] : memref<6144xf32, #tpu.memory_space<vmem>> -> memref<512xf32, #tpu.memory_space<vmem>>
        %dma_start3A_241 = arith.constant 1024 : i32
        %dma_start3A_242 = tpu.memref_slice %arg15[%dma_start3A_241] : memref<6144xi32, #tpu.memory_space<vmem>> -> memref<512xi32, #tpu.memory_space<vmem>>
        %dma_start3A_243 = arith.constant 0 : i32
        %dma_start3A_244 = tpu.memref_slice %arg23[%dma_start3A_243] : memref<393216xf32, #tpu.memory_space<vmem_shared>> -> memref<393216xf32, #tpu.memory_space<vmem_shared>>
        tpu.enqueue_indirect_dma source(%dma_start3A_244 : memref<393216xf32, #tpu.memory_space<vmem_shared>>) target(%dma_start3A_240 : memref<512xf32, #tpu.memory_space<vmem>>) offsets(%dma_start3A_242 : memref<512xi32, #tpu.memory_space<vmem>>) semaphore(%arg25 : memref<!tpu.dma_semaphore, #tpu.memory_space<semaphore_mem>>)
        %dma_start3A_245 = arith.constant 1536 : i32
        %dma_start3A_246 = tpu.memref_slice %arg16[%dma_start3A_245] : memref<6144xf32, #tpu.memory_space<vmem>> -> memref<512xf32, #tpu.memory_space<vmem>>
        %dma_start3A_247 = arith.constant 1536 : i32
        %dma_start3A_248 = tpu.memref_slice %arg13[%dma_start3A_247] : memref<6144xi32, #tpu.memory_space<vmem>> -> memref<512xi32, #tpu.memory_space<vmem>>
        %dma_start3A_249 = arith.constant 0 : i32
        %dma_start3A_250 = tpu.memref_slice %arg23[%dma_start3A_249] : memref<393216xf32, #tpu.memory_space<vmem_shared>> -> memref<393216xf32, #tpu.memory_space<vmem_shared>>
        tpu.enqueue_indirect_dma source(%dma_start3A_250 : memref<393216xf32, #tpu.memory_space<vmem_shared>>) target(%dma_start3A_246 : memref<512xf32, #tpu.memory_space<vmem>>) offsets(%dma_start3A_248 : memref<512xi32, #tpu.memory_space<vmem>>) semaphore(%arg25 : memref<!tpu.dma_semaphore, #tpu.memory_space<semaphore_mem>>)
        %dma_start3A_251 = arith.constant 1536 : i32
        %dma_start3A_252 = tpu.memref_slice %arg17[%dma_start3A_251] : memref<6144xf32, #tpu.memory_space<vmem>> -> memref<512xf32, #tpu.memory_space<vmem>>
        %dma_start3A_253 = arith.constant 1536 : i32
        %dma_start3A_254 = tpu.memref_slice %arg15[%dma_start3A_253] : memref<6144xi32, #tpu.memory_space<vmem>> -> memref<512xi32, #tpu.memory_space<vmem>>
        %dma_start3A_255 = arith.constant 0 : i32
        %dma_start3A_256 = tpu.memref_slice %arg23[%dma_start3A_255] : memref<393216xf32, #tpu.memory_space<vmem_shared>> -> memref<393216xf32, #tpu.memory_space<vmem_shared>>
        tpu.enqueue_indirect_dma source(%dma_start3A_256 : memref<393216xf32, #tpu.memory_space<vmem_shared>>) target(%dma_start3A_252 : memref<512xf32, #tpu.memory_space<vmem>>) offsets(%dma_start3A_254 : memref<512xi32, #tpu.memory_space<vmem>>) semaphore(%arg25 : memref<!tpu.dma_semaphore, #tpu.memory_space<semaphore_mem>>)
        %dma_start3A_257 = arith.constant 2048 : i32
        %dma_start3A_258 = tpu.memref_slice %arg16[%dma_start3A_257] : memref<6144xf32, #tpu.memory_space<vmem>> -> memref<512xf32, #tpu.memory_space<vmem>>
        %dma_start3A_259 = arith.constant 2048 : i32
        %dma_start3A_260 = tpu.memref_slice %arg13[%dma_start3A_259] : memref<6144xi32, #tpu.memory_space<vmem>> -> memref<512xi32, #tpu.memory_space<vmem>>
        %dma_start3A_261 = arith.constant 0 : i32
        %dma_start3A_262 = tpu.memref_slice %arg23[%dma_start3A_261] : memref<393216xf32, #tpu.memory_space<vmem_shared>> -> memref<393216xf32, #tpu.memory_space<vmem_shared>>
        tpu.enqueue_indirect_dma source(%dma_start3A_262 : memref<393216xf32, #tpu.memory_space<vmem_shared>>) target(%dma_start3A_258 : memref<512xf32, #tpu.memory_space<vmem>>) offsets(%dma_start3A_260 : memref<512xi32, #tpu.memory_space<vmem>>) semaphore(%arg25 : memref<!tpu.dma_semaphore, #tpu.memory_space<semaphore_mem>>)
        %dma_start3A_263 = arith.constant 2048 : i32
        %dma_start3A_264 = tpu.memref_slice %arg17[%dma_start3A_263] : memref<6144xf32, #tpu.memory_space<vmem>> -> memref<512xf32, #tpu.memory_space<vmem>>
        %dma_start3A_265 = arith.constant 2048 : i32
        %dma_start3A_266 = tpu.memref_slice %arg15[%dma_start3A_265] : memref<6144xi32, #tpu.memory_space<vmem>> -> memref<512xi32, #tpu.memory_space<vmem>>
        %dma_start3A_267 = arith.constant 0 : i32
        %dma_start3A_268 = tpu.memref_slice %arg23[%dma_start3A_267] : memref<393216xf32, #tpu.memory_space<vmem_shared>> -> memref<393216xf32, #tpu.memory_space<vmem_shared>>
        tpu.enqueue_indirect_dma source(%dma_start3A_268 : memref<393216xf32, #tpu.memory_space<vmem_shared>>) target(%dma_start3A_264 : memref<512xf32, #tpu.memory_space<vmem>>) offsets(%dma_start3A_266 : memref<512xi32, #tpu.memory_space<vmem>>) semaphore(%arg25 : memref<!tpu.dma_semaphore, #tpu.memory_space<semaphore_mem>>)
        %dma_start3A_269 = arith.constant 2560 : i32
        %dma_start3A_270 = tpu.memref_slice %arg16[%dma_start3A_269] : memref<6144xf32, #tpu.memory_space<vmem>> -> memref<512xf32, #tpu.memory_space<vmem>>
        %dma_start3A_271 = arith.constant 2560 : i32
        %dma_start3A_272 = tpu.memref_slice %arg13[%dma_start3A_271] : memref<6144xi32, #tpu.memory_space<vmem>> -> memref<512xi32, #tpu.memory_space<vmem>>
        %dma_start3A_273 = arith.constant 0 : i32
        %dma_start3A_274 = tpu.memref_slice %arg23[%dma_start3A_273] : memref<393216xf32, #tpu.memory_space<vmem_shared>> -> memref<393216xf32, #tpu.memory_space<vmem_shared>>
        tpu.enqueue_indirect_dma source(%dma_start3A_274 : memref<393216xf32, #tpu.memory_space<vmem_shared>>) target(%dma_start3A_270 : memref<512xf32, #tpu.memory_space<vmem>>) offsets(%dma_start3A_272 : memref<512xi32, #tpu.memory_space<vmem>>) semaphore(%arg25 : memref<!tpu.dma_semaphore, #tpu.memory_space<semaphore_mem>>)
        %dma_start3A_275 = arith.constant 2560 : i32
        %dma_start3A_276 = tpu.memref_slice %arg17[%dma_start3A_275] : memref<6144xf32, #tpu.memory_space<vmem>> -> memref<512xf32, #tpu.memory_space<vmem>>
        %dma_start3A_277 = arith.constant 2560 : i32
        %dma_start3A_278 = tpu.memref_slice %arg15[%dma_start3A_277] : memref<6144xi32, #tpu.memory_space<vmem>> -> memref<512xi32, #tpu.memory_space<vmem>>
        %dma_start3A_279 = arith.constant 0 : i32
        %dma_start3A_280 = tpu.memref_slice %arg23[%dma_start3A_279] : memref<393216xf32, #tpu.memory_space<vmem_shared>> -> memref<393216xf32, #tpu.memory_space<vmem_shared>>
        tpu.enqueue_indirect_dma source(%dma_start3A_280 : memref<393216xf32, #tpu.memory_space<vmem_shared>>) target(%dma_start3A_276 : memref<512xf32, #tpu.memory_space<vmem>>) offsets(%dma_start3A_278 : memref<512xi32, #tpu.memory_space<vmem>>) semaphore(%arg25 : memref<!tpu.dma_semaphore, #tpu.memory_space<semaphore_mem>>)
        %dma_start3A_281 = arith.constant 3072 : i32
        %dma_start3A_282 = tpu.memref_slice %arg16[%dma_start3A_281] : memref<6144xf32, #tpu.memory_space<vmem>> -> memref<512xf32, #tpu.memory_space<vmem>>
        %dma_start3A_283 = arith.constant 3072 : i32
        %dma_start3A_284 = tpu.memref_slice %arg13[%dma_start3A_283] : memref<6144xi32, #tpu.memory_space<vmem>> -> memref<512xi32, #tpu.memory_space<vmem>>
        %dma_start3A_285 = arith.constant 0 : i32
        %dma_start3A_286 = tpu.memref_slice %arg23[%dma_start3A_285] : memref<393216xf32, #tpu.memory_space<vmem_shared>> -> memref<393216xf32, #tpu.memory_space<vmem_shared>>
        tpu.enqueue_indirect_dma source(%dma_start3A_286 : memref<393216xf32, #tpu.memory_space<vmem_shared>>) target(%dma_start3A_282 : memref<512xf32, #tpu.memory_space<vmem>>) offsets(%dma_start3A_284 : memref<512xi32, #tpu.memory_space<vmem>>) semaphore(%arg25 : memref<!tpu.dma_semaphore, #tpu.memory_space<semaphore_mem>>)
        %dma_start3A_287 = arith.constant 3072 : i32
        %dma_start3A_288 = tpu.memref_slice %arg17[%dma_start3A_287] : memref<6144xf32, #tpu.memory_space<vmem>> -> memref<512xf32, #tpu.memory_space<vmem>>
        %dma_start3A_289 = arith.constant 3072 : i32
        %dma_start3A_290 = tpu.memref_slice %arg15[%dma_start3A_289] : memref<6144xi32, #tpu.memory_space<vmem>> -> memref<512xi32, #tpu.memory_space<vmem>>
        %dma_start3A_291 = arith.constant 0 : i32
        %dma_start3A_292 = tpu.memref_slice %arg23[%dma_start3A_291] : memref<393216xf32, #tpu.memory_space<vmem_shared>> -> memref<393216xf32, #tpu.memory_space<vmem_shared>>
        tpu.enqueue_indirect_dma source(%dma_start3A_292 : memref<393216xf32, #tpu.memory_space<vmem_shared>>) target(%dma_start3A_288 : memref<512xf32, #tpu.memory_space<vmem>>) offsets(%dma_start3A_290 : memref<512xi32, #tpu.memory_space<vmem>>) semaphore(%arg25 : memref<!tpu.dma_semaphore, #tpu.memory_space<semaphore_mem>>)
        %dma_start3A_293 = arith.constant 3584 : i32
        %dma_start3A_294 = tpu.memref_slice %arg16[%dma_start3A_293] : memref<6144xf32, #tpu.memory_space<vmem>> -> memref<512xf32, #tpu.memory_space<vmem>>
        %dma_start3A_295 = arith.constant 3584 : i32
        %dma_start3A_296 = tpu.memref_slice %arg13[%dma_start3A_295] : memref<6144xi32, #tpu.memory_space<vmem>> -> memref<512xi32, #tpu.memory_space<vmem>>
        %dma_start3A_297 = arith.constant 0 : i32
        %dma_start3A_298 = tpu.memref_slice %arg23[%dma_start3A_297] : memref<393216xf32, #tpu.memory_space<vmem_shared>> -> memref<393216xf32, #tpu.memory_space<vmem_shared>>
        tpu.enqueue_indirect_dma source(%dma_start3A_298 : memref<393216xf32, #tpu.memory_space<vmem_shared>>) target(%dma_start3A_294 : memref<512xf32, #tpu.memory_space<vmem>>) offsets(%dma_start3A_296 : memref<512xi32, #tpu.memory_space<vmem>>) semaphore(%arg25 : memref<!tpu.dma_semaphore, #tpu.memory_space<semaphore_mem>>)
        %dma_start3A_299 = arith.constant 3584 : i32
        %dma_start3A_300 = tpu.memref_slice %arg17[%dma_start3A_299] : memref<6144xf32, #tpu.memory_space<vmem>> -> memref<512xf32, #tpu.memory_space<vmem>>
        %dma_start3A_301 = arith.constant 3584 : i32
        %dma_start3A_302 = tpu.memref_slice %arg15[%dma_start3A_301] : memref<6144xi32, #tpu.memory_space<vmem>> -> memref<512xi32, #tpu.memory_space<vmem>>
        %dma_start3A_303 = arith.constant 0 : i32
        %dma_start3A_304 = tpu.memref_slice %arg23[%dma_start3A_303] : memref<393216xf32, #tpu.memory_space<vmem_shared>> -> memref<393216xf32, #tpu.memory_space<vmem_shared>>
        tpu.enqueue_indirect_dma source(%dma_start3A_304 : memref<393216xf32, #tpu.memory_space<vmem_shared>>) target(%dma_start3A_300 : memref<512xf32, #tpu.memory_space<vmem>>) offsets(%dma_start3A_302 : memref<512xi32, #tpu.memory_space<vmem>>) semaphore(%arg25 : memref<!tpu.dma_semaphore, #tpu.memory_space<semaphore_mem>>)
        %dma_start3A_305 = arith.constant 4096 : i32
        %dma_start3A_306 = tpu.memref_slice %arg16[%dma_start3A_305] : memref<6144xf32, #tpu.memory_space<vmem>> -> memref<512xf32, #tpu.memory_space<vmem>>
        %dma_start3A_307 = arith.constant 4096 : i32
        %dma_start3A_308 = tpu.memref_slice %arg13[%dma_start3A_307] : memref<6144xi32, #tpu.memory_space<vmem>> -> memref<512xi32, #tpu.memory_space<vmem>>
        %dma_start3A_309 = arith.constant 0 : i32
        %dma_start3A_310 = tpu.memref_slice %arg23[%dma_start3A_309] : memref<393216xf32, #tpu.memory_space<vmem_shared>> -> memref<393216xf32, #tpu.memory_space<vmem_shared>>
        tpu.enqueue_indirect_dma source(%dma_start3A_310 : memref<393216xf32, #tpu.memory_space<vmem_shared>>) target(%dma_start3A_306 : memref<512xf32, #tpu.memory_space<vmem>>) offsets(%dma_start3A_308 : memref<512xi32, #tpu.memory_space<vmem>>) semaphore(%arg25 : memref<!tpu.dma_semaphore, #tpu.memory_space<semaphore_mem>>)
        %dma_start3A_311 = arith.constant 4096 : i32
        %dma_start3A_312 = tpu.memref_slice %arg17[%dma_start3A_311] : memref<6144xf32, #tpu.memory_space<vmem>> -> memref<512xf32, #tpu.memory_space<vmem>>
        %dma_start3A_313 = arith.constant 4096 : i32
        %dma_start3A_314 = tpu.memref_slice %arg15[%dma_start3A_313] : memref<6144xi32, #tpu.memory_space<vmem>> -> memref<512xi32, #tpu.memory_space<vmem>>
        %dma_start3A_315 = arith.constant 0 : i32
        %dma_start3A_316 = tpu.memref_slice %arg23[%dma_start3A_315] : memref<393216xf32, #tpu.memory_space<vmem_shared>> -> memref<393216xf32, #tpu.memory_space<vmem_shared>>
        tpu.enqueue_indirect_dma source(%dma_start3A_316 : memref<393216xf32, #tpu.memory_space<vmem_shared>>) target(%dma_start3A_312 : memref<512xf32, #tpu.memory_space<vmem>>) offsets(%dma_start3A_314 : memref<512xi32, #tpu.memory_space<vmem>>) semaphore(%arg25 : memref<!tpu.dma_semaphore, #tpu.memory_space<semaphore_mem>>)
        %dma_start3A_317 = arith.constant 4608 : i32
        %dma_start3A_318 = tpu.memref_slice %arg16[%dma_start3A_317] : memref<6144xf32, #tpu.memory_space<vmem>> -> memref<512xf32, #tpu.memory_space<vmem>>
        %dma_start3A_319 = arith.constant 4608 : i32
        %dma_start3A_320 = tpu.memref_slice %arg13[%dma_start3A_319] : memref<6144xi32, #tpu.memory_space<vmem>> -> memref<512xi32, #tpu.memory_space<vmem>>
        %dma_start3A_321 = arith.constant 0 : i32
        %dma_start3A_322 = tpu.memref_slice %arg23[%dma_start3A_321] : memref<393216xf32, #tpu.memory_space<vmem_shared>> -> memref<393216xf32, #tpu.memory_space<vmem_shared>>
        tpu.enqueue_indirect_dma source(%dma_start3A_322 : memref<393216xf32, #tpu.memory_space<vmem_shared>>) target(%dma_start3A_318 : memref<512xf32, #tpu.memory_space<vmem>>) offsets(%dma_start3A_320 : memref<512xi32, #tpu.memory_space<vmem>>) semaphore(%arg25 : memref<!tpu.dma_semaphore, #tpu.memory_space<semaphore_mem>>)
        %dma_start3A_323 = arith.constant 4608 : i32
        %dma_start3A_324 = tpu.memref_slice %arg17[%dma_start3A_323] : memref<6144xf32, #tpu.memory_space<vmem>> -> memref<512xf32, #tpu.memory_space<vmem>>
        %dma_start3A_325 = arith.constant 4608 : i32
        %dma_start3A_326 = tpu.memref_slice %arg15[%dma_start3A_325] : memref<6144xi32, #tpu.memory_space<vmem>> -> memref<512xi32, #tpu.memory_space<vmem>>
        %dma_start3A_327 = arith.constant 0 : i32
        %dma_start3A_328 = tpu.memref_slice %arg23[%dma_start3A_327] : memref<393216xf32, #tpu.memory_space<vmem_shared>> -> memref<393216xf32, #tpu.memory_space<vmem_shared>>
        tpu.enqueue_indirect_dma source(%dma_start3A_328 : memref<393216xf32, #tpu.memory_space<vmem_shared>>) target(%dma_start3A_324 : memref<512xf32, #tpu.memory_space<vmem>>) offsets(%dma_start3A_326 : memref<512xi32, #tpu.memory_space<vmem>>) semaphore(%arg25 : memref<!tpu.dma_semaphore, #tpu.memory_space<semaphore_mem>>)
        %dma_start3A_329 = arith.constant 5120 : i32
        %dma_start3A_330 = tpu.memref_slice %arg16[%dma_start3A_329] : memref<6144xf32, #tpu.memory_space<vmem>> -> memref<512xf32, #tpu.memory_space<vmem>>
        %dma_start3A_331 = arith.constant 5120 : i32
        %dma_start3A_332 = tpu.memref_slice %arg13[%dma_start3A_331] : memref<6144xi32, #tpu.memory_space<vmem>> -> memref<512xi32, #tpu.memory_space<vmem>>
        %dma_start3A_333 = arith.constant 0 : i32
        %dma_start3A_334 = tpu.memref_slice %arg23[%dma_start3A_333] : memref<393216xf32, #tpu.memory_space<vmem_shared>> -> memref<393216xf32, #tpu.memory_space<vmem_shared>>
        tpu.enqueue_indirect_dma source(%dma_start3A_334 : memref<393216xf32, #tpu.memory_space<vmem_shared>>) target(%dma_start3A_330 : memref<512xf32, #tpu.memory_space<vmem>>) offsets(%dma_start3A_332 : memref<512xi32, #tpu.memory_space<vmem>>) semaphore(%arg25 : memref<!tpu.dma_semaphore, #tpu.memory_space<semaphore_mem>>)
        %dma_start3A_335 = arith.constant 5120 : i32
        %dma_start3A_336 = tpu.memref_slice %arg17[%dma_start3A_335] : memref<6144xf32, #tpu.memory_space<vmem>> -> memref<512xf32, #tpu.memory_space<vmem>>
        %dma_start3A_337 = arith.constant 5120 : i32
        %dma_start3A_338 = tpu.memref_slice %arg15[%dma_start3A_337] : memref<6144xi32, #tpu.memory_space<vmem>> -> memref<512xi32, #tpu.memory_space<vmem>>
        %dma_start3A_339 = arith.constant 0 : i32
        %dma_start3A_340 = tpu.memref_slice %arg23[%dma_start3A_339] : memref<393216xf32, #tpu.memory_space<vmem_shared>> -> memref<393216xf32, #tpu.memory_space<vmem_shared>>
        tpu.enqueue_indirect_dma source(%dma_start3A_340 : memref<393216xf32, #tpu.memory_space<vmem_shared>>) target(%dma_start3A_336 : memref<512xf32, #tpu.memory_space<vmem>>) offsets(%dma_start3A_338 : memref<512xi32, #tpu.memory_space<vmem>>) semaphore(%arg25 : memref<!tpu.dma_semaphore, #tpu.memory_space<semaphore_mem>>)
        %dma_start3A_341 = arith.constant 5632 : i32
        %dma_start3A_342 = tpu.memref_slice %arg16[%dma_start3A_341] : memref<6144xf32, #tpu.memory_space<vmem>> -> memref<512xf32, #tpu.memory_space<vmem>>
        %dma_start3A_343 = arith.constant 5632 : i32
        %dma_start3A_344 = tpu.memref_slice %arg13[%dma_start3A_343] : memref<6144xi32, #tpu.memory_space<vmem>> -> memref<512xi32, #tpu.memory_space<vmem>>
        %dma_start3A_345 = arith.constant 0 : i32
        %dma_start3A_346 = tpu.memref_slice %arg23[%dma_start3A_345] : memref<393216xf32, #tpu.memory_space<vmem_shared>> -> memref<393216xf32, #tpu.memory_space<vmem_shared>>
        tpu.enqueue_indirect_dma source(%dma_start3A_346 : memref<393216xf32, #tpu.memory_space<vmem_shared>>) target(%dma_start3A_342 : memref<512xf32, #tpu.memory_space<vmem>>) offsets(%dma_start3A_344 : memref<512xi32, #tpu.memory_space<vmem>>) semaphore(%arg25 : memref<!tpu.dma_semaphore, #tpu.memory_space<semaphore_mem>>)
        %dma_start3A_347 = arith.constant 5632 : i32
        %dma_start3A_348 = tpu.memref_slice %arg17[%dma_start3A_347] : memref<6144xf32, #tpu.memory_space<vmem>> -> memref<512xf32, #tpu.memory_space<vmem>>
        %dma_start3A_349 = arith.constant 5632 : i32
        %dma_start3A_350 = tpu.memref_slice %arg15[%dma_start3A_349] : memref<6144xi32, #tpu.memory_space<vmem>> -> memref<512xi32, #tpu.memory_space<vmem>>
        %dma_start3A_351 = arith.constant 0 : i32
        %dma_start3A_352 = tpu.memref_slice %arg23[%dma_start3A_351] : memref<393216xf32, #tpu.memory_space<vmem_shared>> -> memref<393216xf32, #tpu.memory_space<vmem_shared>>
        tpu.enqueue_indirect_dma source(%dma_start3A_352 : memref<393216xf32, #tpu.memory_space<vmem_shared>>) target(%dma_start3A_348 : memref<512xf32, #tpu.memory_space<vmem>>) offsets(%dma_start3A_350 : memref<512xi32, #tpu.memory_space<vmem>>) semaphore(%arg25 : memref<!tpu.dma_semaphore, #tpu.memory_space<semaphore_mem>>)
        %dma_wait3A_353 = arith.constant 0 : i32
        %dma_wait3A_354 = tpu.memref_slice %arg16[%dma_wait3A_353] : memref<6144xf32, #tpu.memory_space<vmem>> -> memref<512xf32, #tpu.memory_space<vmem>>
        %dma_wait3A_355 = arith.constant 0 : i32
        %dma_wait3A_356 = tpu.memref_slice %arg13[%dma_wait3A_355] : memref<6144xi32, #tpu.memory_space<vmem>> -> memref<512xi32, #tpu.memory_space<vmem>>
        %dma_wait3A_357 = arith.constant 0 : i32
        %dma_wait3A_358 = tpu.memref_slice %arg23[%dma_wait3A_357] : memref<393216xf32, #tpu.memory_space<vmem_shared>> -> memref<393216xf32, #tpu.memory_space<vmem_shared>>
        tpu.wait_indirect_dma semaphore(%arg25 : memref<!tpu.dma_semaphore, #tpu.memory_space<semaphore_mem>>) src(%dma_wait3A_358 : memref<393216xf32, #tpu.memory_space<vmem_shared>>) dst(%dma_wait3A_354 : memref<512xf32, #tpu.memory_space<vmem>>)
        %dma_wait3A_359 = arith.constant 0 : i32
        %dma_wait3A_360 = tpu.memref_slice %arg17[%dma_wait3A_359] : memref<6144xf32, #tpu.memory_space<vmem>> -> memref<512xf32, #tpu.memory_space<vmem>>
        %dma_wait3A_361 = arith.constant 0 : i32
        %dma_wait3A_362 = tpu.memref_slice %arg15[%dma_wait3A_361] : memref<6144xi32, #tpu.memory_space<vmem>> -> memref<512xi32, #tpu.memory_space<vmem>>
        %dma_wait3A_363 = arith.constant 0 : i32
        %dma_wait3A_364 = tpu.memref_slice %arg23[%dma_wait3A_363] : memref<393216xf32, #tpu.memory_space<vmem_shared>> -> memref<393216xf32, #tpu.memory_space<vmem_shared>>
        tpu.wait_indirect_dma semaphore(%arg25 : memref<!tpu.dma_semaphore, #tpu.memory_space<semaphore_mem>>) src(%dma_wait3A_364 : memref<393216xf32, #tpu.memory_space<vmem_shared>>) dst(%dma_wait3A_360 : memref<512xf32, #tpu.memory_space<vmem>>)
        %dma_wait3A_365 = arith.constant 512 : i32
        %dma_wait3A_366 = tpu.memref_slice %arg16[%dma_wait3A_365] : memref<6144xf32, #tpu.memory_space<vmem>> -> memref<512xf32, #tpu.memory_space<vmem>>
        %dma_wait3A_367 = arith.constant 512 : i32
        %dma_wait3A_368 = tpu.memref_slice %arg13[%dma_wait3A_367] : memref<6144xi32, #tpu.memory_space<vmem>> -> memref<512xi32, #tpu.memory_space<vmem>>
        %dma_wait3A_369 = arith.constant 0 : i32
        %dma_wait3A_370 = tpu.memref_slice %arg23[%dma_wait3A_369] : memref<393216xf32, #tpu.memory_space<vmem_shared>> -> memref<393216xf32, #tpu.memory_space<vmem_shared>>
        tpu.wait_indirect_dma semaphore(%arg25 : memref<!tpu.dma_semaphore, #tpu.memory_space<semaphore_mem>>) src(%dma_wait3A_370 : memref<393216xf32, #tpu.memory_space<vmem_shared>>) dst(%dma_wait3A_366 : memref<512xf32, #tpu.memory_space<vmem>>)
        %dma_wait3A_371 = arith.constant 512 : i32
        %dma_wait3A_372 = tpu.memref_slice %arg17[%dma_wait3A_371] : memref<6144xf32, #tpu.memory_space<vmem>> -> memref<512xf32, #tpu.memory_space<vmem>>
        %dma_wait3A_373 = arith.constant 512 : i32
        %dma_wait3A_374 = tpu.memref_slice %arg15[%dma_wait3A_373] : memref<6144xi32, #tpu.memory_space<vmem>> -> memref<512xi32, #tpu.memory_space<vmem>>
        %dma_wait3A_375 = arith.constant 0 : i32
        %dma_wait3A_376 = tpu.memref_slice %arg23[%dma_wait3A_375] : memref<393216xf32, #tpu.memory_space<vmem_shared>> -> memref<393216xf32, #tpu.memory_space<vmem_shared>>
        tpu.wait_indirect_dma semaphore(%arg25 : memref<!tpu.dma_semaphore, #tpu.memory_space<semaphore_mem>>) src(%dma_wait3A_376 : memref<393216xf32, #tpu.memory_space<vmem_shared>>) dst(%dma_wait3A_372 : memref<512xf32, #tpu.memory_space<vmem>>)
        %dma_wait3A_377 = arith.constant 1024 : i32
        %dma_wait3A_378 = tpu.memref_slice %arg16[%dma_wait3A_377] : memref<6144xf32, #tpu.memory_space<vmem>> -> memref<512xf32, #tpu.memory_space<vmem>>
        %dma_wait3A_379 = arith.constant 1024 : i32
        %dma_wait3A_380 = tpu.memref_slice %arg13[%dma_wait3A_379] : memref<6144xi32, #tpu.memory_space<vmem>> -> memref<512xi32, #tpu.memory_space<vmem>>
        %dma_wait3A_381 = arith.constant 0 : i32
        %dma_wait3A_382 = tpu.memref_slice %arg23[%dma_wait3A_381] : memref<393216xf32, #tpu.memory_space<vmem_shared>> -> memref<393216xf32, #tpu.memory_space<vmem_shared>>
        tpu.wait_indirect_dma semaphore(%arg25 : memref<!tpu.dma_semaphore, #tpu.memory_space<semaphore_mem>>) src(%dma_wait3A_382 : memref<393216xf32, #tpu.memory_space<vmem_shared>>) dst(%dma_wait3A_378 : memref<512xf32, #tpu.memory_space<vmem>>)
        %dma_wait3A_383 = arith.constant 1024 : i32
        %dma_wait3A_384 = tpu.memref_slice %arg17[%dma_wait3A_383] : memref<6144xf32, #tpu.memory_space<vmem>> -> memref<512xf32, #tpu.memory_space<vmem>>
        %dma_wait3A_385 = arith.constant 1024 : i32
        %dma_wait3A_386 = tpu.memref_slice %arg15[%dma_wait3A_385] : memref<6144xi32, #tpu.memory_space<vmem>> -> memref<512xi32, #tpu.memory_space<vmem>>
        %dma_wait3A_387 = arith.constant 0 : i32
        %dma_wait3A_388 = tpu.memref_slice %arg23[%dma_wait3A_387] : memref<393216xf32, #tpu.memory_space<vmem_shared>> -> memref<393216xf32, #tpu.memory_space<vmem_shared>>
        tpu.wait_indirect_dma semaphore(%arg25 : memref<!tpu.dma_semaphore, #tpu.memory_space<semaphore_mem>>) src(%dma_wait3A_388 : memref<393216xf32, #tpu.memory_space<vmem_shared>>) dst(%dma_wait3A_384 : memref<512xf32, #tpu.memory_space<vmem>>)
        %dma_wait3A_389 = arith.constant 1536 : i32
        %dma_wait3A_390 = tpu.memref_slice %arg16[%dma_wait3A_389] : memref<6144xf32, #tpu.memory_space<vmem>> -> memref<512xf32, #tpu.memory_space<vmem>>
        %dma_wait3A_391 = arith.constant 1536 : i32
        %dma_wait3A_392 = tpu.memref_slice %arg13[%dma_wait3A_391] : memref<6144xi32, #tpu.memory_space<vmem>> -> memref<512xi32, #tpu.memory_space<vmem>>
        %dma_wait3A_393 = arith.constant 0 : i32
        %dma_wait3A_394 = tpu.memref_slice %arg23[%dma_wait3A_393] : memref<393216xf32, #tpu.memory_space<vmem_shared>> -> memref<393216xf32, #tpu.memory_space<vmem_shared>>
        tpu.wait_indirect_dma semaphore(%arg25 : memref<!tpu.dma_semaphore, #tpu.memory_space<semaphore_mem>>) src(%dma_wait3A_394 : memref<393216xf32, #tpu.memory_space<vmem_shared>>) dst(%dma_wait3A_390 : memref<512xf32, #tpu.memory_space<vmem>>)
        %dma_wait3A_395 = arith.constant 1536 : i32
        %dma_wait3A_396 = tpu.memref_slice %arg17[%dma_wait3A_395] : memref<6144xf32, #tpu.memory_space<vmem>> -> memref<512xf32, #tpu.memory_space<vmem>>
        %dma_wait3A_397 = arith.constant 1536 : i32
        %dma_wait3A_398 = tpu.memref_slice %arg15[%dma_wait3A_397] : memref<6144xi32, #tpu.memory_space<vmem>> -> memref<512xi32, #tpu.memory_space<vmem>>
        %dma_wait3A_399 = arith.constant 0 : i32
        %dma_wait3A_400 = tpu.memref_slice %arg23[%dma_wait3A_399] : memref<393216xf32, #tpu.memory_space<vmem_shared>> -> memref<393216xf32, #tpu.memory_space<vmem_shared>>
        tpu.wait_indirect_dma semaphore(%arg25 : memref<!tpu.dma_semaphore, #tpu.memory_space<semaphore_mem>>) src(%dma_wait3A_400 : memref<393216xf32, #tpu.memory_space<vmem_shared>>) dst(%dma_wait3A_396 : memref<512xf32, #tpu.memory_space<vmem>>)
        %dma_wait3A_401 = arith.constant 2048 : i32
        %dma_wait3A_402 = tpu.memref_slice %arg16[%dma_wait3A_401] : memref<6144xf32, #tpu.memory_space<vmem>> -> memref<512xf32, #tpu.memory_space<vmem>>
        %dma_wait3A_403 = arith.constant 2048 : i32
        %dma_wait3A_404 = tpu.memref_slice %arg13[%dma_wait3A_403] : memref<6144xi32, #tpu.memory_space<vmem>> -> memref<512xi32, #tpu.memory_space<vmem>>
        %dma_wait3A_405 = arith.constant 0 : i32
        %dma_wait3A_406 = tpu.memref_slice %arg23[%dma_wait3A_405] : memref<393216xf32, #tpu.memory_space<vmem_shared>> -> memref<393216xf32, #tpu.memory_space<vmem_shared>>
        tpu.wait_indirect_dma semaphore(%arg25 : memref<!tpu.dma_semaphore, #tpu.memory_space<semaphore_mem>>) src(%dma_wait3A_406 : memref<393216xf32, #tpu.memory_space<vmem_shared>>) dst(%dma_wait3A_402 : memref<512xf32, #tpu.memory_space<vmem>>)
        %dma_wait3A_407 = arith.constant 2048 : i32
        %dma_wait3A_408 = tpu.memref_slice %arg17[%dma_wait3A_407] : memref<6144xf32, #tpu.memory_space<vmem>> -> memref<512xf32, #tpu.memory_space<vmem>>
        %dma_wait3A_409 = arith.constant 2048 : i32
        %dma_wait3A_410 = tpu.memref_slice %arg15[%dma_wait3A_409] : memref<6144xi32, #tpu.memory_space<vmem>> -> memref<512xi32, #tpu.memory_space<vmem>>
        %dma_wait3A_411 = arith.constant 0 : i32
        %dma_wait3A_412 = tpu.memref_slice %arg23[%dma_wait3A_411] : memref<393216xf32, #tpu.memory_space<vmem_shared>> -> memref<393216xf32, #tpu.memory_space<vmem_shared>>
        tpu.wait_indirect_dma semaphore(%arg25 : memref<!tpu.dma_semaphore, #tpu.memory_space<semaphore_mem>>) src(%dma_wait3A_412 : memref<393216xf32, #tpu.memory_space<vmem_shared>>) dst(%dma_wait3A_408 : memref<512xf32, #tpu.memory_space<vmem>>)
        %dma_wait3A_413 = arith.constant 2560 : i32
        %dma_wait3A_414 = tpu.memref_slice %arg16[%dma_wait3A_413] : memref<6144xf32, #tpu.memory_space<vmem>> -> memref<512xf32, #tpu.memory_space<vmem>>
        %dma_wait3A_415 = arith.constant 2560 : i32
        %dma_wait3A_416 = tpu.memref_slice %arg13[%dma_wait3A_415] : memref<6144xi32, #tpu.memory_space<vmem>> -> memref<512xi32, #tpu.memory_space<vmem>>
        %dma_wait3A_417 = arith.constant 0 : i32
        %dma_wait3A_418 = tpu.memref_slice %arg23[%dma_wait3A_417] : memref<393216xf32, #tpu.memory_space<vmem_shared>> -> memref<393216xf32, #tpu.memory_space<vmem_shared>>
        tpu.wait_indirect_dma semaphore(%arg25 : memref<!tpu.dma_semaphore, #tpu.memory_space<semaphore_mem>>) src(%dma_wait3A_418 : memref<393216xf32, #tpu.memory_space<vmem_shared>>) dst(%dma_wait3A_414 : memref<512xf32, #tpu.memory_space<vmem>>)
        %dma_wait3A_419 = arith.constant 2560 : i32
        %dma_wait3A_420 = tpu.memref_slice %arg17[%dma_wait3A_419] : memref<6144xf32, #tpu.memory_space<vmem>> -> memref<512xf32, #tpu.memory_space<vmem>>
        %dma_wait3A_421 = arith.constant 2560 : i32
        %dma_wait3A_422 = tpu.memref_slice %arg15[%dma_wait3A_421] : memref<6144xi32, #tpu.memory_space<vmem>> -> memref<512xi32, #tpu.memory_space<vmem>>
        %dma_wait3A_423 = arith.constant 0 : i32
        %dma_wait3A_424 = tpu.memref_slice %arg23[%dma_wait3A_423] : memref<393216xf32, #tpu.memory_space<vmem_shared>> -> memref<393216xf32, #tpu.memory_space<vmem_shared>>
        tpu.wait_indirect_dma semaphore(%arg25 : memref<!tpu.dma_semaphore, #tpu.memory_space<semaphore_mem>>) src(%dma_wait3A_424 : memref<393216xf32, #tpu.memory_space<vmem_shared>>) dst(%dma_wait3A_420 : memref<512xf32, #tpu.memory_space<vmem>>)
        %dma_wait3A_425 = arith.constant 3072 : i32
        %dma_wait3A_426 = tpu.memref_slice %arg16[%dma_wait3A_425] : memref<6144xf32, #tpu.memory_space<vmem>> -> memref<512xf32, #tpu.memory_space<vmem>>
        %dma_wait3A_427 = arith.constant 3072 : i32
        %dma_wait3A_428 = tpu.memref_slice %arg13[%dma_wait3A_427] : memref<6144xi32, #tpu.memory_space<vmem>> -> memref<512xi32, #tpu.memory_space<vmem>>
        %dma_wait3A_429 = arith.constant 0 : i32
        %dma_wait3A_430 = tpu.memref_slice %arg23[%dma_wait3A_429] : memref<393216xf32, #tpu.memory_space<vmem_shared>> -> memref<393216xf32, #tpu.memory_space<vmem_shared>>
        tpu.wait_indirect_dma semaphore(%arg25 : memref<!tpu.dma_semaphore, #tpu.memory_space<semaphore_mem>>) src(%dma_wait3A_430 : memref<393216xf32, #tpu.memory_space<vmem_shared>>) dst(%dma_wait3A_426 : memref<512xf32, #tpu.memory_space<vmem>>)
        %dma_wait3A_431 = arith.constant 3072 : i32
        %dma_wait3A_432 = tpu.memref_slice %arg17[%dma_wait3A_431] : memref<6144xf32, #tpu.memory_space<vmem>> -> memref<512xf32, #tpu.memory_space<vmem>>
        %dma_wait3A_433 = arith.constant 3072 : i32
        %dma_wait3A_434 = tpu.memref_slice %arg15[%dma_wait3A_433] : memref<6144xi32, #tpu.memory_space<vmem>> -> memref<512xi32, #tpu.memory_space<vmem>>
        %dma_wait3A_435 = arith.constant 0 : i32
        %dma_wait3A_436 = tpu.memref_slice %arg23[%dma_wait3A_435] : memref<393216xf32, #tpu.memory_space<vmem_shared>> -> memref<393216xf32, #tpu.memory_space<vmem_shared>>
        tpu.wait_indirect_dma semaphore(%arg25 : memref<!tpu.dma_semaphore, #tpu.memory_space<semaphore_mem>>) src(%dma_wait3A_436 : memref<393216xf32, #tpu.memory_space<vmem_shared>>) dst(%dma_wait3A_432 : memref<512xf32, #tpu.memory_space<vmem>>)
        %dma_wait3A_437 = arith.constant 3584 : i32
        %dma_wait3A_438 = tpu.memref_slice %arg16[%dma_wait3A_437] : memref<6144xf32, #tpu.memory_space<vmem>> -> memref<512xf32, #tpu.memory_space<vmem>>
        %dma_wait3A_439 = arith.constant 3584 : i32
        %dma_wait3A_440 = tpu.memref_slice %arg13[%dma_wait3A_439] : memref<6144xi32, #tpu.memory_space<vmem>> -> memref<512xi32, #tpu.memory_space<vmem>>
        %dma_wait3A_441 = arith.constant 0 : i32
        %dma_wait3A_442 = tpu.memref_slice %arg23[%dma_wait3A_441] : memref<393216xf32, #tpu.memory_space<vmem_shared>> -> memref<393216xf32, #tpu.memory_space<vmem_shared>>
        tpu.wait_indirect_dma semaphore(%arg25 : memref<!tpu.dma_semaphore, #tpu.memory_space<semaphore_mem>>) src(%dma_wait3A_442 : memref<393216xf32, #tpu.memory_space<vmem_shared>>) dst(%dma_wait3A_438 : memref<512xf32, #tpu.memory_space<vmem>>)
        %dma_wait3A_443 = arith.constant 3584 : i32
        %dma_wait3A_444 = tpu.memref_slice %arg17[%dma_wait3A_443] : memref<6144xf32, #tpu.memory_space<vmem>> -> memref<512xf32, #tpu.memory_space<vmem>>
        %dma_wait3A_445 = arith.constant 3584 : i32
        %dma_wait3A_446 = tpu.memref_slice %arg15[%dma_wait3A_445] : memref<6144xi32, #tpu.memory_space<vmem>> -> memref<512xi32, #tpu.memory_space<vmem>>
        %dma_wait3A_447 = arith.constant 0 : i32
        %dma_wait3A_448 = tpu.memref_slice %arg23[%dma_wait3A_447] : memref<393216xf32, #tpu.memory_space<vmem_shared>> -> memref<393216xf32, #tpu.memory_space<vmem_shared>>
        tpu.wait_indirect_dma semaphore(%arg25 : memref<!tpu.dma_semaphore, #tpu.memory_space<semaphore_mem>>) src(%dma_wait3A_448 : memref<393216xf32, #tpu.memory_space<vmem_shared>>) dst(%dma_wait3A_444 : memref<512xf32, #tpu.memory_space<vmem>>)
        %dma_wait3A_449 = arith.constant 4096 : i32
        %dma_wait3A_450 = tpu.memref_slice %arg16[%dma_wait3A_449] : memref<6144xf32, #tpu.memory_space<vmem>> -> memref<512xf32, #tpu.memory_space<vmem>>
        %dma_wait3A_451 = arith.constant 4096 : i32
        %dma_wait3A_452 = tpu.memref_slice %arg13[%dma_wait3A_451] : memref<6144xi32, #tpu.memory_space<vmem>> -> memref<512xi32, #tpu.memory_space<vmem>>
        %dma_wait3A_453 = arith.constant 0 : i32
        %dma_wait3A_454 = tpu.memref_slice %arg23[%dma_wait3A_453] : memref<393216xf32, #tpu.memory_space<vmem_shared>> -> memref<393216xf32, #tpu.memory_space<vmem_shared>>
        tpu.wait_indirect_dma semaphore(%arg25 : memref<!tpu.dma_semaphore, #tpu.memory_space<semaphore_mem>>) src(%dma_wait3A_454 : memref<393216xf32, #tpu.memory_space<vmem_shared>>) dst(%dma_wait3A_450 : memref<512xf32, #tpu.memory_space<vmem>>)
        %dma_wait3A_455 = arith.constant 4096 : i32
        %dma_wait3A_456 = tpu.memref_slice %arg17[%dma_wait3A_455] : memref<6144xf32, #tpu.memory_space<vmem>> -> memref<512xf32, #tpu.memory_space<vmem>>
        %dma_wait3A_457 = arith.constant 4096 : i32
        %dma_wait3A_458 = tpu.memref_slice %arg15[%dma_wait3A_457] : memref<6144xi32, #tpu.memory_space<vmem>> -> memref<512xi32, #tpu.memory_space<vmem>>
        %dma_wait3A_459 = arith.constant 0 : i32
        %dma_wait3A_460 = tpu.memref_slice %arg23[%dma_wait3A_459] : memref<393216xf32, #tpu.memory_space<vmem_shared>> -> memref<393216xf32, #tpu.memory_space<vmem_shared>>
        tpu.wait_indirect_dma semaphore(%arg25 : memref<!tpu.dma_semaphore, #tpu.memory_space<semaphore_mem>>) src(%dma_wait3A_460 : memref<393216xf32, #tpu.memory_space<vmem_shared>>) dst(%dma_wait3A_456 : memref<512xf32, #tpu.memory_space<vmem>>)
        %dma_wait3A_461 = arith.constant 4608 : i32
        %dma_wait3A_462 = tpu.memref_slice %arg16[%dma_wait3A_461] : memref<6144xf32, #tpu.memory_space<vmem>> -> memref<512xf32, #tpu.memory_space<vmem>>
        %dma_wait3A_463 = arith.constant 4608 : i32
        %dma_wait3A_464 = tpu.memref_slice %arg13[%dma_wait3A_463] : memref<6144xi32, #tpu.memory_space<vmem>> -> memref<512xi32, #tpu.memory_space<vmem>>
        %dma_wait3A_465 = arith.constant 0 : i32
        %dma_wait3A_466 = tpu.memref_slice %arg23[%dma_wait3A_465] : memref<393216xf32, #tpu.memory_space<vmem_shared>> -> memref<393216xf32, #tpu.memory_space<vmem_shared>>
        tpu.wait_indirect_dma semaphore(%arg25 : memref<!tpu.dma_semaphore, #tpu.memory_space<semaphore_mem>>) src(%dma_wait3A_466 : memref<393216xf32, #tpu.memory_space<vmem_shared>>) dst(%dma_wait3A_462 : memref<512xf32, #tpu.memory_space<vmem>>)
        %dma_wait3A_467 = arith.constant 4608 : i32
        %dma_wait3A_468 = tpu.memref_slice %arg17[%dma_wait3A_467] : memref<6144xf32, #tpu.memory_space<vmem>> -> memref<512xf32, #tpu.memory_space<vmem>>
        %dma_wait3A_469 = arith.constant 4608 : i32
        %dma_wait3A_470 = tpu.memref_slice %arg15[%dma_wait3A_469] : memref<6144xi32, #tpu.memory_space<vmem>> -> memref<512xi32, #tpu.memory_space<vmem>>
        %dma_wait3A_471 = arith.constant 0 : i32
        %dma_wait3A_472 = tpu.memref_slice %arg23[%dma_wait3A_471] : memref<393216xf32, #tpu.memory_space<vmem_shared>> -> memref<393216xf32, #tpu.memory_space<vmem_shared>>
        tpu.wait_indirect_dma semaphore(%arg25 : memref<!tpu.dma_semaphore, #tpu.memory_space<semaphore_mem>>) src(%dma_wait3A_472 : memref<393216xf32, #tpu.memory_space<vmem_shared>>) dst(%dma_wait3A_468 : memref<512xf32, #tpu.memory_space<vmem>>)
        %dma_wait3A_473 = arith.constant 5120 : i32
        %dma_wait3A_474 = tpu.memref_slice %arg16[%dma_wait3A_473] : memref<6144xf32, #tpu.memory_space<vmem>> -> memref<512xf32, #tpu.memory_space<vmem>>
        %dma_wait3A_475 = arith.constant 5120 : i32
        %dma_wait3A_476 = tpu.memref_slice %arg13[%dma_wait3A_475] : memref<6144xi32, #tpu.memory_space<vmem>> -> memref<512xi32, #tpu.memory_space<vmem>>
        %dma_wait3A_477 = arith.constant 0 : i32
        %dma_wait3A_478 = tpu.memref_slice %arg23[%dma_wait3A_477] : memref<393216xf32, #tpu.memory_space<vmem_shared>> -> memref<393216xf32, #tpu.memory_space<vmem_shared>>
        tpu.wait_indirect_dma semaphore(%arg25 : memref<!tpu.dma_semaphore, #tpu.memory_space<semaphore_mem>>) src(%dma_wait3A_478 : memref<393216xf32, #tpu.memory_space<vmem_shared>>) dst(%dma_wait3A_474 : memref<512xf32, #tpu.memory_space<vmem>>)
        %dma_wait3A_479 = arith.constant 5120 : i32
        %dma_wait3A_480 = tpu.memref_slice %arg17[%dma_wait3A_479] : memref<6144xf32, #tpu.memory_space<vmem>> -> memref<512xf32, #tpu.memory_space<vmem>>
        %dma_wait3A_481 = arith.constant 5120 : i32
        %dma_wait3A_482 = tpu.memref_slice %arg15[%dma_wait3A_481] : memref<6144xi32, #tpu.memory_space<vmem>> -> memref<512xi32, #tpu.memory_space<vmem>>
        %dma_wait3A_483 = arith.constant 0 : i32
        %dma_wait3A_484 = tpu.memref_slice %arg23[%dma_wait3A_483] : memref<393216xf32, #tpu.memory_space<vmem_shared>> -> memref<393216xf32, #tpu.memory_space<vmem_shared>>
        tpu.wait_indirect_dma semaphore(%arg25 : memref<!tpu.dma_semaphore, #tpu.memory_space<semaphore_mem>>) src(%dma_wait3A_484 : memref<393216xf32, #tpu.memory_space<vmem_shared>>) dst(%dma_wait3A_480 : memref<512xf32, #tpu.memory_space<vmem>>)
        %dma_wait3A_485 = arith.constant 5632 : i32
        %dma_wait3A_486 = tpu.memref_slice %arg16[%dma_wait3A_485] : memref<6144xf32, #tpu.memory_space<vmem>> -> memref<512xf32, #tpu.memory_space<vmem>>
        %dma_wait3A_487 = arith.constant 5632 : i32
        %dma_wait3A_488 = tpu.memref_slice %arg13[%dma_wait3A_487] : memref<6144xi32, #tpu.memory_space<vmem>> -> memref<512xi32, #tpu.memory_space<vmem>>
        %dma_wait3A_489 = arith.constant 0 : i32
        %dma_wait3A_490 = tpu.memref_slice %arg23[%dma_wait3A_489] : memref<393216xf32, #tpu.memory_space<vmem_shared>> -> memref<393216xf32, #tpu.memory_space<vmem_shared>>
        tpu.wait_indirect_dma semaphore(%arg25 : memref<!tpu.dma_semaphore, #tpu.memory_space<semaphore_mem>>) src(%dma_wait3A_490 : memref<393216xf32, #tpu.memory_space<vmem_shared>>) dst(%dma_wait3A_486 : memref<512xf32, #tpu.memory_space<vmem>>)
        %dma_wait3A_491 = arith.constant 5632 : i32
        %dma_wait3A_492 = tpu.memref_slice %arg17[%dma_wait3A_491] : memref<6144xf32, #tpu.memory_space<vmem>> -> memref<512xf32, #tpu.memory_space<vmem>>
        %dma_wait3A_493 = arith.constant 5632 : i32
        %dma_wait3A_494 = tpu.memref_slice %arg15[%dma_wait3A_493] : memref<6144xi32, #tpu.memory_space<vmem>> -> memref<512xi32, #tpu.memory_space<vmem>>
        %dma_wait3A_495 = arith.constant 0 : i32
        %dma_wait3A_496 = tpu.memref_slice %arg23[%dma_wait3A_495] : memref<393216xf32, #tpu.memory_space<vmem_shared>> -> memref<393216xf32, #tpu.memory_space<vmem_shared>>
        tpu.wait_indirect_dma semaphore(%arg25 : memref<!tpu.dma_semaphore, #tpu.memory_space<semaphore_mem>>) src(%dma_wait3A_496 : memref<393216xf32, #tpu.memory_space<vmem_shared>>) dst(%dma_wait3A_492 : memref<512xf32, #tpu.memory_space<vmem>>)
        %scan3A_497 = arith.constant 0 : i32
        %scan3A_498 = arith.constant 0 : i32
        %scan3A_499 = arith.constant 128 : i32
        %scan3A_500 = arith.addi %scan3A_498, %scan3A_499 : i32
        %scan3A_501 = arith.constant 1 : i32
        scf.for %scan3A_647 = %scan3A_498 to %scan3A_500 step %scan3A_501  : i32 {
          %mul3A_648 = arith.constant 16 : i32
          %mul3A_649 = arith.muli %scan3A_647, %mul3A_648 : i32
          %mul3A_650 = arith.constant 16 : i32
          %mul3A_651 = arith.muli %scan3A_647, %mul3A_650 : i32
          %add3A_652 = arith.constant 2048 : i32
          %add3A_653 = arith.addi %add3A_652, %mul3A_651 : i32
          %mul3A_654 = arith.constant 16 : i32
          %mul3A_655 = arith.muli %scan3A_647, %mul3A_654 : i32
          %add3A_656 = arith.constant 4096 : i32
          %add3A_657 = arith.addi %add3A_656, %mul3A_655 : i32
          %get3A = arith.index_cast %mul3A_649 : i32 to index
          %get3A_658 = tpu.vector_load %arg9[%get3A] {strides = array<i32>} : memref<6144xf32, #tpu.memory_space<vmem>>, vector<16xf32>,
          %get3A_659 = arith.index_cast %add3A_653 : i32 to index
          %get3A_660 = tpu.vector_load %arg9[%get3A_659] {strides = array<i32>} : memref<6144xf32, #tpu.memory_space<vmem>>, vector<16xf32>,
          %get3A_661 = arith.index_cast %add3A_657 : i32 to index
          %get3A_662 = tpu.vector_load %arg9[%get3A_661] {strides = array<i32>} : memref<6144xf32, #tpu.memory_space<vmem>>, vector<16xf32>,
          %get3A_663 = arith.index_cast %mul3A_649 : i32 to index
          %get3A_664 = tpu.vector_load %arg16[%get3A_663] {strides = array<i32>} : memref<6144xf32, #tpu.memory_space<vmem>>, vector<16xf32>,
          %get3A_665 = arith.index_cast %add3A_653 : i32 to index
          %get3A_666 = tpu.vector_load %arg16[%get3A_665] {strides = array<i32>} : memref<6144xf32, #tpu.memory_space<vmem>>, vector<16xf32>,
          %get3A_667 = arith.index_cast %add3A_657 : i32 to index
          %get3A_668 = tpu.vector_load %arg16[%get3A_667] {strides = array<i32>} : memref<6144xf32, #tpu.memory_space<vmem>>, vector<16xf32>,
          %get3A_669 = arith.index_cast %mul3A_649 : i32 to index
          %get3A_670 = tpu.vector_load %arg17[%get3A_669] {strides = array<i32>} : memref<6144xf32, #tpu.memory_space<vmem>>, vector<16xf32>,
          %get3A_671 = arith.index_cast %add3A_653 : i32 to index
          %get3A_672 = tpu.vector_load %arg17[%get3A_671] {strides = array<i32>} : memref<6144xf32, #tpu.memory_space<vmem>>, vector<16xf32>,
          %get3A_673 = arith.index_cast %add3A_657 : i32 to index
          %get3A_674 = tpu.vector_load %arg17[%get3A_673] {strides = array<i32>} : memref<6144xf32, #tpu.memory_space<vmem>>, vector<16xf32>,
          %mul3A_675 = arith.mulf %get3A_658, %get3A_658 : vector<16xf32>
          %mul3A_676 = arith.mulf %get3A_660, %get3A_660 : vector<16xf32>
          %add3A_677 = arith.addf %mul3A_675, %mul3A_676 : vector<16xf32>
          %mul3A_678 = arith.mulf %get3A_662, %get3A_662 : vector<16xf32>
          %add3A_679 = arith.addf %add3A_677, %mul3A_678 : vector<16xf32>
          %bitcast3A = vector.bitcast %add3A_679 : vector<16xf32> to vector<16xi32>
          %shift_right_logical3A = arith.constant 1 : i32
          %shift_right_logical3A_680 = vector.broadcast %shift_right_logical3A : i32 to vector<16xi32>
          %shift_right_logical3A_681 = arith.shrui %bitcast3A, %shift_right_logical3A_680 : vector<16xi32>
          %sub3A_682 = arith.constant 1597463007 : i32
          %sub3A_683 = vector.broadcast %sub3A_682 : i32 to vector<16xi32>
          %sub3A_684 = arith.subi %sub3A_683, %shift_right_logical3A_681 : vector<16xi32>
          %bitcast3A_685 = vector.bitcast %sub3A_684 : vector<16xi32> to vector<16xf32>
          %mul3A_686 = arith.constant 5.000000e-01 : f32
          %mul3A_687 = vector.broadcast %mul3A_686 : f32 to vector<16xf32>
          %mul3A_688 = arith.mulf %mul3A_687, %add3A_679 : vector<16xf32>
          %mul3A_689 = arith.mulf %mul3A_688, %bitcast3A_685 : vector<16xf32>
          %mul3A_690 = arith.mulf %mul3A_689, %bitcast3A_685 : vector<16xf32>
          %sub3A_691 = arith.constant 1.500000e+00 : f32
          %sub3A_692 = vector.broadcast %sub3A_691 : f32 to vector<16xf32>
          %sub3A_693 = arith.subf %sub3A_692, %mul3A_690 : vector<16xf32>
          %mul3A_694 = arith.mulf %bitcast3A_685, %sub3A_693 : vector<16xf32>
          %mul3A_695 = arith.constant 5.000000e-01 : f32
          %mul3A_696 = vector.broadcast %mul3A_695 : f32 to vector<16xf32>
          %mul3A_697 = arith.mulf %mul3A_696, %add3A_679 : vector<16xf32>
          %mul3A_698 = arith.mulf %mul3A_697, %mul3A_694 : vector<16xf32>
          %mul3A_699 = arith.mulf %mul3A_698, %mul3A_694 : vector<16xf32>
          %sub3A_700 = arith.constant 1.500000e+00 : f32
          %sub3A_701 = vector.broadcast %sub3A_700 : f32 to vector<16xf32>
          %sub3A_702 = arith.subf %sub3A_701, %mul3A_699 : vector<16xf32>
          %mul3A_703 = arith.mulf %mul3A_694, %sub3A_702 : vector<16xf32>
          %mul3A_704 = arith.constant 5.000000e-01 : f32
          %mul3A_705 = vector.broadcast %mul3A_704 : f32 to vector<16xf32>
          %mul3A_706 = arith.mulf %mul3A_705, %add3A_679 : vector<16xf32>
          %mul3A_707 = arith.mulf %mul3A_706, %mul3A_703 : vector<16xf32>
          %mul3A_708 = arith.mulf %mul3A_707, %mul3A_703 : vector<16xf32>
          %sub3A_709 = arith.constant 1.500000e+00 : f32
          %sub3A_710 = vector.broadcast %sub3A_709 : f32 to vector<16xf32>
          %sub3A_711 = arith.subf %sub3A_710, %mul3A_708 : vector<16xf32>
          %mul3A_712 = arith.mulf %mul3A_703, %sub3A_711 : vector<16xf32>
          %mul3A_713 = arith.mulf %mul3A_712, %mul3A_712 : vector<16xf32>
          %mul3A_714 = arith.mulf %mul3A_713, %mul3A_712 : vector<16xf32>
          %mul3A_715 = arith.constant 5.000000e-01 : f32
          %mul3A_716 = vector.broadcast %mul3A_715 : f32 to vector<16xf32>
          %mul3A_717 = arith.mulf %mul3A_716, %mul3A_714 : vector<16xf32>
          %mul3A_718 = arith.mulf %mul3A_717, %mul3A_713 : vector<16xf32>
          %mul3A_719 = arith.constant 3.000000e+00 : f32
          %mul3A_720 = vector.broadcast %mul3A_719 : f32 to vector<16xf32>
          %mul3A_721 = arith.mulf %mul3A_720, %mul3A_718 : vector<16xf32>
          %mul3A_722 = arith.mulf %get3A_658, %get3A_670 : vector<16xf32>
          %mul3A_723 = arith.mulf %get3A_660, %get3A_672 : vector<16xf32>
          %add3A_724 = arith.addf %mul3A_722, %mul3A_723 : vector<16xf32>
          %mul3A_725 = arith.mulf %get3A_662, %get3A_674 : vector<16xf32>
          %add3A_726 = arith.addf %add3A_724, %mul3A_725 : vector<16xf32>
          %mul3A_727 = arith.mulf %mul3A_721, %add3A_726 : vector<16xf32>
          %mul3A_728 = arith.mulf %mul3A_727, %get3A_658 : vector<16xf32>
          %mul3A_729 = arith.mulf %mul3A_717, %get3A_670 : vector<16xf32>
          %sub3A_730 = arith.subf %mul3A_728, %mul3A_729 : vector<16xf32>
          %swap3A = arith.index_cast %mul3A_649 : i32 to index
          %swap3A_731 = tpu.vector_load %arg19[%swap3A] {strides = array<i32>} : memref<6144xf32, #tpu.memory_space<vmem>>, vector<16xf32>,
          tpu.vector_store %arg19[%swap3A], %sub3A_730 {strides = array<i32>} : memref<6144xf32, #tpu.memory_space<vmem>>, vector<16xf32>,
          %mul3A_732 = arith.mulf %mul3A_727, %get3A_660 : vector<16xf32>
          %mul3A_733 = arith.mulf %mul3A_717, %get3A_672 : vector<16xf32>
          %sub3A_734 = arith.subf %mul3A_732, %mul3A_733 : vector<16xf32>
          %swap3A_735 = arith.index_cast %add3A_653 : i32 to index
          %swap3A_736 = tpu.vector_load %arg19[%swap3A_735] {strides = array<i32>} : memref<6144xf32, #tpu.memory_space<vmem>>, vector<16xf32>,
          tpu.vector_store %arg19[%swap3A_735], %sub3A_734 {strides = array<i32>} : memref<6144xf32, #tpu.memory_space<vmem>>, vector<16xf32>,
          %mul3A_737 = arith.mulf %mul3A_727, %get3A_662 : vector<16xf32>
          %mul3A_738 = arith.mulf %mul3A_717, %get3A_674 : vector<16xf32>
          %sub3A_739 = arith.subf %mul3A_737, %mul3A_738 : vector<16xf32>
          %swap3A_740 = arith.index_cast %add3A_657 : i32 to index
          %swap3A_741 = tpu.vector_load %arg19[%swap3A_740] {strides = array<i32>} : memref<6144xf32, #tpu.memory_space<vmem>>, vector<16xf32>,
          tpu.vector_store %arg19[%swap3A_740], %sub3A_739 {strides = array<i32>} : memref<6144xf32, #tpu.memory_space<vmem>>, vector<16xf32>,
          %mul3A_742 = arith.mulf %get3A_658, %get3A_664 : vector<16xf32>
          %mul3A_743 = arith.mulf %get3A_660, %get3A_666 : vector<16xf32>
          %add3A_744 = arith.addf %mul3A_742, %mul3A_743 : vector<16xf32>
          %mul3A_745 = arith.mulf %get3A_662, %get3A_668 : vector<16xf32>
          %add3A_746 = arith.addf %add3A_744, %mul3A_745 : vector<16xf32>
          %mul3A_747 = arith.mulf %mul3A_721, %add3A_746 : vector<16xf32>
          %mul3A_748 = arith.mulf %mul3A_747, %get3A_658 : vector<16xf32>
          %mul3A_749 = arith.mulf %mul3A_717, %get3A_664 : vector<16xf32>
          %sub3A_750 = arith.subf %mul3A_748, %mul3A_749 : vector<16xf32>
          %swap3A_751 = arith.index_cast %mul3A_649 : i32 to index
          %swap3A_752 = tpu.vector_load %arg21[%swap3A_751] {strides = array<i32>} : memref<6144xf32, #tpu.memory_space<vmem>>, vector<16xf32>,
          tpu.vector_store %arg21[%swap3A_751], %sub3A_750 {strides = array<i32>} : memref<6144xf32, #tpu.memory_space<vmem>>, vector<16xf32>,
          %mul3A_753 = arith.mulf %mul3A_747, %get3A_660 : vector<16xf32>
          %mul3A_754 = arith.mulf %mul3A_717, %get3A_666 : vector<16xf32>
          %sub3A_755 = arith.subf %mul3A_753, %mul3A_754 : vector<16xf32>
          %swap3A_756 = arith.index_cast %add3A_653 : i32 to index
          %swap3A_757 = tpu.vector_load %arg21[%swap3A_756] {strides = array<i32>} : memref<6144xf32, #tpu.memory_space<vmem>>, vector<16xf32>,
          tpu.vector_store %arg21[%swap3A_756], %sub3A_755 {strides = array<i32>} : memref<6144xf32, #tpu.memory_space<vmem>>, vector<16xf32>,
          %mul3A_758 = arith.mulf %mul3A_747, %get3A_662 : vector<16xf32>
          %mul3A_759 = arith.mulf %mul3A_717, %get3A_668 : vector<16xf32>
          %sub3A_760 = arith.subf %mul3A_758, %mul3A_759 : vector<16xf32>
          %swap3A_761 = arith.index_cast %add3A_657 : i32 to index
          %swap3A_762 = tpu.vector_load %arg21[%swap3A_761] {strides = array<i32>} : memref<6144xf32, #tpu.memory_space<vmem>>, vector<16xf32>,
          tpu.vector_store %arg21[%swap3A_761], %sub3A_760 {strides = array<i32>} : memref<6144xf32, #tpu.memory_space<vmem>>, vector<16xf32>,
        }
        %scan3A_502 = arith.constant 128 : i32
        %dma_start3A_503 = arith.constant 0 : i32
        %dma_start3A_504 = tpu.memref_slice %arg19[%dma_start3A_503] : memref<6144xf32, #tpu.memory_space<vmem>> -> memref<512xf32, #tpu.memory_space<vmem>>
        %dma_start3A_505 = arith.constant 0 : i32
        %dma_start3A_506 = tpu.memref_slice %arg13[%dma_start3A_505] : memref<6144xi32, #tpu.memory_space<vmem>> -> memref<512xi32, #tpu.memory_space<vmem>>
        %dma_start3A_507 = arith.constant 0 : i32
        %dma_start3A_508 = tpu.memref_slice %arg22[%dma_start3A_507] : memref<393216xf32, #tpu.memory_space<vmem_shared>> -> memref<393216xf32, #tpu.memory_space<vmem_shared>>
        tpu.enqueue_indirect_dma source(%dma_start3A_504 : memref<512xf32, #tpu.memory_space<vmem>>) target(%dma_start3A_508 : memref<393216xf32, #tpu.memory_space<vmem_shared>>) offsets(%dma_start3A_506 : memref<512xi32, #tpu.memory_space<vmem>>) semaphore(%arg27 : memref<!tpu.dma_semaphore, #tpu.memory_space<semaphore_mem>>) {add = true}
        %dma_start3A_509 = arith.constant 0 : i32
        %dma_start3A_510 = tpu.memref_slice %arg21[%dma_start3A_509] : memref<6144xf32, #tpu.memory_space<vmem>> -> memref<512xf32, #tpu.memory_space<vmem>>
        %dma_start3A_511 = arith.constant 0 : i32
        %dma_start3A_512 = tpu.memref_slice %arg15[%dma_start3A_511] : memref<6144xi32, #tpu.memory_space<vmem>> -> memref<512xi32, #tpu.memory_space<vmem>>
        %dma_start3A_513 = arith.constant 0 : i32
        %dma_start3A_514 = tpu.memref_slice %arg22[%dma_start3A_513] : memref<393216xf32, #tpu.memory_space<vmem_shared>> -> memref<393216xf32, #tpu.memory_space<vmem_shared>>
        tpu.enqueue_indirect_dma source(%dma_start3A_510 : memref<512xf32, #tpu.memory_space<vmem>>) target(%dma_start3A_514 : memref<393216xf32, #tpu.memory_space<vmem_shared>>) offsets(%dma_start3A_512 : memref<512xi32, #tpu.memory_space<vmem>>) semaphore(%arg27 : memref<!tpu.dma_semaphore, #tpu.memory_space<semaphore_mem>>) {add = true}
        %dma_start3A_515 = arith.constant 512 : i32
        %dma_start3A_516 = tpu.memref_slice %arg19[%dma_start3A_515] : memref<6144xf32, #tpu.memory_space<vmem>> -> memref<512xf32, #tpu.memory_space<vmem>>
        %dma_start3A_517 = arith.constant 512 : i32
        %dma_start3A_518 = tpu.memref_slice %arg13[%dma_start3A_517] : memref<6144xi32, #tpu.memory_space<vmem>> -> memref<512xi32, #tpu.memory_space<vmem>>
        %dma_start3A_519 = arith.constant 0 : i32
        %dma_start3A_520 = tpu.memref_slice %arg22[%dma_start3A_519] : memref<393216xf32, #tpu.memory_space<vmem_shared>> -> memref<393216xf32, #tpu.memory_space<vmem_shared>>
        tpu.enqueue_indirect_dma source(%dma_start3A_516 : memref<512xf32, #tpu.memory_space<vmem>>) target(%dma_start3A_520 : memref<393216xf32, #tpu.memory_space<vmem_shared>>) offsets(%dma_start3A_518 : memref<512xi32, #tpu.memory_space<vmem>>) semaphore(%arg27 : memref<!tpu.dma_semaphore, #tpu.memory_space<semaphore_mem>>) {add = true}
        %dma_start3A_521 = arith.constant 512 : i32
        %dma_start3A_522 = tpu.memref_slice %arg21[%dma_start3A_521] : memref<6144xf32, #tpu.memory_space<vmem>> -> memref<512xf32, #tpu.memory_space<vmem>>
        %dma_start3A_523 = arith.constant 512 : i32
        %dma_start3A_524 = tpu.memref_slice %arg15[%dma_start3A_523] : memref<6144xi32, #tpu.memory_space<vmem>> -> memref<512xi32, #tpu.memory_space<vmem>>
        %dma_start3A_525 = arith.constant 0 : i32
        %dma_start3A_526 = tpu.memref_slice %arg22[%dma_start3A_525] : memref<393216xf32, #tpu.memory_space<vmem_shared>> -> memref<393216xf32, #tpu.memory_space<vmem_shared>>
        tpu.enqueue_indirect_dma source(%dma_start3A_522 : memref<512xf32, #tpu.memory_space<vmem>>) target(%dma_start3A_526 : memref<393216xf32, #tpu.memory_space<vmem_shared>>) offsets(%dma_start3A_524 : memref<512xi32, #tpu.memory_space<vmem>>) semaphore(%arg27 : memref<!tpu.dma_semaphore, #tpu.memory_space<semaphore_mem>>) {add = true}
        %dma_start3A_527 = arith.constant 1024 : i32
        %dma_start3A_528 = tpu.memref_slice %arg19[%dma_start3A_527] : memref<6144xf32, #tpu.memory_space<vmem>> -> memref<512xf32, #tpu.memory_space<vmem>>
        %dma_start3A_529 = arith.constant 1024 : i32
        %dma_start3A_530 = tpu.memref_slice %arg13[%dma_start3A_529] : memref<6144xi32, #tpu.memory_space<vmem>> -> memref<512xi32, #tpu.memory_space<vmem>>
        %dma_start3A_531 = arith.constant 0 : i32
        %dma_start3A_532 = tpu.memref_slice %arg22[%dma_start3A_531] : memref<393216xf32, #tpu.memory_space<vmem_shared>> -> memref<393216xf32, #tpu.memory_space<vmem_shared>>
        tpu.enqueue_indirect_dma source(%dma_start3A_528 : memref<512xf32, #tpu.memory_space<vmem>>) target(%dma_start3A_532 : memref<393216xf32, #tpu.memory_space<vmem_shared>>) offsets(%dma_start3A_530 : memref<512xi32, #tpu.memory_space<vmem>>) semaphore(%arg27 : memref<!tpu.dma_semaphore, #tpu.memory_space<semaphore_mem>>) {add = true}
        %dma_start3A_533 = arith.constant 1024 : i32
        %dma_start3A_534 = tpu.memref_slice %arg21[%dma_start3A_533] : memref<6144xf32, #tpu.memory_space<vmem>> -> memref<512xf32, #tpu.memory_space<vmem>>
        %dma_start3A_535 = arith.constant 1024 : i32
        %dma_start3A_536 = tpu.memref_slice %arg15[%dma_start3A_535] : memref<6144xi32, #tpu.memory_space<vmem>> -> memref<512xi32, #tpu.memory_space<vmem>>
        %dma_start3A_537 = arith.constant 0 : i32
        %dma_start3A_538 = tpu.memref_slice %arg22[%dma_start3A_537] : memref<393216xf32, #tpu.memory_space<vmem_shared>> -> memref<393216xf32, #tpu.memory_space<vmem_shared>>
        tpu.enqueue_indirect_dma source(%dma_start3A_534 : memref<512xf32, #tpu.memory_space<vmem>>) target(%dma_start3A_538 : memref<393216xf32, #tpu.memory_space<vmem_shared>>) offsets(%dma_start3A_536 : memref<512xi32, #tpu.memory_space<vmem>>) semaphore(%arg27 : memref<!tpu.dma_semaphore, #tpu.memory_space<semaphore_mem>>) {add = true}
        %dma_start3A_539 = arith.constant 1536 : i32
        %dma_start3A_540 = tpu.memref_slice %arg19[%dma_start3A_539] : memref<6144xf32, #tpu.memory_space<vmem>> -> memref<512xf32, #tpu.memory_space<vmem>>
        %dma_start3A_541 = arith.constant 1536 : i32
        %dma_start3A_542 = tpu.memref_slice %arg13[%dma_start3A_541] : memref<6144xi32, #tpu.memory_space<vmem>> -> memref<512xi32, #tpu.memory_space<vmem>>
        %dma_start3A_543 = arith.constant 0 : i32
        %dma_start3A_544 = tpu.memref_slice %arg22[%dma_start3A_543] : memref<393216xf32, #tpu.memory_space<vmem_shared>> -> memref<393216xf32, #tpu.memory_space<vmem_shared>>
        tpu.enqueue_indirect_dma source(%dma_start3A_540 : memref<512xf32, #tpu.memory_space<vmem>>) target(%dma_start3A_544 : memref<393216xf32, #tpu.memory_space<vmem_shared>>) offsets(%dma_start3A_542 : memref<512xi32, #tpu.memory_space<vmem>>) semaphore(%arg27 : memref<!tpu.dma_semaphore, #tpu.memory_space<semaphore_mem>>) {add = true}
        %dma_start3A_545 = arith.constant 1536 : i32
        %dma_start3A_546 = tpu.memref_slice %arg21[%dma_start3A_545] : memref<6144xf32, #tpu.memory_space<vmem>> -> memref<512xf32, #tpu.memory_space<vmem>>
        %dma_start3A_547 = arith.constant 1536 : i32
        %dma_start3A_548 = tpu.memref_slice %arg15[%dma_start3A_547] : memref<6144xi32, #tpu.memory_space<vmem>> -> memref<512xi32, #tpu.memory_space<vmem>>
        %dma_start3A_549 = arith.constant 0 : i32
        %dma_start3A_550 = tpu.memref_slice %arg22[%dma_start3A_549] : memref<393216xf32, #tpu.memory_space<vmem_shared>> -> memref<393216xf32, #tpu.memory_space<vmem_shared>>
        tpu.enqueue_indirect_dma source(%dma_start3A_546 : memref<512xf32, #tpu.memory_space<vmem>>) target(%dma_start3A_550 : memref<393216xf32, #tpu.memory_space<vmem_shared>>) offsets(%dma_start3A_548 : memref<512xi32, #tpu.memory_space<vmem>>) semaphore(%arg27 : memref<!tpu.dma_semaphore, #tpu.memory_space<semaphore_mem>>) {add = true}
        %dma_start3A_551 = arith.constant 2048 : i32
        %dma_start3A_552 = tpu.memref_slice %arg19[%dma_start3A_551] : memref<6144xf32, #tpu.memory_space<vmem>> -> memref<512xf32, #tpu.memory_space<vmem>>
        %dma_start3A_553 = arith.constant 2048 : i32
        %dma_start3A_554 = tpu.memref_slice %arg13[%dma_start3A_553] : memref<6144xi32, #tpu.memory_space<vmem>> -> memref<512xi32, #tpu.memory_space<vmem>>
        %dma_start3A_555 = arith.constant 0 : i32
        %dma_start3A_556 = tpu.memref_slice %arg22[%dma_start3A_555] : memref<393216xf32, #tpu.memory_space<vmem_shared>> -> memref<393216xf32, #tpu.memory_space<vmem_shared>>
        tpu.enqueue_indirect_dma source(%dma_start3A_552 : memref<512xf32, #tpu.memory_space<vmem>>) target(%dma_start3A_556 : memref<393216xf32, #tpu.memory_space<vmem_shared>>) offsets(%dma_start3A_554 : memref<512xi32, #tpu.memory_space<vmem>>) semaphore(%arg27 : memref<!tpu.dma_semaphore, #tpu.memory_space<semaphore_mem>>) {add = true}
        %dma_start3A_557 = arith.constant 2048 : i32
        %dma_start3A_558 = tpu.memref_slice %arg21[%dma_start3A_557] : memref<6144xf32, #tpu.memory_space<vmem>> -> memref<512xf32, #tpu.memory_space<vmem>>
        %dma_start3A_559 = arith.constant 2048 : i32
        %dma_start3A_560 = tpu.memref_slice %arg15[%dma_start3A_559] : memref<6144xi32, #tpu.memory_space<vmem>> -> memref<512xi32, #tpu.memory_space<vmem>>
        %dma_start3A_561 = arith.constant 0 : i32
        %dma_start3A_562 = tpu.memref_slice %arg22[%dma_start3A_561] : memref<393216xf32, #tpu.memory_space<vmem_shared>> -> memref<393216xf32, #tpu.memory_space<vmem_shared>>
        tpu.enqueue_indirect_dma source(%dma_start3A_558 : memref<512xf32, #tpu.memory_space<vmem>>) target(%dma_start3A_562 : memref<393216xf32, #tpu.memory_space<vmem_shared>>) offsets(%dma_start3A_560 : memref<512xi32, #tpu.memory_space<vmem>>) semaphore(%arg27 : memref<!tpu.dma_semaphore, #tpu.memory_space<semaphore_mem>>) {add = true}
        %dma_start3A_563 = arith.constant 2560 : i32
        %dma_start3A_564 = tpu.memref_slice %arg19[%dma_start3A_563] : memref<6144xf32, #tpu.memory_space<vmem>> -> memref<512xf32, #tpu.memory_space<vmem>>
        %dma_start3A_565 = arith.constant 2560 : i32
        %dma_start3A_566 = tpu.memref_slice %arg13[%dma_start3A_565] : memref<6144xi32, #tpu.memory_space<vmem>> -> memref<512xi32, #tpu.memory_space<vmem>>
        %dma_start3A_567 = arith.constant 0 : i32
        %dma_start3A_568 = tpu.memref_slice %arg22[%dma_start3A_567] : memref<393216xf32, #tpu.memory_space<vmem_shared>> -> memref<393216xf32, #tpu.memory_space<vmem_shared>>
        tpu.enqueue_indirect_dma source(%dma_start3A_564 : memref<512xf32, #tpu.memory_space<vmem>>) target(%dma_start3A_568 : memref<393216xf32, #tpu.memory_space<vmem_shared>>) offsets(%dma_start3A_566 : memref<512xi32, #tpu.memory_space<vmem>>) semaphore(%arg27 : memref<!tpu.dma_semaphore, #tpu.memory_space<semaphore_mem>>) {add = true}
        %dma_start3A_569 = arith.constant 2560 : i32
        %dma_start3A_570 = tpu.memref_slice %arg21[%dma_start3A_569] : memref<6144xf32, #tpu.memory_space<vmem>> -> memref<512xf32, #tpu.memory_space<vmem>>
        %dma_start3A_571 = arith.constant 2560 : i32
        %dma_start3A_572 = tpu.memref_slice %arg15[%dma_start3A_571] : memref<6144xi32, #tpu.memory_space<vmem>> -> memref<512xi32, #tpu.memory_space<vmem>>
        %dma_start3A_573 = arith.constant 0 : i32
        %dma_start3A_574 = tpu.memref_slice %arg22[%dma_start3A_573] : memref<393216xf32, #tpu.memory_space<vmem_shared>> -> memref<393216xf32, #tpu.memory_space<vmem_shared>>
        tpu.enqueue_indirect_dma source(%dma_start3A_570 : memref<512xf32, #tpu.memory_space<vmem>>) target(%dma_start3A_574 : memref<393216xf32, #tpu.memory_space<vmem_shared>>) offsets(%dma_start3A_572 : memref<512xi32, #tpu.memory_space<vmem>>) semaphore(%arg27 : memref<!tpu.dma_semaphore, #tpu.memory_space<semaphore_mem>>) {add = true}
        %dma_start3A_575 = arith.constant 3072 : i32
        %dma_start3A_576 = tpu.memref_slice %arg19[%dma_start3A_575] : memref<6144xf32, #tpu.memory_space<vmem>> -> memref<512xf32, #tpu.memory_space<vmem>>
        %dma_start3A_577 = arith.constant 3072 : i32
        %dma_start3A_578 = tpu.memref_slice %arg13[%dma_start3A_577] : memref<6144xi32, #tpu.memory_space<vmem>> -> memref<512xi32, #tpu.memory_space<vmem>>
        %dma_start3A_579 = arith.constant 0 : i32
        %dma_start3A_580 = tpu.memref_slice %arg22[%dma_start3A_579] : memref<393216xf32, #tpu.memory_space<vmem_shared>> -> memref<393216xf32, #tpu.memory_space<vmem_shared>>
        tpu.enqueue_indirect_dma source(%dma_start3A_576 : memref<512xf32, #tpu.memory_space<vmem>>) target(%dma_start3A_580 : memref<393216xf32, #tpu.memory_space<vmem_shared>>) offsets(%dma_start3A_578 : memref<512xi32, #tpu.memory_space<vmem>>) semaphore(%arg27 : memref<!tpu.dma_semaphore, #tpu.memory_space<semaphore_mem>>) {add = true}
        %dma_start3A_581 = arith.constant 3072 : i32
        %dma_start3A_582 = tpu.memref_slice %arg21[%dma_start3A_581] : memref<6144xf32, #tpu.memory_space<vmem>> -> memref<512xf32, #tpu.memory_space<vmem>>
        %dma_start3A_583 = arith.constant 3072 : i32
        %dma_start3A_584 = tpu.memref_slice %arg15[%dma_start3A_583] : memref<6144xi32, #tpu.memory_space<vmem>> -> memref<512xi32, #tpu.memory_space<vmem>>
        %dma_start3A_585 = arith.constant 0 : i32
        %dma_start3A_586 = tpu.memref_slice %arg22[%dma_start3A_585] : memref<393216xf32, #tpu.memory_space<vmem_shared>> -> memref<393216xf32, #tpu.memory_space<vmem_shared>>
        tpu.enqueue_indirect_dma source(%dma_start3A_582 : memref<512xf32, #tpu.memory_space<vmem>>) target(%dma_start3A_586 : memref<393216xf32, #tpu.memory_space<vmem_shared>>) offsets(%dma_start3A_584 : memref<512xi32, #tpu.memory_space<vmem>>) semaphore(%arg27 : memref<!tpu.dma_semaphore, #tpu.memory_space<semaphore_mem>>) {add = true}
        %dma_start3A_587 = arith.constant 3584 : i32
        %dma_start3A_588 = tpu.memref_slice %arg19[%dma_start3A_587] : memref<6144xf32, #tpu.memory_space<vmem>> -> memref<512xf32, #tpu.memory_space<vmem>>
        %dma_start3A_589 = arith.constant 3584 : i32
        %dma_start3A_590 = tpu.memref_slice %arg13[%dma_start3A_589] : memref<6144xi32, #tpu.memory_space<vmem>> -> memref<512xi32, #tpu.memory_space<vmem>>
        %dma_start3A_591 = arith.constant 0 : i32
        %dma_start3A_592 = tpu.memref_slice %arg22[%dma_start3A_591] : memref<393216xf32, #tpu.memory_space<vmem_shared>> -> memref<393216xf32, #tpu.memory_space<vmem_shared>>
        tpu.enqueue_indirect_dma source(%dma_start3A_588 : memref<512xf32, #tpu.memory_space<vmem>>) target(%dma_start3A_592 : memref<393216xf32, #tpu.memory_space<vmem_shared>>) offsets(%dma_start3A_590 : memref<512xi32, #tpu.memory_space<vmem>>) semaphore(%arg27 : memref<!tpu.dma_semaphore, #tpu.memory_space<semaphore_mem>>) {add = true}
        %dma_start3A_593 = arith.constant 3584 : i32
        %dma_start3A_594 = tpu.memref_slice %arg21[%dma_start3A_593] : memref<6144xf32, #tpu.memory_space<vmem>> -> memref<512xf32, #tpu.memory_space<vmem>>
        %dma_start3A_595 = arith.constant 3584 : i32
        %dma_start3A_596 = tpu.memref_slice %arg15[%dma_start3A_595] : memref<6144xi32, #tpu.memory_space<vmem>> -> memref<512xi32, #tpu.memory_space<vmem>>
        %dma_start3A_597 = arith.constant 0 : i32
        %dma_start3A_598 = tpu.memref_slice %arg22[%dma_start3A_597] : memref<393216xf32, #tpu.memory_space<vmem_shared>> -> memref<393216xf32, #tpu.memory_space<vmem_shared>>
        tpu.enqueue_indirect_dma source(%dma_start3A_594 : memref<512xf32, #tpu.memory_space<vmem>>) target(%dma_start3A_598 : memref<393216xf32, #tpu.memory_space<vmem_shared>>) offsets(%dma_start3A_596 : memref<512xi32, #tpu.memory_space<vmem>>) semaphore(%arg27 : memref<!tpu.dma_semaphore, #tpu.memory_space<semaphore_mem>>) {add = true}
        %dma_start3A_599 = arith.constant 4096 : i32
        %dma_start3A_600 = tpu.memref_slice %arg19[%dma_start3A_599] : memref<6144xf32, #tpu.memory_space<vmem>> -> memref<512xf32, #tpu.memory_space<vmem>>
        %dma_start3A_601 = arith.constant 4096 : i32
        %dma_start3A_602 = tpu.memref_slice %arg13[%dma_start3A_601] : memref<6144xi32, #tpu.memory_space<vmem>> -> memref<512xi32, #tpu.memory_space<vmem>>
        %dma_start3A_603 = arith.constant 0 : i32
        %dma_start3A_604 = tpu.memref_slice %arg22[%dma_start3A_603] : memref<393216xf32, #tpu.memory_space<vmem_shared>> -> memref<393216xf32, #tpu.memory_space<vmem_shared>>
        tpu.enqueue_indirect_dma source(%dma_start3A_600 : memref<512xf32, #tpu.memory_space<vmem>>) target(%dma_start3A_604 : memref<393216xf32, #tpu.memory_space<vmem_shared>>) offsets(%dma_start3A_602 : memref<512xi32, #tpu.memory_space<vmem>>) semaphore(%arg27 : memref<!tpu.dma_semaphore, #tpu.memory_space<semaphore_mem>>) {add = true}
        %dma_start3A_605 = arith.constant 4096 : i32
        %dma_start3A_606 = tpu.memref_slice %arg21[%dma_start3A_605] : memref<6144xf32, #tpu.memory_space<vmem>> -> memref<512xf32, #tpu.memory_space<vmem>>
        %dma_start3A_607 = arith.constant 4096 : i32
        %dma_start3A_608 = tpu.memref_slice %arg15[%dma_start3A_607] : memref<6144xi32, #tpu.memory_space<vmem>> -> memref<512xi32, #tpu.memory_space<vmem>>
        %dma_start3A_609 = arith.constant 0 : i32
        %dma_start3A_610 = tpu.memref_slice %arg22[%dma_start3A_609] : memref<393216xf32, #tpu.memory_space<vmem_shared>> -> memref<393216xf32, #tpu.memory_space<vmem_shared>>
        tpu.enqueue_indirect_dma source(%dma_start3A_606 : memref<512xf32, #tpu.memory_space<vmem>>) target(%dma_start3A_610 : memref<393216xf32, #tpu.memory_space<vmem_shared>>) offsets(%dma_start3A_608 : memref<512xi32, #tpu.memory_space<vmem>>) semaphore(%arg27 : memref<!tpu.dma_semaphore, #tpu.memory_space<semaphore_mem>>) {add = true}
        %dma_start3A_611 = arith.constant 4608 : i32
        %dma_start3A_612 = tpu.memref_slice %arg19[%dma_start3A_611] : memref<6144xf32, #tpu.memory_space<vmem>> -> memref<512xf32, #tpu.memory_space<vmem>>
        %dma_start3A_613 = arith.constant 4608 : i32
        %dma_start3A_614 = tpu.memref_slice %arg13[%dma_start3A_613] : memref<6144xi32, #tpu.memory_space<vmem>> -> memref<512xi32, #tpu.memory_space<vmem>>
        %dma_start3A_615 = arith.constant 0 : i32
        %dma_start3A_616 = tpu.memref_slice %arg22[%dma_start3A_615] : memref<393216xf32, #tpu.memory_space<vmem_shared>> -> memref<393216xf32, #tpu.memory_space<vmem_shared>>
        tpu.enqueue_indirect_dma source(%dma_start3A_612 : memref<512xf32, #tpu.memory_space<vmem>>) target(%dma_start3A_616 : memref<393216xf32, #tpu.memory_space<vmem_shared>>) offsets(%dma_start3A_614 : memref<512xi32, #tpu.memory_space<vmem>>) semaphore(%arg27 : memref<!tpu.dma_semaphore, #tpu.memory_space<semaphore_mem>>) {add = true}
        %dma_start3A_617 = arith.constant 4608 : i32
        %dma_start3A_618 = tpu.memref_slice %arg21[%dma_start3A_617] : memref<6144xf32, #tpu.memory_space<vmem>> -> memref<512xf32, #tpu.memory_space<vmem>>
        %dma_start3A_619 = arith.constant 4608 : i32
        %dma_start3A_620 = tpu.memref_slice %arg15[%dma_start3A_619] : memref<6144xi32, #tpu.memory_space<vmem>> -> memref<512xi32, #tpu.memory_space<vmem>>
        %dma_start3A_621 = arith.constant 0 : i32
        %dma_start3A_622 = tpu.memref_slice %arg22[%dma_start3A_621] : memref<393216xf32, #tpu.memory_space<vmem_shared>> -> memref<393216xf32, #tpu.memory_space<vmem_shared>>
        tpu.enqueue_indirect_dma source(%dma_start3A_618 : memref<512xf32, #tpu.memory_space<vmem>>) target(%dma_start3A_622 : memref<393216xf32, #tpu.memory_space<vmem_shared>>) offsets(%dma_start3A_620 : memref<512xi32, #tpu.memory_space<vmem>>) semaphore(%arg27 : memref<!tpu.dma_semaphore, #tpu.memory_space<semaphore_mem>>) {add = true}
        %dma_start3A_623 = arith.constant 5120 : i32
        %dma_start3A_624 = tpu.memref_slice %arg19[%dma_start3A_623] : memref<6144xf32, #tpu.memory_space<vmem>> -> memref<512xf32, #tpu.memory_space<vmem>>
        %dma_start3A_625 = arith.constant 5120 : i32
        %dma_start3A_626 = tpu.memref_slice %arg13[%dma_start3A_625] : memref<6144xi32, #tpu.memory_space<vmem>> -> memref<512xi32, #tpu.memory_space<vmem>>
        %dma_start3A_627 = arith.constant 0 : i32
        %dma_start3A_628 = tpu.memref_slice %arg22[%dma_start3A_627] : memref<393216xf32, #tpu.memory_space<vmem_shared>> -> memref<393216xf32, #tpu.memory_space<vmem_shared>>
        tpu.enqueue_indirect_dma source(%dma_start3A_624 : memref<512xf32, #tpu.memory_space<vmem>>) target(%dma_start3A_628 : memref<393216xf32, #tpu.memory_space<vmem_shared>>) offsets(%dma_start3A_626 : memref<512xi32, #tpu.memory_space<vmem>>) semaphore(%arg27 : memref<!tpu.dma_semaphore, #tpu.memory_space<semaphore_mem>>) {add = true}
        %dma_start3A_629 = arith.constant 5120 : i32
        %dma_start3A_630 = tpu.memref_slice %arg21[%dma_start3A_629] : memref<6144xf32, #tpu.memory_space<vmem>> -> memref<512xf32, #tpu.memory_space<vmem>>
        %dma_start3A_631 = arith.constant 5120 : i32
        %dma_start3A_632 = tpu.memref_slice %arg15[%dma_start3A_631] : memref<6144xi32, #tpu.memory_space<vmem>> -> memref<512xi32, #tpu.memory_space<vmem>>
        %dma_start3A_633 = arith.constant 0 : i32
        %dma_start3A_634 = tpu.memref_slice %arg22[%dma_start3A_633] : memref<393216xf32, #tpu.memory_space<vmem_shared>> -> memref<393216xf32, #tpu.memory_space<vmem_shared>>
        tpu.enqueue_indirect_dma source(%dma_start3A_630 : memref<512xf32, #tpu.memory_space<vmem>>) target(%dma_start3A_634 : memref<393216xf32, #tpu.memory_space<vmem_shared>>) offsets(%dma_start3A_632 : memref<512xi32, #tpu.memory_space<vmem>>) semaphore(%arg27 : memref<!tpu.dma_semaphore, #tpu.memory_space<semaphore_mem>>) {add = true}
        %dma_start3A_635 = arith.constant 5632 : i32
        %dma_start3A_636 = tpu.memref_slice %arg19[%dma_start3A_635] : memref<6144xf32, #tpu.memory_space<vmem>> -> memref<512xf32, #tpu.memory_space<vmem>>
        %dma_start3A_637 = arith.constant 5632 : i32
        %dma_start3A_638 = tpu.memref_slice %arg13[%dma_start3A_637] : memref<6144xi32, #tpu.memory_space<vmem>> -> memref<512xi32, #tpu.memory_space<vmem>>
        %dma_start3A_639 = arith.constant 0 : i32
        %dma_start3A_640 = tpu.memref_slice %arg22[%dma_start3A_639] : memref<393216xf32, #tpu.memory_space<vmem_shared>> -> memref<393216xf32, #tpu.memory_space<vmem_shared>>
        tpu.enqueue_indirect_dma source(%dma_start3A_636 : memref<512xf32, #tpu.memory_space<vmem>>) target(%dma_start3A_640 : memref<393216xf32, #tpu.memory_space<vmem_shared>>) offsets(%dma_start3A_638 : memref<512xi32, #tpu.memory_space<vmem>>) semaphore(%arg27 : memref<!tpu.dma_semaphore, #tpu.memory_space<semaphore_mem>>) {add = true}
        %dma_start3A_641 = arith.constant 5632 : i32
        %dma_start3A_642 = tpu.memref_slice %arg21[%dma_start3A_641] : memref<6144xf32, #tpu.memory_space<vmem>> -> memref<512xf32, #tpu.memory_space<vmem>>
        %dma_start3A_643 = arith.constant 5632 : i32
        %dma_start3A_644 = tpu.memref_slice %arg15[%dma_start3A_643] : memref<6144xi32, #tpu.memory_space<vmem>> -> memref<512xi32, #tpu.memory_space<vmem>>
        %dma_start3A_645 = arith.constant 0 : i32
        %dma_start3A_646 = tpu.memref_slice %arg22[%dma_start3A_645] : memref<393216xf32, #tpu.memory_space<vmem_shared>> -> memref<393216xf32, #tpu.memory_space<vmem_shared>>
        tpu.enqueue_indirect_dma source(%dma_start3A_642 : memref<512xf32, #tpu.memory_space<vmem>>) target(%dma_start3A_646 : memref<393216xf32, #tpu.memory_space<vmem_shared>>) offsets(%dma_start3A_644 : memref<512xi32, #tpu.memory_space<vmem>>) semaphore(%arg27 : memref<!tpu.dma_semaphore, #tpu.memory_space<semaphore_mem>>) {add = true}
      } else {
      }
    }
    %scan3A_48 = arith.constant 49 : i32
    %sub3A_49 = arith.constant 1 : i32
    %sub3A_50 = arith.subi %select_n3A, %sub3A_49 : i32
    %sub3A_51 = arith.constant 1 : i32
    %sub3A_52 = arith.subi %select_n3A, %sub3A_51 : i32
    %sub3A_53 = arith.constant 0 : i32
    %sub3A_54 = arith.subi %sub3A_52, %sub3A_53 : i32
    %jit3A_55 = arith.constant 2 : i32
    %eq3A = arith.constant 0 : i32
    %eq3A_56 = arith.cmpi eq, %jit3A_55, %eq3A : i32
    %jit3A_57 = arith.constant 1 : i32
    %select_n3A_58 = arith.select %eq3A_56, %jit3A_57, %jit3A_55 : i32
    %rem3A_59 = arith.remsi %sub3A_54, %select_n3A_58 : i32
    %ne3A_60 = arith.constant 0 : i32
    %ne3A_61 = arith.cmpi ne, %rem3A_59, %ne3A_60 : i32
    %lt3A = arith.constant 0 : i32
    %lt3A_62 = arith.cmpi slt, %rem3A_59, %lt3A : i32
    %lt3A_63 = arith.constant 0 : i32
    %lt3A_64 = arith.cmpi slt, %select_n3A_58, %lt3A_63 : i32
    %ne3A_65 = arith.xori %lt3A_62, %lt3A_64 : i1
    %and3A_66 = arith.andi %ne3A_65, %ne3A_61 : i1
    %add3A_67 = arith.addi %rem3A_59, %select_n3A_58 : i32
    %select_n3A_68 = arith.select %and3A_66, %add3A_67, %rem3A_59 : i32
    %sub3A_69 = arith.subi %sub3A_50, %select_n3A_68 : i32
    %ge3A = arith.constant 0 : i32
    %ge3A_70 = arith.cmpi sge, %sub3A_69, %ge3A : i32
    %add3A_71 = arith.constant 2 : i32
    %add3A_72 = arith.addi %sub3A_69, %add3A_71 : i32
    %ge3A_73 = arith.constant 98 : i32
    %ge3A_74 = arith.cmpi sge, %add3A_72, %ge3A_73 : i32
    %and3A_75 = arith.andi %ge3A_70, %ge3A_74 : i1
    %convert_element_type3A = arith.extui %and3A_75 : i1 to i32
    %cond3A = arith.constant 0 : i32
    %cond3A_76 = arith.cmpi ne, %convert_element_type3A, %cond3A : i32
    scf.if %cond3A_76 {
      %dma_wait3A = arith.constant 0 : i32
      %dma_wait3A_117 = tpu.memref_slice %arg18[%dma_wait3A] : memref<6144xf32, #tpu.memory_space<vmem>> -> memref<512xf32, #tpu.memory_space<vmem>>
      %dma_wait3A_118 = arith.constant 0 : i32
      %dma_wait3A_119 = tpu.memref_slice %arg12[%dma_wait3A_118] : memref<6144xi32, #tpu.memory_space<vmem>> -> memref<512xi32, #tpu.memory_space<vmem>>
      %dma_wait3A_120 = arith.constant 0 : i32
      %dma_wait3A_121 = tpu.memref_slice %arg22[%dma_wait3A_120] : memref<393216xf32, #tpu.memory_space<vmem_shared>> -> memref<393216xf32, #tpu.memory_space<vmem_shared>>
      tpu.wait_indirect_dma semaphore(%arg26 : memref<!tpu.dma_semaphore, #tpu.memory_space<semaphore_mem>>) src(%dma_wait3A_117 : memref<512xf32, #tpu.memory_space<vmem>>) dst(%dma_wait3A_121 : memref<393216xf32, #tpu.memory_space<vmem_shared>>)
      %dma_wait3A_122 = arith.constant 0 : i32
      %dma_wait3A_123 = tpu.memref_slice %arg20[%dma_wait3A_122] : memref<6144xf32, #tpu.memory_space<vmem>> -> memref<512xf32, #tpu.memory_space<vmem>>
      %dma_wait3A_124 = arith.constant 0 : i32
      %dma_wait3A_125 = tpu.memref_slice %arg14[%dma_wait3A_124] : memref<6144xi32, #tpu.memory_space<vmem>> -> memref<512xi32, #tpu.memory_space<vmem>>
      %dma_wait3A_126 = arith.constant 0 : i32
      %dma_wait3A_127 = tpu.memref_slice %arg22[%dma_wait3A_126] : memref<393216xf32, #tpu.memory_space<vmem_shared>> -> memref<393216xf32, #tpu.memory_space<vmem_shared>>
      tpu.wait_indirect_dma semaphore(%arg26 : memref<!tpu.dma_semaphore, #tpu.memory_space<semaphore_mem>>) src(%dma_wait3A_123 : memref<512xf32, #tpu.memory_space<vmem>>) dst(%dma_wait3A_127 : memref<393216xf32, #tpu.memory_space<vmem_shared>>)
      %dma_wait3A_128 = arith.constant 512 : i32
      %dma_wait3A_129 = tpu.memref_slice %arg18[%dma_wait3A_128] : memref<6144xf32, #tpu.memory_space<vmem>> -> memref<512xf32, #tpu.memory_space<vmem>>
      %dma_wait3A_130 = arith.constant 512 : i32
      %dma_wait3A_131 = tpu.memref_slice %arg12[%dma_wait3A_130] : memref<6144xi32, #tpu.memory_space<vmem>> -> memref<512xi32, #tpu.memory_space<vmem>>
      %dma_wait3A_132 = arith.constant 0 : i32
      %dma_wait3A_133 = tpu.memref_slice %arg22[%dma_wait3A_132] : memref<393216xf32, #tpu.memory_space<vmem_shared>> -> memref<393216xf32, #tpu.memory_space<vmem_shared>>
      tpu.wait_indirect_dma semaphore(%arg26 : memref<!tpu.dma_semaphore, #tpu.memory_space<semaphore_mem>>) src(%dma_wait3A_129 : memref<512xf32, #tpu.memory_space<vmem>>) dst(%dma_wait3A_133 : memref<393216xf32, #tpu.memory_space<vmem_shared>>)
      %dma_wait3A_134 = arith.constant 512 : i32
      %dma_wait3A_135 = tpu.memref_slice %arg20[%dma_wait3A_134] : memref<6144xf32, #tpu.memory_space<vmem>> -> memref<512xf32, #tpu.memory_space<vmem>>
      %dma_wait3A_136 = arith.constant 512 : i32
      %dma_wait3A_137 = tpu.memref_slice %arg14[%dma_wait3A_136] : memref<6144xi32, #tpu.memory_space<vmem>> -> memref<512xi32, #tpu.memory_space<vmem>>
      %dma_wait3A_138 = arith.constant 0 : i32
      %dma_wait3A_139 = tpu.memref_slice %arg22[%dma_wait3A_138] : memref<393216xf32, #tpu.memory_space<vmem_shared>> -> memref<393216xf32, #tpu.memory_space<vmem_shared>>
      tpu.wait_indirect_dma semaphore(%arg26 : memref<!tpu.dma_semaphore, #tpu.memory_space<semaphore_mem>>) src(%dma_wait3A_135 : memref<512xf32, #tpu.memory_space<vmem>>) dst(%dma_wait3A_139 : memref<393216xf32, #tpu.memory_space<vmem_shared>>)
      %dma_wait3A_140 = arith.constant 1024 : i32
      %dma_wait3A_141 = tpu.memref_slice %arg18[%dma_wait3A_140] : memref<6144xf32, #tpu.memory_space<vmem>> -> memref<512xf32, #tpu.memory_space<vmem>>
      %dma_wait3A_142 = arith.constant 1024 : i32
      %dma_wait3A_143 = tpu.memref_slice %arg12[%dma_wait3A_142] : memref<6144xi32, #tpu.memory_space<vmem>> -> memref<512xi32, #tpu.memory_space<vmem>>
      %dma_wait3A_144 = arith.constant 0 : i32
      %dma_wait3A_145 = tpu.memref_slice %arg22[%dma_wait3A_144] : memref<393216xf32, #tpu.memory_space<vmem_shared>> -> memref<393216xf32, #tpu.memory_space<vmem_shared>>
      tpu.wait_indirect_dma semaphore(%arg26 : memref<!tpu.dma_semaphore, #tpu.memory_space<semaphore_mem>>) src(%dma_wait3A_141 : memref<512xf32, #tpu.memory_space<vmem>>) dst(%dma_wait3A_145 : memref<393216xf32, #tpu.memory_space<vmem_shared>>)
      %dma_wait3A_146 = arith.constant 1024 : i32
      %dma_wait3A_147 = tpu.memref_slice %arg20[%dma_wait3A_146] : memref<6144xf32, #tpu.memory_space<vmem>> -> memref<512xf32, #tpu.memory_space<vmem>>
      %dma_wait3A_148 = arith.constant 1024 : i32
      %dma_wait3A_149 = tpu.memref_slice %arg14[%dma_wait3A_148] : memref<6144xi32, #tpu.memory_space<vmem>> -> memref<512xi32, #tpu.memory_space<vmem>>
      %dma_wait3A_150 = arith.constant 0 : i32
      %dma_wait3A_151 = tpu.memref_slice %arg22[%dma_wait3A_150] : memref<393216xf32, #tpu.memory_space<vmem_shared>> -> memref<393216xf32, #tpu.memory_space<vmem_shared>>
      tpu.wait_indirect_dma semaphore(%arg26 : memref<!tpu.dma_semaphore, #tpu.memory_space<semaphore_mem>>) src(%dma_wait3A_147 : memref<512xf32, #tpu.memory_space<vmem>>) dst(%dma_wait3A_151 : memref<393216xf32, #tpu.memory_space<vmem_shared>>)
      %dma_wait3A_152 = arith.constant 1536 : i32
      %dma_wait3A_153 = tpu.memref_slice %arg18[%dma_wait3A_152] : memref<6144xf32, #tpu.memory_space<vmem>> -> memref<512xf32, #tpu.memory_space<vmem>>
      %dma_wait3A_154 = arith.constant 1536 : i32
      %dma_wait3A_155 = tpu.memref_slice %arg12[%dma_wait3A_154] : memref<6144xi32, #tpu.memory_space<vmem>> -> memref<512xi32, #tpu.memory_space<vmem>>
      %dma_wait3A_156 = arith.constant 0 : i32
      %dma_wait3A_157 = tpu.memref_slice %arg22[%dma_wait3A_156] : memref<393216xf32, #tpu.memory_space<vmem_shared>> -> memref<393216xf32, #tpu.memory_space<vmem_shared>>
      tpu.wait_indirect_dma semaphore(%arg26 : memref<!tpu.dma_semaphore, #tpu.memory_space<semaphore_mem>>) src(%dma_wait3A_153 : memref<512xf32, #tpu.memory_space<vmem>>) dst(%dma_wait3A_157 : memref<393216xf32, #tpu.memory_space<vmem_shared>>)
      %dma_wait3A_158 = arith.constant 1536 : i32
      %dma_wait3A_159 = tpu.memref_slice %arg20[%dma_wait3A_158] : memref<6144xf32, #tpu.memory_space<vmem>> -> memref<512xf32, #tpu.memory_space<vmem>>
      %dma_wait3A_160 = arith.constant 1536 : i32
      %dma_wait3A_161 = tpu.memref_slice %arg14[%dma_wait3A_160] : memref<6144xi32, #tpu.memory_space<vmem>> -> memref<512xi32, #tpu.memory_space<vmem>>
      %dma_wait3A_162 = arith.constant 0 : i32
      %dma_wait3A_163 = tpu.memref_slice %arg22[%dma_wait3A_162] : memref<393216xf32, #tpu.memory_space<vmem_shared>> -> memref<393216xf32, #tpu.memory_space<vmem_shared>>
      tpu.wait_indirect_dma semaphore(%arg26 : memref<!tpu.dma_semaphore, #tpu.memory_space<semaphore_mem>>) src(%dma_wait3A_159 : memref<512xf32, #tpu.memory_space<vmem>>) dst(%dma_wait3A_163 : memref<393216xf32, #tpu.memory_space<vmem_shared>>)
      %dma_wait3A_164 = arith.constant 2048 : i32
      %dma_wait3A_165 = tpu.memref_slice %arg18[%dma_wait3A_164] : memref<6144xf32, #tpu.memory_space<vmem>> -> memref<512xf32, #tpu.memory_space<vmem>>
      %dma_wait3A_166 = arith.constant 2048 : i32
      %dma_wait3A_167 = tpu.memref_slice %arg12[%dma_wait3A_166] : memref<6144xi32, #tpu.memory_space<vmem>> -> memref<512xi32, #tpu.memory_space<vmem>>
      %dma_wait3A_168 = arith.constant 0 : i32
      %dma_wait3A_169 = tpu.memref_slice %arg22[%dma_wait3A_168] : memref<393216xf32, #tpu.memory_space<vmem_shared>> -> memref<393216xf32, #tpu.memory_space<vmem_shared>>
      tpu.wait_indirect_dma semaphore(%arg26 : memref<!tpu.dma_semaphore, #tpu.memory_space<semaphore_mem>>) src(%dma_wait3A_165 : memref<512xf32, #tpu.memory_space<vmem>>) dst(%dma_wait3A_169 : memref<393216xf32, #tpu.memory_space<vmem_shared>>)
      %dma_wait3A_170 = arith.constant 2048 : i32
      %dma_wait3A_171 = tpu.memref_slice %arg20[%dma_wait3A_170] : memref<6144xf32, #tpu.memory_space<vmem>> -> memref<512xf32, #tpu.memory_space<vmem>>
      %dma_wait3A_172 = arith.constant 2048 : i32
      %dma_wait3A_173 = tpu.memref_slice %arg14[%dma_wait3A_172] : memref<6144xi32, #tpu.memory_space<vmem>> -> memref<512xi32, #tpu.memory_space<vmem>>
      %dma_wait3A_174 = arith.constant 0 : i32
      %dma_wait3A_175 = tpu.memref_slice %arg22[%dma_wait3A_174] : memref<393216xf32, #tpu.memory_space<vmem_shared>> -> memref<393216xf32, #tpu.memory_space<vmem_shared>>
      tpu.wait_indirect_dma semaphore(%arg26 : memref<!tpu.dma_semaphore, #tpu.memory_space<semaphore_mem>>) src(%dma_wait3A_171 : memref<512xf32, #tpu.memory_space<vmem>>) dst(%dma_wait3A_175 : memref<393216xf32, #tpu.memory_space<vmem_shared>>)
      %dma_wait3A_176 = arith.constant 2560 : i32
      %dma_wait3A_177 = tpu.memref_slice %arg18[%dma_wait3A_176] : memref<6144xf32, #tpu.memory_space<vmem>> -> memref<512xf32, #tpu.memory_space<vmem>>
      %dma_wait3A_178 = arith.constant 2560 : i32
      %dma_wait3A_179 = tpu.memref_slice %arg12[%dma_wait3A_178] : memref<6144xi32, #tpu.memory_space<vmem>> -> memref<512xi32, #tpu.memory_space<vmem>>
      %dma_wait3A_180 = arith.constant 0 : i32
      %dma_wait3A_181 = tpu.memref_slice %arg22[%dma_wait3A_180] : memref<393216xf32, #tpu.memory_space<vmem_shared>> -> memref<393216xf32, #tpu.memory_space<vmem_shared>>
      tpu.wait_indirect_dma semaphore(%arg26 : memref<!tpu.dma_semaphore, #tpu.memory_space<semaphore_mem>>) src(%dma_wait3A_177 : memref<512xf32, #tpu.memory_space<vmem>>) dst(%dma_wait3A_181 : memref<393216xf32, #tpu.memory_space<vmem_shared>>)
      %dma_wait3A_182 = arith.constant 2560 : i32
      %dma_wait3A_183 = tpu.memref_slice %arg20[%dma_wait3A_182] : memref<6144xf32, #tpu.memory_space<vmem>> -> memref<512xf32, #tpu.memory_space<vmem>>
      %dma_wait3A_184 = arith.constant 2560 : i32
      %dma_wait3A_185 = tpu.memref_slice %arg14[%dma_wait3A_184] : memref<6144xi32, #tpu.memory_space<vmem>> -> memref<512xi32, #tpu.memory_space<vmem>>
      %dma_wait3A_186 = arith.constant 0 : i32
      %dma_wait3A_187 = tpu.memref_slice %arg22[%dma_wait3A_186] : memref<393216xf32, #tpu.memory_space<vmem_shared>> -> memref<393216xf32, #tpu.memory_space<vmem_shared>>
      tpu.wait_indirect_dma semaphore(%arg26 : memref<!tpu.dma_semaphore, #tpu.memory_space<semaphore_mem>>) src(%dma_wait3A_183 : memref<512xf32, #tpu.memory_space<vmem>>) dst(%dma_wait3A_187 : memref<393216xf32, #tpu.memory_space<vmem_shared>>)
      %dma_wait3A_188 = arith.constant 3072 : i32
      %dma_wait3A_189 = tpu.memref_slice %arg18[%dma_wait3A_188] : memref<6144xf32, #tpu.memory_space<vmem>> -> memref<512xf32, #tpu.memory_space<vmem>>
      %dma_wait3A_190 = arith.constant 3072 : i32
      %dma_wait3A_191 = tpu.memref_slice %arg12[%dma_wait3A_190] : memref<6144xi32, #tpu.memory_space<vmem>> -> memref<512xi32, #tpu.memory_space<vmem>>
      %dma_wait3A_192 = arith.constant 0 : i32
      %dma_wait3A_193 = tpu.memref_slice %arg22[%dma_wait3A_192] : memref<393216xf32, #tpu.memory_space<vmem_shared>> -> memref<393216xf32, #tpu.memory_space<vmem_shared>>
      tpu.wait_indirect_dma semaphore(%arg26 : memref<!tpu.dma_semaphore, #tpu.memory_space<semaphore_mem>>) src(%dma_wait3A_189 : memref<512xf32, #tpu.memory_space<vmem>>) dst(%dma_wait3A_193 : memref<393216xf32, #tpu.memory_space<vmem_shared>>)
      %dma_wait3A_194 = arith.constant 3072 : i32
      %dma_wait3A_195 = tpu.memref_slice %arg20[%dma_wait3A_194] : memref<6144xf32, #tpu.memory_space<vmem>> -> memref<512xf32, #tpu.memory_space<vmem>>
      %dma_wait3A_196 = arith.constant 3072 : i32
      %dma_wait3A_197 = tpu.memref_slice %arg14[%dma_wait3A_196] : memref<6144xi32, #tpu.memory_space<vmem>> -> memref<512xi32, #tpu.memory_space<vmem>>
      %dma_wait3A_198 = arith.constant 0 : i32
      %dma_wait3A_199 = tpu.memref_slice %arg22[%dma_wait3A_198] : memref<393216xf32, #tpu.memory_space<vmem_shared>> -> memref<393216xf32, #tpu.memory_space<vmem_shared>>
      tpu.wait_indirect_dma semaphore(%arg26 : memref<!tpu.dma_semaphore, #tpu.memory_space<semaphore_mem>>) src(%dma_wait3A_195 : memref<512xf32, #tpu.memory_space<vmem>>) dst(%dma_wait3A_199 : memref<393216xf32, #tpu.memory_space<vmem_shared>>)
      %dma_wait3A_200 = arith.constant 3584 : i32
      %dma_wait3A_201 = tpu.memref_slice %arg18[%dma_wait3A_200] : memref<6144xf32, #tpu.memory_space<vmem>> -> memref<512xf32, #tpu.memory_space<vmem>>
      %dma_wait3A_202 = arith.constant 3584 : i32
      %dma_wait3A_203 = tpu.memref_slice %arg12[%dma_wait3A_202] : memref<6144xi32, #tpu.memory_space<vmem>> -> memref<512xi32, #tpu.memory_space<vmem>>
      %dma_wait3A_204 = arith.constant 0 : i32
      %dma_wait3A_205 = tpu.memref_slice %arg22[%dma_wait3A_204] : memref<393216xf32, #tpu.memory_space<vmem_shared>> -> memref<393216xf32, #tpu.memory_space<vmem_shared>>
      tpu.wait_indirect_dma semaphore(%arg26 : memref<!tpu.dma_semaphore, #tpu.memory_space<semaphore_mem>>) src(%dma_wait3A_201 : memref<512xf32, #tpu.memory_space<vmem>>) dst(%dma_wait3A_205 : memref<393216xf32, #tpu.memory_space<vmem_shared>>)
      %dma_wait3A_206 = arith.constant 3584 : i32
      %dma_wait3A_207 = tpu.memref_slice %arg20[%dma_wait3A_206] : memref<6144xf32, #tpu.memory_space<vmem>> -> memref<512xf32, #tpu.memory_space<vmem>>
      %dma_wait3A_208 = arith.constant 3584 : i32
      %dma_wait3A_209 = tpu.memref_slice %arg14[%dma_wait3A_208] : memref<6144xi32, #tpu.memory_space<vmem>> -> memref<512xi32, #tpu.memory_space<vmem>>
      %dma_wait3A_210 = arith.constant 0 : i32
      %dma_wait3A_211 = tpu.memref_slice %arg22[%dma_wait3A_210] : memref<393216xf32, #tpu.memory_space<vmem_shared>> -> memref<393216xf32, #tpu.memory_space<vmem_shared>>
      tpu.wait_indirect_dma semaphore(%arg26 : memref<!tpu.dma_semaphore, #tpu.memory_space<semaphore_mem>>) src(%dma_wait3A_207 : memref<512xf32, #tpu.memory_space<vmem>>) dst(%dma_wait3A_211 : memref<393216xf32, #tpu.memory_space<vmem_shared>>)
      %dma_wait3A_212 = arith.constant 4096 : i32
      %dma_wait3A_213 = tpu.memref_slice %arg18[%dma_wait3A_212] : memref<6144xf32, #tpu.memory_space<vmem>> -> memref<512xf32, #tpu.memory_space<vmem>>
      %dma_wait3A_214 = arith.constant 4096 : i32
      %dma_wait3A_215 = tpu.memref_slice %arg12[%dma_wait3A_214] : memref<6144xi32, #tpu.memory_space<vmem>> -> memref<512xi32, #tpu.memory_space<vmem>>
      %dma_wait3A_216 = arith.constant 0 : i32
      %dma_wait3A_217 = tpu.memref_slice %arg22[%dma_wait3A_216] : memref<393216xf32, #tpu.memory_space<vmem_shared>> -> memref<393216xf32, #tpu.memory_space<vmem_shared>>
      tpu.wait_indirect_dma semaphore(%arg26 : memref<!tpu.dma_semaphore, #tpu.memory_space<semaphore_mem>>) src(%dma_wait3A_213 : memref<512xf32, #tpu.memory_space<vmem>>) dst(%dma_wait3A_217 : memref<393216xf32, #tpu.memory_space<vmem_shared>>)
      %dma_wait3A_218 = arith.constant 4096 : i32
      %dma_wait3A_219 = tpu.memref_slice %arg20[%dma_wait3A_218] : memref<6144xf32, #tpu.memory_space<vmem>> -> memref<512xf32, #tpu.memory_space<vmem>>
      %dma_wait3A_220 = arith.constant 4096 : i32
      %dma_wait3A_221 = tpu.memref_slice %arg14[%dma_wait3A_220] : memref<6144xi32, #tpu.memory_space<vmem>> -> memref<512xi32, #tpu.memory_space<vmem>>
      %dma_wait3A_222 = arith.constant 0 : i32
      %dma_wait3A_223 = tpu.memref_slice %arg22[%dma_wait3A_222] : memref<393216xf32, #tpu.memory_space<vmem_shared>> -> memref<393216xf32, #tpu.memory_space<vmem_shared>>
      tpu.wait_indirect_dma semaphore(%arg26 : memref<!tpu.dma_semaphore, #tpu.memory_space<semaphore_mem>>) src(%dma_wait3A_219 : memref<512xf32, #tpu.memory_space<vmem>>) dst(%dma_wait3A_223 : memref<393216xf32, #tpu.memory_space<vmem_shared>>)
      %dma_wait3A_224 = arith.constant 4608 : i32
      %dma_wait3A_225 = tpu.memref_slice %arg18[%dma_wait3A_224] : memref<6144xf32, #tpu.memory_space<vmem>> -> memref<512xf32, #tpu.memory_space<vmem>>
      %dma_wait3A_226 = arith.constant 4608 : i32
      %dma_wait3A_227 = tpu.memref_slice %arg12[%dma_wait3A_226] : memref<6144xi32, #tpu.memory_space<vmem>> -> memref<512xi32, #tpu.memory_space<vmem>>
      %dma_wait3A_228 = arith.constant 0 : i32
      %dma_wait3A_229 = tpu.memref_slice %arg22[%dma_wait3A_228] : memref<393216xf32, #tpu.memory_space<vmem_shared>> -> memref<393216xf32, #tpu.memory_space<vmem_shared>>
      tpu.wait_indirect_dma semaphore(%arg26 : memref<!tpu.dma_semaphore, #tpu.memory_space<semaphore_mem>>) src(%dma_wait3A_225 : memref<512xf32, #tpu.memory_space<vmem>>) dst(%dma_wait3A_229 : memref<393216xf32, #tpu.memory_space<vmem_shared>>)
      %dma_wait3A_230 = arith.constant 4608 : i32
      %dma_wait3A_231 = tpu.memref_slice %arg20[%dma_wait3A_230] : memref<6144xf32, #tpu.memory_space<vmem>> -> memref<512xf32, #tpu.memory_space<vmem>>
      %dma_wait3A_232 = arith.constant 4608 : i32
      %dma_wait3A_233 = tpu.memref_slice %arg14[%dma_wait3A_232] : memref<6144xi32, #tpu.memory_space<vmem>> -> memref<512xi32, #tpu.memory_space<vmem>>
      %dma_wait3A_234 = arith.constant 0 : i32
      %dma_wait3A_235 = tpu.memref_slice %arg22[%dma_wait3A_234] : memref<393216xf32, #tpu.memory_space<vmem_shared>> -> memref<393216xf32, #tpu.memory_space<vmem_shared>>
      tpu.wait_indirect_dma semaphore(%arg26 : memref<!tpu.dma_semaphore, #tpu.memory_space<semaphore_mem>>) src(%dma_wait3A_231 : memref<512xf32, #tpu.memory_space<vmem>>) dst(%dma_wait3A_235 : memref<393216xf32, #tpu.memory_space<vmem_shared>>)
      %dma_wait3A_236 = arith.constant 5120 : i32
      %dma_wait3A_237 = tpu.memref_slice %arg18[%dma_wait3A_236] : memref<6144xf32, #tpu.memory_space<vmem>> -> memref<512xf32, #tpu.memory_space<vmem>>
      %dma_wait3A_238 = arith.constant 5120 : i32
      %dma_wait3A_239 = tpu.memref_slice %arg12[%dma_wait3A_238] : memref<6144xi32, #tpu.memory_space<vmem>> -> memref<512xi32, #tpu.memory_space<vmem>>
      %dma_wait3A_240 = arith.constant 0 : i32
      %dma_wait3A_241 = tpu.memref_slice %arg22[%dma_wait3A_240] : memref<393216xf32, #tpu.memory_space<vmem_shared>> -> memref<393216xf32, #tpu.memory_space<vmem_shared>>
      tpu.wait_indirect_dma semaphore(%arg26 : memref<!tpu.dma_semaphore, #tpu.memory_space<semaphore_mem>>) src(%dma_wait3A_237 : memref<512xf32, #tpu.memory_space<vmem>>) dst(%dma_wait3A_241 : memref<393216xf32, #tpu.memory_space<vmem_shared>>)
      %dma_wait3A_242 = arith.constant 5120 : i32
      %dma_wait3A_243 = tpu.memref_slice %arg20[%dma_wait3A_242] : memref<6144xf32, #tpu.memory_space<vmem>> -> memref<512xf32, #tpu.memory_space<vmem>>
      %dma_wait3A_244 = arith.constant 5120 : i32
      %dma_wait3A_245 = tpu.memref_slice %arg14[%dma_wait3A_244] : memref<6144xi32, #tpu.memory_space<vmem>> -> memref<512xi32, #tpu.memory_space<vmem>>
      %dma_wait3A_246 = arith.constant 0 : i32
      %dma_wait3A_247 = tpu.memref_slice %arg22[%dma_wait3A_246] : memref<393216xf32, #tpu.memory_space<vmem_shared>> -> memref<393216xf32, #tpu.memory_space<vmem_shared>>
      tpu.wait_indirect_dma semaphore(%arg26 : memref<!tpu.dma_semaphore, #tpu.memory_space<semaphore_mem>>) src(%dma_wait3A_243 : memref<512xf32, #tpu.memory_space<vmem>>) dst(%dma_wait3A_247 : memref<393216xf32, #tpu.memory_space<vmem_shared>>)
      %dma_wait3A_248 = arith.constant 5632 : i32
      %dma_wait3A_249 = tpu.memref_slice %arg18[%dma_wait3A_248] : memref<6144xf32, #tpu.memory_space<vmem>> -> memref<512xf32, #tpu.memory_space<vmem>>
      %dma_wait3A_250 = arith.constant 5632 : i32
      %dma_wait3A_251 = tpu.memref_slice %arg12[%dma_wait3A_250] : memref<6144xi32, #tpu.memory_space<vmem>> -> memref<512xi32, #tpu.memory_space<vmem>>
      %dma_wait3A_252 = arith.constant 0 : i32
      %dma_wait3A_253 = tpu.memref_slice %arg22[%dma_wait3A_252] : memref<393216xf32, #tpu.memory_space<vmem_shared>> -> memref<393216xf32, #tpu.memory_space<vmem_shared>>
      tpu.wait_indirect_dma semaphore(%arg26 : memref<!tpu.dma_semaphore, #tpu.memory_space<semaphore_mem>>) src(%dma_wait3A_249 : memref<512xf32, #tpu.memory_space<vmem>>) dst(%dma_wait3A_253 : memref<393216xf32, #tpu.memory_space<vmem_shared>>)
      %dma_wait3A_254 = arith.constant 5632 : i32
      %dma_wait3A_255 = tpu.memref_slice %arg20[%dma_wait3A_254] : memref<6144xf32, #tpu.memory_space<vmem>> -> memref<512xf32, #tpu.memory_space<vmem>>
      %dma_wait3A_256 = arith.constant 5632 : i32
      %dma_wait3A_257 = tpu.memref_slice %arg14[%dma_wait3A_256] : memref<6144xi32, #tpu.memory_space<vmem>> -> memref<512xi32, #tpu.memory_space<vmem>>
      %dma_wait3A_258 = arith.constant 0 : i32
      %dma_wait3A_259 = tpu.memref_slice %arg22[%dma_wait3A_258] : memref<393216xf32, #tpu.memory_space<vmem_shared>> -> memref<393216xf32, #tpu.memory_space<vmem_shared>>
      tpu.wait_indirect_dma semaphore(%arg26 : memref<!tpu.dma_semaphore, #tpu.memory_space<semaphore_mem>>) src(%dma_wait3A_255 : memref<512xf32, #tpu.memory_space<vmem>>) dst(%dma_wait3A_259 : memref<393216xf32, #tpu.memory_space<vmem_shared>>)
    } else {
    }
    %sub3A_77 = arith.constant 1 : i32
    %sub3A_78 = arith.subi %select_n3A, %sub3A_77 : i32
    %sub3A_79 = arith.constant 1 : i32
    %sub3A_80 = arith.subi %select_n3A, %sub3A_79 : i32
    %sub3A_81 = arith.constant 1 : i32
    %sub3A_82 = arith.subi %sub3A_80, %sub3A_81 : i32
    %jit3A_83 = arith.constant 2 : i32
    %eq3A_84 = arith.constant 0 : i32
    %eq3A_85 = arith.cmpi eq, %jit3A_83, %eq3A_84 : i32
    %jit3A_86 = arith.constant 1 : i32
    %select_n3A_87 = arith.select %eq3A_85, %jit3A_86, %jit3A_83 : i32
    %rem3A_88 = arith.remsi %sub3A_82, %select_n3A_87 : i32
    %ne3A_89 = arith.constant 0 : i32
    %ne3A_90 = arith.cmpi ne, %rem3A_88, %ne3A_89 : i32
    %lt3A_91 = arith.constant 0 : i32
    %lt3A_92 = arith.cmpi slt, %rem3A_88, %lt3A_91 : i32
    %lt3A_93 = arith.constant 0 : i32
    %lt3A_94 = arith.cmpi slt, %select_n3A_87, %lt3A_93 : i32
    %ne3A_95 = arith.xori %lt3A_92, %lt3A_94 : i1
    %and3A_96 = arith.andi %ne3A_95, %ne3A_90 : i1
    %add3A_97 = arith.addi %rem3A_88, %select_n3A_87 : i32
    %select_n3A_98 = arith.select %and3A_96, %add3A_97, %rem3A_88 : i32
    %sub3A_99 = arith.subi %sub3A_78, %select_n3A_98 : i32
    %ge3A_100 = arith.constant 0 : i32
    %ge3A_101 = arith.cmpi sge, %sub3A_99, %ge3A_100 : i32
    %add3A_102 = arith.constant 2 : i32
    %add3A_103 = arith.addi %sub3A_99, %add3A_102 : i32
    %ge3A_104 = arith.constant 98 : i32
    %ge3A_105 = arith.cmpi sge, %add3A_103, %ge3A_104 : i32
    %and3A_106 = arith.andi %ge3A_101, %ge3A_105 : i1
    %convert_element_type3A_107 = arith.extui %and3A_106 : i1 to i32
    %cond3A_108 = arith.constant 0 : i32
    %cond3A_109 = arith.cmpi ne, %convert_element_type3A_107, %cond3A_108 : i32
    scf.if %cond3A_109 {
      %dma_wait3A = arith.constant 0 : i32
      %dma_wait3A_117 = tpu.memref_slice %arg19[%dma_wait3A] : memref<6144xf32, #tpu.memory_space<vmem>> -> memref<512xf32, #tpu.memory_space<vmem>>
      %dma_wait3A_118 = arith.constant 0 : i32
      %dma_wait3A_119 = tpu.memref_slice %arg13[%dma_wait3A_118] : memref<6144xi32, #tpu.memory_space<vmem>> -> memref<512xi32, #tpu.memory_space<vmem>>
      %dma_wait3A_120 = arith.constant 0 : i32
      %dma_wait3A_121 = tpu.memref_slice %arg22[%dma_wait3A_120] : memref<393216xf32, #tpu.memory_space<vmem_shared>> -> memref<393216xf32, #tpu.memory_space<vmem_shared>>
      tpu.wait_indirect_dma semaphore(%arg27 : memref<!tpu.dma_semaphore, #tpu.memory_space<semaphore_mem>>) src(%dma_wait3A_117 : memref<512xf32, #tpu.memory_space<vmem>>) dst(%dma_wait3A_121 : memref<393216xf32, #tpu.memory_space<vmem_shared>>)
      %dma_wait3A_122 = arith.constant 0 : i32
      %dma_wait3A_123 = tpu.memref_slice %arg21[%dma_wait3A_122] : memref<6144xf32, #tpu.memory_space<vmem>> -> memref<512xf32, #tpu.memory_space<vmem>>
      %dma_wait3A_124 = arith.constant 0 : i32
      %dma_wait3A_125 = tpu.memref_slice %arg15[%dma_wait3A_124] : memref<6144xi32, #tpu.memory_space<vmem>> -> memref<512xi32, #tpu.memory_space<vmem>>
      %dma_wait3A_126 = arith.constant 0 : i32
      %dma_wait3A_127 = tpu.memref_slice %arg22[%dma_wait3A_126] : memref<393216xf32, #tpu.memory_space<vmem_shared>> -> memref<393216xf32, #tpu.memory_space<vmem_shared>>
      tpu.wait_indirect_dma semaphore(%arg27 : memref<!tpu.dma_semaphore, #tpu.memory_space<semaphore_mem>>) src(%dma_wait3A_123 : memref<512xf32, #tpu.memory_space<vmem>>) dst(%dma_wait3A_127 : memref<393216xf32, #tpu.memory_space<vmem_shared>>)
      %dma_wait3A_128 = arith.constant 512 : i32
      %dma_wait3A_129 = tpu.memref_slice %arg19[%dma_wait3A_128] : memref<6144xf32, #tpu.memory_space<vmem>> -> memref<512xf32, #tpu.memory_space<vmem>>
      %dma_wait3A_130 = arith.constant 512 : i32
      %dma_wait3A_131 = tpu.memref_slice %arg13[%dma_wait3A_130] : memref<6144xi32, #tpu.memory_space<vmem>> -> memref<512xi32, #tpu.memory_space<vmem>>
      %dma_wait3A_132 = arith.constant 0 : i32
      %dma_wait3A_133 = tpu.memref_slice %arg22[%dma_wait3A_132] : memref<393216xf32, #tpu.memory_space<vmem_shared>> -> memref<393216xf32, #tpu.memory_space<vmem_shared>>
      tpu.wait_indirect_dma semaphore(%arg27 : memref<!tpu.dma_semaphore, #tpu.memory_space<semaphore_mem>>) src(%dma_wait3A_129 : memref<512xf32, #tpu.memory_space<vmem>>) dst(%dma_wait3A_133 : memref<393216xf32, #tpu.memory_space<vmem_shared>>)
      %dma_wait3A_134 = arith.constant 512 : i32
      %dma_wait3A_135 = tpu.memref_slice %arg21[%dma_wait3A_134] : memref<6144xf32, #tpu.memory_space<vmem>> -> memref<512xf32, #tpu.memory_space<vmem>>
      %dma_wait3A_136 = arith.constant 512 : i32
      %dma_wait3A_137 = tpu.memref_slice %arg15[%dma_wait3A_136] : memref<6144xi32, #tpu.memory_space<vmem>> -> memref<512xi32, #tpu.memory_space<vmem>>
      %dma_wait3A_138 = arith.constant 0 : i32
      %dma_wait3A_139 = tpu.memref_slice %arg22[%dma_wait3A_138] : memref<393216xf32, #tpu.memory_space<vmem_shared>> -> memref<393216xf32, #tpu.memory_space<vmem_shared>>
      tpu.wait_indirect_dma semaphore(%arg27 : memref<!tpu.dma_semaphore, #tpu.memory_space<semaphore_mem>>) src(%dma_wait3A_135 : memref<512xf32, #tpu.memory_space<vmem>>) dst(%dma_wait3A_139 : memref<393216xf32, #tpu.memory_space<vmem_shared>>)
      %dma_wait3A_140 = arith.constant 1024 : i32
      %dma_wait3A_141 = tpu.memref_slice %arg19[%dma_wait3A_140] : memref<6144xf32, #tpu.memory_space<vmem>> -> memref<512xf32, #tpu.memory_space<vmem>>
      %dma_wait3A_142 = arith.constant 1024 : i32
      %dma_wait3A_143 = tpu.memref_slice %arg13[%dma_wait3A_142] : memref<6144xi32, #tpu.memory_space<vmem>> -> memref<512xi32, #tpu.memory_space<vmem>>
      %dma_wait3A_144 = arith.constant 0 : i32
      %dma_wait3A_145 = tpu.memref_slice %arg22[%dma_wait3A_144] : memref<393216xf32, #tpu.memory_space<vmem_shared>> -> memref<393216xf32, #tpu.memory_space<vmem_shared>>
      tpu.wait_indirect_dma semaphore(%arg27 : memref<!tpu.dma_semaphore, #tpu.memory_space<semaphore_mem>>) src(%dma_wait3A_141 : memref<512xf32, #tpu.memory_space<vmem>>) dst(%dma_wait3A_145 : memref<393216xf32, #tpu.memory_space<vmem_shared>>)
      %dma_wait3A_146 = arith.constant 1024 : i32
      %dma_wait3A_147 = tpu.memref_slice %arg21[%dma_wait3A_146] : memref<6144xf32, #tpu.memory_space<vmem>> -> memref<512xf32, #tpu.memory_space<vmem>>
      %dma_wait3A_148 = arith.constant 1024 : i32
      %dma_wait3A_149 = tpu.memref_slice %arg15[%dma_wait3A_148] : memref<6144xi32, #tpu.memory_space<vmem>> -> memref<512xi32, #tpu.memory_space<vmem>>
      %dma_wait3A_150 = arith.constant 0 : i32
      %dma_wait3A_151 = tpu.memref_slice %arg22[%dma_wait3A_150] : memref<393216xf32, #tpu.memory_space<vmem_shared>> -> memref<393216xf32, #tpu.memory_space<vmem_shared>>
      tpu.wait_indirect_dma semaphore(%arg27 : memref<!tpu.dma_semaphore, #tpu.memory_space<semaphore_mem>>) src(%dma_wait3A_147 : memref<512xf32, #tpu.memory_space<vmem>>) dst(%dma_wait3A_151 : memref<393216xf32, #tpu.memory_space<vmem_shared>>)
      %dma_wait3A_152 = arith.constant 1536 : i32
      %dma_wait3A_153 = tpu.memref_slice %arg19[%dma_wait3A_152] : memref<6144xf32, #tpu.memory_space<vmem>> -> memref<512xf32, #tpu.memory_space<vmem>>
      %dma_wait3A_154 = arith.constant 1536 : i32
      %dma_wait3A_155 = tpu.memref_slice %arg13[%dma_wait3A_154] : memref<6144xi32, #tpu.memory_space<vmem>> -> memref<512xi32, #tpu.memory_space<vmem>>
      %dma_wait3A_156 = arith.constant 0 : i32
      %dma_wait3A_157 = tpu.memref_slice %arg22[%dma_wait3A_156] : memref<393216xf32, #tpu.memory_space<vmem_shared>> -> memref<393216xf32, #tpu.memory_space<vmem_shared>>
      tpu.wait_indirect_dma semaphore(%arg27 : memref<!tpu.dma_semaphore, #tpu.memory_space<semaphore_mem>>) src(%dma_wait3A_153 : memref<512xf32, #tpu.memory_space<vmem>>) dst(%dma_wait3A_157 : memref<393216xf32, #tpu.memory_space<vmem_shared>>)
      %dma_wait3A_158 = arith.constant 1536 : i32
      %dma_wait3A_159 = tpu.memref_slice %arg21[%dma_wait3A_158] : memref<6144xf32, #tpu.memory_space<vmem>> -> memref<512xf32, #tpu.memory_space<vmem>>
      %dma_wait3A_160 = arith.constant 1536 : i32
      %dma_wait3A_161 = tpu.memref_slice %arg15[%dma_wait3A_160] : memref<6144xi32, #tpu.memory_space<vmem>> -> memref<512xi32, #tpu.memory_space<vmem>>
      %dma_wait3A_162 = arith.constant 0 : i32
      %dma_wait3A_163 = tpu.memref_slice %arg22[%dma_wait3A_162] : memref<393216xf32, #tpu.memory_space<vmem_shared>> -> memref<393216xf32, #tpu.memory_space<vmem_shared>>
      tpu.wait_indirect_dma semaphore(%arg27 : memref<!tpu.dma_semaphore, #tpu.memory_space<semaphore_mem>>) src(%dma_wait3A_159 : memref<512xf32, #tpu.memory_space<vmem>>) dst(%dma_wait3A_163 : memref<393216xf32, #tpu.memory_space<vmem_shared>>)
      %dma_wait3A_164 = arith.constant 2048 : i32
      %dma_wait3A_165 = tpu.memref_slice %arg19[%dma_wait3A_164] : memref<6144xf32, #tpu.memory_space<vmem>> -> memref<512xf32, #tpu.memory_space<vmem>>
      %dma_wait3A_166 = arith.constant 2048 : i32
      %dma_wait3A_167 = tpu.memref_slice %arg13[%dma_wait3A_166] : memref<6144xi32, #tpu.memory_space<vmem>> -> memref<512xi32, #tpu.memory_space<vmem>>
      %dma_wait3A_168 = arith.constant 0 : i32
      %dma_wait3A_169 = tpu.memref_slice %arg22[%dma_wait3A_168] : memref<393216xf32, #tpu.memory_space<vmem_shared>> -> memref<393216xf32, #tpu.memory_space<vmem_shared>>
      tpu.wait_indirect_dma semaphore(%arg27 : memref<!tpu.dma_semaphore, #tpu.memory_space<semaphore_mem>>) src(%dma_wait3A_165 : memref<512xf32, #tpu.memory_space<vmem>>) dst(%dma_wait3A_169 : memref<393216xf32, #tpu.memory_space<vmem_shared>>)
      %dma_wait3A_170 = arith.constant 2048 : i32
      %dma_wait3A_171 = tpu.memref_slice %arg21[%dma_wait3A_170] : memref<6144xf32, #tpu.memory_space<vmem>> -> memref<512xf32, #tpu.memory_space<vmem>>
      %dma_wait3A_172 = arith.constant 2048 : i32
      %dma_wait3A_173 = tpu.memref_slice %arg15[%dma_wait3A_172] : memref<6144xi32, #tpu.memory_space<vmem>> -> memref<512xi32, #tpu.memory_space<vmem>>
      %dma_wait3A_174 = arith.constant 0 : i32
      %dma_wait3A_175 = tpu.memref_slice %arg22[%dma_wait3A_174] : memref<393216xf32, #tpu.memory_space<vmem_shared>> -> memref<393216xf32, #tpu.memory_space<vmem_shared>>
      tpu.wait_indirect_dma semaphore(%arg27 : memref<!tpu.dma_semaphore, #tpu.memory_space<semaphore_mem>>) src(%dma_wait3A_171 : memref<512xf32, #tpu.memory_space<vmem>>) dst(%dma_wait3A_175 : memref<393216xf32, #tpu.memory_space<vmem_shared>>)
      %dma_wait3A_176 = arith.constant 2560 : i32
      %dma_wait3A_177 = tpu.memref_slice %arg19[%dma_wait3A_176] : memref<6144xf32, #tpu.memory_space<vmem>> -> memref<512xf32, #tpu.memory_space<vmem>>
      %dma_wait3A_178 = arith.constant 2560 : i32
      %dma_wait3A_179 = tpu.memref_slice %arg13[%dma_wait3A_178] : memref<6144xi32, #tpu.memory_space<vmem>> -> memref<512xi32, #tpu.memory_space<vmem>>
      %dma_wait3A_180 = arith.constant 0 : i32
      %dma_wait3A_181 = tpu.memref_slice %arg22[%dma_wait3A_180] : memref<393216xf32, #tpu.memory_space<vmem_shared>> -> memref<393216xf32, #tpu.memory_space<vmem_shared>>
      tpu.wait_indirect_dma semaphore(%arg27 : memref<!tpu.dma_semaphore, #tpu.memory_space<semaphore_mem>>) src(%dma_wait3A_177 : memref<512xf32, #tpu.memory_space<vmem>>) dst(%dma_wait3A_181 : memref<393216xf32, #tpu.memory_space<vmem_shared>>)
      %dma_wait3A_182 = arith.constant 2560 : i32
      %dma_wait3A_183 = tpu.memref_slice %arg21[%dma_wait3A_182] : memref<6144xf32, #tpu.memory_space<vmem>> -> memref<512xf32, #tpu.memory_space<vmem>>
      %dma_wait3A_184 = arith.constant 2560 : i32
      %dma_wait3A_185 = tpu.memref_slice %arg15[%dma_wait3A_184] : memref<6144xi32, #tpu.memory_space<vmem>> -> memref<512xi32, #tpu.memory_space<vmem>>
      %dma_wait3A_186 = arith.constant 0 : i32
      %dma_wait3A_187 = tpu.memref_slice %arg22[%dma_wait3A_186] : memref<393216xf32, #tpu.memory_space<vmem_shared>> -> memref<393216xf32, #tpu.memory_space<vmem_shared>>
      tpu.wait_indirect_dma semaphore(%arg27 : memref<!tpu.dma_semaphore, #tpu.memory_space<semaphore_mem>>) src(%dma_wait3A_183 : memref<512xf32, #tpu.memory_space<vmem>>) dst(%dma_wait3A_187 : memref<393216xf32, #tpu.memory_space<vmem_shared>>)
      %dma_wait3A_188 = arith.constant 3072 : i32
      %dma_wait3A_189 = tpu.memref_slice %arg19[%dma_wait3A_188] : memref<6144xf32, #tpu.memory_space<vmem>> -> memref<512xf32, #tpu.memory_space<vmem>>
      %dma_wait3A_190 = arith.constant 3072 : i32
      %dma_wait3A_191 = tpu.memref_slice %arg13[%dma_wait3A_190] : memref<6144xi32, #tpu.memory_space<vmem>> -> memref<512xi32, #tpu.memory_space<vmem>>
      %dma_wait3A_192 = arith.constant 0 : i32
      %dma_wait3A_193 = tpu.memref_slice %arg22[%dma_wait3A_192] : memref<393216xf32, #tpu.memory_space<vmem_shared>> -> memref<393216xf32, #tpu.memory_space<vmem_shared>>
      tpu.wait_indirect_dma semaphore(%arg27 : memref<!tpu.dma_semaphore, #tpu.memory_space<semaphore_mem>>) src(%dma_wait3A_189 : memref<512xf32, #tpu.memory_space<vmem>>) dst(%dma_wait3A_193 : memref<393216xf32, #tpu.memory_space<vmem_shared>>)
      %dma_wait3A_194 = arith.constant 3072 : i32
      %dma_wait3A_195 = tpu.memref_slice %arg21[%dma_wait3A_194] : memref<6144xf32, #tpu.memory_space<vmem>> -> memref<512xf32, #tpu.memory_space<vmem>>
      %dma_wait3A_196 = arith.constant 3072 : i32
      %dma_wait3A_197 = tpu.memref_slice %arg15[%dma_wait3A_196] : memref<6144xi32, #tpu.memory_space<vmem>> -> memref<512xi32, #tpu.memory_space<vmem>>
      %dma_wait3A_198 = arith.constant 0 : i32
      %dma_wait3A_199 = tpu.memref_slice %arg22[%dma_wait3A_198] : memref<393216xf32, #tpu.memory_space<vmem_shared>> -> memref<393216xf32, #tpu.memory_space<vmem_shared>>
      tpu.wait_indirect_dma semaphore(%arg27 : memref<!tpu.dma_semaphore, #tpu.memory_space<semaphore_mem>>) src(%dma_wait3A_195 : memref<512xf32, #tpu.memory_space<vmem>>) dst(%dma_wait3A_199 : memref<393216xf32, #tpu.memory_space<vmem_shared>>)
      %dma_wait3A_200 = arith.constant 3584 : i32
      %dma_wait3A_201 = tpu.memref_slice %arg19[%dma_wait3A_200] : memref<6144xf32, #tpu.memory_space<vmem>> -> memref<512xf32, #tpu.memory_space<vmem>>
      %dma_wait3A_202 = arith.constant 3584 : i32
      %dma_wait3A_203 = tpu.memref_slice %arg13[%dma_wait3A_202] : memref<6144xi32, #tpu.memory_space<vmem>> -> memref<512xi32, #tpu.memory_space<vmem>>
      %dma_wait3A_204 = arith.constant 0 : i32
      %dma_wait3A_205 = tpu.memref_slice %arg22[%dma_wait3A_204] : memref<393216xf32, #tpu.memory_space<vmem_shared>> -> memref<393216xf32, #tpu.memory_space<vmem_shared>>
      tpu.wait_indirect_dma semaphore(%arg27 : memref<!tpu.dma_semaphore, #tpu.memory_space<semaphore_mem>>) src(%dma_wait3A_201 : memref<512xf32, #tpu.memory_space<vmem>>) dst(%dma_wait3A_205 : memref<393216xf32, #tpu.memory_space<vmem_shared>>)
      %dma_wait3A_206 = arith.constant 3584 : i32
      %dma_wait3A_207 = tpu.memref_slice %arg21[%dma_wait3A_206] : memref<6144xf32, #tpu.memory_space<vmem>> -> memref<512xf32, #tpu.memory_space<vmem>>
      %dma_wait3A_208 = arith.constant 3584 : i32
      %dma_wait3A_209 = tpu.memref_slice %arg15[%dma_wait3A_208] : memref<6144xi32, #tpu.memory_space<vmem>> -> memref<512xi32, #tpu.memory_space<vmem>>
      %dma_wait3A_210 = arith.constant 0 : i32
      %dma_wait3A_211 = tpu.memref_slice %arg22[%dma_wait3A_210] : memref<393216xf32, #tpu.memory_space<vmem_shared>> -> memref<393216xf32, #tpu.memory_space<vmem_shared>>
      tpu.wait_indirect_dma semaphore(%arg27 : memref<!tpu.dma_semaphore, #tpu.memory_space<semaphore_mem>>) src(%dma_wait3A_207 : memref<512xf32, #tpu.memory_space<vmem>>) dst(%dma_wait3A_211 : memref<393216xf32, #tpu.memory_space<vmem_shared>>)
      %dma_wait3A_212 = arith.constant 4096 : i32
      %dma_wait3A_213 = tpu.memref_slice %arg19[%dma_wait3A_212] : memref<6144xf32, #tpu.memory_space<vmem>> -> memref<512xf32, #tpu.memory_space<vmem>>
      %dma_wait3A_214 = arith.constant 4096 : i32
      %dma_wait3A_215 = tpu.memref_slice %arg13[%dma_wait3A_214] : memref<6144xi32, #tpu.memory_space<vmem>> -> memref<512xi32, #tpu.memory_space<vmem>>
      %dma_wait3A_216 = arith.constant 0 : i32
      %dma_wait3A_217 = tpu.memref_slice %arg22[%dma_wait3A_216] : memref<393216xf32, #tpu.memory_space<vmem_shared>> -> memref<393216xf32, #tpu.memory_space<vmem_shared>>
      tpu.wait_indirect_dma semaphore(%arg27 : memref<!tpu.dma_semaphore, #tpu.memory_space<semaphore_mem>>) src(%dma_wait3A_213 : memref<512xf32, #tpu.memory_space<vmem>>) dst(%dma_wait3A_217 : memref<393216xf32, #tpu.memory_space<vmem_shared>>)
      %dma_wait3A_218 = arith.constant 4096 : i32
      %dma_wait3A_219 = tpu.memref_slice %arg21[%dma_wait3A_218] : memref<6144xf32, #tpu.memory_space<vmem>> -> memref<512xf32, #tpu.memory_space<vmem>>
      %dma_wait3A_220 = arith.constant 4096 : i32
      %dma_wait3A_221 = tpu.memref_slice %arg15[%dma_wait3A_220] : memref<6144xi32, #tpu.memory_space<vmem>> -> memref<512xi32, #tpu.memory_space<vmem>>
      %dma_wait3A_222 = arith.constant 0 : i32
      %dma_wait3A_223 = tpu.memref_slice %arg22[%dma_wait3A_222] : memref<393216xf32, #tpu.memory_space<vmem_shared>> -> memref<393216xf32, #tpu.memory_space<vmem_shared>>
      tpu.wait_indirect_dma semaphore(%arg27 : memref<!tpu.dma_semaphore, #tpu.memory_space<semaphore_mem>>) src(%dma_wait3A_219 : memref<512xf32, #tpu.memory_space<vmem>>) dst(%dma_wait3A_223 : memref<393216xf32, #tpu.memory_space<vmem_shared>>)
      %dma_wait3A_224 = arith.constant 4608 : i32
      %dma_wait3A_225 = tpu.memref_slice %arg19[%dma_wait3A_224] : memref<6144xf32, #tpu.memory_space<vmem>> -> memref<512xf32, #tpu.memory_space<vmem>>
      %dma_wait3A_226 = arith.constant 4608 : i32
      %dma_wait3A_227 = tpu.memref_slice %arg13[%dma_wait3A_226] : memref<6144xi32, #tpu.memory_space<vmem>> -> memref<512xi32, #tpu.memory_space<vmem>>
      %dma_wait3A_228 = arith.constant 0 : i32
      %dma_wait3A_229 = tpu.memref_slice %arg22[%dma_wait3A_228] : memref<393216xf32, #tpu.memory_space<vmem_shared>> -> memref<393216xf32, #tpu.memory_space<vmem_shared>>
      tpu.wait_indirect_dma semaphore(%arg27 : memref<!tpu.dma_semaphore, #tpu.memory_space<semaphore_mem>>) src(%dma_wait3A_225 : memref<512xf32, #tpu.memory_space<vmem>>) dst(%dma_wait3A_229 : memref<393216xf32, #tpu.memory_space<vmem_shared>>)
      %dma_wait3A_230 = arith.constant 4608 : i32
      %dma_wait3A_231 = tpu.memref_slice %arg21[%dma_wait3A_230] : memref<6144xf32, #tpu.memory_space<vmem>> -> memref<512xf32, #tpu.memory_space<vmem>>
      %dma_wait3A_232 = arith.constant 4608 : i32
      %dma_wait3A_233 = tpu.memref_slice %arg15[%dma_wait3A_232] : memref<6144xi32, #tpu.memory_space<vmem>> -> memref<512xi32, #tpu.memory_space<vmem>>
      %dma_wait3A_234 = arith.constant 0 : i32
      %dma_wait3A_235 = tpu.memref_slice %arg22[%dma_wait3A_234] : memref<393216xf32, #tpu.memory_space<vmem_shared>> -> memref<393216xf32, #tpu.memory_space<vmem_shared>>
      tpu.wait_indirect_dma semaphore(%arg27 : memref<!tpu.dma_semaphore, #tpu.memory_space<semaphore_mem>>) src(%dma_wait3A_231 : memref<512xf32, #tpu.memory_space<vmem>>) dst(%dma_wait3A_235 : memref<393216xf32, #tpu.memory_space<vmem_shared>>)
      %dma_wait3A_236 = arith.constant 5120 : i32
      %dma_wait3A_237 = tpu.memref_slice %arg19[%dma_wait3A_236] : memref<6144xf32, #tpu.memory_space<vmem>> -> memref<512xf32, #tpu.memory_space<vmem>>
      %dma_wait3A_238 = arith.constant 5120 : i32
      %dma_wait3A_239 = tpu.memref_slice %arg13[%dma_wait3A_238] : memref<6144xi32, #tpu.memory_space<vmem>> -> memref<512xi32, #tpu.memory_space<vmem>>
      %dma_wait3A_240 = arith.constant 0 : i32
      %dma_wait3A_241 = tpu.memref_slice %arg22[%dma_wait3A_240] : memref<393216xf32, #tpu.memory_space<vmem_shared>> -> memref<393216xf32, #tpu.memory_space<vmem_shared>>
      tpu.wait_indirect_dma semaphore(%arg27 : memref<!tpu.dma_semaphore, #tpu.memory_space<semaphore_mem>>) src(%dma_wait3A_237 : memref<512xf32, #tpu.memory_space<vmem>>) dst(%dma_wait3A_241 : memref<393216xf32, #tpu.memory_space<vmem_shared>>)
      %dma_wait3A_242 = arith.constant 5120 : i32
      %dma_wait3A_243 = tpu.memref_slice %arg21[%dma_wait3A_242] : memref<6144xf32, #tpu.memory_space<vmem>> -> memref<512xf32, #tpu.memory_space<vmem>>
      %dma_wait3A_244 = arith.constant 5120 : i32
      %dma_wait3A_245 = tpu.memref_slice %arg15[%dma_wait3A_244] : memref<6144xi32, #tpu.memory_space<vmem>> -> memref<512xi32, #tpu.memory_space<vmem>>
      %dma_wait3A_246 = arith.constant 0 : i32
      %dma_wait3A_247 = tpu.memref_slice %arg22[%dma_wait3A_246] : memref<393216xf32, #tpu.memory_space<vmem_shared>> -> memref<393216xf32, #tpu.memory_space<vmem_shared>>
      tpu.wait_indirect_dma semaphore(%arg27 : memref<!tpu.dma_semaphore, #tpu.memory_space<semaphore_mem>>) src(%dma_wait3A_243 : memref<512xf32, #tpu.memory_space<vmem>>) dst(%dma_wait3A_247 : memref<393216xf32, #tpu.memory_space<vmem_shared>>)
      %dma_wait3A_248 = arith.constant 5632 : i32
      %dma_wait3A_249 = tpu.memref_slice %arg19[%dma_wait3A_248] : memref<6144xf32, #tpu.memory_space<vmem>> -> memref<512xf32, #tpu.memory_space<vmem>>
      %dma_wait3A_250 = arith.constant 5632 : i32
      %dma_wait3A_251 = tpu.memref_slice %arg13[%dma_wait3A_250] : memref<6144xi32, #tpu.memory_space<vmem>> -> memref<512xi32, #tpu.memory_space<vmem>>
      %dma_wait3A_252 = arith.constant 0 : i32
      %dma_wait3A_253 = tpu.memref_slice %arg22[%dma_wait3A_252] : memref<393216xf32, #tpu.memory_space<vmem_shared>> -> memref<393216xf32, #tpu.memory_space<vmem_shared>>
      tpu.wait_indirect_dma semaphore(%arg27 : memref<!tpu.dma_semaphore, #tpu.memory_space<semaphore_mem>>) src(%dma_wait3A_249 : memref<512xf32, #tpu.memory_space<vmem>>) dst(%dma_wait3A_253 : memref<393216xf32, #tpu.memory_space<vmem_shared>>)
      %dma_wait3A_254 = arith.constant 5632 : i32
      %dma_wait3A_255 = tpu.memref_slice %arg21[%dma_wait3A_254] : memref<6144xf32, #tpu.memory_space<vmem>> -> memref<512xf32, #tpu.memory_space<vmem>>
      %dma_wait3A_256 = arith.constant 5632 : i32
      %dma_wait3A_257 = tpu.memref_slice %arg15[%dma_wait3A_256] : memref<6144xi32, #tpu.memory_space<vmem>> -> memref<512xi32, #tpu.memory_space<vmem>>
      %dma_wait3A_258 = arith.constant 0 : i32
      %dma_wait3A_259 = tpu.memref_slice %arg22[%dma_wait3A_258] : memref<393216xf32, #tpu.memory_space<vmem_shared>> -> memref<393216xf32, #tpu.memory_space<vmem_shared>>
      tpu.wait_indirect_dma semaphore(%arg27 : memref<!tpu.dma_semaphore, #tpu.memory_space<semaphore_mem>>) src(%dma_wait3A_255 : memref<512xf32, #tpu.memory_space<vmem>>) dst(%dma_wait3A_259 : memref<393216xf32, #tpu.memory_space<vmem_shared>>)
    } else {
    }
    %barrier3A_110 = arith.constant 0 : index
    tpu.barrier barrier_id(%barrier3A_110)
    %scan3A_111 = arith.constant 0 : i32
    %scan3A_112 = arith.constant 0 : i32
    %scan3A_113 = arith.constant 4 : i32
    %scan3A_114 = arith.addi %scan3A_112, %scan3A_113 : i32
    %scan3A_115 = arith.constant 1 : i32
    scf.for %scan3A_117 = %scan3A_112 to %scan3A_114 step %scan3A_115  : i32 {
      %mul3A_118 = arith.constant 6144 : i32
      %mul3A_119 = arith.muli %scan3A_117, %mul3A_118 : i32
      %add3A_120 = arith.addi %mul3A_30, %mul3A_119 : i32
      "tpu.region"() ({
        %run_scoped3A = tpu.sem_alloc : memref<!tpu.dma_semaphore, #tpu.memory_space<semaphore_mem>>
        %dma_start3A = tpu.memref_slice %arg22[%add3A_120] : memref<393216xf32, #tpu.memory_space<vmem_shared>> -> memref<6144xf32, #tpu.memory_space<vmem_shared>>
        %dma_start3A_121 = tpu.memref_slice %arg22[%add3A_120] : memref<393216xf32, #tpu.memory_space<vmem_shared>> -> memref<6144xf32, #tpu.memory_space<vmem_shared>>
        tpu.enqueue_dma source(%dma_start3A_121 : memref<6144xf32, #tpu.memory_space<vmem_shared>>) target(%arg18 : memref<6144xf32, #tpu.memory_space<vmem>>) target_semaphore(%run_scoped3A : memref<!tpu.dma_semaphore, #tpu.memory_space<semaphore_mem>>)
        %dma_wait3A = tpu.memref_slice %arg22[%add3A_120] : memref<393216xf32, #tpu.memory_space<vmem_shared>> -> memref<6144xf32, #tpu.memory_space<vmem_shared>>
        %dma_wait3A_122 = tpu.memref_slice %arg22[%add3A_120] : memref<393216xf32, #tpu.memory_space<vmem_shared>> -> memref<6144xf32, #tpu.memory_space<vmem_shared>>
        tpu.wait_dma2 semaphore(%run_scoped3A : memref<!tpu.dma_semaphore, #tpu.memory_space<semaphore_mem>>) src(%dma_wait3A_122 : memref<6144xf32, #tpu.memory_space<vmem_shared>>) dst(%arg18 : memref<6144xf32, #tpu.memory_space<vmem>>)
        tpu.yield
      }) : () -> ()
      "tpu.region"() ({
        %run_scoped3A = tpu.sem_alloc : memref<!tpu.dma_semaphore, #tpu.memory_space<semaphore_mem>>
        %dma_start3A = arith.constant 0 : i32
        %dma_start3A_121 = tpu.memref_slice %arg8[%arg0, %dma_start3A] : memref<2x393216xf32, #tpu.memory_space<hbm>> -> memref<1x393216xf32, #tpu.memory_space<hbm>>
        %dma_start3A_122 = tpu.memref_squeeze %dma_start3A_121 : memref<1x393216xf32, #tpu.memory_space<hbm>> -> memref<393216xf32, #tpu.memory_space<hbm>>
        %dma_start3A_123 = tpu.memref_slice %dma_start3A_122[%add3A_120] : memref<393216xf32, #tpu.memory_space<hbm>> -> memref<6144xf32, #tpu.memory_space<hbm>>
        %dma_start3A_124 = arith.constant 0 : i32
        %dma_start3A_125 = tpu.memref_slice %arg8[%arg0, %dma_start3A_124] : memref<2x393216xf32, #tpu.memory_space<hbm>> -> memref<1x393216xf32, #tpu.memory_space<hbm>>
        %dma_start3A_126 = tpu.memref_squeeze %dma_start3A_125 : memref<1x393216xf32, #tpu.memory_space<hbm>> -> memref<393216xf32, #tpu.memory_space<hbm>>
        %dma_start3A_127 = tpu.memref_slice %dma_start3A_126[%add3A_120] : memref<393216xf32, #tpu.memory_space<hbm>> -> memref<6144xf32, #tpu.memory_space<hbm>>
        tpu.enqueue_dma source(%arg18 : memref<6144xf32, #tpu.memory_space<vmem>>) target(%dma_start3A_127 : memref<6144xf32, #tpu.memory_space<hbm>>) target_semaphore(%run_scoped3A : memref<!tpu.dma_semaphore, #tpu.memory_space<semaphore_mem>>)
        %dma_wait3A = arith.constant 0 : i32
        %dma_wait3A_128 = tpu.memref_slice %arg8[%arg0, %dma_wait3A] : memref<2x393216xf32, #tpu.memory_space<hbm>> -> memref<1x393216xf32, #tpu.memory_space<hbm>>
        %dma_wait3A_129 = tpu.memref_squeeze %dma_wait3A_128 : memref<1x393216xf32, #tpu.memory_space<hbm>> -> memref<393216xf32, #tpu.memory_space<hbm>>
        %dma_wait3A_130 = tpu.memref_slice %dma_wait3A_129[%add3A_120] : memref<393216xf32, #tpu.memory_space<hbm>> -> memref<6144xf32, #tpu.memory_space<hbm>>
        %dma_wait3A_131 = arith.constant 0 : i32
        %dma_wait3A_132 = tpu.memref_slice %arg8[%arg0, %dma_wait3A_131] : memref<2x393216xf32, #tpu.memory_space<hbm>> -> memref<1x393216xf32, #tpu.memory_space<hbm>>
        %dma_wait3A_133 = tpu.memref_squeeze %dma_wait3A_132 : memref<1x393216xf32, #tpu.memory_space<hbm>> -> memref<393216xf32, #tpu.memory_space<hbm>>
        %dma_wait3A_134 = tpu.memref_slice %dma_wait3A_133[%add3A_120] : memref<393216xf32, #tpu.memory_space<hbm>> -> memref<6144xf32, #tpu.memory_space<hbm>>
        tpu.wait_dma2 semaphore(%run_scoped3A : memref<!tpu.dma_semaphore, #tpu.memory_space<semaphore_mem>>) src(%arg18 : memref<6144xf32, #tpu.memory_space<vmem>>) dst(%dma_wait3A_134 : memref<6144xf32, #tpu.memory_space<hbm>>)
        tpu.yield
      }) : () -> ()
    }
    %scan3A_116 = arith.constant 4 : i32
    return
  }
}

</mosaic_0001>

<sc_bundles>
// kernel: _sc_edges.3.cloned.1.call-start
scs
__scs_entry_jumppad:
0x0: {  	(pc) =	sbr.rel $0x88, $3  }
0x1: {  	(tag) =	ssettag $0x0;
	lr =	simm.s32 $0x1  }
0x2: {  	[smem:$0x3F9B] =	sst lr;
	_ =	strace $0xD0000000  }
0x3: {  	_ = 	snop  }
0x4: {  	_ = 	snop  }
0x5: {  	_ = 	snop  }
0x6: {  	_ = 	snop  }
0x7: {  	_ = 	snop  }
__scs_overlays_trampoline_lowered:
0x8: {  	[smem:$0x3FAA] =	sst s0  }
0x9: {  	[smem:$0x3FAB] =	sst s1  }
0xa: {  	[smem:$0x3FAC] =	sst s2  }
0xb: {  	[smem:$0x3FAD] =	sst s3  }
0xc: {  	[smem:$0x3FAE] =	sst s4  }
0xd: {  	[smem:$0x3FAF] =	sst s5  }
0xe: {  	[smem:$0x3FB0] =	sst s6  }
0xf: {  	[smem:$0x3FB1] =	sst s7  }
0x10: {  	[smem:$0x3FB2] =	sst s8  }
0x11: {  	[smem:$0x3FB3] =	sst s9;
	s0 =	simm.s32 @!p0 $0x0  }
0x12: {  	s1 =	sld [smem:$0x3F99];
	s0 =	simm.s32 @p0 $0x1  }
0x13: {  	[smem:$0x3FB4] =	sst s0;
	s0 =	simm.s32 @!p1 $0x0  }
0x14: {  	s2 =	sld [smem:$0x3F98];
	s0 =	simm.s32 @p1 $0x1  }
0x15: {  	[smem:$0x3FB5] =	sst s0;
	s0 =	simm.s32 @!p2 $0x0  }
0x16: {  	s3 =	sld [smem:$0x3FDB];
	s0 =	simm.s32 @p2 $0x1  }
0x17: {  	s4 =	simm.s32 $0x1BF5;
	[smem:$0x3FB7] =	sst s0  }
0x18: {  	s0 =	sld [smem:$0x3F9A];
	_ =	swait.ge [sflag:s4], $0x0  }
0x19: {  	s7 =	sld [smem:$0x3F9B]  }
0x1a: {  	s8 =	sadd.s32 $0xFFFFE003, lr  }
0x1b: {  	s9 =	sadd.s32 $0xFFFFFEF7, lr;
	s5 =	simm.s32 $0xFFFFFFFF;
	p2 =	slt.u32 s8, $0xFFFFF086  }
0x1c: {  	p1 =	slt.u32 s9, $0xF7A;
	s5 =	simm.s32 @!p2 $0x0  }
0x1d: {  	s5 =	simm.s32 @p1 $0x1;
	p0 =	seq.s32 s7, s2  }
0x1e: {  	s7 =	smul.u32 @!p0 $0xF7A, s2;
	p2 =	seq.s32 @!p0 s5, $0x0  }
0x1f: {  	s9 =	smul.u32 $0xF7A, s1;
	s8 =	simm.s32 @!p0 $0x1BF5;
	p2 =	por !p2, p0  }
0x20: {  	[sflag:s8] =	ssyncset.s32 @!p0 $0xFFFFF086;
	s6 =	sadd.s32 @!p0 s3, s7;
	s7 =	simm.s32 @!p0 $0x108  }
0x21: {  	s3 =	sadd.s32 s3, s9;
	s6 =	sadd.s32 @!p0 $0x88, s6;
	s7 =	simm.s32 @p2 $0x1082  }
0x22: {  	[simem:s7], [sflag:s8] =	dma.local @!p0 [hbm:s6], $0xF7A  }
0x23: {  	s9 =	sor.u32 $0xD0000000, s2;
	s6 =	simm.s32 $0x108;
	_ =	swait.ge @!p0 [sflag:s8], $0x0  }
0x24: {  	s3 =	sadd.s32 $0x88, s3;
	s6 =	simm.s32 @!p1 $0x1082;
	[sflag:s4] =	ssyncset.s32 $0xFFFFF086  }
0x25: {  	[simem:s6], [sflag:s4] =	dma.local [hbm:s3], $0xF7A  }
0x26: {  	[smem:$0x3F9B] =	sst s1;
	(tag) =	ssettag s2;
	_ =	strace s9  }
0x27: {  	s1 =	sld [smem:$0x3FAB]  }
0x28: {  	s2 =	sld [smem:$0x3FAC]  }
0x29: {  	s4 =	sld [smem:$0x3FAE]  }
0x2a: {  	p0 =	seq.s32 s5, $0x0;
	s5 =	sld [smem:$0x3FAF]  }
0x2b: {  	s6 =	sld [smem:$0x3FB0]  }
0x2c: {  	s7 =	sld [smem:$0x3FB1]  }
0x2d: {  	s3 =	simm.s32 $0x108;
	s8 =	sld [smem:$0x3FB2]  }
0x2e: {  	s3 =	simm.s32 @!p0 $0x1082;
	s9 =	sld [smem:$0x3FB3]  }
0x2f: {  	lr =	sadd.s32 s0, s3;
	s0 =	sld [smem:$0x3FAA]  }
0x30: {  	s3 =	sld [smem:$0x3FAD]  }
0x31: {  	[smem:$0x3FB6] =	sst s10  }
0x32: {  	s10 =	sld [smem:$0x3FB4];
	_ =	sdelay $0x3  }
0x33: {  	p0 =	seq.s32 s10, $0x1;
	s10 =	sld [smem:$0x3FB6];
	_ =	sdelay $0x3  }
0x34: {  	[smem:$0x3FB6] =	sst s10  }
0x35: {  	s10 =	sld [smem:$0x3FB5];
	_ =	sdelay $0x3  }
0x36: {  	p1 =	seq.s32 s10, $0x1;
	s10 =	sld [smem:$0x3FB6];
	_ =	sdelay $0x3  }
0x37: {  	[smem:$0x3FB6] =	sst s10  }
0x38: {  	s10 =	sld [smem:$0x3FB7]  }
0x39: {  	_ = 	snop;
	(pc) =	sbr.ind lr, $3  }
0x3a: {  	_ = 	snop  }
0x3b: {  	_ = 	snop  }
0x3c: {  	p2 =	seq.s32 s10, $0x1;
	s10 =	sld [smem:$0x3FB6]  }
0x3d: {  	_ =	shalt  }
0x3e: {  	_ =	shalt  }
0x3f: {  	_ =	shalt  }
0x40: {  	_ =	shalt  }
0x41: {  	_ =	shalt  }
0x42: {  	_ =	shalt  }
0x43: {  	_ =	shalt  }
0x44: {  	_ =	shalt  }
0x45: {  	_ =	shalt  }
0x46: {  	_ =	shalt  }
0x47: {  	_ =	shalt  }
0x48: {  	_ =	shalt  }
0x49: {  	_ =	shalt  }
0x4a: {  	_ =	shalt  }
0x4b: {  	_ =	shalt  }
0x4c: {  	_ =	shalt  }
0x4d: {  	_ =	shalt  }
0x4e: {  	_ =	shalt  }
0x4f: {  	_ =	shalt  }
0x50: {  	_ =	shalt  }
0x51: {  	_ =	shalt  }
0x52: {  	_ =	shalt  }
0x53: {  	_ =	shalt  }
0x54: {  	_ =	shalt  }
0x55: {  	_ =	shalt  }
0x56: {  	_ =	shalt  }
0x57: {  	_ =	shalt  }
0x58: {  	_ =	shalt  }
0x59: {  	_ =	shalt  }
0x5a: {  	_ =	shalt  }
0x5b: {  	_ =	shalt  }
0x5c: {  	_ =	shalt  }
0x5d: {  	_ =	shalt  }
0x5e: {  	_ =	shalt  }
0x5f: {  	_ =	shalt  }
0x60: {  	_ =	shalt  }
0x61: {  	_ =	shalt  }
0x62: {  	_ =	shalt  }
0x63: {  	_ =	shalt  }
0x64: {  	_ =	shalt  }
0x65: {  	_ =	shalt  }
0x66: {  	_ =	shalt  }
0x67: {  	_ =	shalt  }
0x68: {  	_ =	shalt  }
0x69: {  	_ =	shalt  }
0x6a: {  	_ =	shalt  }
0x6b: {  	_ =	shalt  }
0x6c: {  	_ =	shalt  }
0x6d: {  	_ =	shalt  }
0x6e: {  	_ =	shalt  }
0x6f: {  	_ =	shalt  }
0x70: {  	_ =	shalt  }
0x71: {  	_ =	shalt  }
0x72: {  	_ =	shalt  }
0x73: {  	_ =	shalt  }
0x74: {  	_ =	shalt  }
0x75: {  	_ =	shalt  }
0x76: {  	_ =	shalt  }
0x77: {  	_ =	shalt  }
0x78: {  	_ =	shalt  }
0x79: {  	_ =	shalt  }
0x7a: {  	_ =	shalt  }
0x7b: {  	_ =	shalt  }
0x7c: {  	_ =	shalt  }
0x7d: {  	_ =	shalt  }
0x7e: {  	_ =	shalt  }
0x7f: {  	_ =	shalt  }
0x80: {  	_ =	shalt  }
0x81: {  	_ =	shalt  }
0x82: {  	_ =	shalt  }
0x83: {  	_ =	shalt  }
0x84: {  	_ =	shalt  }
0x85: {  	_ =	shalt  }
0x86: {  	_ =	shalt  }
0x87: {  	_ =	shalt  }
.Lfunc_end0:
.L_simem_size_0:
called_computation_lowered:
.L_overlay_start_0:
0x88: {  	s2 =	sld [smem:$0x3FD9]  }
0x89: {  	s3 =	sld [smem:$0x3FFE];
	_ =	sdelay $0x1  }
0x8a: {  	s1 =	srdreg.scid  }
0x8b: {  	s0 =	sand.u32 $0x1, s1  }
0x8c: {  	s17 =	sshll.u32 s0, $0xA;
	s2 =	sadd.s32 s3, s2  }
0x8d: {  	s2 =	sadd.s32 s2, s17  }
0x8e: {  	[smem:$0x3FC2] =	sst s2  }
0x8f: {  	_ = 	snop  }
0x90: {  	s2 =	sld [smem:$0x3FC9]  }
0x91: {  	s18 =	sld [smem:$0x3FC8]  }
0x92: {  	s4 =	sld [smem:$0x3FC7]  }
0x93: {  	s5 =	sld [smem:$0x3FC6]  }
0x94: {  	s6 =	sld [smem:$0x3FC5]  }
0x95: {  	s7 =	sld [smem:$0x3FC4];
	(tm) =	ssettm $0x1  }
0x96: {  	s8 =	sld [smem:$0x3FFB];
	_ =	sdelay $0x3  }
0x97: {  	_ =	strace s8  }
0x98: {  	s8 =	sld [smem:$0x3FFC];
	_ =	sdelay $0x3  }
0x99: {  	_ =	strace s8  }
0x9a: {  	s8 =	sld [smem:$0x3FFD];
	_ =	sdelay $0x3  }
0x9b: {  	_ =	strace s8  }
0x9c: {  	_ =	strace $0x8FFFFFFF  }
0x9d: {  	s19 =	sld [smem:$0x3FDB];
	_ =	sdelay $0x1  }
0x9e: {  	s9 =	simm.s32 $_scs_section_size  }
0x9f: {  	s10 =	simm.s32 $_size__tile_overlayer_lowered;
	s11 =	simm.s32 $_tile_overlayer_lowered  }
0xa0: {  	s22 =	simm.s32 $0x1BFF;
	s21 =	sshll.u32 s11, $0x1;
	s8 =	sadd.s32 s9, s19  }
0xa1: {  	s12 =	simm.s32 $0x0;
	s20 =	sshll.u32 s10, $0x1;
	s10 =	sadd.s32 s21, s8  }
0xa2: {  	[timem:s12], [sflag:s22] =	dma.local [hbm:s10], s20  }
0xa3: {  	_ =	swait.ge [sflag:s22], s20  }
0xa4: {  	s9 =	ssub.s32 $0x0, s20;
	[sflag:s22] =	ssyncset.done $0x0  }
0xa5: {  	[sflag:s22] =	ssyncadd.s32 s9;
	_ =	sdelay $0x1  }
0xa6: {  	s23 =	simm.s32 $0x1B8B  }
0xa7: {  	_ =	swait.ge [sflag:s23], $0x1  }
0xa8: {  	[sflag:s23] =	ssyncset.done $0x0  }
0xa9: {  	s25 =	simm.s32 $0x1B8E;
	s24 =	sld [smem:$0x3FFE];
	[sflag:s23] =	ssyncadd.s32 $0xFFFFFFFF  }
0xaa: {  	s26 =	simm.s32 $execute0_lowered;
	[smem:$0x3FD2] =	sst s25  }
0xab: {  	s10 =	sshll.u32 s26, $0x1;
	_ =	strace $0x80000046;
	[dreg:$0x1] =	wrdreg $0xFFFFFFFF  }
0xac: {  	s28 =	simm.s32 $_size_execute0_lowered;
	s8 =	sadd.s32 s8, s10;
	[dreg:$0x0] =	wrdreg $0x0  }
0xad: {  	s10 =	sshll.u32 s28, $0x1;
	[dreg:$0x2] =	wrdreg s8  }
0xae: {  	[dreg:$0x3] =	wrdreg s10  }
0xaf: {  	[dreg:$0x4] =	wrdreg $0xC0  }
0xb0: {  	_ =	task [dreg:s12], $0x5FFFF  }
0xb1: {  	[dreg:$0x1] =	wrdreg $0xFFFFFFFF  }
0xb2: {  	[dreg:$0x0] =	wrdreg $0x60  }
0xb3: {  	[dreg:$0x2] =	wrdreg s2  }
0xb4: {  	[dreg:$0x3] =	wrdreg s18  }
0xb5: {  	[dreg:$0x4] =	wrdreg s4  }
0xb6: {  	[dreg:$0x5] =	wrdreg s5  }
0xb7: {  	[dreg:$0x6] =	wrdreg s6  }
0xb8: {  	[dreg:$0x7] =	wrdreg s7  }
0xb9: {  	[dreg:$0x8] =	wrdreg s24  }
0xba: {  	[dreg:$0x9] =	wrdreg $0x118000  }
0xbb: {  	[dreg:$0xa] =	wrdreg $0x178000  }
0xbc: {  	[dreg:$0xb] =	wrdreg $0x9  }
0xbd: {  	_ =	task.clear_ibuf [dreg:s12], $0xCFFFF;
	_ =	strace $0x90000046  }
0xbe: {  	s29 =	simm.s32 $0x9;
	_ =	strace $0x80000048  }
0xbf: {  	_ =	swait.ge [sflag:s29], $0x1  }
0xc0: {  	[sflag:s29] =	ssyncadd.s32 $0xFFFFFFFF  }
0xc1: {  	_ =	strace $0x90000048  }
0xc2: {  	_ =	sfence  }
0xc3: {  	s30 =	sld [smem:$0x0];
	_ =	sdelay $0x2  }
0xc4: {  	s31 =	sshll.u32 s1, $0xD;
	s1 =	sshrl.u32 s1, $0x2  }
0xc5: {  	s3 =	sand.u32 $0x4000, s31;
	s1 =	sadd.s32 s1, s30  }
0xc6: {  	s0 =	sor.u32 s3, s0;
	s1 =	sshll.u32 s1, $0x11  }
0xc7: {  	s0 =	sor.u32 s1, s0  }
0xc8: {  	s0 =	sadd.s32 $0x8F2B, s0  }
0xc9: {  	[sflag:s0] =	ssyncadd.remote.s32 $0x1  }
0xca: {  	_ =	sfence.sel $0xFFFF  }
0xcb: {  	[dreg:$0x0] =	wrdreg $0xFFFFFFFF;
	(pc) =	sbr.abs _section_cstart, $3  }
0xcc: {  	[dreg:$0x1] =	wrdreg $0xFFFFFFFF  }
0xcd: {  	_ =	task.clear_ibuf [dreg:s12], $0x2FFFF;
	_ =	strace $0x9FFFFFFF  }
0xce: {  	(tm) =	ssettm $0x7FFFFFFF  }
0xcf: {  	_ =	shalt  }
tec
execute0_lowered:
.L_overlay_start_1:
0x0: {  	(tag) =	ssettag $0x1  }
0x1: {  	s0 =	rddreg [dreg:$0x0]  }
0x2: {  	s1 =	rddreg [dreg:$0x6]  }
0x3: {  	s6 =	rddreg [dreg:$0x7]  }
0x4: {  	s7 =	rddreg [dreg:$0x8];
	s2 =	simm.s32 $0x0  }
0x5: {  	s22 =	srdreg.scid;
	s9 =	stileid.u32;
	s30 =	simm.s32 $0x3400  }
0x6: {  	s28 =	simm.s32 $0x6800;
	s31 =	simm.s32 $0x0;
	[smem:$0x7FF] =	sst s2  }
0x7: {  	s2 =	sand.u32 $0x1, s22;
	s5 =	sshll.u32 s9, $0x1;
	s23 =	smul.u32 $0x6000, s9  }
0x8: {  	_ =	strace $0x80000047;
	s3 =	smul.u32 $0xC000, s2;
	s4 =	ssub.s32 $0x2, s2  }
0x9: {  	s2 =	sor.u32 s2, s5;
	s5 =	simm.s32 $0x6000;
	s8 =	sshrl.u32 s4, $0x1  }
0xa: {  	s25 =	ssub.s32 $0xC54, s2;
	s11 =	sadd.s32 s23, s6;
	s10 =	sadd.s32 s23, s7  }
0xb: {  	s12 =	sshll.u32 s2, $0x8;
	s9 =	sor.u32 $0x1800, s23;
	[dreg:$0x10] =	wrdreg s10  }
0xc: {  	s14 =	sadd.s32 $0x3000, s23;
	s26 =	sshrl.u32 s25, $0x5;
	[dreg:$0xb] =	wrdreg s11  }
0xd: {  	s24 =	ssub.s32 s4, s8;
	s8 =	sshrl.u32 s23, $0x3;
	[dreg:$0xa] =	wrdreg s26  }
0xe: {  	s16 =	sadd.s32 $0x4800, s23;
	s13 =	sshrl.u32 s9, $0x3;
	[dreg:$0xd] =	wrdreg s8  }
0xf: {  	s2 =	simm.s32 $0x3C00;
	s15 =	sshrl.u32 s14, $0x3;
	[dreg:$0x11] =	wrdreg s13  }
0x10: {  	s1 =	sadd.s32 s3, s1;
	s18 =	sshrl.u32 s16, $0x3;
	[dreg:$0x13] =	wrdreg s15  }
0x11: {  	s29 =	sand.u32 $0xC40, s25;
	s19 =	sadd.s32 s9, s7;
	[dreg:$0x15] =	wrdreg s18  }
0x12: {  	s20 =	sadd.s32 s9, s6;
	s21 =	sadd.s32 s14, s7;
	[dreg:$0x17] =	wrdreg s19  }
0x13: {  	s22 =	sadd.s32 s14, s6;
	s23 =	sadd.s32 s16, s7;
	[dreg:$0x18] =	wrdreg s20  }
0x14: {  	s25 =	sadd.s32 $0x1800, s11;
	s14 =	simm.s32 $0x6400;
	[dreg:$0x19] =	wrdreg s21  }
0x15: {  	s10 =	simm.s32 $0x3;
	s1 =	sadd.s32 $0x400, s1;
	[dreg:$0x1a] =	wrdreg s22  }
0x16: {  	s3 =	smax.u32 s24, $0x1;
	s4 =	sadd.s32 s0, s13;
	[dreg:$0x1b] =	wrdreg s23  }
0x17: {  	p0 =	seq.s32 s29, $0xC00;
	s17 =	sadd.s32 s0, s15;
	[dreg:$0x1d] =	wrdreg s25  }
0x18: {  	s24 =	sadd.s32 s16, s6;
	s26 =	sadd.s32 $0x3000, s11;
	[dreg:$0xc] =	wrdreg s1  }
0x19: {  	s29 =	sadd.s32 $0x4800, s11;
	s25 =	simm.s32 $0x200;
	[dreg:$0xe] =	wrdreg s3  }
0x1a: {  	s19 =	simm.s32 $0x3200;
	s23 =	simm.s32 $0x6200;
	[dreg:$0x12] =	wrdreg s4  }
0x1b: {  	s20 =	simm.s32 $0x3A00;
	s21 =	simm.s32 $0x6C00;
	[dreg:$0x14] =	wrdreg s17  }
0x1c: {  	s13 =	simm.s32 $0x3E00;
	s15 =	simm.s32 $0x6E00;
	[dreg:$0x1c] =	wrdreg s24  }
.Ltmp0:
0x1d: {  	s16 =	simm.s32 $0x2;
	[dreg:$0x1e] =	wrdreg s26;
	(pc) =	sbr.rel .LBB2_1-.Ltmp0, $4  }
0x1e: {  	s1 =	sadd.s32 s0, s8;
	s0 =	sadd.s32 s0, s18;
	[dreg:$0x1f] =	wrdreg s29  }
0x1f: {  	s24 =	simm.s32 $0x1;
	s3 =	simm.s32 $0x3000;
	s8 =	simm.s32 $0x3600  }
0x20: {  	s17 =	simm.s32 $0x3800;
	s4 =	simm.s32 $0x6A00;
	[dreg:$0xf] =	wrdreg s1  }
0x21: {  	v0 =	vimm.f32 $0.0e+00;
	s26 =	simm.s32 $0x4;
	[dreg:$0x16] =	wrdreg s0;
	s1 =	simm.s32 $0x6600  }
.LBB2_21:
0x22: {  	[bflag:$0x0] =	sbarrier.arrive $0xFFFF  }
0x23: {  	s22 =	simm.s32 $0xB800;
	s29 =	simm.s32 $0x5;
	s11 =	rddreg [dreg:$0xb]  }
0x24: {  	[tilespmem:s22], [sflag:$0x5] =	stream.linear.gather [spmem:s11], $0x1800, $0x38;
	[tilespmem:$0x1D800] =	vst v63  }
0x25: {  	_ =	swait.ge [sflag:s29], $0x1800  }
0x26: {  	s18 =	rddreg [dreg:$0xc]  }
0x27: {  	[sflag:s29] =	ssyncset.done $0x0;
	s0 =	rddreg [dreg:$0xd]  }
0x28: {  	s9 =	simm.s32 $0x0;
	[sflag:s29] =	ssyncadd.s32 $0xFFFFE800;
	s0 =	sadd.s32 s0, s18  }
0x29: {  	[hbm4b:s0+s9] =	stream.linear.scatter [tilespmem:s22], [sflag:$0x5], $0x1800, $0x38;
	[tilespmem:$0x1D800] =	vst v63  }
0x2a: {  	_ =	swait.ge [sflag:s29], $0x1800  }
0x2b: {  	[sflag:s29] =	ssyncset.done $0x0  }
0x2c: {  	s0 =	rddreg [dreg:$0x18];
	[sflag:s29] =	ssyncadd.s32 $0xFFFFE800  }
0x2d: {  	[tilespmem:s22], [sflag:$0x5] =	stream.linear.gather [spmem:s0], $0x1800, $0x38;
	[tilespmem:$0x1D800] =	vst v63  }
0x2e: {  	_ =	swait.ge [sflag:s29], $0x1800  }
0x2f: {  	[sflag:s29] =	ssyncset.done $0x0;
	s0 =	rddreg [dreg:$0x11]  }
0x30: {  	[sflag:s29] =	ssyncadd.s32 $0xFFFFE800;
	s0 =	sadd.s32 s0, s18  }
0x31: {  	[hbm4b:s0+s9] =	stream.linear.scatter [tilespmem:s22], [sflag:$0x5], $0x1800, $0x38;
	[tilespmem:$0x1D800] =	vst v63  }
0x32: {  	_ =	swait.ge [sflag:s29], $0x1800  }
0x33: {  	[sflag:s29] =	ssyncset.done $0x0  }
0x34: {  	s0 =	rddreg [dreg:$0x1a];
	[sflag:s29] =	ssyncadd.s32 $0xFFFFE800  }
0x35: {  	[tilespmem:s22], [sflag:$0x5] =	stream.linear.gather [spmem:s0], $0x1800, $0x38;
	[tilespmem:$0x1D800] =	vst v63  }
0x36: {  	_ =	swait.ge [sflag:s29], $0x1800  }
0x37: {  	[sflag:s29] =	ssyncset.done $0x0;
	s0 =	rddreg [dreg:$0x13]  }
0x38: {  	[sflag:s29] =	ssyncadd.s32 $0xFFFFE800;
	s0 =	sadd.s32 s0, s18  }
0x39: {  	[hbm4b:s0+s9] =	stream.linear.scatter [tilespmem:s22], [sflag:$0x5], $0x1800, $0x38;
	[tilespmem:$0x1D800] =	vst v63  }
0x3a: {  	_ =	swait.ge [sflag:s29], $0x1800  }
0x3b: {  	[sflag:s29] =	ssyncset.done $0x0  }
0x3c: {  	s0 =	rddreg [dreg:$0x1c];
	[sflag:s29] =	ssyncadd.s32 $0xFFFFE800  }
0x3d: {  	[tilespmem:s22], [sflag:$0x5] =	stream.linear.gather [spmem:s0], $0x1800, $0x38;
	[tilespmem:$0x1D800] =	vst v63  }
0x3e: {  	_ =	swait.ge [sflag:s29], $0x1800  }
0x3f: {  	[sflag:s29] =	ssyncset.done $0x0;
	s0 =	rddreg [dreg:$0x15]  }
0x40: {  	[sflag:s29] =	ssyncadd.s32 $0xFFFFE800;
	s0 =	sadd.s32 s0, s18  }
0x41: {  	[hbm4b:s0+s9] =	stream.linear.scatter [tilespmem:s22], [sflag:$0x5], $0x1800, $0x38;
	[tilespmem:$0x1D800] =	vst v63  }
0x42: {  	_ =	swait.ge [sflag:s29], $0x1800  }
0x43: {  	s31 =	sadd.s32 $0x1, s31;
	s22 =	rddreg [dreg:$0xe]  }
0x44: {  	p1 =	sne.s32 s31, s22  }
.Ltmp1:
0x45: {  	_ = 	snop;
	(pc) =	sbr.rel @!p1 .LBB2_22-.Ltmp1, $3  }
0x46: {  	_ =	sdelay $0x1  }
0x47: {  	[sflag:s29] =	ssyncset.done $0x0  }
0x48: {  	[sflag:s29] =	ssyncadd.s32 $0xFFFFE800  }
.LBB2_1:
0x49: {  	[smem:$0x7FD] =	sst s31;
	s0 =	simm.s32 $0x40;
	s9 =	simm.s32 $0x0  }
.LBB2_2:
0x4a: {  	p1 =	sne.s32 s0, $0x5FC0;
	[tilespmem:s9+$0xB800] =	vst v0;
	s9 =	smov.u32 s0;
	s0 =	sadd.s32 $0x40, s0  }
.Ltmp2:
0x4b: {  	(pc) =	sbr.rel @p1 .LBB2_2-.Ltmp2, $2  }
0x4c: {  	_ =	sdelay $0x2  }
0x4d: {  	s9 =	sshra.s32 s9, $0x2  }
0x4e: {  	[tilespmem:s9+$0xB800] =	vst v0;
	s9 =	simm.s32 $0xB800  }
0x4f: {  	[spmem:s11] =	stream.linear.scatter [tilespmem:s9], [sflag:$0x5], $0x1800, $0x38;
	[tilespmem:$0x1D800] =	vst v63  }
0x50: {  	s11 =	simm.s32 $0x5  }
0x51: {  	_ =	swait.ge [sflag:s11], $0x1800  }
0x52: {  	[sflag:s11] =	ssyncset.done $0x0  }
0x53: {  	s0 =	rddreg [dreg:$0x1d];
	[sflag:s11] =	ssyncadd.s32 $0xFFFFE800  }
0x54: {  	[spmem:s0] =	stream.linear.scatter [tilespmem:s9], [sflag:$0x5], $0x1800, $0x38;
	[tilespmem:$0x1D800] =	vst v63  }
0x55: {  	_ =	swait.ge [sflag:s11], $0x1800  }
0x56: {  	[sflag:s11] =	ssyncset.done $0x0  }
0x57: {  	s31 =	rddreg [dreg:$0x1e];
	[sflag:s11] =	ssyncadd.s32 $0xFFFFE800  }
0x58: {  	[spmem:s31] =	stream.linear.scatter [tilespmem:s9], [sflag:$0x5], $0x1800, $0x38;
	[tilespmem:$0x1D800] =	vst v63  }
0x59: {  	_ =	swait.ge [sflag:s11], $0x1800  }
0x5a: {  	[sflag:s11] =	ssyncset.done $0x0  }
0x5b: {  	s18 =	rddreg [dreg:$0x1f];
	[sflag:s11] =	ssyncadd.s32 $0xFFFFE800  }
0x5c: {  	[spmem:s18] =	stream.linear.scatter [tilespmem:s9], [sflag:$0x5], $0x1800, $0x38;
	[tilespmem:$0x1D800] =	vst v63  }
0x5d: {  	_ =	swait.ge [sflag:s11], $0x1800  }
0x5e: {  	[sflag:s11] =	ssyncset.done $0x0  }
0x5f: {  	s29 =	simm.s32 $0x0;
	s22 =	rddreg [dreg:$0xf];
	[sflag:s11] =	ssyncadd.s32 $0xFFFFE800  }
0x60: {  	[tilespmem:s9], [sflag:$0x5] =	stream.linear.gather [hbm4b:s22+s29], $0x1800, $0x38;
	[tilespmem:$0x1D800] =	vst v63  }
0x61: {  	_ =	swait.ge [sflag:s11], $0x1800  }
0x62: {  	[sflag:s11] =	ssyncset.done $0x0  }
0x63: {  	s31 =	rddreg [dreg:$0x10];
	[sflag:s11] =	ssyncadd.s32 $0xFFFFE800  }
0x64: {  	[spmem:s31] =	stream.linear.scatter [tilespmem:s9], [sflag:$0x5], $0x1800, $0x38;
	[tilespmem:$0x1D800] =	vst v63  }
0x65: {  	_ =	swait.ge [sflag:s11], $0x1800  }
0x66: {  	[sflag:s11] =	ssyncset.done $0x0  }
0x67: {  	s18 =	rddreg [dreg:$0x12];
	[sflag:s11] =	ssyncadd.s32 $0xFFFFE800  }
0x68: {  	[tilespmem:s9], [sflag:$0x5] =	stream.linear.gather [hbm4b:s18+s29], $0x1800, $0x38;
	[tilespmem:$0x1D800] =	vst v63  }
0x69: {  	_ =	swait.ge [sflag:s11], $0x1800  }
0x6a: {  	[sflag:s11] =	ssyncset.done $0x0  }
0x6b: {  	s22 =	rddreg [dreg:$0x17];
	[sflag:s11] =	ssyncadd.s32 $0xFFFFE800  }
0x6c: {  	[spmem:s22] =	stream.linear.scatter [tilespmem:s9], [sflag:$0x5], $0x1800, $0x38;
	[tilespmem:$0x1D800] =	vst v63  }
0x6d: {  	_ =	swait.ge [sflag:s11], $0x1800  }
0x6e: {  	[sflag:s11] =	ssyncset.done $0x0  }
0x6f: {  	s31 =	rddreg [dreg:$0x14];
	[sflag:s11] =	ssyncadd.s32 $0xFFFFE800  }
0x70: {  	[tilespmem:s9], [sflag:$0x5] =	stream.linear.gather [hbm4b:s31+s29], $0x1800, $0x38;
	[tilespmem:$0x1D800] =	vst v63  }
0x71: {  	_ =	swait.ge [sflag:s11], $0x1800  }
0x72: {  	[sflag:s11] =	ssyncset.done $0x0  }
0x73: {  	s18 =	rddreg [dreg:$0x19];
	[sflag:s11] =	ssyncadd.s32 $0xFFFFE800  }
0x74: {  	[spmem:s18] =	stream.linear.scatter [tilespmem:s9], [sflag:$0x5], $0x1800, $0x38;
	[tilespmem:$0x1D800] =	vst v63  }
0x75: {  	_ =	swait.ge [sflag:s11], $0x1800  }
0x76: {  	[sflag:s11] =	ssyncset.done $0x0  }
0x77: {  	s22 =	rddreg [dreg:$0x16];
	[sflag:s11] =	ssyncadd.s32 $0xFFFFE800  }
0x78: {  	[tilespmem:s9], [sflag:$0x5] =	stream.linear.gather [hbm4b:s22+s29], $0x1800, $0x38;
	[tilespmem:$0x1D800] =	vst v63  }
0x79: {  	_ =	swait.ge [sflag:s11], $0x1800  }
0x7a: {  	[sflag:s11] =	ssyncset.done $0x0  }
0x7b: {  	s31 =	rddreg [dreg:$0x1b];
	[sflag:s11] =	ssyncadd.s32 $0xFFFFE800  }
0x7c: {  	[spmem:s31] =	stream.linear.scatter [tilespmem:s9], [sflag:$0x5], $0x1800, $0x38;
	[tilespmem:$0x1D800] =	vst v63  }
.Ltmp3:
0x7d: {  	_ =	swait.ge [sflag:s11], $0x1800;
	(pc) =	sbr.rel .LBB2_4-.Ltmp3, $3  }
0x7e: {  	[sflag:s11] =	ssyncset.done $0x0  }
0x7f: {  	[sflag:s11] =	ssyncadd.s32 $0xFFFFE800  }
0x80: {  	[bflag:$0x0] =	sbarrier.arrive $0xFFFF;
	_ =	sdelay $0x1  }
.LBB2_18:
0x81: {  	s29 =	sadd.s32 $0x1, s29  }
0x82: {  	p1 =	sne.s32 s29, $0x31  }
.Ltmp4:
0x83: {  	_ = 	snop;
	(pc) =	sbr.rel @!p1 .LBB2_19-.Ltmp4, $1  }
0x84: {  	_ =	sdelay $0x3  }
.LBB2_4:
0x85: {  	p1 =	seq.s32 s29, $0x0  }
.Ltmp5:
0x86: {  	_ = 	snop;
	(pc) =	sbr.rel @p1 .LBB2_6-.Ltmp5, $1  }
0x87: {  	_ =	sdelay $0x3  }
0x88: {  	_ =	swait.ge [sflag:s10], $0x200  }
0x89: {  	[sflag:s10] =	ssyncset.done $0x0  }
0x8a: {  	[sflag:s10] =	ssyncadd.s32 $0xFFFFFE00  }
0x8b: {  	_ =	swait.ge [sflag:s10], $0x200  }
0x8c: {  	[sflag:s10] =	ssyncset.done $0x0  }
0x8d: {  	[sflag:s10] =	ssyncadd.s32 $0xFFFFFE00  }
0x8e: {  	_ =	swait.ge [sflag:s10], $0x200  }
0x8f: {  	[sflag:s10] =	ssyncset.done $0x0  }
0x90: {  	[sflag:s10] =	ssyncadd.s32 $0xFFFFFE00  }
0x91: {  	_ =	swait.ge [sflag:s10], $0x200  }
0x92: {  	[sflag:s10] =	ssyncset.done $0x0  }
0x93: {  	[sflag:s10] =	ssyncadd.s32 $0xFFFFFE00  }
0x94: {  	_ =	swait.ge [sflag:s10], $0x200  }
0x95: {  	[sflag:s10] =	ssyncset.done $0x0  }
0x96: {  	[sflag:s10] =	ssyncadd.s32 $0xFFFFFE00  }
0x97: {  	_ =	swait.ge [sflag:s10], $0x200  }
0x98: {  	[sflag:s10] =	ssyncset.done $0x0  }
0x99: {  	[sflag:s10] =	ssyncadd.s32 $0xFFFFFE00  }
0x9a: {  	_ =	swait.ge [sflag:s10], $0x200  }
0x9b: {  	[sflag:s10] =	ssyncset.done $0x0  }
0x9c: {  	[sflag:s10] =	ssyncadd.s32 $0xFFFFFE00  }
0x9d: {  	_ =	swait.ge [sflag:s10], $0x200  }
0x9e: {  	[sflag:s10] =	ssyncset.done $0x0  }
0x9f: {  	[sflag:s10] =	ssyncadd.s32 $0xFFFFFE00  }
0xa0: {  	_ =	swait.ge [sflag:s10], $0x200  }
0xa1: {  	[sflag:s10] =	ssyncset.done $0x0  }
0xa2: {  	[sflag:s10] =	ssyncadd.s32 $0xFFFFFE00  }
0xa3: {  	_ =	swait.ge [sflag:s10], $0x200  }
0xa4: {  	[sflag:s10] =	ssyncset.done $0x0  }
0xa5: {  	[sflag:s10] =	ssyncadd.s32 $0xFFFFFE00  }
0xa6: {  	_ =	swait.ge [sflag:s10], $0x200  }
0xa7: {  	[sflag:s10] =	ssyncset.done $0x0  }
0xa8: {  	[sflag:s10] =	ssyncadd.s32 $0xFFFFFE00  }
0xa9: {  	_ =	swait.ge [sflag:s10], $0x200  }
0xaa: {  	[sflag:s10] =	ssyncset.done $0x0  }
0xab: {  	[sflag:s10] =	ssyncadd.s32 $0xFFFFFE00  }
0xac: {  	_ =	swait.ge [sflag:s10], $0x200  }
0xad: {  	[sflag:s10] =	ssyncset.done $0x0  }
0xae: {  	[sflag:s10] =	ssyncadd.s32 $0xFFFFFE00  }
0xaf: {  	_ =	swait.ge [sflag:s10], $0x200  }
0xb0: {  	[sflag:s10] =	ssyncset.done $0x0  }
0xb1: {  	[sflag:s10] =	ssyncadd.s32 $0xFFFFFE00  }
0xb2: {  	_ =	swait.ge [sflag:s10], $0x200  }
0xb3: {  	[sflag:s10] =	ssyncset.done $0x0  }
0xb4: {  	[sflag:s10] =	ssyncadd.s32 $0xFFFFFE00  }
0xb5: {  	_ =	swait.ge [sflag:s10], $0x200  }
0xb6: {  	[sflag:s10] =	ssyncset.done $0x0  }
0xb7: {  	[sflag:s10] =	ssyncadd.s32 $0xFFFFFE00  }
0xb8: {  	_ =	swait.ge [sflag:s10], $0x200  }
0xb9: {  	[sflag:s10] =	ssyncset.done $0x0  }
0xba: {  	[sflag:s10] =	ssyncadd.s32 $0xFFFFFE00  }
0xbb: {  	_ =	swait.ge [sflag:s10], $0x200  }
0xbc: {  	[sflag:s10] =	ssyncset.done $0x0  }
0xbd: {  	[sflag:s10] =	ssyncadd.s32 $0xFFFFFE00  }
0xbe: {  	_ =	swait.ge [sflag:s10], $0x200  }
0xbf: {  	[sflag:s10] =	ssyncset.done $0x0  }
0xc0: {  	[sflag:s10] =	ssyncadd.s32 $0xFFFFFE00  }
0xc1: {  	_ =	swait.ge [sflag:s10], $0x200  }
0xc2: {  	[sflag:s10] =	ssyncset.done $0x0  }
0xc3: {  	[sflag:s10] =	ssyncadd.s32 $0xFFFFFE00  }
0xc4: {  	_ =	swait.ge [sflag:s10], $0x200  }
0xc5: {  	[sflag:s10] =	ssyncset.done $0x0  }
0xc6: {  	[sflag:s10] =	ssyncadd.s32 $0xFFFFFE00  }
0xc7: {  	_ =	swait.ge [sflag:s10], $0x200  }
0xc8: {  	[sflag:s10] =	ssyncset.done $0x0  }
0xc9: {  	[sflag:s10] =	ssyncadd.s32 $0xFFFFFE00  }
0xca: {  	_ =	swait.ge [sflag:s10], $0x200  }
0xcb: {  	[sflag:s10] =	ssyncset.done $0x0  }
0xcc: {  	[sflag:s10] =	ssyncadd.s32 $0xFFFFFE00  }
0xcd: {  	_ =	swait.ge [sflag:s10], $0x200  }
0xce: {  	[sflag:s10] =	ssyncset.done $0x0  }
0xcf: {  	[sflag:s10] =	ssyncadd.s32 $0xFFFFFE00  }
.LBB2_6:
0xd0: {  	s0 =	sshll.u32 s29, $0xE  }
0xd1: {  	s9 =	rddreg [dreg:$0x3];
	s0 =	sor.u32 s12, s0  }
0xd2: {  	s11 =	simm.s32 $0x0;
	s22 =	rddreg [dreg:$0x4];
	s9 =	sadd.s32 s9, s0  }
0xd3: {  	[tilespmem:s11], [sflag:$0x1] =	stream.linear.gather [hbm4b:s9+s11], $0x800, $0x38;
	[tilespmem:$0x1D800] =	vst v63  }
0xd4: {  	s18 =	simm.s32 $0x800;
	s9 =	sadd.s32 s22, s0  }
0xd5: {  	[tilespmem:s18], [sflag:$0x1] =	stream.linear.gather [hbm4b:s9+s11], $0x800, $0x38;
	[tilespmem:$0x1D800] =	vst v63  }
0xd6: {  	s18 =	rddreg [dreg:$0x5]  }
0xd7: {  	s22 =	simm.s32 $0x1000;
	s9 =	sadd.s32 s18, s0;
	s18 =	rddreg [dreg:$0x1]  }
0xd8: {  	[tilespmem:s22], [sflag:$0x1] =	stream.linear.gather [hbm4b:s9+s11], $0x800, $0x38;
	[tilespmem:$0x1D800] =	vst v63  }
0xd9: {  	s9 =	sadd.s32 s18, s0;
	s22 =	simm.s32 $0x1800;
	s18 =	rddreg [dreg:$0x2]  }
0xda: {  	[tilespmem:s22], [sflag:$0x1] =	stream.linear.gather [hbm4b:s9+s11], $0x800, $0x38;
	[tilespmem:$0x1D800] =	vst v63  }
0xdb: {  	s0 =	sadd.s32 s18, s0;
	s22 =	simm.s32 $0x2000  }
0xdc: {  	[tilespmem:s22], [sflag:$0x1] =	stream.linear.gather [hbm4b:s0+s11], $0x800, $0x38;
	[tilespmem:$0x1D800] =	vst v63  }
0xdd: {  	_ =	swait.ge [sflag:s24], $0x800  }
0xde: {  	[sflag:s24] =	ssyncset.done $0x0  }
0xdf: {  	[sflag:s24] =	ssyncadd.s32 $0xFFFFF800  }
0xe0: {  	_ =	swait.ge [sflag:s24], $0x800  }
0xe1: {  	[sflag:s24] =	ssyncset.done $0x0  }
0xe2: {  	[sflag:s24] =	ssyncadd.s32 $0xFFFFF800  }
0xe3: {  	_ =	swait.ge [sflag:s24], $0x800  }
0xe4: {  	[sflag:s24] =	ssyncset.done $0x0  }
0xe5: {  	[sflag:s24] =	ssyncadd.s32 $0xFFFFF800  }
0xe6: {  	_ =	swait.ge [sflag:s24], $0x800  }
0xe7: {  	[sflag:s24] =	ssyncset.done $0x0  }
0xe8: {  	[sflag:s24] =	ssyncadd.s32 $0xFFFFF800  }
0xe9: {  	_ =	swait.ge [sflag:s24], $0x800  }
0xea: {  	[sflag:s24] =	ssyncset.done $0x0  }
0xeb: {  	s0 =	simm.s32 $0x0;
	[sflag:s24] =	ssyncadd.s32 $0xFFFFF800  }
0xec: {  	v1 =	vld [tilespmem:s0+$0x2000]  }
0xed: {  	v2 =	vld [tilespmem:s0+$0x1800];
	_ =	sdelay $0x2  }
0xee: {  	s31 =	sshll.u32 s29, $0x1;
	s9 =	simm.s32 $0x40  }
.LBB2_7:
0xef: {  	s11 =	sshra.s32 s9, $0x2;
	p2 =	sne.s32 s9, $0x1FC0;
	s9 =	sadd.s32 $0x40, s9;
	[tilespmem:s0+$0x5800] =	vst v1;
	v3 =	vadd.s32 $0x20000, v1;
	v7 =	vadd.s32 $0x40000, v1  }
.Ltmp6:
0xf0: {  	v1 =	vld [tilespmem:s11+$0x2000];
	v5 =	vadd.s32 $0x20000, v2;
	v6 =	vadd.s32 $0x40000, v2;
	[tilespmem:s0+$0x6800] =	vst v7;
	v4 =	vmov v2;
	(pc) =	sbr.rel @p2 .LBB2_7-.Ltmp6, $4  }
0xf1: {  	v2 =	vld [tilespmem:s11+$0x1800];
	[tilespmem:s0+$0x3000] =	vst v5  }
0xf2: {  	[tilespmem:s0+$0x3800] =	vst v6  }
0xf3: {  	[tilespmem:s0+$0x6000] =	vst v3  }
0xf4: {  	[tilespmem:s0+$0x2800] =	vst v4;
	s0 =	smov.u32 s11  }
0xf5: {  	[tilespmem:s0+$0x5800] =	vst v1;
	v3 =	vadd.s32 $0x40000, v1  }
0xf6: {  	v1 =	vadd.s32 $0x20000, v1;
	[tilespmem:s0+$0x6800] =	vst v3  }
0xf7: {  	[tilespmem:s0+$0x6000] =	vst v1  }
0xf8: {  	v4 =	vadd.s32 $0x20000, v2;
	[tilespmem:s0+$0x2800] =	vst v2  }
0xf9: {  	v3 =	vadd.s32 $0x40000, v2;
	[tilespmem:s0+$0x3000] =	vst v4  }
0xfa: {  	s11 =	simm.s32 $0x2800;
	s9 =	simm.s32 $0x8800;
	[tilespmem:s0+$0x3800] =	vst v3  }
0xfb: {  	[tilespmem:s9], [sflag:$0x2] =	stream.indirect.gather [spmem:s7], $0x1, s11, s25, $0xb8;
	[tilespmem:$0x1D800] =	vst v63  }
0xfc: {  	s18 =	simm.s32 $0x5800;
	s22 =	simm.s32 $0xA000  }
0xfd: {  	[tilespmem:s22], [sflag:$0x2] =	stream.indirect.gather [spmem:s7], $0x1, s18, s25, $0xb8;
	[tilespmem:$0x1D800] =	vst v63  }
0xfe: {  	s9 =	simm.s32 $0x2A00;
	s11 =	simm.s32 $0x8A00  }
0xff: {  	[tilespmem:s11], [sflag:$0x2] =	stream.indirect.gather [spmem:s7], $0x1, s9, s25, $0xb8;
	[tilespmem:$0x1D800] =	vst v63  }
0x100: {  	s18 =	simm.s32 $0x5A00;
	s22 =	simm.s32 $0xA200  }
0x101: {  	[tilespmem:s22], [sflag:$0x2] =	stream.indirect.gather [spmem:s7], $0x1, s18, s25, $0xb8;
	[tilespmem:$0x1D800] =	vst v63  }
0x102: {  	s9 =	simm.s32 $0x2C00;
	s11 =	simm.s32 $0x8C00  }
0x103: {  	[tilespmem:s11], [sflag:$0x2] =	stream.indirect.gather [spmem:s7], $0x1, s9, s25, $0xb8;
	[tilespmem:$0x1D800] =	vst v63  }
0x104: {  	s18 =	simm.s32 $0x5C00;
	s22 =	simm.s32 $0xA400  }
0x105: {  	[tilespmem:s22], [sflag:$0x2] =	stream.indirect.gather [spmem:s7], $0x1, s18, s25, $0xb8;
	[tilespmem:$0x1D800] =	vst v63  }
0x106: {  	s9 =	simm.s32 $0x2E00;
	s11 =	simm.s32 $0x8E00  }
0x107: {  	[tilespmem:s11], [sflag:$0x2] =	stream.indirect.gather [spmem:s7], $0x1, s9, s25, $0xb8;
	[tilespmem:$0x1D800] =	vst v63  }
0x108: {  	s18 =	simm.s32 $0x5E00;
	s22 =	simm.s32 $0xA600  }
0x109: {  	[tilespmem:s22], [sflag:$0x2] =	stream.indirect.gather [spmem:s7], $0x1, s18, s25, $0xb8;
	[tilespmem:$0x1D800] =	vst v63  }
0x10a: {  	s9 =	simm.s32 $0x9000  }
0x10b: {  	[tilespmem:s9], [sflag:$0x2] =	stream.indirect.gather [spmem:s7], $0x1, s3, s25, $0xb8;
	[tilespmem:$0x1D800] =	vst v63  }
0x10c: {  	s11 =	simm.s32 $0xA800  }
0x10d: {  	[tilespmem:s11], [sflag:$0x2] =	stream.indirect.gather [spmem:s7], $0x1, s5, s25, $0xb8;
	[tilespmem:$0x1D800] =	vst v63  }
0x10e: {  	s18 =	simm.s32 $0x9200  }
0x10f: {  	[tilespmem:s18], [sflag:$0x2] =	stream.indirect.gather [spmem:s7], $0x1, s19, s25, $0xb8;
	[tilespmem:$0x1D800] =	vst v63  }
0x110: {  	s22 =	simm.s32 $0xAA00  }
0x111: {  	[tilespmem:s22], [sflag:$0x2] =	stream.indirect.gather [spmem:s7], $0x1, s23, s25, $0xb8;
	[tilespmem:$0x1D800] =	vst v63  }
0x112: {  	s9 =	simm.s32 $0x9400  }
0x113: {  	[tilespmem:s9], [sflag:$0x2] =	stream.indirect.gather [spmem:s7], $0x1, s30, s25, $0xb8;
	[tilespmem:$0x1D800] =	vst v63  }
0x114: {  	s11 =	simm.s32 $0xAC00  }
0x115: {  	[tilespmem:s11], [sflag:$0x2] =	stream.indirect.gather [spmem:s7], $0x1, s14, s25, $0xb8;
	[tilespmem:$0x1D800] =	vst v63  }
0x116: {  	s18 =	simm.s32 $0x9600  }
0x117: {  	[tilespmem:s18], [sflag:$0x2] =	stream.indirect.gather [spmem:s7], $0x1, s8, s25, $0xb8;
	[tilespmem:$0x1D800] =	vst v63  }
0x118: {  	s22 =	simm.s32 $0xAE00  }
0x119: {  	[tilespmem:s22], [sflag:$0x2] =	stream.indirect.gather [spmem:s7], $0x1, s1, s25, $0xb8;
	[tilespmem:$0x1D800] =	vst v63  }
0x11a: {  	s9 =	simm.s32 $0x9800  }
0x11b: {  	[tilespmem:s9], [sflag:$0x2] =	stream.indirect.gather [spmem:s7], $0x1, s17, s25, $0xb8;
	[tilespmem:$0x1D800] =	vst v63  }
0x11c: {  	s11 =	simm.s32 $0xB000  }
0x11d: {  	[tilespmem:s11], [sflag:$0x2] =	stream.indirect.gather [spmem:s7], $0x1, s28, s25, $0xb8;
	[tilespmem:$0x1D800] =	vst v63  }
0x11e: {  	s18 =	simm.s32 $0x9A00  }
0x11f: {  	[tilespmem:s18], [sflag:$0x2] =	stream.indirect.gather [spmem:s7], $0x1, s20, s25, $0xb8;
	[tilespmem:$0x1D800] =	vst v63  }
0x120: {  	s22 =	simm.s32 $0xB200  }
0x121: {  	[tilespmem:s22], [sflag:$0x2] =	stream.indirect.gather [spmem:s7], $0x1, s4, s25, $0xb8;
	[tilespmem:$0x1D800] =	vst v63  }
0x122: {  	s9 =	simm.s32 $0x9C00  }
0x123: {  	[tilespmem:s9], [sflag:$0x2] =	stream.indirect.gather [spmem:s7], $0x1, s2, s25, $0xb8;
	[tilespmem:$0x1D800] =	vst v63  }
0x124: {  	s11 =	simm.s32 $0xB400  }
0x125: {  	[tilespmem:s11], [sflag:$0x2] =	stream.indirect.gather [spmem:s7], $0x1, s21, s25, $0xb8;
	[tilespmem:$0x1D800] =	vst v63  }
0x126: {  	s18 =	simm.s32 $0x9E00  }
0x127: {  	[tilespmem:s18], [sflag:$0x2] =	stream.indirect.gather [spmem:s7], $0x1, s13, s25, $0xb8;
	[tilespmem:$0x1D800] =	vst v63  }
0x128: {  	s22 =	simm.s32 $0xB600  }
0x129: {  	[tilespmem:s22], [sflag:$0x2] =	stream.indirect.gather [spmem:s7], $0x1, s15, s25, $0xb8;
	[tilespmem:$0x1D800] =	vst v63  }
0x12a: {  	_ =	swait.ge [sflag:s16], $0x200  }
0x12b: {  	[sflag:s16] =	ssyncset.done $0x0  }
0x12c: {  	[sflag:s16] =	ssyncadd.s32 $0xFFFFFE00  }
0x12d: {  	_ =	swait.ge [sflag:s16], $0x200  }
0x12e: {  	[sflag:s16] =	ssyncset.done $0x0  }
0x12f: {  	[sflag:s16] =	ssyncadd.s32 $0xFFFFFE00  }
0x130: {  	_ =	swait.ge [sflag:s16], $0x200  }
0x131: {  	[sflag:s16] =	ssyncset.done $0x0  }
0x132: {  	[sflag:s16] =	ssyncadd.s32 $0xFFFFFE00  }
0x133: {  	_ =	swait.ge [sflag:s16], $0x200  }
0x134: {  	[sflag:s16] =	ssyncset.done $0x0  }
0x135: {  	[sflag:s16] =	ssyncadd.s32 $0xFFFFFE00  }
0x136: {  	_ =	swait.ge [sflag:s16], $0x200  }
0x137: {  	[sflag:s16] =	ssyncset.done $0x0  }
0x138: {  	[sflag:s16] =	ssyncadd.s32 $0xFFFFFE00  }
0x139: {  	_ =	swait.ge [sflag:s16], $0x200  }
0x13a: {  	[sflag:s16] =	ssyncset.done $0x0  }
0x13b: {  	[sflag:s16] =	ssyncadd.s32 $0xFFFFFE00  }
0x13c: {  	_ =	swait.ge [sflag:s16], $0x200  }
0x13d: {  	[sflag:s16] =	ssyncset.done $0x0  }
0x13e: {  	[sflag:s16] =	ssyncadd.s32 $0xFFFFFE00  }
0x13f: {  	_ =	swait.ge [sflag:s16], $0x200  }
0x140: {  	[sflag:s16] =	ssyncset.done $0x0  }
0x141: {  	[sflag:s16] =	ssyncadd.s32 $0xFFFFFE00  }
0x142: {  	_ =	swait.ge [sflag:s16], $0x200  }
0x143: {  	[sflag:s16] =	ssyncset.done $0x0  }
0x144: {  	[sflag:s16] =	ssyncadd.s32 $0xFFFFFE00  }
0x145: {  	_ =	swait.ge [sflag:s16], $0x200  }
0x146: {  	[sflag:s16] =	ssyncset.done $0x0  }
0x147: {  	[sflag:s16] =	ssyncadd.s32 $0xFFFFFE00  }
0x148: {  	_ =	swait.ge [sflag:s16], $0x200  }
0x149: {  	[sflag:s16] =	ssyncset.done $0x0  }
0x14a: {  	[sflag:s16] =	ssyncadd.s32 $0xFFFFFE00  }
0x14b: {  	_ =	swait.ge [sflag:s16], $0x200  }
0x14c: {  	[sflag:s16] =	ssyncset.done $0x0  }
0x14d: {  	[sflag:s16] =	ssyncadd.s32 $0xFFFFFE00  }
0x14e: {  	_ =	swait.ge [sflag:s16], $0x200  }
0x14f: {  	[sflag:s16] =	ssyncset.done $0x0  }
0x150: {  	[sflag:s16] =	ssyncadd.s32 $0xFFFFFE00  }
0x151: {  	_ =	swait.ge [sflag:s16], $0x200  }
0x152: {  	[sflag:s16] =	ssyncset.done $0x0  }
0x153: {  	[sflag:s16] =	ssyncadd.s32 $0xFFFFFE00  }
0x154: {  	_ =	swait.ge [sflag:s16], $0x200  }
0x155: {  	[sflag:s16] =	ssyncset.done $0x0  }
0x156: {  	[sflag:s16] =	ssyncadd.s32 $0xFFFFFE00  }
0x157: {  	_ =	swait.ge [sflag:s16], $0x200  }
0x158: {  	[sflag:s16] =	ssyncset.done $0x0  }
0x159: {  	[sflag:s16] =	ssyncadd.s32 $0xFFFFFE00  }
0x15a: {  	_ =	swait.ge [sflag:s16], $0x200  }
0x15b: {  	[sflag:s16] =	ssyncset.done $0x0  }
0x15c: {  	[sflag:s16] =	ssyncadd.s32 $0xFFFFFE00  }
0x15d: {  	_ =	swait.ge [sflag:s16], $0x200  }
0x15e: {  	[sflag:s16] =	ssyncset.done $0x0  }
0x15f: {  	[sflag:s16] =	ssyncadd.s32 $0xFFFFFE00  }
0x160: {  	_ =	swait.ge [sflag:s16], $0x200  }
0x161: {  	[sflag:s16] =	ssyncset.done $0x0  }
0x162: {  	[sflag:s16] =	ssyncadd.s32 $0xFFFFFE00  }
0x163: {  	_ =	swait.ge [sflag:s16], $0x200  }
0x164: {  	[sflag:s16] =	ssyncset.done $0x0  }
0x165: {  	[sflag:s16] =	ssyncadd.s32 $0xFFFFFE00  }
0x166: {  	_ =	swait.ge [sflag:s16], $0x200  }
0x167: {  	[sflag:s16] =	ssyncset.done $0x0  }
0x168: {  	[sflag:s16] =	ssyncadd.s32 $0xFFFFFE00  }
0x169: {  	_ =	swait.ge [sflag:s16], $0x200  }
0x16a: {  	[sflag:s16] =	ssyncset.done $0x0  }
0x16b: {  	[sflag:s16] =	ssyncadd.s32 $0xFFFFFE00  }
0x16c: {  	_ =	swait.ge [sflag:s16], $0x200  }
0x16d: {  	[sflag:s16] =	ssyncset.done $0x0  }
0x16e: {  	[sflag:s16] =	ssyncadd.s32 $0xFFFFFE00  }
0x16f: {  	_ =	swait.ge [sflag:s16], $0x200  }
0x170: {  	[sflag:s16] =	ssyncset.done $0x0  }
0x171: {  	s22 =	simm.s32 $0x0;
	[sflag:s16] =	ssyncadd.s32 $0xFFFFFE00  }
0x172: {  	v13 =	vld [tilespmem:s22+$0x0]  }
0x173: {  	v14 =	vld [tilespmem:s22+$0x800];
	_ =	sdelay $0x1  }
0x174: {  	v15 =	vld [tilespmem:s22+$0x1000];
	_ =	sdelay $0x2  }
0x175: {  	v1 =	vmul.f32 v13, v13;
	v2 =	vmul.f32 v14, v14;
	_ =	sdelay $0x1  }
0x176: {  	v1 =	vadd.f32 v2, v1;
	v2 =	vmul.f32 v15, v15;
	_ =	sdelay $0x1  }
0x177: {  	v1 =	vadd.f32 v2, v1;
	_ =	sdelay $0x1  }
0x178: {  	v2 =	vshrl.u32 v1, $0x1;
	v1 =	vmul.f32 $5.000000000e-01, v1  }
0x179: {  	v2 =	vsub.s32 $0x5F3759DF, v2  }
0x17a: {  	v3 =	vmul.f32 v2, v1;
	_ =	sdelay $0x1  }
0x17b: {  	v3 =	vmul.f32 v2, v3;
	_ =	sdelay $0x1  }
0x17c: {  	s18 =	simm.s32 $0x10;
	v3 =	vsub.f32 $1.500000000e+00, v3  }
0x17d: {  	v7 =	vld [tilespmem:s18+$0x0]  }
0x17e: {  	v5 =	vld [tilespmem:s18+$0x800];
	v2 =	vmul.f32 v2, v3;
	_ =	sdelay $0x1  }
0x17f: {  	v9 =	vld [tilespmem:s18+$0x1000];
	v3 =	vmul.f32 v2, v1;
	_ =	sdelay $0x1  }
0x180: {  	v3 =	vmul.f32 v3, v2  }
0x181: {  	v4 =	vmul.f32 v7, v7;
	v6 =	vmul.f32 v5, v5  }
0x182: {  	v3 =	vsub.f32 $1.500000000e+00, v3  }
0x183: {  	v4 =	vadd.f32 v6, v4;
	v6 =	vmul.f32 v9, v9  }
0x184: {  	v2 =	vmul.f32 v3, v2  }
0x185: {  	v20 =	vld [tilespmem:s22+$0xA000];
	v3 =	vadd.f32 v6, v4  }
0x186: {  	v21 =	vld [tilespmem:s22+$0xA800];
	v1 =	vmul.f32 v2, v1  }
0x187: {  	v26 =	vld [tilespmem:s22+$0xB000];
	v4 =	vshrl.u32 v3, $0x1;
	v16 =	vmul.f32 $5.000000000e-01, v3  }
0x188: {  	v10 =	vld [tilespmem:s18+$0xA000];
	v3 =	vsub.s32 $0x5F3759DF, v4;
	v1 =	vmul.f32 v1, v2  }
0x189: {  	v11 =	vld [tilespmem:s18+$0xA800];
	v4 =	vmul.f32 v3, v16  }
0x18a: {  	v29 =	vld [tilespmem:s22+$0x8800];
	v1 =	vsub.f32 $1.500000000e+00, v1  }
0x18b: {  	v33 =	vld [tilespmem:s22+$0x9000];
	v4 =	vmul.f32 v3, v4  }
0x18c: {  	v17 =	vld [tilespmem:s22+$0x9800];
	v8 =	vmul.f32 v20, v13;
	v6 =	vmul.f32 v1, v2  }
0x18d: {  	s9 =	simm.s32 $0x20;
	v12 =	vld [tilespmem:s18+$0xB000];
	v19 =	vmul.f32 v26, v15;
	v23 =	vmul.f32 v10, v7;
	v1 =	vsub.f32 $1.500000000e+00, v4  }
0x18e: {  	v4 =	vmul.f32 v21, v14;
	v2 =	vld [tilespmem:s9+$0x0];
	v18 =	vmul.f32 v6, v6  }
0x18f: {  	v25 =	vmul.f32 v29, v13;
	v22 =	vmul.f32 v3, v1;
	v1 =	vld [tilespmem:s9+$0x800]  }
0x190: {  	v27 =	vmul.f32 v33, v14;
	v28 =	vadd.f32 v4, v8;
	v4 =	vld [tilespmem:s9+$0xA800];
	v3 =	vmul.f32 v18, v6  }
0x191: {  	v30 =	vmul.f32 v11, v5;
	v24 =	vmul.f32 v22, v16  }
0x192: {  	v35 =	vmul.f32 v12, v9;
	v6 =	vld [tilespmem:s9+$0x1000];
	v34 =	vmul.f32 $5.000000000e-01, v3  }
0x193: {  	v8 =	vmul.f32 v24, v22;
	v24 =	vadd.f32 v27, v25;
	v25 =	vmul.f32 v17, v15  }
0x194: {  	v3 =	vld [tilespmem:s9+$0xA000];
	v27 =	vmul.f32 v2, v2;
	v31 =	vmul.f32 v1, v1  }
0x195: {  	v62 =	vmul.f32 v4, v1;
	v18 =	vmul.f32 v34, v18  }
0x196: {  	v32 =	vsub.f32 $1.500000000e+00, v8;
	v24 =	vadd.f32 v25, v24;
	v20 =	vmul.f32 v34, v20  }
0x197: {  	v25 =	vadd.f32 v31, v27;
	v27 =	vmul.f32 v6, v6;
	v18 =	vmul.f32 $3.000000000e+00, v18  }
0x198: {  	v19 =	vadd.f32 v19, v28;
	v8 =	vld [tilespmem:s9+$0xB000];
	v21 =	vmul.f32 v34, v21;
	v22 =	vmul.f32 v32, v22  }
0x199: {  	v28 =	vmul.f32 v3, v2;
	v31 =	vmul.f32 v18, v24;
	v24 =	vadd.f32 v27, v25  }
0x19a: {  	v23 =	vadd.f32 v30, v23;
	v16 =	vmul.f32 v22, v16;
	v27 =	vmul.f32 v34, v17  }
0x19b: {  	v25 =	vmul.f32 v31, v15;
	v30 =	vshrl.u32 v24, $0x1;
	v17 =	vmul.f32 $5.000000000e-01, v24  }
0x19c: {  	v18 =	vmul.f32 v18, v19;
	v16 =	vmul.f32 v16, v22;
	v30 =	vsub.s32 $0x5F3759DF, v30  }
0x19d: {  	v36 =	vmul.f32 v8, v6;
	v19 =	vsub.f32 v25, v27;
	v25 =	vmul.f32 v30, v17  }
0x19e: {  	v37 =	vmul.f32 v18, v13;
	v24 =	vmul.f32 v18, v15;
	v27 =	vsub.f32 $1.500000000e+00, v16  }
0x19f: {  	v38 =	vmul.f32 v18, v14;
	[tilespmem:s22+$0xF800] =	vst v19;
	v15 =	vmul.f32 v30, v25  }
0x1a0: {  	v16 =	vadd.f32 v35, v23;
	v23 =	vmul.f32 v31, v14;
	v63 =	vmul.f32 v27, v22;
	v18 =	vld [tilespmem:s18+$0x8800]  }
0x1a1: {  	v25 =	vmul.f32 v31, v13;
	v13 =	vadd.f32 v62, v28;
	v19 =	vld [tilespmem:s18+$0x9000];
	v14 =	vsub.f32 $1.500000000e+00, v15  }
0x1a2: {  	s11 =	simm.s32 $0x30;
	v20 =	vsub.f32 v37, v20;
	v28 =	vmul.f32 v34, v26;
	v22 =	vld [tilespmem:s18+$0x9800];
	v27 =	vmul.f32 v63, v63  }
0x1a3: {  	v15 =	vadd.f32 v36, v13;
	v13 =	vld [tilespmem:s11+$0x0];
	v26 =	vmul.f32 v30, v14;
	v30 =	vmul.f32 v34, v29  }
0x1a4: {  	s0 =	simm.s32 $0x100;
	v31 =	vsub.f32 v38, v21;
	v14 =	vld [tilespmem:s11+$0x800];
	v32 =	vmul.f32 v27, v63;
	v29 =	vmul.f32 v34, v33  }
.LBB2_9:
0x1a5: {  	p2 =	sne.s32 s0, $0x1FC0;
	v21 =	vld [tilespmem:s11+$0xA000];
	v33 =	vmul.f32 v26, v17;
	v34 =	vmul.f32 v18, v7;
	[tilespmem:s22+$0xB800] =	vst v20;
	v20 =	vsub.f32 v24, v28  }
0x1a6: {  	v25 =	vsub.f32 v25, v30;
	v30 =	vmovc v18;
	v28 =	vld [tilespmem:s11+$0x1000];
	v35 =	vmul.f32 $5.000000000e-01, v32;
	v24 =	vmul.f32 v19, v5;
	[tilespmem:s22+$0xC000] =	vst v31  }
0x1a7: {  	v31 =	vld [tilespmem:s11+$0xA800];
	v18 =	vmul.f32 v33, v26;
	[tilespmem:s22+$0xC800] =	vst v20;
	v20 =	vsub.f32 v23, v29;
	v29 =	vmov v19  }
0x1a8: {  	v32 =	vld [tilespmem:s11+$0xB000];
	v19 =	vmul.f32 v35, v27;
	v23 =	vadd.f32 v24, v34;
	v24 =	vmul.f32 v22, v9;
	[tilespmem:s22+$0xE800] =	vst v25  }
0x1a9: {  	v25 =	vmul.f32 v13, v13;
	v27 =	vmul.f32 v14, v14;
	v18 =	vsub.f32 $1.500000000e+00, v18;
	[tilespmem:s22+$0xF000] =	vst v20;
	s22 =	smov.u32 s18;
	s18 =	smov.u32 s9;
	s9 =	smov.u32 s11  }
0x1aa: {  	v20 =	vmul.f32 v21, v13;
	v19 =	vmul.f32 $3.000000000e+00, v19;
	v23 =	vadd.f32 v24, v23  }
0x1ab: {  	v24 =	vadd.f32 v27, v25;
	v25 =	vmul.f32 v28, v28;
	v26 =	vmul.f32 v18, v26  }
0x1ac: {  	v18 =	vmul.f32 v31, v14;
	v23 =	vmul.f32 v19, v23  }
0x1ad: {  	v24 =	vadd.f32 v25, v24;
	v25 =	vmul.f32 v32, v28;
	v27 =	vmul.f32 v26, v17  }
0x1ae: {  	v22 =	vmul.f32 v35, v22;
	v18 =	vadd.f32 v18, v20;
	v20 =	vmul.f32 v23, v9  }
0x1af: {  	v19 =	vmul.f32 v19, v16;
	v16 =	vmovc v15;
	v33 =	vshrl.u32 v24, $0x1;
	v17 =	vmul.f32 $5.000000000e-01, v24  }
0x1b0: {  	v24 =	vmul.f32 v27, v26;
	v33 =	vsub.s32 $0x5F3759DF, v33;
	v20 =	vsub.f32 v20, v22  }
0x1b1: {  	v34 =	vmul.f32 v19, v7;
	v15 =	vadd.f32 v25, v18;
	v22 =	vmul.f32 v33, v17  }
0x1b2: {  	v36 =	vmul.f32 v19, v5;
	v27 =	vsub.f32 $1.500000000e+00, v24;
	v24 =	vmul.f32 v19, v9;
	v9 =	vmovc v6;
	[tilespmem:s22+$0xF800] =	vst v20  }
0x1b3: {  	v25 =	vmul.f32 v23, v7;
	v7 =	vmovc v2;
	v2 =	vmovc v13;
	v6 =	vmov v28;
	v19 =	vmul.f32 v33, v22  }
.Ltmp7:
0x1b4: {  	v23 =	vmul.f32 v23, v5;
	v5 =	vmovc v1;
	v1 =	vmov v14;
	v37 =	vmul.f32 v27, v26;
	v18 =	vld [tilespmem:s18+$0x8800];
	(pc) =	sbr.rel @p2 .LBB2_9-.Ltmp7, $4  }
0x1b5: {  	v38 =	vmul.f32 v35, v11;
	v20 =	vmul.f32 v35, v10;
	v10 =	vmovc v3;
	v3 =	vmovc v21;
	v14 =	vsub.f32 $1.500000000e+00, v19;
	v19 =	vld [tilespmem:s18+$0x9000]  }
0x1b6: {  	v11 =	vmovc v4;
	s11 =	sshra.s32 s0, $0x2;
	v4 =	vmovc v31;
	v28 =	vmul.f32 v35, v12;
	v12 =	vmov v8;
	v27 =	vmul.f32 v37, v37;
	v22 =	vld [tilespmem:s18+$0x9800]  }
0x1b7: {  	v30 =	vmul.f32 v35, v30;
	v8 =	vmovc v32;
	v20 =	vsub.f32 v34, v20;
	v13 =	vld [tilespmem:s11+$0x0];
	v26 =	vmul.f32 v33, v14  }
0x1b8: {  	v29 =	vmul.f32 v35, v29;
	s0 =	sadd.s32 $0x40, s0;
	v31 =	vsub.f32 v36, v38;
	v32 =	vmul.f32 v27, v37;
	v14 =	vld [tilespmem:s11+$0x800]  }
0x1b9: {  	v21 =	vld [tilespmem:s11+$0xA000];
	v33 =	vmul.f32 v26, v17;
	v34 =	vmul.f32 v18, v7;
	[tilespmem:s22+$0xB800] =	vst v20  }
0x1ba: {  	v20 =	vld [tilespmem:s11+$0x1000];
	v32 =	vmul.f32 $5.000000000e-01, v32;
	v35 =	vmul.f32 v19, v5  }
0x1bb: {  	v33 =	vmul.f32 v33, v26  }
0x1bc: {  	v40 =	vmul.f32 v22, v9;
	v27 =	vmul.f32 v32, v27;
	v34 =	vadd.f32 v35, v34  }
0x1bd: {  	v36 =	vmul.f32 v13, v13;
	v37 =	vmul.f32 v14, v14  }
0x1be: {  	v33 =	vsub.f32 $1.500000000e+00, v33;
	v34 =	vadd.f32 v40, v34  }
0x1bf: {  	v27 =	vmul.f32 $3.000000000e+00, v27;
	v41 =	vadd.f32 v37, v36;
	v42 =	vmul.f32 v20, v20  }
0x1c0: {  	v43 =	vmul.f32 v33, v26  }
0x1c1: {  	v24 =	vsub.f32 v24, v28;
	v44 =	vmul.f32 v27, v34;
	v45 =	vadd.f32 v42, v41  }
0x1c2: {  	v25 =	vsub.f32 v25, v30;
	v48 =	vmul.f32 v32, v22;
	v46 =	vmul.f32 v43, v17  }
0x1c3: {  	[tilespmem:s22+$0xC000] =	vst v31;
	v47 =	vmul.f32 v44, v9;
	v49 =	vshrl.u32 v45, $0x1;
	v28 =	vmul.f32 $5.000000000e-01, v45  }
0x1c4: {  	v23 =	vsub.f32 v23, v29;
	v30 =	vld [tilespmem:s11+$0xA800];
	[tilespmem:s22+$0xC800] =	vst v24;
	v17 =	vmul.f32 v46, v43;
	v24 =	vsub.s32 $0x5F3759DF, v49  }
0x1c5: {  	v29 =	vld [tilespmem:s11+$0xB000];
	[tilespmem:s22+$0xE800] =	vst v25;
	v22 =	vsub.f32 v47, v48;
	v50 =	vmul.f32 v24, v28  }
0x1c6: {  	[tilespmem:s22+$0xF000] =	vst v23;
	v17 =	vsub.f32 $1.500000000e+00, v17  }
0x1c7: {  	[tilespmem:s18+$0xF800] =	vst v22;
	v51 =	vmul.f32 v24, v50  }
0x1c8: {  	v16 =	vmul.f32 v27, v16;
	v23 =	vld [tilespmem:s9+$0x8800];
	v17 =	vmul.f32 v17, v43  }
0x1c9: {  	v25 =	vld [tilespmem:s9+$0x9000];
	v22 =	vsub.f32 $1.500000000e+00, v51  }
0x1ca: {  	v52 =	vmul.f32 v16, v7;
	v53 =	vmul.f32 v17, v17  }
0x1cb: {  	v54 =	vmul.f32 v16, v5;
	v55 =	vld [tilespmem:s9+$0x9800];
	v22 =	vmul.f32 v24, v22  }
0x1cc: {  	v56 =	vmul.f32 v16, v9;
	v57 =	vmul.f32 v53, v17  }
0x1cd: {  	v59 =	vmul.f32 v23, v2;
	v58 =	vmul.f32 v22, v28  }
0x1ce: {  	v60 =	vmul.f32 v25, v1;
	v16 =	vmul.f32 $5.000000000e-01, v57  }
0x1cf: {  	v10 =	vmul.f32 v32, v10;
	v17 =	vmul.f32 v58, v22  }
0x1d0: {  	v62 =	vmul.f32 v55, v6;
	v24 =	vadd.f32 v60, v59;
	v27 =	vmul.f32 v16, v53  }
0x1d1: {  	v11 =	vmul.f32 v32, v11;
	v12 =	vmul.f32 v32, v12;
	v17 =	vsub.f32 $1.500000000e+00, v17  }
0x1d2: {  	v26 =	vmul.f32 v32, v18;
	v24 =	vadd.f32 v62, v24;
	v27 =	vmul.f32 $3.000000000e+00, v27  }
0x1d3: {  	v32 =	vmul.f32 v32, v19;
	v10 =	vsub.f32 v52, v10;
	v17 =	vmul.f32 v17, v22  }
0x1d4: {  	v61 =	vmul.f32 v44, v7;
	v11 =	vsub.f32 v54, v11;
	v31 =	vmul.f32 v27, v24  }
0x1d5: {  	v63 =	vmul.f32 v44, v5;
	v9 =	vsub.f32 v56, v12;
	[tilespmem:s18+$0xB800] =	vst v10;
	v33 =	vmul.f32 v17, v28  }
0x1d6: {  	v7 =	vsub.f32 v61, v26;
	[tilespmem:s18+$0xC000] =	vst v11;
	v36 =	vmul.f32 v16, v55;
	v35 =	vmul.f32 v31, v6  }
0x1d7: {  	v5 =	vsub.f32 v63, v32;
	[tilespmem:s18+$0xC800] =	vst v9;
	v37 =	vmul.f32 v33, v17  }
0x1d8: {  	[tilespmem:s18+$0xE800] =	vst v7;
	v38 =	vsub.f32 v35, v36  }
0x1d9: {  	[tilespmem:s18+$0xF000] =	vst v5;
	v39 =	vsub.f32 $1.500000000e+00, v37  }
0x1da: {  	[tilespmem:s9+$0xF800] =	vst v38  }
0x1db: {  	v7 =	vld [tilespmem:s11+$0x8800];
	v5 =	vmul.f32 v39, v17  }
0x1dc: {  	v41 =	vmul.f32 v21, v13;
	v40 =	vld [tilespmem:s11+$0x9000]  }
0x1dd: {  	v45 =	vmul.f32 v29, v20;
	v42 =	vmul.f32 v5, v5  }
0x1de: {  	v43 =	vmul.f32 v30, v14;
	v3 =	vmul.f32 v16, v3;
	v44 =	vld [tilespmem:s11+$0x9800]  }
0x1df: {  	v4 =	vmul.f32 v16, v4;
	v5 =	vmul.f32 v42, v5  }
0x1e0: {  	v15 =	vmul.f32 v27, v15;
	v47 =	vmul.f32 v7, v13  }
0x1e1: {  	v48 =	vmul.f32 v40, v14;
	v5 =	vmul.f32 $5.000000000e-01, v5  }
0x1e2: {  	v10 =	vadd.f32 v43, v41;
	v53 =	vmul.f32 v16, v23;
	v46 =	vmul.f32 v15, v2  }
0x1e3: {  	v52 =	vmul.f32 v44, v20;
	v51 =	vadd.f32 v48, v47;
	v11 =	vmul.f32 v5, v42  }
0x1e4: {  	v10 =	vadd.f32 v45, v10;
	v49 =	vmul.f32 v15, v1;
	v50 =	vmul.f32 v15, v6  }
0x1e5: {  	v2 =	vmul.f32 v31, v2;
	v15 =	vadd.f32 v52, v51;
	v11 =	vmul.f32 $3.000000000e+00, v11  }
0x1e6: {  	v8 =	vmul.f32 v16, v8;
	v55 =	vmul.f32 v16, v25;
	v3 =	vsub.f32 v46, v3  }
0x1e7: {  	v1 =	vmul.f32 v31, v1;
	v2 =	vsub.f32 v2, v53;
	v54 =	vmul.f32 v11, v15  }
0x1e8: {  	[tilespmem:s9+$0xB800] =	vst v3;
	v3 =	vsub.f32 v50, v8;
	v58 =	vmul.f32 v5, v44;
	v56 =	vmul.f32 v11, v10  }
0x1e9: {  	v1 =	vsub.f32 v1, v55;
	[tilespmem:s9+$0xE800] =	vst v2;
	v59 =	vmul.f32 v5, v21;
	v57 =	vmul.f32 v54, v20  }
0x1ea: {  	v4 =	vsub.f32 v49, v4;
	[tilespmem:s9+$0xC800] =	vst v3;
	v61 =	vmul.f32 v5, v30;
	v3 =	vmul.f32 v56, v13  }
0x1eb: {  	[tilespmem:s9+$0xF000] =	vst v1;
	v62 =	vmul.f32 v5, v29;
	v1 =	vmul.f32 v56, v20;
	v2 =	vsub.f32 v57, v58  }
0x1ec: {  	[tilespmem:s9+$0xC000] =	vst v4;
	v7 =	vmul.f32 v5, v7;
	v60 =	vmul.f32 v56, v14;
	v3 =	vsub.f32 v3, v59  }
0x1ed: {  	v5 =	vmul.f32 v5, v40;
	v63 =	vmul.f32 v54, v14;
	v1 =	vsub.f32 v1, v62;
	[tilespmem:s11+$0xF800] =	vst v2  }
0x1ee: {  	v4 =	vsub.f32 v60, v61;
	v2 =	vmul.f32 v54, v13;
	[tilespmem:s11+$0xB800] =	vst v3  }
0x1ef: {  	[tilespmem:s11+$0xC800] =	vst v1;
	v1 =	vsub.f32 v63, v5  }
0x1f0: {  	[tilespmem:s11+$0xC000] =	vst v4;
	v2 =	vsub.f32 v2, v7  }
0x1f1: {  	[tilespmem:s11+$0xF000] =	vst v1  }
0x1f2: {  	s0 =	simm.s32 $0xB800;
	[tilespmem:s11+$0xE800] =	vst v2;
	s11 =	simm.s32 $0x2800  }
0x1f3: {  	[spmem:s6] =	stream.indirect.scatter.add.f32 [tilespmem:s0], [sflag:$0x3], $0x1, s11, s25, $0xb8;
	[tilespmem:$0x1D800] =	vst v63  }
0x1f4: {  	s22 =	simm.s32 $0xE800;
	s18 =	simm.s32 $0x5800  }
0x1f5: {  	[spmem:s6] =	stream.indirect.scatter.add.f32 [tilespmem:s22], [sflag:$0x3], $0x1, s18, s25, $0xb8;
	[tilespmem:$0x1D800] =	vst v63  }
0x1f6: {  	s9 =	simm.s32 $0x2A00;
	s11 =	simm.s32 $0xBA00  }
0x1f7: {  	[spmem:s6] =	stream.indirect.scatter.add.f32 [tilespmem:s11], [sflag:$0x3], $0x1, s9, s25, $0xb8;
	[tilespmem:$0x1D800] =	vst v63  }
0x1f8: {  	s18 =	simm.s32 $0x5A00;
	s22 =	simm.s32 $0xEA00  }
0x1f9: {  	[spmem:s6] =	stream.indirect.scatter.add.f32 [tilespmem:s22], [sflag:$0x3], $0x1, s18, s25, $0xb8;
	[tilespmem:$0x1D800] =	vst v63  }
0x1fa: {  	s9 =	simm.s32 $0x2C00;
	s11 =	simm.s32 $0xBC00  }
0x1fb: {  	[spmem:s6] =	stream.indirect.scatter.add.f32 [tilespmem:s11], [sflag:$0x3], $0x1, s9, s25, $0xb8;
	[tilespmem:$0x1D800] =	vst v63  }
0x1fc: {  	s18 =	simm.s32 $0x5C00;
	s22 =	simm.s32 $0xEC00  }
0x1fd: {  	[spmem:s6] =	stream.indirect.scatter.add.f32 [tilespmem:s22], [sflag:$0x3], $0x1, s18, s25, $0xb8;
	[tilespmem:$0x1D800] =	vst v63  }
0x1fe: {  	s9 =	simm.s32 $0x2E00;
	s11 =	simm.s32 $0xBE00  }
0x1ff: {  	[spmem:s6] =	stream.indirect.scatter.add.f32 [tilespmem:s11], [sflag:$0x3], $0x1, s9, s25, $0xb8;
	[tilespmem:$0x1D800] =	vst v63  }
0x200: {  	s18 =	simm.s32 $0x5E00;
	s22 =	simm.s32 $0xEE00  }
0x201: {  	[spmem:s6] =	stream.indirect.scatter.add.f32 [tilespmem:s22], [sflag:$0x3], $0x1, s18, s25, $0xb8;
	[tilespmem:$0x1D800] =	vst v63  }
0x202: {  	s9 =	simm.s32 $0xC000  }
0x203: {  	[spmem:s6] =	stream.indirect.scatter.add.f32 [tilespmem:s9], [sflag:$0x3], $0x1, s3, s25, $0xb8;
	[tilespmem:$0x1D800] =	vst v63  }
0x204: {  	s11 =	simm.s32 $0xF000  }
0x205: {  	[spmem:s6] =	stream.indirect.scatter.add.f32 [tilespmem:s11], [sflag:$0x3], $0x1, s5, s25, $0xb8;
	[tilespmem:$0x1D800] =	vst v63  }
0x206: {  	s18 =	simm.s32 $0xC200  }
0x207: {  	[spmem:s6] =	stream.indirect.scatter.add.f32 [tilespmem:s18], [sflag:$0x3], $0x1, s19, s25, $0xb8;
	[tilespmem:$0x1D800] =	vst v63  }
0x208: {  	s22 =	simm.s32 $0xF200  }
0x209: {  	[spmem:s6] =	stream.indirect.scatter.add.f32 [tilespmem:s22], [sflag:$0x3], $0x1, s23, s25, $0xb8;
	[tilespmem:$0x1D800] =	vst v63  }
0x20a: {  	s9 =	simm.s32 $0xC400  }
0x20b: {  	[spmem:s6] =	stream.indirect.scatter.add.f32 [tilespmem:s9], [sflag:$0x3], $0x1, s30, s25, $0xb8;
	[tilespmem:$0x1D800] =	vst v63  }
0x20c: {  	s11 =	simm.s32 $0xF400  }
0x20d: {  	[spmem:s6] =	stream.indirect.scatter.add.f32 [tilespmem:s11], [sflag:$0x3], $0x1, s14, s25, $0xb8;
	[tilespmem:$0x1D800] =	vst v63  }
0x20e: {  	s18 =	simm.s32 $0xC600  }
0x20f: {  	[spmem:s6] =	stream.indirect.scatter.add.f32 [tilespmem:s18], [sflag:$0x3], $0x1, s8, s25, $0xb8;
	[tilespmem:$0x1D800] =	vst v63  }
0x210: {  	s22 =	simm.s32 $0xF600  }
0x211: {  	[spmem:s6] =	stream.indirect.scatter.add.f32 [tilespmem:s22], [sflag:$0x3], $0x1, s1, s25, $0xb8;
	[tilespmem:$0x1D800] =	vst v63  }
0x212: {  	s9 =	simm.s32 $0xC800  }
0x213: {  	[spmem:s6] =	stream.indirect.scatter.add.f32 [tilespmem:s9], [sflag:$0x3], $0x1, s17, s25, $0xb8;
	[tilespmem:$0x1D800] =	vst v63  }
0x214: {  	s11 =	simm.s32 $0xF800  }
0x215: {  	[spmem:s6] =	stream.indirect.scatter.add.f32 [tilespmem:s11], [sflag:$0x3], $0x1, s28, s25, $0xb8;
	[tilespmem:$0x1D800] =	vst v63  }
0x216: {  	s18 =	simm.s32 $0xCA00  }
0x217: {  	[spmem:s6] =	stream.indirect.scatter.add.f32 [tilespmem:s18], [sflag:$0x3], $0x1, s20, s25, $0xb8;
	[tilespmem:$0x1D800] =	vst v63  }
0x218: {  	s22 =	simm.s32 $0xFA00  }
0x219: {  	[spmem:s6] =	stream.indirect.scatter.add.f32 [tilespmem:s22], [sflag:$0x3], $0x1, s4, s25, $0xb8;
	[tilespmem:$0x1D800] =	vst v63  }
0x21a: {  	s9 =	simm.s32 $0xCC00  }
0x21b: {  	[spmem:s6] =	stream.indirect.scatter.add.f32 [tilespmem:s9], [sflag:$0x3], $0x1, s2, s25, $0xb8;
	[tilespmem:$0x1D800] =	vst v63  }
0x21c: {  	s11 =	simm.s32 $0xFC00  }
0x21d: {  	[spmem:s6] =	stream.indirect.scatter.add.f32 [tilespmem:s11], [sflag:$0x3], $0x1, s21, s25, $0xb8;
	[tilespmem:$0x1D800] =	vst v63  }
.Ltmp8:
0x21e: {  	_ = 	snop;
	(pc) =	sbr.rel @p1 .LBB2_12-.Ltmp8, $4  }
0x21f: {  	s18 =	simm.s32 $0xCE00  }
0x220: {  	[spmem:s6] =	stream.indirect.scatter.add.f32 [tilespmem:s18], [sflag:$0x3], $0x1, s13, s25, $0xb8;
	[tilespmem:$0x1D800] =	vst v63  }
0x221: {  	s22 =	simm.s32 $0xFE00  }
0x222: {  	[spmem:s6] =	stream.indirect.scatter.add.f32 [tilespmem:s22], [sflag:$0x3], $0x1, s15, s25, $0xb8;
	[tilespmem:$0x1D800] =	vst v63  }
0x223: {  	_ =	swait.ge [sflag:s26], $0x200  }
0x224: {  	[sflag:s26] =	ssyncset.done $0x0  }
0x225: {  	[sflag:s26] =	ssyncadd.s32 $0xFFFFFE00  }
0x226: {  	_ =	swait.ge [sflag:s26], $0x200  }
0x227: {  	[sflag:s26] =	ssyncset.done $0x0  }
0x228: {  	[sflag:s26] =	ssyncadd.s32 $0xFFFFFE00  }
0x229: {  	_ =	swait.ge [sflag:s26], $0x200  }
0x22a: {  	[sflag:s26] =	ssyncset.done $0x0  }
0x22b: {  	[sflag:s26] =	ssyncadd.s32 $0xFFFFFE00  }
0x22c: {  	_ =	swait.ge [sflag:s26], $0x200  }
0x22d: {  	[sflag:s26] =	ssyncset.done $0x0  }
0x22e: {  	[sflag:s26] =	ssyncadd.s32 $0xFFFFFE00  }
0x22f: {  	_ =	swait.ge [sflag:s26], $0x200  }
0x230: {  	[sflag:s26] =	ssyncset.done $0x0  }
0x231: {  	[sflag:s26] =	ssyncadd.s32 $0xFFFFFE00  }
0x232: {  	_ =	swait.ge [sflag:s26], $0x200  }
0x233: {  	[sflag:s26] =	ssyncset.done $0x0  }
0x234: {  	[sflag:s26] =	ssyncadd.s32 $0xFFFFFE00  }
0x235: {  	_ =	swait.ge [sflag:s26], $0x200  }
0x236: {  	[sflag:s26] =	ssyncset.done $0x0  }
0x237: {  	[sflag:s26] =	ssyncadd.s32 $0xFFFFFE00  }
0x238: {  	_ =	swait.ge [sflag:s26], $0x200  }
0x239: {  	[sflag:s26] =	ssyncset.done $0x0  }
0x23a: {  	[sflag:s26] =	ssyncadd.s32 $0xFFFFFE00  }
0x23b: {  	_ =	swait.ge [sflag:s26], $0x200  }
0x23c: {  	[sflag:s26] =	ssyncset.done $0x0  }
0x23d: {  	[sflag:s26] =	ssyncadd.s32 $0xFFFFFE00  }
0x23e: {  	_ =	swait.ge [sflag:s26], $0x200  }
0x23f: {  	[sflag:s26] =	ssyncset.done $0x0  }
0x240: {  	[sflag:s26] =	ssyncadd.s32 $0xFFFFFE00  }
0x241: {  	_ =	swait.ge [sflag:s26], $0x200  }
0x242: {  	[sflag:s26] =	ssyncset.done $0x0  }
0x243: {  	[sflag:s26] =	ssyncadd.s32 $0xFFFFFE00  }
0x244: {  	_ =	swait.ge [sflag:s26], $0x200  }
0x245: {  	[sflag:s26] =	ssyncset.done $0x0  }
0x246: {  	[sflag:s26] =	ssyncadd.s32 $0xFFFFFE00  }
0x247: {  	_ =	swait.ge [sflag:s26], $0x200  }
0x248: {  	[sflag:s26] =	ssyncset.done $0x0  }
0x249: {  	[sflag:s26] =	ssyncadd.s32 $0xFFFFFE00  }
0x24a: {  	_ =	swait.ge [sflag:s26], $0x200  }
0x24b: {  	[sflag:s26] =	ssyncset.done $0x0  }
0x24c: {  	[sflag:s26] =	ssyncadd.s32 $0xFFFFFE00  }
0x24d: {  	_ =	swait.ge [sflag:s26], $0x200  }
0x24e: {  	[sflag:s26] =	ssyncset.done $0x0  }
0x24f: {  	[sflag:s26] =	ssyncadd.s32 $0xFFFFFE00  }
0x250: {  	_ =	swait.ge [sflag:s26], $0x200  }
0x251: {  	[sflag:s26] =	ssyncset.done $0x0  }
0x252: {  	[sflag:s26] =	ssyncadd.s32 $0xFFFFFE00  }
0x253: {  	_ =	swait.ge [sflag:s26], $0x200  }
0x254: {  	[sflag:s26] =	ssyncset.done $0x0  }
0x255: {  	[sflag:s26] =	ssyncadd.s32 $0xFFFFFE00  }
0x256: {  	_ =	swait.ge [sflag:s26], $0x200  }
0x257: {  	[sflag:s26] =	ssyncset.done $0x0  }
0x258: {  	[sflag:s26] =	ssyncadd.s32 $0xFFFFFE00  }
0x259: {  	_ =	swait.ge [sflag:s26], $0x200  }
0x25a: {  	[sflag:s26] =	ssyncset.done $0x0  }
0x25b: {  	[sflag:s26] =	ssyncadd.s32 $0xFFFFFE00  }
0x25c: {  	_ =	swait.ge [sflag:s26], $0x200  }
0x25d: {  	[sflag:s26] =	ssyncset.done $0x0  }
0x25e: {  	[sflag:s26] =	ssyncadd.s32 $0xFFFFFE00  }
0x25f: {  	_ =	swait.ge [sflag:s26], $0x200  }
0x260: {  	[sflag:s26] =	ssyncset.done $0x0  }
0x261: {  	[sflag:s26] =	ssyncadd.s32 $0xFFFFFE00  }
0x262: {  	_ =	swait.ge [sflag:s26], $0x200  }
0x263: {  	[sflag:s26] =	ssyncset.done $0x0  }
0x264: {  	[sflag:s26] =	ssyncadd.s32 $0xFFFFFE00  }
0x265: {  	_ =	swait.ge [sflag:s26], $0x200  }
0x266: {  	[sflag:s26] =	ssyncset.done $0x0  }
0x267: {  	[sflag:s26] =	ssyncadd.s32 $0xFFFFFE00  }
0x268: {  	_ =	swait.ge [sflag:s26], $0x200  }
0x269: {  	[sflag:s26] =	ssyncset.done $0x0  }
0x26a: {  	[sflag:s26] =	ssyncadd.s32 $0xFFFFFE00  }
.LBB2_12:
0x26b: {  	s0 =	sor.u32 $0x1, s31;
	s9 =	rddreg [dreg:$0xa]  }
0x26c: {  	p1 =	sge.u32 s0, s9  }
.Ltmp9:
0x26d: {  	_ = 	snop;
	(pc) =	sbr.rel @p1 .LBB2_18-.Ltmp9, $1  }
0x26e: {  	_ =	sdelay $0x3  }
0x26f: {  	s0 =	sshll.u32 s0, $0xD  }
0x270: {  	s9 =	rddreg [dreg:$0x3];
	s0 =	sor.u32 s12, s0  }
0x271: {  	s11 =	simm.s32 $0x0;
	s18 =	rddreg [dreg:$0x4];
	s9 =	sadd.s32 s9, s0  }
0x272: {  	[tilespmem:s11], [sflag:$0x1] =	stream.linear.gather [hbm4b:s9+s11], $0x800, $0x38;
	[tilespmem:$0x1D800] =	vst v63  }
0x273: {  	s22 =	rddreg [dreg:$0x5];
	s9 =	sadd.s32 s18, s0;
	s18 =	simm.s32 $0x800  }
0x274: {  	[tilespmem:s18], [sflag:$0x1] =	stream.linear.gather [hbm4b:s9+s11], $0x800, $0x38;
	[tilespmem:$0x1D800] =	vst v63  }
0x275: {  	s31 =	simm.s32 $0x1000;
	s9 =	sadd.s32 s22, s0;
	s22 =	rddreg [dreg:$0x1]  }
0x276: {  	[tilespmem:s31], [sflag:$0x1] =	stream.linear.gather [hbm4b:s9+s11], $0x800, $0x38;
	[tilespmem:$0x1D800] =	vst v63  }
0x277: {  	s9 =	sadd.s32 s22, s0;
	s31 =	simm.s32 $0x1800;
	s22 =	rddreg [dreg:$0x2]  }
0x278: {  	[tilespmem:s31], [sflag:$0x1] =	stream.linear.gather [hbm4b:s9+s11], $0x800, $0x38;
	[tilespmem:$0x1D800] =	vst v63  }
0x279: {  	s0 =	sadd.s32 s22, s0;
	s31 =	simm.s32 $0x2000  }
0x27a: {  	[tilespmem:s31], [sflag:$0x1] =	stream.linear.gather [hbm4b:s0+s11], $0x800, $0x38;
	[tilespmem:$0x1D800] =	vst v63  }
0x27b: {  	_ =	swait.ge [sflag:s24], $0x800  }
0x27c: {  	[sflag:s24] =	ssyncset.done $0x0  }
0x27d: {  	[sflag:s24] =	ssyncadd.s32 $0xFFFFF800  }
0x27e: {  	_ =	swait.ge [sflag:s24], $0x800  }
0x27f: {  	[sflag:s24] =	ssyncset.done $0x0  }
0x280: {  	[sflag:s24] =	ssyncadd.s32 $0xFFFFF800  }
0x281: {  	_ =	swait.ge [sflag:s24], $0x800  }
0x282: {  	[sflag:s24] =	ssyncset.done $0x0  }
0x283: {  	[sflag:s24] =	ssyncadd.s32 $0xFFFFF800  }
0x284: {  	_ =	swait.ge [sflag:s24], $0x800  }
0x285: {  	[sflag:s24] =	ssyncset.done $0x0  }
0x286: {  	[sflag:s24] =	ssyncadd.s32 $0xFFFFF800  }
0x287: {  	_ =	swait.ge [sflag:s24], $0x800  }
0x288: {  	[sflag:s24] =	ssyncset.done $0x0  }
0x289: {  	s0 =	simm.s32 $0x0;
	[sflag:s24] =	ssyncadd.s32 $0xFFFFF800  }
0x28a: {  	v2 =	vld [tilespmem:s0+$0x2000]  }
0x28b: {  	v1 =	vld [tilespmem:s0+$0x1800];
	_ =	sdelay $0x2  }
0x28c: {  	s9 =	simm.s32 $0x40  }
.LBB2_14:
0x28d: {  	s11 =	sshra.s32 s9, $0x2;
	p1 =	sne.s32 s9, $0x1FC0;
	s9 =	sadd.s32 $0x40, s9;
	[tilespmem:s0+$0x7000] =	vst v2;
	v3 =	vadd.s32 $0x20000, v2;
	v7 =	vadd.s32 $0x40000, v2  }
.Ltmp10:
0x28e: {  	v2 =	vld [tilespmem:s11+$0x2000];
	v5 =	vadd.s32 $0x20000, v1;
	v6 =	vadd.s32 $0x40000, v1;
	[tilespmem:s0+$0x8000] =	vst v7;
	v4 =	vmov v1;
	(pc) =	sbr.rel @p1 .LBB2_14-.Ltmp10, $4  }
0x28f: {  	v1 =	vld [tilespmem:s11+$0x1800];
	[tilespmem:s0+$0x4800] =	vst v5  }
0x290: {  	[tilespmem:s0+$0x5000] =	vst v6  }
0x291: {  	[tilespmem:s0+$0x7800] =	vst v3  }
0x292: {  	[tilespmem:s0+$0x4000] =	vst v4;
	s0 =	smov.u32 s11  }
0x293: {  	[tilespmem:s0+$0x7000] =	vst v2;
	v3 =	vadd.s32 $0x40000, v2  }
0x294: {  	v2 =	vadd.s32 $0x20000, v2;
	[tilespmem:s0+$0x8000] =	vst v3  }
0x295: {  	[tilespmem:s0+$0x7800] =	vst v2  }
0x296: {  	v4 =	vadd.s32 $0x20000, v1;
	[tilespmem:s0+$0x4000] =	vst v1  }
0x297: {  	v3 =	vadd.s32 $0x40000, v1;
	[tilespmem:s0+$0x4800] =	vst v4  }
0x298: {  	s18 =	simm.s32 $0x8800;
	s9 =	simm.s32 $0x4000;
	[tilespmem:s0+$0x5000] =	vst v3  }
0x299: {  	[tilespmem:s18], [sflag:$0x2] =	stream.indirect.gather [spmem:s7], $0x1, s9, s25, $0xb8;
	[tilespmem:$0x1D800] =	vst v63  }
0x29a: {  	s22 =	simm.s32 $0xA000;
	s31 =	simm.s32 $0x7000  }
0x29b: {  	[tilespmem:s22], [sflag:$0x2] =	stream.indirect.gather [spmem:s7], $0x1, s31, s25, $0xb8;
	[tilespmem:$0x1D800] =	vst v63  }
0x29c: {  	s11 =	simm.s32 $0x8A00;
	s18 =	simm.s32 $0x4200  }
0x29d: {  	[tilespmem:s11], [sflag:$0x2] =	stream.indirect.gather [spmem:s7], $0x1, s18, s25, $0xb8;
	[tilespmem:$0x1D800] =	vst v63  }
0x29e: {  	s22 =	simm.s32 $0xA200;
	s31 =	simm.s32 $0x7200  }
0x29f: {  	[tilespmem:s22], [sflag:$0x2] =	stream.indirect.gather [spmem:s7], $0x1, s31, s25, $0xb8;
	[tilespmem:$0x1D800] =	vst v63  }
0x2a0: {  	s11 =	simm.s32 $0x8C00;
	s18 =	simm.s32 $0x4400  }
0x2a1: {  	[tilespmem:s11], [sflag:$0x2] =	stream.indirect.gather [spmem:s7], $0x1, s18, s25, $0xb8;
	[tilespmem:$0x1D800] =	vst v63  }
0x2a2: {  	s22 =	simm.s32 $0xA400;
	s31 =	simm.s32 $0x7400  }
0x2a3: {  	[tilespmem:s22], [sflag:$0x2] =	stream.indirect.gather [spmem:s7], $0x1, s31, s25, $0xb8;
	[tilespmem:$0x1D800] =	vst v63  }
0x2a4: {  	s11 =	simm.s32 $0x8E00;
	s18 =	simm.s32 $0x4600  }
0x2a5: {  	[tilespmem:s11], [sflag:$0x2] =	stream.indirect.gather [spmem:s7], $0x1, s18, s25, $0xb8;
	[tilespmem:$0x1D800] =	vst v63  }
0x2a6: {  	s22 =	simm.s32 $0xA600;
	s31 =	simm.s32 $0x7600  }
0x2a7: {  	[tilespmem:s22], [sflag:$0x2] =	stream.indirect.gather [spmem:s7], $0x1, s31, s25, $0xb8;
	[tilespmem:$0x1D800] =	vst v63  }
0x2a8: {  	s11 =	simm.s32 $0x9000;
	s18 =	simm.s32 $0x4800  }
0x2a9: {  	[tilespmem:s11], [sflag:$0x2] =	stream.indirect.gather [spmem:s7], $0x1, s18, s25, $0xb8;
	[tilespmem:$0x1D800] =	vst v63  }
0x2aa: {  	s22 =	simm.s32 $0xA800;
	s31 =	simm.s32 $0x7800  }
0x2ab: {  	[tilespmem:s22], [sflag:$0x2] =	stream.indirect.gather [spmem:s7], $0x1, s31, s25, $0xb8;
	[tilespmem:$0x1D800] =	vst v63  }
0x2ac: {  	s11 =	simm.s32 $0x9200;
	s18 =	simm.s32 $0x4A00  }
0x2ad: {  	[tilespmem:s11], [sflag:$0x2] =	stream.indirect.gather [spmem:s7], $0x1, s18, s25, $0xb8;
	[tilespmem:$0x1D800] =	vst v63  }
0x2ae: {  	s22 =	simm.s32 $0xAA00;
	s31 =	simm.s32 $0x7A00  }
0x2af: {  	[tilespmem:s22], [sflag:$0x2] =	stream.indirect.gather [spmem:s7], $0x1, s31, s25, $0xb8;
	[tilespmem:$0x1D800] =	vst v63  }
0x2b0: {  	s11 =	simm.s32 $0x9400;
	s18 =	simm.s32 $0x4C00  }
0x2b1: {  	[tilespmem:s11], [sflag:$0x2] =	stream.indirect.gather [spmem:s7], $0x1, s18, s25, $0xb8;
	[tilespmem:$0x1D800] =	vst v63  }
0x2b2: {  	s22 =	simm.s32 $0xAC00;
	s31 =	simm.s32 $0x7C00  }
0x2b3: {  	[tilespmem:s22], [sflag:$0x2] =	stream.indirect.gather [spmem:s7], $0x1, s31, s25, $0xb8;
	[tilespmem:$0x1D800] =	vst v63  }
0x2b4: {  	s11 =	simm.s32 $0x9600;
	s18 =	simm.s32 $0x4E00  }
0x2b5: {  	[tilespmem:s11], [sflag:$0x2] =	stream.indirect.gather [spmem:s7], $0x1, s18, s25, $0xb8;
	[tilespmem:$0x1D800] =	vst v63  }
0x2b6: {  	s22 =	simm.s32 $0xAE00;
	s31 =	simm.s32 $0x7E00  }
0x2b7: {  	[tilespmem:s22], [sflag:$0x2] =	stream.indirect.gather [spmem:s7], $0x1, s31, s25, $0xb8;
	[tilespmem:$0x1D800] =	vst v63  }
0x2b8: {  	s11 =	simm.s32 $0x9800;
	s18 =	simm.s32 $0x5000  }
0x2b9: {  	[tilespmem:s11], [sflag:$0x2] =	stream.indirect.gather [spmem:s7], $0x1, s18, s25, $0xb8;
	[tilespmem:$0x1D800] =	vst v63  }
0x2ba: {  	s22 =	simm.s32 $0xB000;
	s31 =	simm.s32 $0x8000  }
0x2bb: {  	[tilespmem:s22], [sflag:$0x2] =	stream.indirect.gather [spmem:s7], $0x1, s31, s25, $0xb8;
	[tilespmem:$0x1D800] =	vst v63  }
0x2bc: {  	s11 =	simm.s32 $0x9A00;
	s18 =	simm.s32 $0x5200  }
0x2bd: {  	[tilespmem:s11], [sflag:$0x2] =	stream.indirect.gather [spmem:s7], $0x1, s18, s25, $0xb8;
	[tilespmem:$0x1D800] =	vst v63  }
0x2be: {  	s22 =	simm.s32 $0xB200;
	s31 =	simm.s32 $0x8200  }
0x2bf: {  	[tilespmem:s22], [sflag:$0x2] =	stream.indirect.gather [spmem:s7], $0x1, s31, s25, $0xb8;
	[tilespmem:$0x1D800] =	vst v63  }
0x2c0: {  	s11 =	simm.s32 $0x9C00;
	s18 =	simm.s32 $0x5400  }
0x2c1: {  	[tilespmem:s11], [sflag:$0x2] =	stream.indirect.gather [spmem:s7], $0x1, s18, s25, $0xb8;
	[tilespmem:$0x1D800] =	vst v63  }
0x2c2: {  	s22 =	simm.s32 $0xB400;
	s31 =	simm.s32 $0x8400  }
0x2c3: {  	[tilespmem:s22], [sflag:$0x2] =	stream.indirect.gather [spmem:s7], $0x1, s31, s25, $0xb8;
	[tilespmem:$0x1D800] =	vst v63  }
0x2c4: {  	s11 =	simm.s32 $0x9E00;
	s18 =	simm.s32 $0x5600  }
0x2c5: {  	[tilespmem:s11], [sflag:$0x2] =	stream.indirect.gather [spmem:s7], $0x1, s18, s25, $0xb8;
	[tilespmem:$0x1D800] =	vst v63  }
0x2c6: {  	s22 =	simm.s32 $0xB600;
	s31 =	simm.s32 $0x8600  }
0x2c7: {  	[tilespmem:s22], [sflag:$0x2] =	stream.indirect.gather [spmem:s7], $0x1, s31, s25, $0xb8;
	[tilespmem:$0x1D800] =	vst v63  }
0x2c8: {  	_ =	swait.ge [sflag:s16], $0x200  }
0x2c9: {  	[sflag:s16] =	ssyncset.done $0x0  }
0x2ca: {  	[sflag:s16] =	ssyncadd.s32 $0xFFFFFE00  }
0x2cb: {  	_ =	swait.ge [sflag:s16], $0x200  }
0x2cc: {  	[sflag:s16] =	ssyncset.done $0x0  }
0x2cd: {  	[sflag:s16] =	ssyncadd.s32 $0xFFFFFE00  }
0x2ce: {  	_ =	swait.ge [sflag:s16], $0x200  }
0x2cf: {  	[sflag:s16] =	ssyncset.done $0x0  }
0x2d0: {  	[sflag:s16] =	ssyncadd.s32 $0xFFFFFE00  }
0x2d1: {  	_ =	swait.ge [sflag:s16], $0x200  }
0x2d2: {  	[sflag:s16] =	ssyncset.done $0x0  }
0x2d3: {  	[sflag:s16] =	ssyncadd.s32 $0xFFFFFE00  }
0x2d4: {  	_ =	swait.ge [sflag:s16], $0x200  }
0x2d5: {  	[sflag:s16] =	ssyncset.done $0x0  }
0x2d6: {  	[sflag:s16] =	ssyncadd.s32 $0xFFFFFE00  }
0x2d7: {  	_ =	swait.ge [sflag:s16], $0x200  }
0x2d8: {  	[sflag:s16] =	ssyncset.done $0x0  }
0x2d9: {  	[sflag:s16] =	ssyncadd.s32 $0xFFFFFE00  }
0x2da: {  	_ =	swait.ge [sflag:s16], $0x200  }
0x2db: {  	[sflag:s16] =	ssyncset.done $0x0  }
0x2dc: {  	[sflag:s16] =	ssyncadd.s32 $0xFFFFFE00  }
0x2dd: {  	_ =	swait.ge [sflag:s16], $0x200  }
0x2de: {  	[sflag:s16] =	ssyncset.done $0x0  }
0x2df: {  	[sflag:s16] =	ssyncadd.s32 $0xFFFFFE00  }
0x2e0: {  	_ =	swait.ge [sflag:s16], $0x200  }
0x2e1: {  	[sflag:s16] =	ssyncset.done $0x0  }
0x2e2: {  	[sflag:s16] =	ssyncadd.s32 $0xFFFFFE00  }
0x2e3: {  	_ =	swait.ge [sflag:s16], $0x200  }
0x2e4: {  	[sflag:s16] =	ssyncset.done $0x0  }
0x2e5: {  	[sflag:s16] =	ssyncadd.s32 $0xFFFFFE00  }
0x2e6: {  	_ =	swait.ge [sflag:s16], $0x200  }
0x2e7: {  	[sflag:s16] =	ssyncset.done $0x0  }
0x2e8: {  	[sflag:s16] =	ssyncadd.s32 $0xFFFFFE00  }
0x2e9: {  	_ =	swait.ge [sflag:s16], $0x200  }
0x2ea: {  	[sflag:s16] =	ssyncset.done $0x0  }
0x2eb: {  	[sflag:s16] =	ssyncadd.s32 $0xFFFFFE00  }
0x2ec: {  	_ =	swait.ge [sflag:s16], $0x200  }
0x2ed: {  	[sflag:s16] =	ssyncset.done $0x0  }
0x2ee: {  	[sflag:s16] =	ssyncadd.s32 $0xFFFFFE00  }
0x2ef: {  	_ =	swait.ge [sflag:s16], $0x200  }
0x2f0: {  	[sflag:s16] =	ssyncset.done $0x0  }
0x2f1: {  	[sflag:s16] =	ssyncadd.s32 $0xFFFFFE00  }
0x2f2: {  	_ =	swait.ge [sflag:s16], $0x200  }
0x2f3: {  	[sflag:s16] =	ssyncset.done $0x0  }
0x2f4: {  	[sflag:s16] =	ssyncadd.s32 $0xFFFFFE00  }
0x2f5: {  	_ =	swait.ge [sflag:s16], $0x200  }
0x2f6: {  	[sflag:s16] =	ssyncset.done $0x0  }
0x2f7: {  	[sflag:s16] =	ssyncadd.s32 $0xFFFFFE00  }
0x2f8: {  	_ =	swait.ge [sflag:s16], $0x200  }
0x2f9: {  	[sflag:s16] =	ssyncset.done $0x0  }
0x2fa: {  	[sflag:s16] =	ssyncadd.s32 $0xFFFFFE00  }
0x2fb: {  	_ =	swait.ge [sflag:s16], $0x200  }
0x2fc: {  	[sflag:s16] =	ssyncset.done $0x0  }
0x2fd: {  	[sflag:s16] =	ssyncadd.s32 $0xFFFFFE00  }
0x2fe: {  	_ =	swait.ge [sflag:s16], $0x200  }
0x2ff: {  	[sflag:s16] =	ssyncset.done $0x0  }
0x300: {  	[sflag:s16] =	ssyncadd.s32 $0xFFFFFE00  }
0x301: {  	_ =	swait.ge [sflag:s16], $0x200  }
0x302: {  	[sflag:s16] =	ssyncset.done $0x0  }
0x303: {  	[sflag:s16] =	ssyncadd.s32 $0xFFFFFE00  }
0x304: {  	_ =	swait.ge [sflag:s16], $0x200  }
0x305: {  	[sflag:s16] =	ssyncset.done $0x0  }
0x306: {  	[sflag:s16] =	ssyncadd.s32 $0xFFFFFE00  }
0x307: {  	_ =	swait.ge [sflag:s16], $0x200  }
0x308: {  	[sflag:s16] =	ssyncset.done $0x0  }
0x309: {  	[sflag:s16] =	ssyncadd.s32 $0xFFFFFE00  }
0x30a: {  	_ =	swait.ge [sflag:s16], $0x200  }
0x30b: {  	[sflag:s16] =	ssyncset.done $0x0  }
0x30c: {  	[sflag:s16] =	ssyncadd.s32 $0xFFFFFE00  }
0x30d: {  	_ =	swait.ge [sflag:s16], $0x200  }
0x30e: {  	[sflag:s16] =	ssyncset.done $0x0  }
0x30f: {  	s22 =	simm.s32 $0x0;
	[sflag:s16] =	ssyncadd.s32 $0xFFFFFE00  }
0x310: {  	v13 =	vld [tilespmem:s22+$0x0]  }
0x311: {  	v14 =	vld [tilespmem:s22+$0x800];
	_ =	sdelay $0x1  }
0x312: {  	v15 =	vld [tilespmem:s22+$0x1000];
	_ =	sdelay $0x2  }
0x313: {  	v1 =	vmul.f32 v13, v13;
	v2 =	vmul.f32 v14, v14;
	_ =	sdelay $0x1  }
0x314: {  	v1 =	vadd.f32 v2, v1;
	v2 =	vmul.f32 v15, v15;
	_ =	sdelay $0x1  }
0x315: {  	v1 =	vadd.f32 v2, v1;
	_ =	sdelay $0x1  }
0x316: {  	v2 =	vshrl.u32 v1, $0x1;
	v1 =	vmul.f32 $5.000000000e-01, v1  }
0x317: {  	v2 =	vsub.s32 $0x5F3759DF, v2  }
0x318: {  	v3 =	vmul.f32 v2, v1;
	_ =	sdelay $0x1  }
0x319: {  	v3 =	vmul.f32 v2, v3;
	_ =	sdelay $0x1  }
0x31a: {  	s18 =	simm.s32 $0x10;
	v3 =	vsub.f32 $1.500000000e+00, v3  }
0x31b: {  	v7 =	vld [tilespmem:s18+$0x0]  }
0x31c: {  	v5 =	vld [tilespmem:s18+$0x800];
	v2 =	vmul.f32 v2, v3;
	_ =	sdelay $0x1  }
0x31d: {  	v9 =	vld [tilespmem:s18+$0x1000];
	v3 =	vmul.f32 v2, v1;
	_ =	sdelay $0x1  }
0x31e: {  	v3 =	vmul.f32 v3, v2  }
0x31f: {  	v4 =	vmul.f32 v7, v7;
	v6 =	vmul.f32 v5, v5  }
0x320: {  	v3 =	vsub.f32 $1.500000000e+00, v3  }
0x321: {  	v4 =	vadd.f32 v6, v4;
	v6 =	vmul.f32 v9, v9  }
0x322: {  	v2 =	vmul.f32 v3, v2  }
0x323: {  	v20 =	vld [tilespmem:s22+$0xA000];
	v3 =	vadd.f32 v6, v4  }
0x324: {  	v21 =	vld [tilespmem:s22+$0xA800];
	v1 =	vmul.f32 v2, v1  }
0x325: {  	v26 =	vld [tilespmem:s22+$0xB000];
	v4 =	vshrl.u32 v3, $0x1;
	v16 =	vmul.f32 $5.000000000e-01, v3  }
0x326: {  	v10 =	vld [tilespmem:s18+$0xA000];
	v3 =	vsub.s32 $0x5F3759DF, v4;
	v1 =	vmul.f32 v1, v2  }
0x327: {  	v11 =	vld [tilespmem:s18+$0xA800];
	v4 =	vmul.f32 v3, v16  }
0x328: {  	v29 =	vld [tilespmem:s22+$0x8800];
	v1 =	vsub.f32 $1.500000000e+00, v1  }
0x329: {  	v33 =	vld [tilespmem:s22+$0x9000];
	v4 =	vmul.f32 v3, v4  }
0x32a: {  	v17 =	vld [tilespmem:s22+$0x9800];
	v8 =	vmul.f32 v20, v13;
	v6 =	vmul.f32 v1, v2  }
0x32b: {  	s9 =	simm.s32 $0x20;
	v12 =	vld [tilespmem:s18+$0xB000];
	v19 =	vmul.f32 v26, v15;
	v23 =	vmul.f32 v10, v7;
	v1 =	vsub.f32 $1.500000000e+00, v4  }
0x32c: {  	v4 =	vmul.f32 v21, v14;
	v2 =	vld [tilespmem:s9+$0x0];
	v18 =	vmul.f32 v6, v6  }
0x32d: {  	v25 =	vmul.f32 v29, v13;
	v22 =	vmul.f32 v3, v1;
	v1 =	vld [tilespmem:s9+$0x800]  }
0x32e: {  	v27 =	vmul.f32 v33, v14;
	v28 =	vadd.f32 v4, v8;
	v4 =	vld [tilespmem:s9+$0xA800];
	v3 =	vmul.f32 v18, v6  }
0x32f: {  	v30 =	vmul.f32 v11, v5;
	v24 =	vmul.f32 v22, v16  }
0x330: {  	v35 =	vmul.f32 v12, v9;
	v6 =	vld [tilespmem:s9+$0x1000];
	v34 =	vmul.f32 $5.000000000e-01, v3  }
0x331: {  	v8 =	vmul.f32 v24, v22;
	v24 =	vadd.f32 v27, v25;
	v25 =	vmul.f32 v17, v15  }
0x332: {  	v3 =	vld [tilespmem:s9+$0xA000];
	v27 =	vmul.f32 v2, v2;
	v31 =	vmul.f32 v1, v1  }
0x333: {  	v62 =	vmul.f32 v4, v1;
	v18 =	vmul.f32 v34, v18  }
0x334: {  	v32 =	vsub.f32 $1.500000000e+00, v8;
	v24 =	vadd.f32 v25, v24;
	v20 =	vmul.f32 v34, v20  }
0x335: {  	v25 =	vadd.f32 v31, v27;
	v27 =	vmul.f32 v6, v6;
	v18 =	vmul.f32 $3.000000000e+00, v18  }
0x336: {  	v19 =	vadd.f32 v19, v28;
	v8 =	vld [tilespmem:s9+$0xB000];
	v21 =	vmul.f32 v34, v21;
	v22 =	vmul.f32 v32, v22  }
0x337: {  	v28 =	vmul.f32 v3, v2;
	v31 =	vmul.f32 v18, v24;
	v24 =	vadd.f32 v27, v25  }
0x338: {  	v23 =	vadd.f32 v30, v23;
	v16 =	vmul.f32 v22, v16;
	v27 =	vmul.f32 v34, v17  }
0x339: {  	v25 =	vmul.f32 v31, v15;
	v30 =	vshrl.u32 v24, $0x1;
	v17 =	vmul.f32 $5.000000000e-01, v24  }
0x33a: {  	v18 =	vmul.f32 v18, v19;
	v16 =	vmul.f32 v16, v22;
	v30 =	vsub.s32 $0x5F3759DF, v30  }
0x33b: {  	v36 =	vmul.f32 v8, v6;
	v19 =	vsub.f32 v25, v27;
	v25 =	vmul.f32 v30, v17  }
0x33c: {  	v37 =	vmul.f32 v18, v13;
	v24 =	vmul.f32 v18, v15;
	v27 =	vsub.f32 $1.500000000e+00, v16  }
0x33d: {  	v38 =	vmul.f32 v18, v14;
	[tilespmem:s22+$0x11000] =	vst v19;
	v15 =	vmul.f32 v30, v25  }
0x33e: {  	v16 =	vadd.f32 v35, v23;
	v23 =	vmul.f32 v31, v14;
	v63 =	vmul.f32 v27, v22;
	v18 =	vld [tilespmem:s18+$0x8800]  }
0x33f: {  	v25 =	vmul.f32 v31, v13;
	v13 =	vadd.f32 v62, v28;
	v19 =	vld [tilespmem:s18+$0x9000];
	v14 =	vsub.f32 $1.500000000e+00, v15  }
0x340: {  	s11 =	simm.s32 $0x30;
	v20 =	vsub.f32 v37, v20;
	v28 =	vmul.f32 v34, v26;
	v22 =	vld [tilespmem:s18+$0x9800];
	v27 =	vmul.f32 v63, v63  }
0x341: {  	v15 =	vadd.f32 v36, v13;
	v13 =	vld [tilespmem:s11+$0x0];
	v26 =	vmul.f32 v30, v14;
	v30 =	vmul.f32 v34, v29  }
0x342: {  	s0 =	simm.s32 $0x100;
	v31 =	vsub.f32 v38, v21;
	v14 =	vld [tilespmem:s11+$0x800];
	v32 =	vmul.f32 v27, v63;
	v29 =	vmul.f32 v34, v33  }
.LBB2_16:
0x343: {  	p1 =	sne.s32 s0, $0x1FC0;
	v21 =	vld [tilespmem:s11+$0xA000];
	v33 =	vmul.f32 v26, v17;
	v34 =	vmul.f32 v18, v7;
	[tilespmem:s22+$0xD000] =	vst v20;
	v20 =	vsub.f32 v24, v28  }
0x344: {  	v25 =	vsub.f32 v25, v30;
	v30 =	vmovc v18;
	v28 =	vld [tilespmem:s11+$0x1000];
	v35 =	vmul.f32 $5.000000000e-01, v32;
	v24 =	vmul.f32 v19, v5;
	[tilespmem:s22+$0xD800] =	vst v31  }
0x345: {  	v31 =	vld [tilespmem:s11+$0xA800];
	v18 =	vmul.f32 v33, v26;
	[tilespmem:s22+$0xE000] =	vst v20;
	v20 =	vsub.f32 v23, v29;
	v29 =	vmov v19  }
0x346: {  	v32 =	vld [tilespmem:s11+$0xB000];
	v19 =	vmul.f32 v35, v27;
	v23 =	vadd.f32 v24, v34;
	v24 =	vmul.f32 v22, v9;
	[tilespmem:s22+$0x10000] =	vst v25  }
0x347: {  	v25 =	vmul.f32 v13, v13;
	v27 =	vmul.f32 v14, v14;
	v18 =	vsub.f32 $1.500000000e+00, v18;
	[tilespmem:s22+$0x10800] =	vst v20;
	s22 =	smov.u32 s18;
	s18 =	smov.u32 s9;
	s9 =	smov.u32 s11  }
0x348: {  	v20 =	vmul.f32 v21, v13;
	v19 =	vmul.f32 $3.000000000e+00, v19;
	v23 =	vadd.f32 v24, v23  }
0x349: {  	v24 =	vadd.f32 v27, v25;
	v25 =	vmul.f32 v28, v28;
	v26 =	vmul.f32 v18, v26  }
0x34a: {  	v18 =	vmul.f32 v31, v14;
	v23 =	vmul.f32 v19, v23  }
0x34b: {  	v24 =	vadd.f32 v25, v24;
	v25 =	vmul.f32 v32, v28;
	v27 =	vmul.f32 v26, v17  }
0x34c: {  	v22 =	vmul.f32 v35, v22;
	v18 =	vadd.f32 v18, v20;
	v20 =	vmul.f32 v23, v9  }
0x34d: {  	v19 =	vmul.f32 v19, v16;
	v16 =	vmovc v15;
	v33 =	vshrl.u32 v24, $0x1;
	v17 =	vmul.f32 $5.000000000e-01, v24  }
0x34e: {  	v24 =	vmul.f32 v27, v26;
	v33 =	vsub.s32 $0x5F3759DF, v33;
	v20 =	vsub.f32 v20, v22  }
0x34f: {  	v34 =	vmul.f32 v19, v7;
	v15 =	vadd.f32 v25, v18;
	v22 =	vmul.f32 v33, v17  }
0x350: {  	v36 =	vmul.f32 v19, v5;
	v27 =	vsub.f32 $1.500000000e+00, v24;
	v24 =	vmul.f32 v19, v9;
	v9 =	vmovc v6;
	[tilespmem:s22+$0x11000] =	vst v20  }
0x351: {  	v25 =	vmul.f32 v23, v7;
	v7 =	vmovc v2;
	v2 =	vmovc v13;
	v6 =	vmov v28;
	v19 =	vmul.f32 v33, v22  }
.Ltmp11:
0x352: {  	v23 =	vmul.f32 v23, v5;
	v5 =	vmovc v1;
	v1 =	vmov v14;
	v37 =	vmul.f32 v27, v26;
	v18 =	vld [tilespmem:s18+$0x8800];
	(pc) =	sbr.rel @p1 .LBB2_16-.Ltmp11, $4  }
0x353: {  	v38 =	vmul.f32 v35, v11;
	v20 =	vmul.f32 v35, v10;
	v10 =	vmovc v3;
	v3 =	vmovc v21;
	v14 =	vsub.f32 $1.500000000e+00, v19;
	v19 =	vld [tilespmem:s18+$0x9000]  }
0x354: {  	v11 =	vmovc v4;
	s11 =	sshra.s32 s0, $0x2;
	v4 =	vmovc v31;
	v28 =	vmul.f32 v35, v12;
	v12 =	vmov v8;
	v27 =	vmul.f32 v37, v37;
	v22 =	vld [tilespmem:s18+$0x9800]  }
0x355: {  	v30 =	vmul.f32 v35, v30;
	v8 =	vmovc v32;
	v20 =	vsub.f32 v34, v20;
	v13 =	vld [tilespmem:s11+$0x0];
	v26 =	vmul.f32 v33, v14  }
0x356: {  	v29 =	vmul.f32 v35, v29;
	s0 =	sadd.s32 $0x40, s0;
	v31 =	vsub.f32 v36, v38;
	v32 =	vmul.f32 v27, v37;
	v14 =	vld [tilespmem:s11+$0x800]  }
0x357: {  	v21 =	vld [tilespmem:s11+$0xA000];
	v33 =	vmul.f32 v26, v17;
	v34 =	vmul.f32 v18, v7;
	[tilespmem:s22+$0xD000] =	vst v20  }
0x358: {  	v20 =	vld [tilespmem:s11+$0x1000];
	v32 =	vmul.f32 $5.000000000e-01, v32;
	v35 =	vmul.f32 v19, v5  }
0x359: {  	v33 =	vmul.f32 v33, v26  }
0x35a: {  	v40 =	vmul.f32 v22, v9;
	v27 =	vmul.f32 v32, v27;
	v34 =	vadd.f32 v35, v34  }
0x35b: {  	v36 =	vmul.f32 v13, v13;
	v37 =	vmul.f32 v14, v14  }
0x35c: {  	v33 =	vsub.f32 $1.500000000e+00, v33;
	v34 =	vadd.f32 v40, v34  }
0x35d: {  	v27 =	vmul.f32 $3.000000000e+00, v27;
	v41 =	vadd.f32 v37, v36;
	v42 =	vmul.f32 v20, v20  }
0x35e: {  	v43 =	vmul.f32 v33, v26  }
0x35f: {  	v24 =	vsub.f32 v24, v28;
	v44 =	vmul.f32 v27, v34;
	v45 =	vadd.f32 v42, v41  }
0x360: {  	v25 =	vsub.f32 v25, v30;
	v48 =	vmul.f32 v32, v22;
	v46 =	vmul.f32 v43, v17  }
0x361: {  	[tilespmem:s22+$0xD800] =	vst v31;
	v47 =	vmul.f32 v44, v9;
	v49 =	vshrl.u32 v45, $0x1;
	v28 =	vmul.f32 $5.000000000e-01, v45  }
0x362: {  	v23 =	vsub.f32 v23, v29;
	v30 =	vld [tilespmem:s11+$0xA800];
	[tilespmem:s22+$0xE000] =	vst v24;
	v17 =	vmul.f32 v46, v43;
	v24 =	vsub.s32 $0x5F3759DF, v49  }
0x363: {  	v29 =	vld [tilespmem:s11+$0xB000];
	[tilespmem:s22+$0x10000] =	vst v25;
	v22 =	vsub.f32 v47, v48;
	v50 =	vmul.f32 v24, v28  }
0x364: {  	[tilespmem:s22+$0x10800] =	vst v23;
	v17 =	vsub.f32 $1.500000000e+00, v17  }
0x365: {  	[tilespmem:s18+$0x11000] =	vst v22;
	v51 =	vmul.f32 v24, v50  }
0x366: {  	v16 =	vmul.f32 v27, v16;
	v23 =	vld [tilespmem:s9+$0x8800];
	v17 =	vmul.f32 v17, v43  }
0x367: {  	v25 =	vld [tilespmem:s9+$0x9000];
	v22 =	vsub.f32 $1.500000000e+00, v51  }
0x368: {  	v52 =	vmul.f32 v16, v7;
	v53 =	vmul.f32 v17, v17  }
0x369: {  	v54 =	vmul.f32 v16, v5;
	v55 =	vld [tilespmem:s9+$0x9800];
	v22 =	vmul.f32 v24, v22  }
0x36a: {  	v56 =	vmul.f32 v16, v9;
	v57 =	vmul.f32 v53, v17  }
0x36b: {  	v59 =	vmul.f32 v23, v2;
	v58 =	vmul.f32 v22, v28  }
0x36c: {  	v60 =	vmul.f32 v25, v1;
	v16 =	vmul.f32 $5.000000000e-01, v57  }
0x36d: {  	v10 =	vmul.f32 v32, v10;
	v17 =	vmul.f32 v58, v22  }
0x36e: {  	v62 =	vmul.f32 v55, v6;
	v24 =	vadd.f32 v60, v59;
	v27 =	vmul.f32 v16, v53  }
0x36f: {  	v11 =	vmul.f32 v32, v11;
	v12 =	vmul.f32 v32, v12;
	v17 =	vsub.f32 $1.500000000e+00, v17  }
0x370: {  	v26 =	vmul.f32 v32, v18;
	v24 =	vadd.f32 v62, v24;
	v27 =	vmul.f32 $3.000000000e+00, v27  }
0x371: {  	v32 =	vmul.f32 v32, v19;
	v10 =	vsub.f32 v52, v10;
	v17 =	vmul.f32 v17, v22  }
0x372: {  	v61 =	vmul.f32 v44, v7;
	v11 =	vsub.f32 v54, v11;
	v31 =	vmul.f32 v27, v24  }
0x373: {  	v63 =	vmul.f32 v44, v5;
	v9 =	vsub.f32 v56, v12;
	[tilespmem:s18+$0xD000] =	vst v10;
	v33 =	vmul.f32 v17, v28  }
0x374: {  	v7 =	vsub.f32 v61, v26;
	[tilespmem:s18+$0xD800] =	vst v11;
	v36 =	vmul.f32 v16, v55;
	v35 =	vmul.f32 v31, v6  }
0x375: {  	v5 =	vsub.f32 v63, v32;
	[tilespmem:s18+$0xE000] =	vst v9;
	v37 =	vmul.f32 v33, v17  }
0x376: {  	[tilespmem:s18+$0x10000] =	vst v7;
	v38 =	vsub.f32 v35, v36  }
0x377: {  	[tilespmem:s18+$0x10800] =	vst v5;
	v39 =	vsub.f32 $1.500000000e+00, v37  }
0x378: {  	[tilespmem:s9+$0x11000] =	vst v38  }
0x379: {  	v7 =	vld [tilespmem:s11+$0x8800];
	v5 =	vmul.f32 v39, v17  }
0x37a: {  	v41 =	vmul.f32 v21, v13;
	v40 =	vld [tilespmem:s11+$0x9000]  }
0x37b: {  	v45 =	vmul.f32 v29, v20;
	v42 =	vmul.f32 v5, v5  }
0x37c: {  	v43 =	vmul.f32 v30, v14;
	v3 =	vmul.f32 v16, v3;
	v44 =	vld [tilespmem:s11+$0x9800]  }
0x37d: {  	v4 =	vmul.f32 v16, v4;
	v5 =	vmul.f32 v42, v5  }
0x37e: {  	v15 =	vmul.f32 v27, v15;
	v47 =	vmul.f32 v7, v13  }
0x37f: {  	v48 =	vmul.f32 v40, v14;
	v5 =	vmul.f32 $5.000000000e-01, v5  }
0x380: {  	v10 =	vadd.f32 v43, v41;
	v53 =	vmul.f32 v16, v23;
	v46 =	vmul.f32 v15, v2  }
0x381: {  	v52 =	vmul.f32 v44, v20;
	v51 =	vadd.f32 v48, v47;
	v11 =	vmul.f32 v5, v42  }
0x382: {  	v10 =	vadd.f32 v45, v10;
	v49 =	vmul.f32 v15, v1;
	v50 =	vmul.f32 v15, v6  }
0x383: {  	v2 =	vmul.f32 v31, v2;
	v15 =	vadd.f32 v52, v51;
	v11 =	vmul.f32 $3.000000000e+00, v11  }
0x384: {  	v8 =	vmul.f32 v16, v8;
	v55 =	vmul.f32 v16, v25;
	v3 =	vsub.f32 v46, v3  }
0x385: {  	v1 =	vmul.f32 v31, v1;
	v2 =	vsub.f32 v2, v53;
	v54 =	vmul.f32 v11, v15  }
0x386: {  	[tilespmem:s9+$0xD000] =	vst v3;
	v3 =	vsub.f32 v50, v8;
	v58 =	vmul.f32 v5, v44;
	v56 =	vmul.f32 v11, v10  }
0x387: {  	v1 =	vsub.f32 v1, v55;
	[tilespmem:s9+$0x10000] =	vst v2;
	v59 =	vmul.f32 v5, v21;
	v57 =	vmul.f32 v54, v20  }
0x388: {  	v4 =	vsub.f32 v49, v4;
	[tilespmem:s9+$0xE000] =	vst v3;
	v61 =	vmul.f32 v5, v30;
	v3 =	vmul.f32 v56, v13  }
0x389: {  	[tilespmem:s9+$0x10800] =	vst v1;
	v62 =	vmul.f32 v5, v29;
	v1 =	vmul.f32 v56, v20;
	v2 =	vsub.f32 v57, v58  }
0x38a: {  	[tilespmem:s9+$0xD800] =	vst v4;
	v7 =	vmul.f32 v5, v7;
	v60 =	vmul.f32 v56, v14;
	v3 =	vsub.f32 v3, v59  }
0x38b: {  	v5 =	vmul.f32 v5, v40;
	v63 =	vmul.f32 v54, v14;
	v1 =	vsub.f32 v1, v62;
	[tilespmem:s11+$0x11000] =	vst v2  }
0x38c: {  	v4 =	vsub.f32 v60, v61;
	v2 =	vmul.f32 v54, v13;
	[tilespmem:s11+$0xD000] =	vst v3  }
0x38d: {  	[tilespmem:s11+$0xE000] =	vst v1;
	v1 =	vsub.f32 v63, v5  }
0x38e: {  	[tilespmem:s11+$0xD800] =	vst v4;
	v2 =	vsub.f32 v2, v7  }
0x38f: {  	[tilespmem:s11+$0x10800] =	vst v1  }
0x390: {  	s0 =	simm.s32 $0x4000;
	s18 =	simm.s32 $0xD000;
	[tilespmem:s11+$0x10000] =	vst v2  }
0x391: {  	[spmem:s6] =	stream.indirect.scatter.add.f32 [tilespmem:s18], [sflag:$0x4], $0x1, s0, s25, $0xb8;
	[tilespmem:$0x1D800] =	vst v63  }
0x392: {  	s31 =	simm.s32 $0x10000;
	s22 =	simm.s32 $0x7000  }
0x393: {  	[spmem:s6] =	stream.indirect.scatter.add.f32 [tilespmem:s31], [sflag:$0x4], $0x1, s22, s25, $0xb8;
	[tilespmem:$0x1D800] =	vst v63  }
0x394: {  	s11 =	simm.s32 $0x4200;
	s18 =	simm.s32 $0xD200  }
0x395: {  	[spmem:s6] =	stream.indirect.scatter.add.f32 [tilespmem:s18], [sflag:$0x4], $0x1, s11, s25, $0xb8;
	[tilespmem:$0x1D800] =	vst v63  }
0x396: {  	s22 =	simm.s32 $0x7200;
	s31 =	simm.s32 $0x10200  }
0x397: {  	[spmem:s6] =	stream.indirect.scatter.add.f32 [tilespmem:s31], [sflag:$0x4], $0x1, s22, s25, $0xb8;
	[tilespmem:$0x1D800] =	vst v63  }
0x398: {  	s11 =	simm.s32 $0x4400;
	s18 =	simm.s32 $0xD400  }
0x399: {  	[spmem:s6] =	stream.indirect.scatter.add.f32 [tilespmem:s18], [sflag:$0x4], $0x1, s11, s25, $0xb8;
	[tilespmem:$0x1D800] =	vst v63  }
0x39a: {  	s22 =	simm.s32 $0x7400;
	s31 =	simm.s32 $0x10400  }
0x39b: {  	[spmem:s6] =	stream.indirect.scatter.add.f32 [tilespmem:s31], [sflag:$0x4], $0x1, s22, s25, $0xb8;
	[tilespmem:$0x1D800] =	vst v63  }
0x39c: {  	s11 =	simm.s32 $0x4600;
	s18 =	simm.s32 $0xD600  }
0x39d: {  	[spmem:s6] =	stream.indirect.scatter.add.f32 [tilespmem:s18], [sflag:$0x4], $0x1, s11, s25, $0xb8;
	[tilespmem:$0x1D800] =	vst v63  }
0x39e: {  	s22 =	simm.s32 $0x7600;
	s31 =	simm.s32 $0x10600  }
0x39f: {  	[spmem:s6] =	stream.indirect.scatter.add.f32 [tilespmem:s31], [sflag:$0x4], $0x1, s22, s25, $0xb8;
	[tilespmem:$0x1D800] =	vst v63  }
0x3a0: {  	s11 =	simm.s32 $0x4800;
	s18 =	simm.s32 $0xD800  }
0x3a1: {  	[spmem:s6] =	stream.indirect.scatter.add.f32 [tilespmem:s18], [sflag:$0x4], $0x1, s11, s25, $0xb8;
	[tilespmem:$0x1D800] =	vst v63  }
0x3a2: {  	s22 =	simm.s32 $0x7800;
	s31 =	simm.s32 $0x10800  }
0x3a3: {  	[spmem:s6] =	stream.indirect.scatter.add.f32 [tilespmem:s31], [sflag:$0x4], $0x1, s22, s25, $0xb8;
	[tilespmem:$0x1D800] =	vst v63  }
0x3a4: {  	s11 =	simm.s32 $0x4A00;
	s18 =	simm.s32 $0xDA00  }
0x3a5: {  	[spmem:s6] =	stream.indirect.scatter.add.f32 [tilespmem:s18], [sflag:$0x4], $0x1, s11, s25, $0xb8;
	[tilespmem:$0x1D800] =	vst v63  }
0x3a6: {  	s22 =	simm.s32 $0x7A00;
	s31 =	simm.s32 $0x10A00  }
0x3a7: {  	[spmem:s6] =	stream.indirect.scatter.add.f32 [tilespmem:s31], [sflag:$0x4], $0x1, s22, s25, $0xb8;
	[tilespmem:$0x1D800] =	vst v63  }
0x3a8: {  	s11 =	simm.s32 $0x4C00;
	s18 =	simm.s32 $0xDC00  }
0x3a9: {  	[spmem:s6] =	stream.indirect.scatter.add.f32 [tilespmem:s18], [sflag:$0x4], $0x1, s11, s25, $0xb8;
	[tilespmem:$0x1D800] =	vst v63  }
0x3aa: {  	s22 =	simm.s32 $0x7C00;
	s31 =	simm.s32 $0x10C00  }
0x3ab: {  	[spmem:s6] =	stream.indirect.scatter.add.f32 [tilespmem:s31], [sflag:$0x4], $0x1, s22, s25, $0xb8;
	[tilespmem:$0x1D800] =	vst v63  }
0x3ac: {  	s11 =	simm.s32 $0x4E00;
	s18 =	simm.s32 $0xDE00  }
0x3ad: {  	[spmem:s6] =	stream.indirect.scatter.add.f32 [tilespmem:s18], [sflag:$0x4], $0x1, s11, s25, $0xb8;
	[tilespmem:$0x1D800] =	vst v63  }
0x3ae: {  	s22 =	simm.s32 $0x7E00;
	s31 =	simm.s32 $0x10E00  }
0x3af: {  	[spmem:s6] =	stream.indirect.scatter.add.f32 [tilespmem:s31], [sflag:$0x4], $0x1, s22, s25, $0xb8;
	[tilespmem:$0x1D800] =	vst v63  }
0x3b0: {  	s11 =	simm.s32 $0x5000;
	s18 =	simm.s32 $0xE000  }
0x3b1: {  	[spmem:s6] =	stream.indirect.scatter.add.f32 [tilespmem:s18], [sflag:$0x4], $0x1, s11, s25, $0xb8;
	[tilespmem:$0x1D800] =	vst v63  }
0x3b2: {  	s22 =	simm.s32 $0x8000;
	s31 =	simm.s32 $0x11000  }
0x3b3: {  	[spmem:s6] =	stream.indirect.scatter.add.f32 [tilespmem:s31], [sflag:$0x4], $0x1, s22, s25, $0xb8;
	[tilespmem:$0x1D800] =	vst v63  }
0x3b4: {  	s11 =	simm.s32 $0x5200;
	s18 =	simm.s32 $0xE200  }
0x3b5: {  	[spmem:s6] =	stream.indirect.scatter.add.f32 [tilespmem:s18], [sflag:$0x4], $0x1, s11, s25, $0xb8;
	[tilespmem:$0x1D800] =	vst v63  }
0x3b6: {  	s22 =	simm.s32 $0x8200;
	s31 =	simm.s32 $0x11200  }
0x3b7: {  	[spmem:s6] =	stream.indirect.scatter.add.f32 [tilespmem:s31], [sflag:$0x4], $0x1, s22, s25, $0xb8;
	[tilespmem:$0x1D800] =	vst v63  }
0x3b8: {  	s11 =	simm.s32 $0x5400;
	s18 =	simm.s32 $0xE400  }
0x3b9: {  	[spmem:s6] =	stream.indirect.scatter.add.f32 [tilespmem:s18], [sflag:$0x4], $0x1, s11, s25, $0xb8;
	[tilespmem:$0x1D800] =	vst v63  }
0x3ba: {  	s22 =	simm.s32 $0x8400;
	s31 =	simm.s32 $0x11400  }
0x3bb: {  	[spmem:s6] =	stream.indirect.scatter.add.f32 [tilespmem:s31], [sflag:$0x4], $0x1, s22, s25, $0xb8;
	[tilespmem:$0x1D800] =	vst v63  }
.Ltmp12:
0x3bc: {  	_ = 	snop;
	(pc) =	sbr.rel .LBB2_18-.Ltmp12, $4  }
0x3bd: {  	s11 =	simm.s32 $0x5600;
	s18 =	simm.s32 $0xE600  }
0x3be: {  	[spmem:s6] =	stream.indirect.scatter.add.f32 [tilespmem:s18], [sflag:$0x4], $0x1, s11, s25, $0xb8;
	[tilespmem:$0x1D800] =	vst v63  }
0x3bf: {  	s22 =	simm.s32 $0x8600;
	s31 =	simm.s32 $0x11600  }
0x3c0: {  	[spmem:s6] =	stream.indirect.scatter.add.f32 [tilespmem:s31], [sflag:$0x4], $0x1, s22, s25, $0xb8;
	[tilespmem:$0x1D800] =	vst v63  }
.LBB2_19:
0x3c1: {  	_ =	swait.ge [sflag:s10], $0x200  }
0x3c2: {  	[sflag:s10] =	ssyncset.done $0x0  }
0x3c3: {  	[sflag:s10] =	ssyncadd.s32 $0xFFFFFE00  }
0x3c4: {  	_ =	swait.ge [sflag:s10], $0x200  }
0x3c5: {  	[sflag:s10] =	ssyncset.done $0x0  }
0x3c6: {  	[sflag:s10] =	ssyncadd.s32 $0xFFFFFE00  }
0x3c7: {  	_ =	swait.ge [sflag:s10], $0x200  }
0x3c8: {  	[sflag:s10] =	ssyncset.done $0x0  }
0x3c9: {  	[sflag:s10] =	ssyncadd.s32 $0xFFFFFE00  }
0x3ca: {  	_ =	swait.ge [sflag:s10], $0x200  }
0x3cb: {  	[sflag:s10] =	ssyncset.done $0x0  }
0x3cc: {  	[sflag:s10] =	ssyncadd.s32 $0xFFFFFE00  }
0x3cd: {  	_ =	swait.ge [sflag:s10], $0x200  }
0x3ce: {  	[sflag:s10] =	ssyncset.done $0x0  }
0x3cf: {  	[sflag:s10] =	ssyncadd.s32 $0xFFFFFE00  }
0x3d0: {  	_ =	swait.ge [sflag:s10], $0x200  }
0x3d1: {  	[sflag:s10] =	ssyncset.done $0x0  }
0x3d2: {  	[sflag:s10] =	ssyncadd.s32 $0xFFFFFE00  }
0x3d3: {  	_ =	swait.ge [sflag:s10], $0x200  }
0x3d4: {  	[sflag:s10] =	ssyncset.done $0x0  }
0x3d5: {  	[sflag:s10] =	ssyncadd.s32 $0xFFFFFE00  }
0x3d6: {  	_ =	swait.ge [sflag:s10], $0x200  }
0x3d7: {  	[sflag:s10] =	ssyncset.done $0x0  }
0x3d8: {  	[sflag:s10] =	ssyncadd.s32 $0xFFFFFE00  }
0x3d9: {  	_ =	swait.ge [sflag:s10], $0x200  }
0x3da: {  	[sflag:s10] =	ssyncset.done $0x0  }
0x3db: {  	[sflag:s10] =	ssyncadd.s32 $0xFFFFFE00  }
0x3dc: {  	_ =	swait.ge [sflag:s10], $0x200  }
0x3dd: {  	[sflag:s10] =	ssyncset.done $0x0  }
0x3de: {  	[sflag:s10] =	ssyncadd.s32 $0xFFFFFE00  }
0x3df: {  	_ =	swait.ge [sflag:s10], $0x200  }
0x3e0: {  	[sflag:s10] =	ssyncset.done $0x0  }
0x3e1: {  	[sflag:s10] =	ssyncadd.s32 $0xFFFFFE00  }
0x3e2: {  	_ =	swait.ge [sflag:s10], $0x200  }
0x3e3: {  	[sflag:s10] =	ssyncset.done $0x0  }
0x3e4: {  	[sflag:s10] =	ssyncadd.s32 $0xFFFFFE00  }
0x3e5: {  	_ =	swait.ge [sflag:s10], $0x200  }
0x3e6: {  	[sflag:s10] =	ssyncset.done $0x0  }
0x3e7: {  	[sflag:s10] =	ssyncadd.s32 $0xFFFFFE00  }
0x3e8: {  	_ =	swait.ge [sflag:s10], $0x200  }
0x3e9: {  	[sflag:s10] =	ssyncset.done $0x0  }
0x3ea: {  	[sflag:s10] =	ssyncadd.s32 $0xFFFFFE00  }
0x3eb: {  	_ =	swait.ge [sflag:s10], $0x200  }
0x3ec: {  	[sflag:s10] =	ssyncset.done $0x0  }
0x3ed: {  	[sflag:s10] =	ssyncadd.s32 $0xFFFFFE00  }
0x3ee: {  	_ =	swait.ge [sflag:s10], $0x200  }
0x3ef: {  	[sflag:s10] =	ssyncset.done $0x0  }
0x3f0: {  	[sflag:s10] =	ssyncadd.s32 $0xFFFFFE00  }
0x3f1: {  	_ =	swait.ge [sflag:s10], $0x200  }
0x3f2: {  	[sflag:s10] =	ssyncset.done $0x0  }
0x3f3: {  	[sflag:s10] =	ssyncadd.s32 $0xFFFFFE00  }
0x3f4: {  	_ =	swait.ge [sflag:s10], $0x200  }
0x3f5: {  	[sflag:s10] =	ssyncset.done $0x0  }
0x3f6: {  	[sflag:s10] =	ssyncadd.s32 $0xFFFFFE00  }
0x3f7: {  	_ =	swait.ge [sflag:s10], $0x200  }
0x3f8: {  	[sflag:s10] =	ssyncset.done $0x0  }
0x3f9: {  	[sflag:s10] =	ssyncadd.s32 $0xFFFFFE00  }
0x3fa: {  	_ =	swait.ge [sflag:s10], $0x200  }
0x3fb: {  	[sflag:s10] =	ssyncset.done $0x0  }
0x3fc: {  	[sflag:s10] =	ssyncadd.s32 $0xFFFFFE00  }
0x3fd: {  	_ =	swait.ge [sflag:s10], $0x200  }
0x3fe: {  	[sflag:s10] =	ssyncset.done $0x0  }
0x3ff: {  	[sflag:s10] =	ssyncadd.s32 $0xFFFFFE00  }
0x400: {  	_ =	swait.ge [sflag:s10], $0x200  }
0x401: {  	[sflag:s10] =	ssyncset.done $0x0  }
0x402: {  	[sflag:s10] =	ssyncadd.s32 $0xFFFFFE00  }
0x403: {  	_ =	swait.ge [sflag:s10], $0x200  }
.Ltmp13:
0x404: {  	[sflag:s10] =	ssyncset.done $0x0;
	(pc) =	sbr.rel @p0 .LBB2_21-.Ltmp13, $4  }
0x405: {  	[sflag:s10] =	ssyncadd.s32 $0xFFFFFE00  }
0x406: {  	_ =	swait.ge [sflag:s10], $0x200  }
0x407: {  	[sflag:s10] =	ssyncset.done $0x0  }
0x408: {  	s31 =	sld [smem:$0x7FD];
	[sflag:s10] =	ssyncadd.s32 $0xFFFFFE00  }
0x409: {  	_ =	swait.ge [sflag:s26], $0x200  }
0x40a: {  	[sflag:s26] =	ssyncset.done $0x0  }
0x40b: {  	[sflag:s26] =	ssyncadd.s32 $0xFFFFFE00  }
0x40c: {  	_ =	swait.ge [sflag:s26], $0x200  }
0x40d: {  	[sflag:s26] =	ssyncset.done $0x0  }
0x40e: {  	[sflag:s26] =	ssyncadd.s32 $0xFFFFFE00  }
0x40f: {  	_ =	swait.ge [sflag:s26], $0x200  }
0x410: {  	[sflag:s26] =	ssyncset.done $0x0  }
0x411: {  	[sflag:s26] =	ssyncadd.s32 $0xFFFFFE00  }
0x412: {  	_ =	swait.ge [sflag:s26], $0x200  }
0x413: {  	[sflag:s26] =	ssyncset.done $0x0  }
0x414: {  	[sflag:s26] =	ssyncadd.s32 $0xFFFFFE00  }
0x415: {  	_ =	swait.ge [sflag:s26], $0x200  }
0x416: {  	[sflag:s26] =	ssyncset.done $0x0  }
0x417: {  	[sflag:s26] =	ssyncadd.s32 $0xFFFFFE00  }
0x418: {  	_ =	swait.ge [sflag:s26], $0x200  }
0x419: {  	[sflag:s26] =	ssyncset.done $0x0  }
0x41a: {  	[sflag:s26] =	ssyncadd.s32 $0xFFFFFE00  }
0x41b: {  	_ =	swait.ge [sflag:s26], $0x200  }
0x41c: {  	[sflag:s26] =	ssyncset.done $0x0  }
0x41d: {  	[sflag:s26] =	ssyncadd.s32 $0xFFFFFE00  }
0x41e: {  	_ =	swait.ge [sflag:s26], $0x200  }
0x41f: {  	[sflag:s26] =	ssyncset.done $0x0  }
0x420: {  	[sflag:s26] =	ssyncadd.s32 $0xFFFFFE00  }
0x421: {  	_ =	swait.ge [sflag:s26], $0x200  }
0x422: {  	[sflag:s26] =	ssyncset.done $0x0  }
0x423: {  	[sflag:s26] =	ssyncadd.s32 $0xFFFFFE00  }
0x424: {  	_ =	swait.ge [sflag:s26], $0x200  }
0x425: {  	[sflag:s26] =	ssyncset.done $0x0  }
0x426: {  	[sflag:s26] =	ssyncadd.s32 $0xFFFFFE00  }
0x427: {  	_ =	swait.ge [sflag:s26], $0x200  }
0x428: {  	[sflag:s26] =	ssyncset.done $0x0  }
0x429: {  	[sflag:s26] =	ssyncadd.s32 $0xFFFFFE00  }
0x42a: {  	_ =	swait.ge [sflag:s26], $0x200  }
0x42b: {  	[sflag:s26] =	ssyncset.done $0x0  }
0x42c: {  	[sflag:s26] =	ssyncadd.s32 $0xFFFFFE00  }
0x42d: {  	_ =	swait.ge [sflag:s26], $0x200  }
0x42e: {  	[sflag:s26] =	ssyncset.done $0x0  }
0x42f: {  	[sflag:s26] =	ssyncadd.s32 $0xFFFFFE00  }
0x430: {  	_ =	swait.ge [sflag:s26], $0x200  }
0x431: {  	[sflag:s26] =	ssyncset.done $0x0  }
0x432: {  	[sflag:s26] =	ssyncadd.s32 $0xFFFFFE00  }
0x433: {  	_ =	swait.ge [sflag:s26], $0x200  }
0x434: {  	[sflag:s26] =	ssyncset.done $0x0  }
0x435: {  	[sflag:s26] =	ssyncadd.s32 $0xFFFFFE00  }
0x436: {  	_ =	swait.ge [sflag:s26], $0x200  }
0x437: {  	[sflag:s26] =	ssyncset.done $0x0  }
0x438: {  	[sflag:s26] =	ssyncadd.s32 $0xFFFFFE00  }
0x439: {  	_ =	swait.ge [sflag:s26], $0x200  }
0x43a: {  	[sflag:s26] =	ssyncset.done $0x0  }
0x43b: {  	[sflag:s26] =	ssyncadd.s32 $0xFFFFFE00  }
0x43c: {  	_ =	swait.ge [sflag:s26], $0x200  }
0x43d: {  	[sflag:s26] =	ssyncset.done $0x0  }
0x43e: {  	[sflag:s26] =	ssyncadd.s32 $0xFFFFFE00  }
0x43f: {  	_ =	swait.ge [sflag:s26], $0x200  }
0x440: {  	[sflag:s26] =	ssyncset.done $0x0  }
0x441: {  	[sflag:s26] =	ssyncadd.s32 $0xFFFFFE00  }
0x442: {  	_ =	swait.ge [sflag:s26], $0x200  }
0x443: {  	[sflag:s26] =	ssyncset.done $0x0  }
0x444: {  	[sflag:s26] =	ssyncadd.s32 $0xFFFFFE00  }
0x445: {  	_ =	swait.ge [sflag:s26], $0x200  }
0x446: {  	[sflag:s26] =	ssyncset.done $0x0  }
0x447: {  	[sflag:s26] =	ssyncadd.s32 $0xFFFFFE00  }
0x448: {  	_ =	swait.ge [sflag:s26], $0x200  }
0x449: {  	[sflag:s26] =	ssyncset.done $0x0  }
0x44a: {  	[sflag:s26] =	ssyncadd.s32 $0xFFFFFE00  }
0x44b: {  	_ =	swait.ge [sflag:s26], $0x200  }
.Ltmp14:
0x44c: {  	[sflag:s26] =	ssyncset.done $0x0;
	(pc) =	sbr.rel .LBB2_21-.Ltmp14, $4  }
0x44d: {  	[sflag:s26] =	ssyncadd.s32 $0xFFFFFE00  }
0x44e: {  	_ =	swait.ge [sflag:s26], $0x200  }
0x44f: {  	[sflag:s26] =	ssyncset.done $0x0  }
0x450: {  	[sflag:s26] =	ssyncadd.s32 $0xFFFFFE00  }
.LBB2_22:
0x451: {  	_ =	sfence.sel $0x180000  }
0x452: {  	[bflag:$0x0] =	sbarrier.arrive $0xFFFF  }
0x453: {  	_ =	strace $0x90000047  }
0x454: {  	s0 =	stileid.u32;
	[bflag:$0x2] =	sbarrier.arrive $0xFFFF  }
0x455: {  	p0 =	sne.s32 s0, $0x0;
	s0 =	rddreg [dreg:$0x9]  }
0x456: {  	s0 =	sadd.s32 @!p0 $0x100000, s0  }
0x457: {  	[sflag:s0] =	ssyncadd.tile.s32 @!p0 $0x1;
	_ =	shalt  }
.Lfunc_end2:
_tile_overlayer_lowered:
.L_overlay_start_2:
0x458: {  	(tag) =	ssettag $0x2  }
0x459: {  	s0 =	rddreg [dreg:$0x0];
	s2 =	stileid.u32  }
0x45a: {  	s1 =	rddreg [dreg:$0x1];
	p0 =	sne.s32 s2, $0x0  }
0x45b: {  	s3 =	rddreg [dreg:$0x2];
	[bflag:$0x3] =	sbarrier.arrive $0xFFFF;
	s2 =	simm.s32 @!p0 $0x1C05  }
0x45c: {  	[timem:s3], [sflag:s2] =	dma.local @!p0 [hbm:s0], s1  }
0x45d: {  	s0 =	simm.s32 @!p0 $0x5  }
0x45e: {  	_ =	swait.ge @!p0 [sflag:s0], s1  }
0x45f: {  	s1 =	ssub.s32 @!p0 $0x0, s1;
	[sflag:s0] =	ssyncset.done @!p0 $0x0  }
0x460: {  	[sflag:s0] =	ssyncadd.s32 @!p0 s1  }
0x461: {  	[bflag:$0x3] =	sbarrier.arrive $0xFFFF  }
0x462: {  	_ =	shalt  }

</sc_bundles>
